<compile_context>
chip_gen: v7x
topology: tpu7x:2x2x1
jax: 0.10.2.dev20260603
libtpu: 0.0.44.dev20260713+nightly
codegen_flags: <defaults>
</compile_context>

<pallas_src>
import functools

import jax
import jax.numpy as jnp
from jax import lax
from jax.experimental import pallas as pl
from jax.experimental.pallas import tpu as pltpu
from jax.experimental.pallas import tpu_sc as plsc

K = 20
ROWS = 512
R3 = 512
GW = 128


def _batcher_pairs(n):
    pairs = []

    def merge(lo, m, r):
        step = r * 2
        if step < m:
            merge(lo, m, step)
            merge(lo + r, m, step)
            for i in range(lo + r, lo + m - r, step):
                pairs.append((i, i + r))
        else:
            pairs.append((lo, lo + r))

    def sort(lo, m):
        if m > 1:
            mid = m // 2
            sort(lo, mid)
            sort(lo + mid, mid)
            merge(lo, m, 1)

    sort(0, n)
    return pairs


def _knn_body(xfull_ref, xtile_ref, w1at_ref, wdt_ref, idx_ref, a_ref, bv_ref):
    xb = xfull_ref[0]
    xi = xtile_ref[0]
    n = xb.shape[1]
    rows = xi.shape[1]

    dn = (((0,), (0,)), ((), ()))
    a_ref[0] = lax.dot_general(xi, w1at_ref[...], dn,
                               preferred_element_type=jnp.float32)
    bv_ref[0] = lax.dot_general(xi, wdt_ref[...], dn,
                                preferred_element_type=jnp.float32)

    inner = lax.dot_general(xi, xb, dn, preferred_element_type=jnp.float32)
    xsq = jnp.sum(xb * xb, axis=0)
    xsq_i = jnp.sum(xi * xi, axis=0)
    d = 2.0 * inner - xsq[None, :] - xsq_i[:, None]

    nbits = (n - 1).bit_length()
    lowmask = jnp.int32((1 << nbits) - 1)
    offset = jnp.int32(2 ** 20 - 4099)
    rowmin = jnp.min(d, axis=1, keepdims=True)
    scale = (2.0 ** 20 - 4100.0) / jnp.maximum(-rowmin, 1e-30)
    qd = jnp.minimum(lax.convert_element_type(d * scale, jnp.int32), 0)
    cols = lax.broadcasted_iota(jnp.int32, (rows, n), 1)
    key_i = ((qd + offset) * jnp.int32(1 << nbits)) | (jnp.int32(n - 1) - cols)
    key = lax.bitcast_convert_type(key_i, jnp.float32)

    nlay = n // 128
    layers = [key[:, c * 128:(c + 1) * 128] for c in range(nlay)]
    for i, j in _batcher_pairs(nlay):
        a, b = layers[i], layers[j]
        layers[i] = jnp.maximum(a, b)
        layers[j] = jnp.minimum(a, b)

    sentinel = jnp.float32(0.0)
    base = pl.program_id(0) * n
    picks = []
    for t in range(K):
        head = layers[0]
        m = jnp.max(head, axis=1, keepdims=True)
        m_i = lax.bitcast_convert_type(m, jnp.int32)
        picks.append(jnp.int32(n - 1) - (m_i & lowmask) + base)
        if t == K - 1:
            break
        hit = head == m
        depth = min(nlay - 1, K - 1 - t)
        for i in range(depth):
            layers[i] = jnp.where(hit, layers[i + 1], layers[i])
        if depth == nlay - 1:
            layers[depth] = jnp.where(hit, sentinel, layers[depth])
    idx_ref[...] = jnp.transpose(jnp.concatenate(picks, axis=1))


def _mlp_body(g_ref, bv_ref, w2_ref, out_ref):
    bv = bv_ref[...]
    w2 = w2_ref[...]
    dn = (((1,), (1,)), ((), ()))
    acc = None
    for j in range(K):
        h = g_ref[j] + bv
        h = jnp.where(h > 0, h, 0.2 * h)
        h2 = lax.dot_general(w2, h, dn, preferred_element_type=jnp.float32)
        h2 = jnp.where(h2 > 0, h2, 0.2 * h2)
        acc = h2 if acc is None else jnp.maximum(acc, h2)
    out_ref[...] = acc


def _sc_gather(table, idx):
    num = idx.shape[0]
    d_dim = table.shape[1]
    idx2 = idx.reshape(1, num)
    mesh = plsc.VectorSubcoreMesh(core_axis_name="c", subcore_axis_name="s")

    @functools.partial(
        pl.kernel,
        out_type=jax.ShapeDtypeStruct((num, d_dim), table.dtype),
        mesh=mesh,
    )
    def gk(table_hbm, idx_hbm, out_hbm):
        def body(i_vmem, o_vmem):
            pltpu.sync_copy(table_hbm.at[i_vmem.at[0]], o_vmem)

        pltpu.emit_pipeline(
            body,
            grid=(num // GW,),
            in_specs=[pl.BlockSpec((1, GW), lambda i: (0, i))],
            out_specs=[pl.BlockSpec((GW, d_dim), lambda i: (i, 0))],
            core_axis_name=("c", "s"),
            dimension_semantics=(pltpu.PARALLEL,),
        )(idx_hbm, out_hbm)

    return gk(table, idx2)


def kernel(x, W1, W2):
    B, C, N = x.shape
    O1 = W1.shape[0]
    O2 = W2.shape[0]
    w1at = jnp.transpose(W1[:, :C])
    wdt = jnp.transpose(W1[:, C:] - W1[:, :C])

    outs = []
    for b in range(B):
        xb = lax.slice_in_dim(x, b, b + 1, axis=0)
        idxg, a_rows, b_rows = pl.pallas_call(
            _knn_body,
            grid=(1, N // ROWS),
            in_specs=[
                pl.BlockSpec((1, C, N), lambda bb, i: (bb, 0, 0)),
                pl.BlockSpec((1, C, ROWS), lambda bb, i: (bb, 0, i)),
                pl.BlockSpec((C, O1), lambda bb, i: (0, 0)),
                pl.BlockSpec((C, O1), lambda bb, i: (0, 0)),
            ],
            out_specs=[
                pl.BlockSpec((K, ROWS), lambda bb, i: (0, i)),
                pl.BlockSpec((1, ROWS, O1), lambda bb, i: (bb, i, 0)),
                pl.BlockSpec((1, ROWS, O1), lambda bb, i: (bb, i, 0)),
            ],
            out_shape=[
                jax.ShapeDtypeStruct((K, N), jnp.int32),
                jax.ShapeDtypeStruct((1, N, O1), jnp.float32),
                jax.ShapeDtypeStruct((1, N, O1), jnp.float32),
            ],
        )(xb, xb, w1at, wdt)

        gathered = _sc_gather(a_rows.reshape(N, O1), idxg.reshape(K * N))

        out_b = pl.pallas_call(
            _mlp_body,
            grid=(N // R3,),
            in_specs=[
                pl.BlockSpec((K, R3, O1), lambda i: (0, i, 0)),
                pl.BlockSpec((R3, O1), lambda i: (i, 0)),
                pl.BlockSpec((O2, O1), lambda i: (0, 0)),
            ],
            out_specs=pl.BlockSpec((O2, R3), lambda i: (0, i)),
            out_shape=jax.ShapeDtypeStruct((O2, N), jnp.float32),
        )(gathered.reshape(K, N, O1), b_rows.reshape(N, O1), W2)
        outs.append(out_b)

    return jnp.stack(outs)

# --- scband reference (transcript-rebuilt; emitter-appended) ---
"""Pipeline reference for scband-dgcnnlayer-9474697855036 (READ-ONLY COPY).

The authoritative reference and input builder live on the scoring server;
editing this copy changes nothing except your own understanding.
"""

import jax, jax.numpy as jnp
import numpy as np


def setup_inputs(seed: int = 0) -> dict:
    key = jax.random.key(seed)
    k1, k2, k3 = jax.random.split(key, 3)
    x = jax.random.normal(k1, (4, 64, 2048), dtype=jnp.float32)
    # Conv2d(128 -> 128, kernel 1x1, bias=False) weight, stored as [out, in]
    W1 = jax.random.normal(k2, (128, 128), dtype=jnp.float32) * 0.05
    # Conv2d(128 -> 256, kernel 1x1, bias=False) weight
    W2 = jax.random.normal(k3, (256, 128), dtype=jnp.float32) * 0.05
    return {"x": x, "W1": W1, "W2": W2}


def knn(x, k=20):
    # x: [B, C, N]
    inner = -2.0 * jnp.matmul(jnp.swapaxes(x, 2, 1), x)  # [B, N, N]
    xx = jnp.sum(x ** 2, axis=1, keepdims=True)          # [B, 1, N]
    pairwise_distance = -xx - inner - jnp.swapaxes(xx, 2, 1)
    _, idx = jax.lax.top_k(pairwise_distance, k)         # [B, N, k]
    return idx


def get_graph_feature(x, k=20):
    B, C, N = x.shape
    idx = knn(x, k)                                       # [B, N, k]
    idx_base = jnp.arange(B, dtype=idx.dtype).reshape(-1, 1, 1) * N
    idx_flat = (idx + idx_base).reshape(-1)               # [B*N*k]
    xt = jnp.swapaxes(x, 2, 1)                            # [B, N, C]
    xf = xt.reshape(B * N, C)
    feature = xf[idx_flat, :].reshape(B, N, k, C)         # gather
    xc = jnp.broadcast_to(xt[:, :, None, :], (B, N, k, C))
    feature = jnp.concatenate((feature - xc, xc), axis=3) # [B, N, k, 2C]
    feature = jnp.transpose(feature, (0, 3, 1, 2))        # [B, 2C, N, k]
    return feature


def reference(x, W1, W2):
    f = get_graph_feature(x, k=20)                        # [B, 128, N, k]
    h = jnp.einsum('oi,bink->bonk', W1, f)                # 1x1 conv
    h = jax.nn.leaky_relu(h, negative_slope=0.2)
    h = jnp.einsum('oi,bink->bonk', W2, h)
    h = jax.nn.leaky_relu(h, negative_slope=0.2)
    out = jnp.max(h, axis=-1)                             # [B, 256, N]
    return out

if __name__ == "__main__":
    import jax
    _d = setup_inputs()
    print(jax.jit(kernel)(*tuple(_d.values())))

</pallas_src>

<mosaic_0001>
#map = affine_map<(d0, d1) -> (0, 0)>
module attributes {stable_mosaic.version = 14 : i64} {
  func.func @gk(%arg0: i32, %arg1: i32, %arg2: memref<2048x128xf32, #tpu.memory_space<hbm>>, %arg3: memref<1x40960xi32, #tpu.memory_space<hbm>>, %arg4: memref<40960x128xf32, #tpu.memory_space<hbm>>) attributes {dimension_semantics = [#tpu.dimension_semantics<core_parallel>, #tpu.dimension_semantics<subcore_parallel>], iteration_bounds = array<i64: 2, 16>, scalar_prefetch = 0 : i64, scratch_operands = 0 : i64, tpu.core_type = #tpu.core_type<sc_vector_subcore>, window_params = [{transform_indices = #map}, {transform_indices = #map}, {transform_indices = #map}]} {
    %mul3A = arith.constant 1 : i32
    %mul3A_0 = arith.muli %arg1, %mul3A : i32
    %add3A = arith.constant 0 : i32
    %add3A_1 = arith.addi %add3A, %mul3A_0 : i32
    %mul3A_2 = arith.constant 16 : i32
    %mul3A_3 = arith.muli %arg0, %mul3A_2 : i32
    %add3A_4 = arith.addi %add3A_1, %mul3A_3 : i32
    %mul3A_5 = arith.constant 10 : i32
    %mul3A_6 = arith.muli %add3A_4, %mul3A_5 : i32
    "tpu.region"() ({
      %run_scoped3A = memref.alloca() : memref<2x1x128xi32, #tpu.memory_space<vmem>>
      %run_scoped3A_7 = tpu.sem_alloc : memref<2x!tpu.dma_semaphore, #tpu.memory_space<semaphore_mem>>
      %run_scoped3A_8 = memref.alloca() : memref<2x128x128xf32, #tpu.memory_space<vmem>>
      %run_scoped3A_9 = tpu.sem_alloc : memref<2x!tpu.dma_semaphore, #tpu.memory_space<semaphore_mem>>
      %add3A_10 = arith.constant 0 : i32
      %add3A_11 = arith.addi %add3A_10, %mul3A_6 : i32
      %select_n3A = arith.constant true
      %select_n3A_12 = arith.constant 0 : i32
      %select_n3A_13 = arith.constant -1 : i32
      %select_n3A_14 = arith.select %select_n3A, %select_n3A_13, %select_n3A_12 : i32
      %eq3A = arith.constant -1 : i32
      %eq3A_15 = arith.cmpi eq, %select_n3A_14, %eq3A : i32
      %select_n3A_16 = arith.constant 9 : i32
      %select_n3A_17 = arith.select %eq3A_15, %select_n3A_16, %select_n3A_14 : i32
      %add3A_18 = arith.addi %select_n3A_17, %mul3A_6 : i32
      %select_n3A_19 = arith.constant true
      %select_n3A_20 = arith.constant 0 : i32
      %select_n3A_21 = arith.constant 1 : i32
      %select_n3A_22 = arith.select %select_n3A_19, %select_n3A_21, %select_n3A_20 : i32
      %eq3A_23 = arith.constant 10 : i32
      %eq3A_24 = arith.cmpi eq, %select_n3A_22, %eq3A_23 : i32
      %select_n3A_25 = arith.constant 0 : i32
      %select_n3A_26 = arith.select %eq3A_24, %select_n3A_25, %select_n3A_22 : i32
      %add3A_27 = arith.addi %select_n3A_26, %mul3A_6 : i32
      %add3A_28 = arith.constant 1 : i32
      %add3A_29 = arith.addi %select_n3A_26, %add3A_28 : i32
      %select_n3A_30 = arith.constant true
      %select_n3A_31 = arith.select %select_n3A_30, %add3A_29, %select_n3A_26 : i32
      %eq3A_32 = arith.constant 10 : i32
      %eq3A_33 = arith.cmpi eq, %select_n3A_31, %eq3A_32 : i32
      %select_n3A_34 = arith.constant 0 : i32
      %select_n3A_35 = arith.select %eq3A_33, %select_n3A_34, %select_n3A_31 : i32
      %add3A_36 = arith.addi %select_n3A_35, %mul3A_6 : i32
      "tpu.trace_start"() <{level = 10 : i32, message = "ep_initialize_0"}> : () -> ()
      %rem3A = arith.constant 0 : i32
      %rem3A_37 = arith.constant 2 : i32
      %rem3A_38 = arith.remui %rem3A, %rem3A_37 : i32
      %mul3A_39 = arith.constant 128 : i32
      %mul3A_40 = arith.muli %mul3A_39, %add3A_11 : i32
      %dma_start3A = arith.constant 0 : i32
      %dma_start3A_41 = arith.constant 0 : i32
      %dma_start3A_42 = tpu.memref_slice %run_scoped3A[%rem3A_38, %dma_start3A, %dma_start3A_41] : memref<2x1x128xi32, #tpu.memory_space<vmem>> -> memref<1x1x128xi32, #tpu.memory_space<vmem>>
      %dma_start3A_43 = tpu.memref_squeeze %dma_start3A_42 : memref<1x1x128xi32, #tpu.memory_space<vmem>> -> memref<1x128xi32, #tpu.memory_space<vmem>>
      %dma_start3A_44 = arith.constant 0 : i32
      %dma_start3A_45 = tpu.memref_slice %arg3[%dma_start3A_44, %mul3A_40] : memref<1x40960xi32, #tpu.memory_space<hbm>> -> memref<1x128xi32, #tpu.memory_space<hbm>>
      %dma_start3A_46 = tpu.memref_slice %run_scoped3A_7[%rem3A_38] : memref<2x!tpu.dma_semaphore, #tpu.memory_space<semaphore_mem>> -> memref<1x!tpu.dma_semaphore, #tpu.memory_space<semaphore_mem>>
      %dma_start3A_47 = tpu.memref_squeeze %dma_start3A_46 : memref<1x!tpu.dma_semaphore, #tpu.memory_space<semaphore_mem>> -> memref<!tpu.dma_semaphore, #tpu.memory_space<semaphore_mem>>
      %dma_start3A_48 = arith.constant 0 : i32
      %dma_start3A_49 = arith.constant 0 : i32
      %dma_start3A_50 = tpu.memref_slice %run_scoped3A[%rem3A_38, %dma_start3A_48, %dma_start3A_49] : memref<2x1x128xi32, #tpu.memory_space<vmem>> -> memref<1x1x128xi32, #tpu.memory_space<vmem>>
      %dma_start3A_51 = tpu.memref_squeeze %dma_start3A_50 : memref<1x1x128xi32, #tpu.memory_space<vmem>> -> memref<1x128xi32, #tpu.memory_space<vmem>>
      %dma_start3A_52 = arith.constant 0 : i32
      %dma_start3A_53 = tpu.memref_slice %arg3[%dma_start3A_52, %mul3A_40] : memref<1x40960xi32, #tpu.memory_space<hbm>> -> memref<1x128xi32, #tpu.memory_space<hbm>>
      tpu.enqueue_dma source(%dma_start3A_53 : memref<1x128xi32, #tpu.memory_space<hbm>>) target(%dma_start3A_51 : memref<1x128xi32, #tpu.memory_space<vmem>>) target_semaphore(%dma_start3A_47 : memref<!tpu.dma_semaphore, #tpu.memory_space<semaphore_mem>>)
      %add3A_54 = arith.constant 0 : i32
      %add3A_55 = arith.constant 1 : i32
      %add3A_56 = arith.addi %add3A_54, %add3A_55 : i32
      %select_n3A_57 = arith.constant true
      %select_n3A_58 = arith.constant 0 : i32
      %select_n3A_59 = arith.select %select_n3A_57, %add3A_56, %select_n3A_58 : i32
      "tpu.trace_stop"() : () -> ()
      %scan3A = arith.constant 0 : i32
      %scan3A_60 = arith.constant 0 : i32
      %scan3A_61 = arith.constant 0 : i32
      %scan3A_62 = arith.constant 0 : i32
      %scan3A_63 = arith.constant 0 : i32
      %scan3A_64 = arith.constant 10 : i32
      %scan3A_65 = arith.addi %scan3A_63, %scan3A_64 : i32
      %scan3A_66 = arith.constant 1 : i32
      %scan3A_67:5 = scf.for %scan3A_121 = %scan3A_63 to %scan3A_65 step %scan3A_66 iter_args(%scan3A_122 = %select_n3A_59, %scan3A_123 = %scan3A, %scan3A_124 = %scan3A_60, %scan3A_125 = %scan3A_61, %scan3A_126 = %scan3A_62) -> (i32, i32, i32, i32, i32)  : i32 {
        %eq3A_127 = arith.constant 0 : i32
        %eq3A_128 = arith.cmpi eq, %scan3A_121, %eq3A_127 : i32
        %eq3A_129 = arith.constant 9 : i32
        %eq3A_130 = arith.cmpi eq, %scan3A_121, %eq3A_129 : i32
        %add3A_131 = arith.addi %scan3A_126, %mul3A_6 : i32
        %sub3A_132 = arith.constant 1 : i32
        %sub3A_133 = arith.subi %scan3A_126, %sub3A_132 : i32
        %select_n3A_134 = arith.constant true
        %select_n3A_135 = arith.select %select_n3A_134, %sub3A_133, %scan3A_126 : i32
        %eq3A_136 = arith.constant -1 : i32
        %eq3A_137 = arith.cmpi eq, %select_n3A_135, %eq3A_136 : i32
        %select_n3A_138 = arith.constant 9 : i32
        %select_n3A_139 = arith.select %eq3A_137, %select_n3A_138, %select_n3A_135 : i32
        %add3A_140 = arith.addi %select_n3A_139, %mul3A_6 : i32
        %add3A_141 = arith.constant 1 : i32
        %add3A_142 = arith.addi %scan3A_126, %add3A_141 : i32
        %select_n3A_143 = arith.constant true
        %select_n3A_144 = arith.select %select_n3A_143, %add3A_142, %scan3A_126 : i32
        %eq3A_145 = arith.constant 10 : i32
        %eq3A_146 = arith.cmpi eq, %select_n3A_144, %eq3A_145 : i32
        %select_n3A_147 = arith.constant 0 : i32
        %select_n3A_148 = arith.select %eq3A_146, %select_n3A_147, %select_n3A_144 : i32
        %add3A_149 = arith.addi %select_n3A_148, %mul3A_6 : i32
        %add3A_150 = arith.constant 1 : i32
        %add3A_151 = arith.addi %select_n3A_148, %add3A_150 : i32
        %select_n3A_152 = arith.constant true
        %select_n3A_153 = arith.select %select_n3A_152, %add3A_151, %select_n3A_148 : i32
        %eq3A_154 = arith.constant 10 : i32
        %eq3A_155 = arith.cmpi eq, %select_n3A_153, %eq3A_154 : i32
        %select_n3A_156 = arith.constant 0 : i32
        %select_n3A_157 = arith.select %eq3A_155, %select_n3A_156, %select_n3A_153 : i32
        %add3A_158 = arith.addi %select_n3A_157, %mul3A_6 : i32
        %ne3A = arith.cmpi ne, %add3A_131, %add3A_149 : i32
        %or3A = arith.constant false
        %or3A_159 = arith.ori %or3A, %ne3A : i1
        %ge3A = arith.constant 9 : i32
        %ge3A_160 = arith.cmpi sge, %scan3A_121, %ge3A : i32
        %not3A = arith.constant true
        %not3A_161 = arith.xori %ge3A_160, %not3A : i1
        %and3A = arith.andi %or3A_159, %not3A_161 : i1
        %convert_element_type3A = arith.extui %and3A : i1 to i32
        %cond3A = arith.constant 0 : i32
        %cond3A_162 = arith.cmpi ne, %convert_element_type3A, %cond3A : i32
        scf.if %cond3A_162 {
          "tpu.trace_start"() <{level = 10 : i32, message = "ep_copy_in"}> : () -> ()
          %rem3A_264 = arith.constant 2 : i32
          %rem3A_265 = arith.remui %scan3A_122, %rem3A_264 : i32
          %mul3A_266 = arith.constant 128 : i32
          %mul3A_267 = arith.muli %mul3A_266, %add3A_149 : i32
          %dma_start3A_268 = arith.constant 0 : i32
          %dma_start3A_269 = arith.constant 0 : i32
          %dma_start3A_270 = tpu.memref_slice %run_scoped3A[%rem3A_265, %dma_start3A_268, %dma_start3A_269] : memref<2x1x128xi32, #tpu.memory_space<vmem>> -> memref<1x1x128xi32, #tpu.memory_space<vmem>>
          %dma_start3A_271 = tpu.memref_squeeze %dma_start3A_270 : memref<1x1x128xi32, #tpu.memory_space<vmem>> -> memref<1x128xi32, #tpu.memory_space<vmem>>
          %dma_start3A_272 = arith.constant 0 : i32
          %dma_start3A_273 = tpu.memref_slice %arg3[%dma_start3A_272, %mul3A_267] : memref<1x40960xi32, #tpu.memory_space<hbm>> -> memref<1x128xi32, #tpu.memory_space<hbm>>
          %dma_start3A_274 = tpu.memref_slice %run_scoped3A_7[%rem3A_265] : memref<2x!tpu.dma_semaphore, #tpu.memory_space<semaphore_mem>> -> memref<1x!tpu.dma_semaphore, #tpu.memory_space<semaphore_mem>>
          %dma_start3A_275 = tpu.memref_squeeze %dma_start3A_274 : memref<1x!tpu.dma_semaphore, #tpu.memory_space<semaphore_mem>> -> memref<!tpu.dma_semaphore, #tpu.memory_space<semaphore_mem>>
          %dma_start3A_276 = arith.constant 0 : i32
          %dma_start3A_277 = arith.constant 0 : i32
          %dma_start3A_278 = tpu.memref_slice %run_scoped3A[%rem3A_265, %dma_start3A_276, %dma_start3A_277] : memref<2x1x128xi32, #tpu.memory_space<vmem>> -> memref<1x1x128xi32, #tpu.memory_space<vmem>>
          %dma_start3A_279 = tpu.memref_squeeze %dma_start3A_278 : memref<1x1x128xi32, #tpu.memory_space<vmem>> -> memref<1x128xi32, #tpu.memory_space<vmem>>
          %dma_start3A_280 = arith.constant 0 : i32
          %dma_start3A_281 = tpu.memref_slice %arg3[%dma_start3A_280, %mul3A_267] : memref<1x40960xi32, #tpu.memory_space<hbm>> -> memref<1x128xi32, #tpu.memory_space<hbm>>
          tpu.enqueue_dma source(%dma_start3A_281 : memref<1x128xi32, #tpu.memory_space<hbm>>) target(%dma_start3A_279 : memref<1x128xi32, #tpu.memory_space<vmem>>) target_semaphore(%dma_start3A_275 : memref<!tpu.dma_semaphore, #tpu.memory_space<semaphore_mem>>)
          "tpu.trace_stop"() : () -> ()
        } else {
        }
        %and3A_163 = arith.constant true
        %and3A_164 = arith.andi %and3A, %and3A_163 : i1
        %add3A_165 = arith.constant 1 : i32
        %add3A_166 = arith.addi %scan3A_122, %add3A_165 : i32
        %select_n3A_167 = arith.select %and3A_164, %add3A_166, %scan3A_122 : i32
        %ne3A_168 = arith.cmpi ne, %add3A_131, %add3A_149 : i32
        %or3A_169 = arith.constant false
        %or3A_170 = arith.ori %or3A_169, %ne3A_168 : i1
        %or3A_171 = arith.constant false
        %or3A_172 = arith.ori %or3A_170, %or3A_171 : i1
        %ge3A_173 = arith.constant 9 : i32
        %ge3A_174 = arith.cmpi sge, %scan3A_121, %ge3A_173 : i32
        %not3A_175 = arith.constant true
        %not3A_176 = arith.xori %ge3A_174, %not3A_175 : i1
        %and3A_177 = arith.andi %or3A_172, %not3A_176 : i1
        %ne3A_178 = arith.cmpi ne, %add3A_131, %add3A_140 : i32
        %or3A_179 = arith.constant false
        %or3A_180 = arith.ori %or3A_179, %ne3A_178 : i1
        %or3A_181 = arith.ori %or3A_180, %eq3A_128 : i1
        %convert_element_type3A_182 = arith.extui %or3A_181 : i1 to i32
        %cond3A_183 = arith.constant 0 : i32
        %cond3A_184 = arith.cmpi ne, %convert_element_type3A_182, %cond3A_183 : i32
        scf.if %cond3A_184 {
          "tpu.trace_start"() <{level = 10 : i32, message = "ep_wait_in"}> : () -> ()
          %mul3A_264 = arith.constant 128 : i32
          %mul3A_265 = arith.muli %mul3A_264, %add3A_131 : i32
          %rem3A_266 = arith.constant 2 : i32
          %rem3A_267 = arith.remui %scan3A_123, %rem3A_266 : i32
          %dma_wait3A_268 = arith.constant 0 : i32
          %dma_wait3A_269 = arith.constant 0 : i32
          %dma_wait3A_270 = tpu.memref_slice %run_scoped3A[%rem3A_267, %dma_wait3A_268, %dma_wait3A_269] : memref<2x1x128xi32, #tpu.memory_space<vmem>> -> memref<1x1x128xi32, #tpu.memory_space<vmem>>
          %dma_wait3A_271 = tpu.memref_squeeze %dma_wait3A_270 : memref<1x1x128xi32, #tpu.memory_space<vmem>> -> memref<1x128xi32, #tpu.memory_space<vmem>>
          %dma_wait3A_272 = arith.constant 0 : i32
          %dma_wait3A_273 = tpu.memref_slice %arg3[%dma_wait3A_272, %mul3A_265] : memref<1x40960xi32, #tpu.memory_space<hbm>> -> memref<1x128xi32, #tpu.memory_space<hbm>>
          %dma_wait3A_274 = tpu.memref_slice %run_scoped3A_7[%rem3A_267] : memref<2x!tpu.dma_semaphore, #tpu.memory_space<semaphore_mem>> -> memref<1x!tpu.dma_semaphore, #tpu.memory_space<semaphore_mem>>
          %dma_wait3A_275 = tpu.memref_squeeze %dma_wait3A_274 : memref<1x!tpu.dma_semaphore, #tpu.memory_space<semaphore_mem>> -> memref<!tpu.dma_semaphore, #tpu.memory_space<semaphore_mem>>
          %dma_wait3A_276 = arith.constant 0 : i32
          %dma_wait3A_277 = arith.constant 0 : i32
          %dma_wait3A_278 = tpu.memref_slice %run_scoped3A[%rem3A_267, %dma_wait3A_276, %dma_wait3A_277] : memref<2x1x128xi32, #tpu.memory_space<vmem>> -> memref<1x1x128xi32, #tpu.memory_space<vmem>>
          %dma_wait3A_279 = tpu.memref_squeeze %dma_wait3A_278 : memref<1x1x128xi32, #tpu.memory_space<vmem>> -> memref<1x128xi32, #tpu.memory_space<vmem>>
          %dma_wait3A_280 = arith.constant 0 : i32
          %dma_wait3A_281 = tpu.memref_slice %arg3[%dma_wait3A_280, %mul3A_265] : memref<1x40960xi32, #tpu.memory_space<hbm>> -> memref<1x128xi32, #tpu.memory_space<hbm>>
          tpu.wait_dma2 semaphore(%dma_wait3A_275 : memref<!tpu.dma_semaphore, #tpu.memory_space<semaphore_mem>>) src(%dma_wait3A_281 : memref<1x128xi32, #tpu.memory_space<hbm>>) dst(%dma_wait3A_279 : memref<1x128xi32, #tpu.memory_space<vmem>>)
          "tpu.trace_stop"() : () -> ()
        } else {
        }
        %ne3A_185 = arith.cmpi ne, %add3A_131, %add3A_140 : i32
        %or3A_186 = arith.constant false
        %or3A_187 = arith.ori %or3A_186, %ne3A_185 : i1
        %or3A_188 = arith.constant false
        %or3A_189 = arith.ori %or3A_187, %or3A_188 : i1
        %or3A_190 = arith.ori %or3A_189, %eq3A_128 : i1
        %convert_element_type3A_191 = arith.extui %or3A_190 : i1 to i32
        %cond3A_192 = arith.constant 0 : i32
        %cond3A_193 = arith.cmpi ne, %convert_element_type3A_191, %cond3A_192 : i32
        scf.if %cond3A_193 {
        } else {
        }
        %rem3A_194 = arith.constant 2 : i32
        %rem3A_195 = arith.remui %scan3A_123, %rem3A_194 : i32
        %rem3A_196 = arith.constant 2 : i32
        %rem3A_197 = arith.remui %scan3A_124, %rem3A_196 : i32
        %run_scoped3A_198 = arith.constant 0 : i32
        "tpu.trace_start"() <{level = 10 : i32, message = "ep_run_kernel"}> : () -> ()
        "tpu.region"() ({
          %run_scoped3A_264 = tpu.sem_alloc : memref<!tpu.dma_semaphore, #tpu.memory_space<semaphore_mem>>
          %dma_start3A_265 = arith.constant 0 : i32
          %dma_start3A_266 = arith.constant 0 : i32
          %dma_start3A_267 = tpu.memref_slice %run_scoped3A_8[%rem3A_197, %dma_start3A_265, %dma_start3A_266] : memref<2x128x128xf32, #tpu.memory_space<vmem>> -> memref<1x128x128xf32, #tpu.memory_space<vmem>>
          %dma_start3A_268 = tpu.memref_squeeze %dma_start3A_267 : memref<1x128x128xf32, #tpu.memory_space<vmem>> -> memref<128x128xf32, #tpu.memory_space<vmem>>
          %dma_start3A_269 = arith.constant 0 : i32
          %dma_start3A_270 = arith.constant 0 : i32
          %dma_start3A_271 = tpu.memref_slice %run_scoped3A[%rem3A_195, %dma_start3A_269, %dma_start3A_270] : memref<2x1x128xi32, #tpu.memory_space<vmem>> -> memref<1x1x128xi32, #tpu.memory_space<vmem>>
          %dma_start3A_272 = tpu.memref_squeeze %dma_start3A_271 : memref<1x1x128xi32, #tpu.memory_space<vmem>> -> memref<1x128xi32, #tpu.memory_space<vmem>>
          %dma_start3A_273 = arith.constant 0 : i32
          %dma_start3A_274 = tpu.memref_slice %dma_start3A_272[%run_scoped3A_198, %dma_start3A_273] : memref<1x128xi32, #tpu.memory_space<vmem>> -> memref<1x128xi32, #tpu.memory_space<vmem>>
          %dma_start3A_275 = tpu.memref_squeeze %dma_start3A_274 : memref<1x128xi32, #tpu.memory_space<vmem>> -> memref<128xi32, #tpu.memory_space<vmem>>
          %dma_start3A_276 = arith.constant 0 : i32
          %dma_start3A_277 = arith.constant 0 : i32
          %dma_start3A_278 = tpu.memref_slice %arg2[%dma_start3A_276, %dma_start3A_277] : memref<2048x128xf32, #tpu.memory_space<hbm>> -> memref<2048x128xf32, #tpu.memory_space<hbm>>
          tpu.enqueue_indirect_dma source(%dma_start3A_278 : memref<2048x128xf32, #tpu.memory_space<hbm>>) target(%dma_start3A_268 : memref<128x128xf32, #tpu.memory_space<vmem>>) offsets(%dma_start3A_275 : memref<128xi32, #tpu.memory_space<vmem>>) semaphore(%run_scoped3A_264 : memref<!tpu.dma_semaphore, #tpu.memory_space<semaphore_mem>>)
          %dma_wait3A_279 = arith.constant 0 : i32
          %dma_wait3A_280 = arith.constant 0 : i32
          %dma_wait3A_281 = tpu.memref_slice %run_scoped3A_8[%rem3A_197, %dma_wait3A_279, %dma_wait3A_280] : memref<2x128x128xf32, #tpu.memory_space<vmem>> -> memref<1x128x128xf32, #tpu.memory_space<vmem>>
          %dma_wait3A_282 = tpu.memref_squeeze %dma_wait3A_281 : memref<1x128x128xf32, #tpu.memory_space<vmem>> -> memref<128x128xf32, #tpu.memory_space<vmem>>
          %dma_wait3A_283 = arith.constant 0 : i32
          %dma_wait3A_284 = arith.constant 0 : i32
          %dma_wait3A_285 = tpu.memref_slice %run_scoped3A[%rem3A_195, %dma_wait3A_283, %dma_wait3A_284] : memref<2x1x128xi32, #tpu.memory_space<vmem>> -> memref<1x1x128xi32, #tpu.memory_space<vmem>>
          %dma_wait3A_286 = tpu.memref_squeeze %dma_wait3A_285 : memref<1x1x128xi32, #tpu.memory_space<vmem>> -> memref<1x128xi32, #tpu.memory_space<vmem>>
          %dma_wait3A_287 = arith.constant 0 : i32
          %dma_wait3A_288 = tpu.memref_slice %dma_wait3A_286[%run_scoped3A_198, %dma_wait3A_287] : memref<1x128xi32, #tpu.memory_space<vmem>> -> memref<1x128xi32, #tpu.memory_space<vmem>>
          %dma_wait3A_289 = tpu.memref_squeeze %dma_wait3A_288 : memref<1x128xi32, #tpu.memory_space<vmem>> -> memref<128xi32, #tpu.memory_space<vmem>>
          %dma_wait3A_290 = arith.constant 0 : i32
          %dma_wait3A_291 = arith.constant 0 : i32
          %dma_wait3A_292 = tpu.memref_slice %arg2[%dma_wait3A_290, %dma_wait3A_291] : memref<2048x128xf32, #tpu.memory_space<hbm>> -> memref<2048x128xf32, #tpu.memory_space<hbm>>
          tpu.wait_indirect_dma semaphore(%run_scoped3A_264 : memref<!tpu.dma_semaphore, #tpu.memory_space<semaphore_mem>>) src(%dma_wait3A_292 : memref<2048x128xf32, #tpu.memory_space<hbm>>) dst(%dma_wait3A_282 : memref<128x128xf32, #tpu.memory_space<vmem>>)
          tpu.yield
        }) : () -> ()
        "tpu.trace_stop"() : () -> ()
        %ne3A_199 = arith.cmpi ne, %add3A_131, %add3A_149 : i32
        %or3A_200 = arith.constant false
        %or3A_201 = arith.ori %or3A_200, %ne3A_199 : i1
        %or3A_202 = arith.ori %or3A_201, %eq3A_130 : i1
        %convert_element_type3A_203 = arith.extui %or3A_202 : i1 to i32
        %cond3A_204 = arith.constant 0 : i32
        %cond3A_205 = arith.cmpi ne, %convert_element_type3A_203, %cond3A_204 : i32
        scf.if %cond3A_205 {
        } else {
        }
        %and3A_206 = arith.constant false
        %and3A_207 = arith.andi %or3A_202, %and3A_206 : i1
        %ne3A_208 = arith.cmpi ne, %add3A_131, %add3A_149 : i32
        %or3A_209 = arith.constant false
        %or3A_210 = arith.ori %or3A_209, %ne3A_208 : i1
        %or3A_211 = arith.constant false
        %or3A_212 = arith.ori %or3A_210, %or3A_211 : i1
        %or3A_213 = arith.ori %or3A_212, %eq3A_130 : i1
        %convert_element_type3A_214 = arith.extui %or3A_213 : i1 to i32
        %cond3A_215 = arith.constant 0 : i32
        %cond3A_216 = arith.cmpi ne, %convert_element_type3A_214, %cond3A_215 : i32
        scf.if %cond3A_216 {
          "tpu.trace_start"() <{level = 10 : i32, message = "ep_copy_out"}> : () -> ()
          %rem3A_264 = arith.constant 2 : i32
          %rem3A_265 = arith.remui %scan3A_124, %rem3A_264 : i32
          %mul3A_266 = arith.constant 128 : i32
          %mul3A_267 = arith.muli %mul3A_266, %add3A_131 : i32
          %dma_start3A_268 = arith.constant 0 : i32
          %dma_start3A_269 = arith.constant 0 : i32
          %dma_start3A_270 = tpu.memref_slice %run_scoped3A_8[%rem3A_265, %dma_start3A_268, %dma_start3A_269] : memref<2x128x128xf32, #tpu.memory_space<vmem>> -> memref<1x128x128xf32, #tpu.memory_space<vmem>>
          %dma_start3A_271 = tpu.memref_squeeze %dma_start3A_270 : memref<1x128x128xf32, #tpu.memory_space<vmem>> -> memref<128x128xf32, #tpu.memory_space<vmem>>
          %dma_start3A_272 = arith.constant 0 : i32
          %dma_start3A_273 = tpu.memref_slice %arg4[%mul3A_267, %dma_start3A_272] : memref<40960x128xf32, #tpu.memory_space<hbm>> -> memref<128x128xf32, #tpu.memory_space<hbm>>
          %dma_start3A_274 = tpu.memref_slice %run_scoped3A_9[%rem3A_265] : memref<2x!tpu.dma_semaphore, #tpu.memory_space<semaphore_mem>> -> memref<1x!tpu.dma_semaphore, #tpu.memory_space<semaphore_mem>>
          %dma_start3A_275 = tpu.memref_squeeze %dma_start3A_274 : memref<1x!tpu.dma_semaphore, #tpu.memory_space<semaphore_mem>> -> memref<!tpu.dma_semaphore, #tpu.memory_space<semaphore_mem>>
          %dma_start3A_276 = arith.constant 0 : i32
          %dma_start3A_277 = tpu.memref_slice %arg4[%mul3A_267, %dma_start3A_276] : memref<40960x128xf32, #tpu.memory_space<hbm>> -> memref<128x128xf32, #tpu.memory_space<hbm>>
          %dma_start3A_278 = arith.constant 0 : i32
          %dma_start3A_279 = arith.constant 0 : i32
          %dma_start3A_280 = tpu.memref_slice %run_scoped3A_8[%rem3A_265, %dma_start3A_278, %dma_start3A_279] : memref<2x128x128xf32, #tpu.memory_space<vmem>> -> memref<1x128x128xf32, #tpu.memory_space<vmem>>
          %dma_start3A_281 = tpu.memref_squeeze %dma_start3A_280 : memref<1x128x128xf32, #tpu.memory_space<vmem>> -> memref<128x128xf32, #tpu.memory_space<vmem>>
          tpu.enqueue_dma source(%dma_start3A_281 : memref<128x128xf32, #tpu.memory_space<vmem>>) target(%dma_start3A_277 : memref<128x128xf32, #tpu.memory_space<hbm>>) target_semaphore(%dma_start3A_275 : memref<!tpu.dma_semaphore, #tpu.memory_space<semaphore_mem>>)
          "tpu.trace_stop"() : () -> ()
        } else {
        }
        %and3A_217 = arith.constant true
        %and3A_218 = arith.andi %or3A_213, %and3A_217 : i1
        %add3A_219 = arith.constant 1 : i32
        %add3A_220 = arith.addi %scan3A_124, %add3A_219 : i32
        %select_n3A_221 = arith.select %and3A_218, %add3A_220, %scan3A_124 : i32
        %ne3A_222 = arith.cmpi ne, %add3A_131, %add3A_140 : i32
        %or3A_223 = arith.constant false
        %or3A_224 = arith.ori %or3A_223, %ne3A_222 : i1
        %not3A_225 = arith.constant true
        %not3A_226 = arith.xori %eq3A_128, %not3A_225 : i1
        %and3A_227 = arith.andi %or3A_224, %not3A_226 : i1
        %convert_element_type3A_228 = arith.extui %and3A_227 : i1 to i32
        %cond3A_229 = arith.constant 0 : i32
        %cond3A_230 = arith.cmpi ne, %convert_element_type3A_228, %cond3A_229 : i32
        scf.if %cond3A_230 {
        } else {
        }
        %and3A_231 = arith.constant false
        %and3A_232 = arith.andi %and3A_227, %and3A_231 : i1
        %ne3A_233 = arith.cmpi ne, %add3A_131, %add3A_140 : i32
        %or3A_234 = arith.constant false
        %or3A_235 = arith.ori %or3A_234, %ne3A_233 : i1
        %or3A_236 = arith.constant false
        %or3A_237 = arith.ori %or3A_235, %or3A_236 : i1
        %not3A_238 = arith.constant true
        %not3A_239 = arith.xori %eq3A_128, %not3A_238 : i1
        %and3A_240 = arith.andi %or3A_237, %not3A_239 : i1
        %convert_element_type3A_241 = arith.extui %and3A_240 : i1 to i32
        %cond3A_242 = arith.constant 0 : i32
        %cond3A_243 = arith.cmpi ne, %convert_element_type3A_241, %cond3A_242 : i32
        scf.if %cond3A_243 {
          "tpu.trace_start"() <{level = 10 : i32, message = "ep_wait_out"}> : () -> ()
          %rem3A_264 = arith.constant 2 : i32
          %rem3A_265 = arith.remui %scan3A_125, %rem3A_264 : i32
          %mul3A_266 = arith.constant 128 : i32
          %mul3A_267 = arith.muli %mul3A_266, %add3A_140 : i32
          %dma_wait3A_268 = arith.constant 0 : i32
          %dma_wait3A_269 = arith.constant 0 : i32
          %dma_wait3A_270 = tpu.memref_slice %run_scoped3A_8[%rem3A_265, %dma_wait3A_268, %dma_wait3A_269] : memref<2x128x128xf32, #tpu.memory_space<vmem>> -> memref<1x128x128xf32, #tpu.memory_space<vmem>>
          %dma_wait3A_271 = tpu.memref_squeeze %dma_wait3A_270 : memref<1x128x128xf32, #tpu.memory_space<vmem>> -> memref<128x128xf32, #tpu.memory_space<vmem>>
          %dma_wait3A_272 = arith.constant 0 : i32
          %dma_wait3A_273 = tpu.memref_slice %arg4[%mul3A_267, %dma_wait3A_272] : memref<40960x128xf32, #tpu.memory_space<hbm>> -> memref<128x128xf32, #tpu.memory_space<hbm>>
          %dma_wait3A_274 = tpu.memref_slice %run_scoped3A_9[%rem3A_265] : memref<2x!tpu.dma_semaphore, #tpu.memory_space<semaphore_mem>> -> memref<1x!tpu.dma_semaphore, #tpu.memory_space<semaphore_mem>>
          %dma_wait3A_275 = tpu.memref_squeeze %dma_wait3A_274 : memref<1x!tpu.dma_semaphore, #tpu.memory_space<semaphore_mem>> -> memref<!tpu.dma_semaphore, #tpu.memory_space<semaphore_mem>>
          %dma_wait3A_276 = arith.constant 0 : i32
          %dma_wait3A_277 = tpu.memref_slice %arg4[%mul3A_267, %dma_wait3A_276] : memref<40960x128xf32, #tpu.memory_space<hbm>> -> memref<128x128xf32, #tpu.memory_space<hbm>>
          %dma_wait3A_278 = arith.constant 0 : i32
          %dma_wait3A_279 = arith.constant 0 : i32
          %dma_wait3A_280 = tpu.memref_slice %run_scoped3A_8[%rem3A_265, %dma_wait3A_278, %dma_wait3A_279] : memref<2x128x128xf32, #tpu.memory_space<vmem>> -> memref<1x128x128xf32, #tpu.memory_space<vmem>>
          %dma_wait3A_281 = tpu.memref_squeeze %dma_wait3A_280 : memref<1x128x128xf32, #tpu.memory_space<vmem>> -> memref<128x128xf32, #tpu.memory_space<vmem>>
          tpu.wait_dma2 semaphore(%dma_wait3A_275 : memref<!tpu.dma_semaphore, #tpu.memory_space<semaphore_mem>>) src(%dma_wait3A_281 : memref<128x128xf32, #tpu.memory_space<vmem>>) dst(%dma_wait3A_277 : memref<128x128xf32, #tpu.memory_space<hbm>>)
          "tpu.trace_stop"() : () -> ()
        } else {
        }
        %and3A_244 = arith.constant true
        %and3A_245 = arith.andi %and3A_240, %and3A_244 : i1
        %add3A_246 = arith.constant 1 : i32
        %add3A_247 = arith.addi %scan3A_125, %add3A_246 : i32
        %select_n3A_248 = arith.select %and3A_245, %add3A_247, %scan3A_125 : i32
        %ne3A_249 = arith.cmpi ne, %add3A_131, %add3A_149 : i32
        %or3A_250 = arith.constant false
        %or3A_251 = arith.ori %or3A_250, %ne3A_249 : i1
        %or3A_252 = arith.ori %or3A_251, %eq3A_130 : i1
        %add3A_253 = arith.constant 1 : i32
        %add3A_254 = arith.addi %scan3A_123, %add3A_253 : i32
        %select_n3A_255 = arith.select %or3A_252, %add3A_254, %scan3A_123 : i32
        %add3A_256 = arith.constant 1 : i32
        %add3A_257 = arith.addi %scan3A_126, %add3A_256 : i32
        %select_n3A_258 = arith.constant true
        %select_n3A_259 = arith.select %select_n3A_258, %add3A_257, %scan3A_126 : i32
        %eq3A_260 = arith.constant 10 : i32
        %eq3A_261 = arith.cmpi eq, %select_n3A_259, %eq3A_260 : i32
        %select_n3A_262 = arith.constant 0 : i32
        %select_n3A_263 = arith.select %eq3A_261, %select_n3A_262, %select_n3A_259 : i32
        scf.yield %select_n3A_167, %select_n3A_255, %select_n3A_221, %select_n3A_248, %select_n3A_263 : i32, i32, i32, i32, i32
      }
      %scan3A_68 = arith.constant 10 : i32
      %sub3A = arith.constant 1 : i32
      %sub3A_69 = arith.subi %scan3A_67#4, %sub3A : i32
      %select_n3A_70 = arith.constant true
      %select_n3A_71 = arith.select %select_n3A_70, %sub3A_69, %scan3A_67#4 : i32
      %eq3A_72 = arith.constant -1 : i32
      %eq3A_73 = arith.cmpi eq, %select_n3A_71, %eq3A_72 : i32
      %select_n3A_74 = arith.constant 9 : i32
      %select_n3A_75 = arith.select %eq3A_73, %select_n3A_74, %select_n3A_71 : i32
      %add3A_76 = arith.addi %select_n3A_75, %mul3A_6 : i32
      %sub3A_77 = arith.constant 1 : i32
      %sub3A_78 = arith.subi %select_n3A_75, %sub3A_77 : i32
      %select_n3A_79 = arith.constant true
      %select_n3A_80 = arith.select %select_n3A_79, %sub3A_78, %select_n3A_75 : i32
      %eq3A_81 = arith.constant -1 : i32
      %eq3A_82 = arith.cmpi eq, %select_n3A_80, %eq3A_81 : i32
      %select_n3A_83 = arith.constant 9 : i32
      %select_n3A_84 = arith.select %eq3A_82, %select_n3A_83, %select_n3A_80 : i32
      %add3A_85 = arith.addi %select_n3A_84, %mul3A_6 : i32
      %add3A_86 = arith.constant 1 : i32
      %add3A_87 = arith.addi %select_n3A_75, %add3A_86 : i32
      %select_n3A_88 = arith.constant true
      %select_n3A_89 = arith.select %select_n3A_88, %add3A_87, %select_n3A_75 : i32
      %eq3A_90 = arith.constant 10 : i32
      %eq3A_91 = arith.cmpi eq, %select_n3A_89, %eq3A_90 : i32
      %select_n3A_92 = arith.constant 0 : i32
      %select_n3A_93 = arith.select %eq3A_91, %select_n3A_92, %select_n3A_89 : i32
      %add3A_94 = arith.addi %select_n3A_93, %mul3A_6 : i32
      %add3A_95 = arith.constant 1 : i32
      %add3A_96 = arith.addi %select_n3A_93, %add3A_95 : i32
      %select_n3A_97 = arith.constant true
      %select_n3A_98 = arith.select %select_n3A_97, %add3A_96, %select_n3A_93 : i32
      %eq3A_99 = arith.constant 10 : i32
      %eq3A_100 = arith.cmpi eq, %select_n3A_98, %eq3A_99 : i32
      %select_n3A_101 = arith.constant 0 : i32
      %select_n3A_102 = arith.select %eq3A_100, %select_n3A_101, %select_n3A_98 : i32
      %add3A_103 = arith.addi %select_n3A_102, %mul3A_6 : i32
      "tpu.trace_start"() <{level = 10 : i32, message = "ep_finalize"}> : () -> ()
      %rem3A_104 = arith.constant 2 : i32
      %rem3A_105 = arith.remui %scan3A_67#3, %rem3A_104 : i32
      %mul3A_106 = arith.constant 128 : i32
      %mul3A_107 = arith.muli %mul3A_106, %add3A_76 : i32
      %dma_wait3A = arith.constant 0 : i32
      %dma_wait3A_108 = arith.constant 0 : i32
      %dma_wait3A_109 = tpu.memref_slice %run_scoped3A_8[%rem3A_105, %dma_wait3A, %dma_wait3A_108] : memref<2x128x128xf32, #tpu.memory_space<vmem>> -> memref<1x128x128xf32, #tpu.memory_space<vmem>>
      %dma_wait3A_110 = tpu.memref_squeeze %dma_wait3A_109 : memref<1x128x128xf32, #tpu.memory_space<vmem>> -> memref<128x128xf32, #tpu.memory_space<vmem>>
      %dma_wait3A_111 = arith.constant 0 : i32
      %dma_wait3A_112 = tpu.memref_slice %arg4[%mul3A_107, %dma_wait3A_111] : memref<40960x128xf32, #tpu.memory_space<hbm>> -> memref<128x128xf32, #tpu.memory_space<hbm>>
      %dma_wait3A_113 = tpu.memref_slice %run_scoped3A_9[%rem3A_105] : memref<2x!tpu.dma_semaphore, #tpu.memory_space<semaphore_mem>> -> memref<1x!tpu.dma_semaphore, #tpu.memory_space<semaphore_mem>>
      %dma_wait3A_114 = tpu.memref_squeeze %dma_wait3A_113 : memref<1x!tpu.dma_semaphore, #tpu.memory_space<semaphore_mem>> -> memref<!tpu.dma_semaphore, #tpu.memory_space<semaphore_mem>>
      %dma_wait3A_115 = arith.constant 0 : i32
      %dma_wait3A_116 = tpu.memref_slice %arg4[%mul3A_107, %dma_wait3A_115] : memref<40960x128xf32, #tpu.memory_space<hbm>> -> memref<128x128xf32, #tpu.memory_space<hbm>>
      %dma_wait3A_117 = arith.constant 0 : i32
      %dma_wait3A_118 = arith.constant 0 : i32
      %dma_wait3A_119 = tpu.memref_slice %run_scoped3A_8[%rem3A_105, %dma_wait3A_117, %dma_wait3A_118] : memref<2x128x128xf32, #tpu.memory_space<vmem>> -> memref<1x128x128xf32, #tpu.memory_space<vmem>>
      %dma_wait3A_120 = tpu.memref_squeeze %dma_wait3A_119 : memref<1x128x128xf32, #tpu.memory_space<vmem>> -> memref<128x128xf32, #tpu.memory_space<vmem>>
      tpu.wait_dma2 semaphore(%dma_wait3A_114 : memref<!tpu.dma_semaphore, #tpu.memory_space<semaphore_mem>>) src(%dma_wait3A_120 : memref<128x128xf32, #tpu.memory_space<vmem>>) dst(%dma_wait3A_116 : memref<128x128xf32, #tpu.memory_space<hbm>>)
      "tpu.trace_stop"() : () -> ()
      tpu.yield
    }) : () -> ()
    return
  }
}

#map = affine_map<(d0, d1) -> (0, 0)>
module attributes {stable_mosaic.version = 14 : i64} {
  func.func @gk(%arg0: i32, %arg1: i32, %arg2: memref<2048x128xf32, #tpu.memory_space<hbm>>, %arg3: memref<1x40960xi32, #tpu.memory_space<hbm>>, %arg4: memref<40960x128xf32, #tpu.memory_space<hbm>>) attributes {dimension_semantics = [#tpu.dimension_semantics<core_parallel>, #tpu.dimension_semantics<subcore_parallel>], iteration_bounds = array<i64: 2, 16>, scalar_prefetch = 0 : i64, scratch_operands = 0 : i64, tpu.core_type = #tpu.core_type<sc_vector_subcore>, window_params = [{transform_indices = #map}, {transform_indices = #map}, {transform_indices = #map}]} {
    %mul3A = arith.constant 1 : i32
    %mul3A_0 = arith.muli %arg1, %mul3A : i32
    %add3A = arith.constant 0 : i32
    %add3A_1 = arith.addi %add3A, %mul3A_0 : i32
    %mul3A_2 = arith.constant 16 : i32
    %mul3A_3 = arith.muli %arg0, %mul3A_2 : i32
    %add3A_4 = arith.addi %add3A_1, %mul3A_3 : i32
    %mul3A_5 = arith.constant 10 : i32
    %mul3A_6 = arith.muli %add3A_4, %mul3A_5 : i32
    "tpu.region"() ({
      %run_scoped3A = memref.alloca() : memref<2x1x128xi32, #tpu.memory_space<vmem>>
      %run_scoped3A_7 = tpu.sem_alloc : memref<2x!tpu.dma_semaphore, #tpu.memory_space<semaphore_mem>>
      %run_scoped3A_8 = memref.alloca() : memref<2x128x128xf32, #tpu.memory_space<vmem>>
      %run_scoped3A_9 = tpu.sem_alloc : memref<2x!tpu.dma_semaphore, #tpu.memory_space<semaphore_mem>>
      %add3A_10 = arith.constant 0 : i32
      %add3A_11 = arith.addi %add3A_10, %mul3A_6 : i32
      %select_n3A = arith.constant true
      %select_n3A_12 = arith.constant 0 : i32
      %select_n3A_13 = arith.constant -1 : i32
      %select_n3A_14 = arith.select %select_n3A, %select_n3A_13, %select_n3A_12 : i32
      %eq3A = arith.constant -1 : i32
      %eq3A_15 = arith.cmpi eq, %select_n3A_14, %eq3A : i32
      %select_n3A_16 = arith.constant 9 : i32
      %select_n3A_17 = arith.select %eq3A_15, %select_n3A_16, %select_n3A_14 : i32
      %add3A_18 = arith.addi %select_n3A_17, %mul3A_6 : i32
      %select_n3A_19 = arith.constant true
      %select_n3A_20 = arith.constant 0 : i32
      %select_n3A_21 = arith.constant 1 : i32
      %select_n3A_22 = arith.select %select_n3A_19, %select_n3A_21, %select_n3A_20 : i32
      %eq3A_23 = arith.constant 10 : i32
      %eq3A_24 = arith.cmpi eq, %select_n3A_22, %eq3A_23 : i32
      %select_n3A_25 = arith.constant 0 : i32
      %select_n3A_26 = arith.select %eq3A_24, %select_n3A_25, %select_n3A_22 : i32
      %add3A_27 = arith.addi %select_n3A_26, %mul3A_6 : i32
      %add3A_28 = arith.constant 1 : i32
      %add3A_29 = arith.addi %select_n3A_26, %add3A_28 : i32
      %select_n3A_30 = arith.constant true
      %select_n3A_31 = arith.select %select_n3A_30, %add3A_29, %select_n3A_26 : i32
      %eq3A_32 = arith.constant 10 : i32
      %eq3A_33 = arith.cmpi eq, %select_n3A_31, %eq3A_32 : i32
      %select_n3A_34 = arith.constant 0 : i32
      %select_n3A_35 = arith.select %eq3A_33, %select_n3A_34, %select_n3A_31 : i32
      %add3A_36 = arith.addi %select_n3A_35, %mul3A_6 : i32
      "tpu.trace_start"() <{level = 10 : i32, message = "ep_initialize_0"}> : () -> ()
      %rem3A = arith.constant 0 : i32
      %rem3A_37 = arith.constant 2 : i32
      %rem3A_38 = arith.remui %rem3A, %rem3A_37 : i32
      %mul3A_39 = arith.constant 128 : i32
      %mul3A_40 = arith.muli %mul3A_39, %add3A_11 : i32
      %dma_start3A = arith.constant 0 : i32
      %dma_start3A_41 = arith.constant 0 : i32
      %dma_start3A_42 = tpu.memref_slice %run_scoped3A[%rem3A_38, %dma_start3A, %dma_start3A_41] : memref<2x1x128xi32, #tpu.memory_space<vmem>> -> memref<1x1x128xi32, #tpu.memory_space<vmem>>
      %dma_start3A_43 = tpu.memref_squeeze %dma_start3A_42 : memref<1x1x128xi32, #tpu.memory_space<vmem>> -> memref<1x128xi32, #tpu.memory_space<vmem>>
      %dma_start3A_44 = arith.constant 0 : i32
      %dma_start3A_45 = tpu.memref_slice %arg3[%dma_start3A_44, %mul3A_40] : memref<1x40960xi32, #tpu.memory_space<hbm>> -> memref<1x128xi32, #tpu.memory_space<hbm>>
      %dma_start3A_46 = tpu.memref_slice %run_scoped3A_7[%rem3A_38] : memref<2x!tpu.dma_semaphore, #tpu.memory_space<semaphore_mem>> -> memref<1x!tpu.dma_semaphore, #tpu.memory_space<semaphore_mem>>
      %dma_start3A_47 = tpu.memref_squeeze %dma_start3A_46 : memref<1x!tpu.dma_semaphore, #tpu.memory_space<semaphore_mem>> -> memref<!tpu.dma_semaphore, #tpu.memory_space<semaphore_mem>>
      %dma_start3A_48 = arith.constant 0 : i32
      %dma_start3A_49 = arith.constant 0 : i32
      %dma_start3A_50 = tpu.memref_slice %run_scoped3A[%rem3A_38, %dma_start3A_48, %dma_start3A_49] : memref<2x1x128xi32, #tpu.memory_space<vmem>> -> memref<1x1x128xi32, #tpu.memory_space<vmem>>
      %dma_start3A_51 = tpu.memref_squeeze %dma_start3A_50 : memref<1x1x128xi32, #tpu.memory_space<vmem>> -> memref<1x128xi32, #tpu.memory_space<vmem>>
      %dma_start3A_52 = arith.constant 0 : i32
      %dma_start3A_53 = tpu.memref_slice %arg3[%dma_start3A_52, %mul3A_40] : memref<1x40960xi32, #tpu.memory_space<hbm>> -> memref<1x128xi32, #tpu.memory_space<hbm>>
      tpu.enqueue_dma source(%dma_start3A_53 : memref<1x128xi32, #tpu.memory_space<hbm>>) target(%dma_start3A_51 : memref<1x128xi32, #tpu.memory_space<vmem>>) target_semaphore(%dma_start3A_47 : memref<!tpu.dma_semaphore, #tpu.memory_space<semaphore_mem>>)
      %add3A_54 = arith.constant 0 : i32
      %add3A_55 = arith.constant 1 : i32
      %add3A_56 = arith.addi %add3A_54, %add3A_55 : i32
      %select_n3A_57 = arith.constant true
      %select_n3A_58 = arith.constant 0 : i32
      %select_n3A_59 = arith.select %select_n3A_57, %add3A_56, %select_n3A_58 : i32
      "tpu.trace_stop"() : () -> ()
      %scan3A = arith.constant 0 : i32
      %scan3A_60 = arith.constant 0 : i32
      %scan3A_61 = arith.constant 0 : i32
      %scan3A_62 = arith.constant 0 : i32
      %scan3A_63 = arith.constant 0 : i32
      %scan3A_64 = arith.constant 10 : i32
      %scan3A_65 = arith.addi %scan3A_63, %scan3A_64 : i32
      %scan3A_66 = arith.constant 1 : i32
      %scan3A_67:5 = scf.for %scan3A_121 = %scan3A_63 to %scan3A_65 step %scan3A_66 iter_args(%scan3A_122 = %select_n3A_59, %scan3A_123 = %scan3A, %scan3A_124 = %scan3A_60, %scan3A_125 = %scan3A_61, %scan3A_126 = %scan3A_62) -> (i32, i32, i32, i32, i32)  : i32 {
        %eq3A_127 = arith.constant 0 : i32
        %eq3A_128 = arith.cmpi eq, %scan3A_121, %eq3A_127 : i32
        %eq3A_129 = arith.constant 9 : i32
        %eq3A_130 = arith.cmpi eq, %scan3A_121, %eq3A_129 : i32
        %add3A_131 = arith.addi %scan3A_126, %mul3A_6 : i32
        %sub3A_132 = arith.constant 1 : i32
        %sub3A_133 = arith.subi %scan3A_126, %sub3A_132 : i32
        %select_n3A_134 = arith.constant true
        %select_n3A_135 = arith.select %select_n3A_134, %sub3A_133, %scan3A_126 : i32
        %eq3A_136 = arith.constant -1 : i32
        %eq3A_137 = arith.cmpi eq, %select_n3A_135, %eq3A_136 : i32
        %select_n3A_138 = arith.constant 9 : i32
        %select_n3A_139 = arith.select %eq3A_137, %select_n3A_138, %select_n3A_135 : i32
        %add3A_140 = arith.addi %select_n3A_139, %mul3A_6 : i32
        %add3A_141 = arith.constant 1 : i32
        %add3A_142 = arith.addi %scan3A_126, %add3A_141 : i32
        %select_n3A_143 = arith.constant true
        %select_n3A_144 = arith.select %select_n3A_143, %add3A_142, %scan3A_126 : i32
        %eq3A_145 = arith.constant 10 : i32
        %eq3A_146 = arith.cmpi eq, %select_n3A_144, %eq3A_145 : i32
        %select_n3A_147 = arith.constant 0 : i32
        %select_n3A_148 = arith.select %eq3A_146, %select_n3A_147, %select_n3A_144 : i32
        %add3A_149 = arith.addi %select_n3A_148, %mul3A_6 : i32
        %add3A_150 = arith.constant 1 : i32
        %add3A_151 = arith.addi %select_n3A_148, %add3A_150 : i32
        %select_n3A_152 = arith.constant true
        %select_n3A_153 = arith.select %select_n3A_152, %add3A_151, %select_n3A_148 : i32
        %eq3A_154 = arith.constant 10 : i32
        %eq3A_155 = arith.cmpi eq, %select_n3A_153, %eq3A_154 : i32
        %select_n3A_156 = arith.constant 0 : i32
        %select_n3A_157 = arith.select %eq3A_155, %select_n3A_156, %select_n3A_153 : i32
        %add3A_158 = arith.addi %select_n3A_157, %mul3A_6 : i32
        %ne3A = arith.cmpi ne, %add3A_131, %add3A_149 : i32
        %or3A = arith.constant false
        %or3A_159 = arith.ori %or3A, %ne3A : i1
        %ge3A = arith.constant 9 : i32
        %ge3A_160 = arith.cmpi sge, %scan3A_121, %ge3A : i32
        %not3A = arith.constant true
        %not3A_161 = arith.xori %ge3A_160, %not3A : i1
        %and3A = arith.andi %or3A_159, %not3A_161 : i1
        %convert_element_type3A = arith.extui %and3A : i1 to i32
        %cond3A = arith.constant 0 : i32
        %cond3A_162 = arith.cmpi ne, %convert_element_type3A, %cond3A : i32
        scf.if %cond3A_162 {
          "tpu.trace_start"() <{level = 10 : i32, message = "ep_copy_in"}> : () -> ()
          %rem3A_264 = arith.constant 2 : i32
          %rem3A_265 = arith.remui %scan3A_122, %rem3A_264 : i32
          %mul3A_266 = arith.constant 128 : i32
          %mul3A_267 = arith.muli %mul3A_266, %add3A_149 : i32
          %dma_start3A_268 = arith.constant 0 : i32
          %dma_start3A_269 = arith.constant 0 : i32
          %dma_start3A_270 = tpu.memref_slice %run_scoped3A[%rem3A_265, %dma_start3A_268, %dma_start3A_269] : memref<2x1x128xi32, #tpu.memory_space<vmem>> -> memref<1x1x128xi32, #tpu.memory_space<vmem>>
          %dma_start3A_271 = tpu.memref_squeeze %dma_start3A_270 : memref<1x1x128xi32, #tpu.memory_space<vmem>> -> memref<1x128xi32, #tpu.memory_space<vmem>>
          %dma_start3A_272 = arith.constant 0 : i32
          %dma_start3A_273 = tpu.memref_slice %arg3[%dma_start3A_272, %mul3A_267] : memref<1x40960xi32, #tpu.memory_space<hbm>> -> memref<1x128xi32, #tpu.memory_space<hbm>>
          %dma_start3A_274 = tpu.memref_slice %run_scoped3A_7[%rem3A_265] : memref<2x!tpu.dma_semaphore, #tpu.memory_space<semaphore_mem>> -> memref<1x!tpu.dma_semaphore, #tpu.memory_space<semaphore_mem>>
          %dma_start3A_275 = tpu.memref_squeeze %dma_start3A_274 : memref<1x!tpu.dma_semaphore, #tpu.memory_space<semaphore_mem>> -> memref<!tpu.dma_semaphore, #tpu.memory_space<semaphore_mem>>
          %dma_start3A_276 = arith.constant 0 : i32
          %dma_start3A_277 = arith.constant 0 : i32
          %dma_start3A_278 = tpu.memref_slice %run_scoped3A[%rem3A_265, %dma_start3A_276, %dma_start3A_277] : memref<2x1x128xi32, #tpu.memory_space<vmem>> -> memref<1x1x128xi32, #tpu.memory_space<vmem>>
          %dma_start3A_279 = tpu.memref_squeeze %dma_start3A_278 : memref<1x1x128xi32, #tpu.memory_space<vmem>> -> memref<1x128xi32, #tpu.memory_space<vmem>>
          %dma_start3A_280 = arith.constant 0 : i32
          %dma_start3A_281 = tpu.memref_slice %arg3[%dma_start3A_280, %mul3A_267] : memref<1x40960xi32, #tpu.memory_space<hbm>> -> memref<1x128xi32, #tpu.memory_space<hbm>>
          tpu.enqueue_dma source(%dma_start3A_281 : memref<1x128xi32, #tpu.memory_space<hbm>>) target(%dma_start3A_279 : memref<1x128xi32, #tpu.memory_space<vmem>>) target_semaphore(%dma_start3A_275 : memref<!tpu.dma_semaphore, #tpu.memory_space<semaphore_mem>>)
          "tpu.trace_stop"() : () -> ()
        } else {
        }
        %and3A_163 = arith.constant true
        %and3A_164 = arith.andi %and3A, %and3A_163 : i1
        %add3A_165 = arith.constant 1 : i32
        %add3A_166 = arith.addi %scan3A_122, %add3A_165 : i32
        %select_n3A_167 = arith.select %and3A_164, %add3A_166, %scan3A_122 : i32
        %ne3A_168 = arith.cmpi ne, %add3A_131, %add3A_149 : i32
        %or3A_169 = arith.constant false
        %or3A_170 = arith.ori %or3A_169, %ne3A_168 : i1
        %or3A_171 = arith.constant false
        %or3A_172 = arith.ori %or3A_170, %or3A_171 : i1
        %ge3A_173 = arith.constant 9 : i32
        %ge3A_174 = arith.cmpi sge, %scan3A_121, %ge3A_173 : i32
        %not3A_175 = arith.constant true
        %not3A_176 = arith.xori %ge3A_174, %not3A_175 : i1
        %and3A_177 = arith.andi %or3A_172, %not3A_176 : i1
        %ne3A_178 = arith.cmpi ne, %add3A_131, %add3A_140 : i32
        %or3A_179 = arith.constant false
        %or3A_180 = arith.ori %or3A_179, %ne3A_178 : i1
        %or3A_181 = arith.ori %or3A_180, %eq3A_128 : i1
        %convert_element_type3A_182 = arith.extui %or3A_181 : i1 to i32
        %cond3A_183 = arith.constant 0 : i32
        %cond3A_184 = arith.cmpi ne, %convert_element_type3A_182, %cond3A_183 : i32
        scf.if %cond3A_184 {
          "tpu.trace_start"() <{level = 10 : i32, message = "ep_wait_in"}> : () -> ()
          %mul3A_264 = arith.constant 128 : i32
          %mul3A_265 = arith.muli %mul3A_264, %add3A_131 : i32
          %rem3A_266 = arith.constant 2 : i32
          %rem3A_267 = arith.remui %scan3A_123, %rem3A_266 : i32
          %dma_wait3A_268 = arith.constant 0 : i32
          %dma_wait3A_269 = arith.constant 0 : i32
          %dma_wait3A_270 = tpu.memref_slice %run_scoped3A[%rem3A_267, %dma_wait3A_268, %dma_wait3A_269] : memref<2x1x128xi32, #tpu.memory_space<vmem>> -> memref<1x1x128xi32, #tpu.memory_space<vmem>>
          %dma_wait3A_271 = tpu.memref_squeeze %dma_wait3A_270 : memref<1x1x128xi32, #tpu.memory_space<vmem>> -> memref<1x128xi32, #tpu.memory_space<vmem>>
          %dma_wait3A_272 = arith.constant 0 : i32
          %dma_wait3A_273 = tpu.memref_slice %arg3[%dma_wait3A_272, %mul3A_265] : memref<1x40960xi32, #tpu.memory_space<hbm>> -> memref<1x128xi32, #tpu.memory_space<hbm>>
          %dma_wait3A_274 = tpu.memref_slice %run_scoped3A_7[%rem3A_267] : memref<2x!tpu.dma_semaphore, #tpu.memory_space<semaphore_mem>> -> memref<1x!tpu.dma_semaphore, #tpu.memory_space<semaphore_mem>>
          %dma_wait3A_275 = tpu.memref_squeeze %dma_wait3A_274 : memref<1x!tpu.dma_semaphore, #tpu.memory_space<semaphore_mem>> -> memref<!tpu.dma_semaphore, #tpu.memory_space<semaphore_mem>>
          %dma_wait3A_276 = arith.constant 0 : i32
          %dma_wait3A_277 = arith.constant 0 : i32
          %dma_wait3A_278 = tpu.memref_slice %run_scoped3A[%rem3A_267, %dma_wait3A_276, %dma_wait3A_277] : memref<2x1x128xi32, #tpu.memory_space<vmem>> -> memref<1x1x128xi32, #tpu.memory_space<vmem>>
          %dma_wait3A_279 = tpu.memref_squeeze %dma_wait3A_278 : memref<1x1x128xi32, #tpu.memory_space<vmem>> -> memref<1x128xi32, #tpu.memory_space<vmem>>
          %dma_wait3A_280 = arith.constant 0 : i32
          %dma_wait3A_281 = tpu.memref_slice %arg3[%dma_wait3A_280, %mul3A_265] : memref<1x40960xi32, #tpu.memory_space<hbm>> -> memref<1x128xi32, #tpu.memory_space<hbm>>
          tpu.wait_dma2 semaphore(%dma_wait3A_275 : memref<!tpu.dma_semaphore, #tpu.memory_space<semaphore_mem>>) src(%dma_wait3A_281 : memref<1x128xi32, #tpu.memory_space<hbm>>) dst(%dma_wait3A_279 : memref<1x128xi32, #tpu.memory_space<vmem>>)
          "tpu.trace_stop"() : () -> ()
        } else {
        }
        %ne3A_185 = arith.cmpi ne, %add3A_131, %add3A_140 : i32
        %or3A_186 = arith.constant false
        %or3A_187 = arith.ori %or3A_186, %ne3A_185 : i1
        %or3A_188 = arith.constant false
        %or3A_189 = arith.ori %or3A_187, %or3A_188 : i1
        %or3A_190 = arith.ori %or3A_189, %eq3A_128 : i1
        %convert_element_type3A_191 = arith.extui %or3A_190 : i1 to i32
        %cond3A_192 = arith.constant 0 : i32
        %cond3A_193 = arith.cmpi ne, %convert_element_type3A_191, %cond3A_192 : i32
        scf.if %cond3A_193 {
        } else {
        }
        %rem3A_194 = arith.constant 2 : i32
        %rem3A_195 = arith.remui %scan3A_123, %rem3A_194 : i32
        %rem3A_196 = arith.constant 2 : i32
        %rem3A_197 = arith.remui %scan3A_124, %rem3A_196 : i32
        %run_scoped3A_198 = arith.constant 0 : i32
        "tpu.trace_start"() <{level = 10 : i32, message = "ep_run_kernel"}> : () -> ()
        "tpu.region"() ({
          %run_scoped3A_264 = tpu.sem_alloc : memref<!tpu.dma_semaphore, #tpu.memory_space<semaphore_mem>>
          %dma_start3A_265 = arith.constant 0 : i32
          %dma_start3A_266 = arith.constant 0 : i32
          %dma_start3A_267 = tpu.memref_slice %run_scoped3A_8[%rem3A_197, %dma_start3A_265, %dma_start3A_266] : memref<2x128x128xf32, #tpu.memory_space<vmem>> -> memref<1x128x128xf32, #tpu.memory_space<vmem>>
          %dma_start3A_268 = tpu.memref_squeeze %dma_start3A_267 : memref<1x128x128xf32, #tpu.memory_space<vmem>> -> memref<128x128xf32, #tpu.memory_space<vmem>>
          %dma_start3A_269 = arith.constant 0 : i32
          %dma_start3A_270 = arith.constant 0 : i32
          %dma_start3A_271 = tpu.memref_slice %run_scoped3A[%rem3A_195, %dma_start3A_269, %dma_start3A_270] : memref<2x1x128xi32, #tpu.memory_space<vmem>> -> memref<1x1x128xi32, #tpu.memory_space<vmem>>
          %dma_start3A_272 = tpu.memref_squeeze %dma_start3A_271 : memref<1x1x128xi32, #tpu.memory_space<vmem>> -> memref<1x128xi32, #tpu.memory_space<vmem>>
          %dma_start3A_273 = arith.constant 0 : i32
          %dma_start3A_274 = tpu.memref_slice %dma_start3A_272[%run_scoped3A_198, %dma_start3A_273] : memref<1x128xi32, #tpu.memory_space<vmem>> -> memref<1x128xi32, #tpu.memory_space<vmem>>
          %dma_start3A_275 = tpu.memref_squeeze %dma_start3A_274 : memref<1x128xi32, #tpu.memory_space<vmem>> -> memref<128xi32, #tpu.memory_space<vmem>>
          %dma_start3A_276 = arith.constant 0 : i32
          %dma_start3A_277 = arith.constant 0 : i32
          %dma_start3A_278 = tpu.memref_slice %arg2[%dma_start3A_276, %dma_start3A_277] : memref<2048x128xf32, #tpu.memory_space<hbm>> -> memref<2048x128xf32, #tpu.memory_space<hbm>>
          tpu.enqueue_indirect_dma source(%dma_start3A_278 : memref<2048x128xf32, #tpu.memory_space<hbm>>) target(%dma_start3A_268 : memref<128x128xf32, #tpu.memory_space<vmem>>) offsets(%dma_start3A_275 : memref<128xi32, #tpu.memory_space<vmem>>) semaphore(%run_scoped3A_264 : memref<!tpu.dma_semaphore, #tpu.memory_space<semaphore_mem>>)
          %dma_wait3A_279 = arith.constant 0 : i32
          %dma_wait3A_280 = arith.constant 0 : i32
          %dma_wait3A_281 = tpu.memref_slice %run_scoped3A_8[%rem3A_197, %dma_wait3A_279, %dma_wait3A_280] : memref<2x128x128xf32, #tpu.memory_space<vmem>> -> memref<1x128x128xf32, #tpu.memory_space<vmem>>
          %dma_wait3A_282 = tpu.memref_squeeze %dma_wait3A_281 : memref<1x128x128xf32, #tpu.memory_space<vmem>> -> memref<128x128xf32, #tpu.memory_space<vmem>>
          %dma_wait3A_283 = arith.constant 0 : i32
          %dma_wait3A_284 = arith.constant 0 : i32
          %dma_wait3A_285 = tpu.memref_slice %run_scoped3A[%rem3A_195, %dma_wait3A_283, %dma_wait3A_284] : memref<2x1x128xi32, #tpu.memory_space<vmem>> -> memref<1x1x128xi32, #tpu.memory_space<vmem>>
          %dma_wait3A_286 = tpu.memref_squeeze %dma_wait3A_285 : memref<1x1x128xi32, #tpu.memory_space<vmem>> -> memref<1x128xi32, #tpu.memory_space<vmem>>
          %dma_wait3A_287 = arith.constant 0 : i32
          %dma_wait3A_288 = tpu.memref_slice %dma_wait3A_286[%run_scoped3A_198, %dma_wait3A_287] : memref<1x128xi32, #tpu.memory_space<vmem>> -> memref<1x128xi32, #tpu.memory_space<vmem>>
          %dma_wait3A_289 = tpu.memref_squeeze %dma_wait3A_288 : memref<1x128xi32, #tpu.memory_space<vmem>> -> memref<128xi32, #tpu.memory_space<vmem>>
          %dma_wait3A_290 = arith.constant 0 : i32
          %dma_wait3A_291 = arith.constant 0 : i32
          %dma_wait3A_292 = tpu.memref_slice %arg2[%dma_wait3A_290, %dma_wait3A_291] : memref<2048x128xf32, #tpu.memory_space<hbm>> -> memref<2048x128xf32, #tpu.memory_space<hbm>>
          tpu.wait_indirect_dma semaphore(%run_scoped3A_264 : memref<!tpu.dma_semaphore, #tpu.memory_space<semaphore_mem>>) src(%dma_wait3A_292 : memref<2048x128xf32, #tpu.memory_space<hbm>>) dst(%dma_wait3A_282 : memref<128x128xf32, #tpu.memory_space<vmem>>)
          tpu.yield
        }) : () -> ()
        "tpu.trace_stop"() : () -> ()
        %ne3A_199 = arith.cmpi ne, %add3A_131, %add3A_149 : i32
        %or3A_200 = arith.constant false
        %or3A_201 = arith.ori %or3A_200, %ne3A_199 : i1
        %or3A_202 = arith.ori %or3A_201, %eq3A_130 : i1
        %convert_element_type3A_203 = arith.extui %or3A_202 : i1 to i32
        %cond3A_204 = arith.constant 0 : i32
        %cond3A_205 = arith.cmpi ne, %convert_element_type3A_203, %cond3A_204 : i32
        scf.if %cond3A_205 {
        } else {
        }
        %and3A_206 = arith.constant false
        %and3A_207 = arith.andi %or3A_202, %and3A_206 : i1
        %ne3A_208 = arith.cmpi ne, %add3A_131, %add3A_149 : i32
        %or3A_209 = arith.constant false
        %or3A_210 = arith.ori %or3A_209, %ne3A_208 : i1
        %or3A_211 = arith.constant false
        %or3A_212 = arith.ori %or3A_210, %or3A_211 : i1
        %or3A_213 = arith.ori %or3A_212, %eq3A_130 : i1
        %convert_element_type3A_214 = arith.extui %or3A_213 : i1 to i32
        %cond3A_215 = arith.constant 0 : i32
        %cond3A_216 = arith.cmpi ne, %convert_element_type3A_214, %cond3A_215 : i32
        scf.if %cond3A_216 {
          "tpu.trace_start"() <{level = 10 : i32, message = "ep_copy_out"}> : () -> ()
          %rem3A_264 = arith.constant 2 : i32
          %rem3A_265 = arith.remui %scan3A_124, %rem3A_264 : i32
          %mul3A_266 = arith.constant 128 : i32
          %mul3A_267 = arith.muli %mul3A_266, %add3A_131 : i32
          %dma_start3A_268 = arith.constant 0 : i32
          %dma_start3A_269 = arith.constant 0 : i32
          %dma_start3A_270 = tpu.memref_slice %run_scoped3A_8[%rem3A_265, %dma_start3A_268, %dma_start3A_269] : memref<2x128x128xf32, #tpu.memory_space<vmem>> -> memref<1x128x128xf32, #tpu.memory_space<vmem>>
          %dma_start3A_271 = tpu.memref_squeeze %dma_start3A_270 : memref<1x128x128xf32, #tpu.memory_space<vmem>> -> memref<128x128xf32, #tpu.memory_space<vmem>>
          %dma_start3A_272 = arith.constant 0 : i32
          %dma_start3A_273 = tpu.memref_slice %arg4[%mul3A_267, %dma_start3A_272] : memref<40960x128xf32, #tpu.memory_space<hbm>> -> memref<128x128xf32, #tpu.memory_space<hbm>>
          %dma_start3A_274 = tpu.memref_slice %run_scoped3A_9[%rem3A_265] : memref<2x!tpu.dma_semaphore, #tpu.memory_space<semaphore_mem>> -> memref<1x!tpu.dma_semaphore, #tpu.memory_space<semaphore_mem>>
          %dma_start3A_275 = tpu.memref_squeeze %dma_start3A_274 : memref<1x!tpu.dma_semaphore, #tpu.memory_space<semaphore_mem>> -> memref<!tpu.dma_semaphore, #tpu.memory_space<semaphore_mem>>
          %dma_start3A_276 = arith.constant 0 : i32
          %dma_start3A_277 = tpu.memref_slice %arg4[%mul3A_267, %dma_start3A_276] : memref<40960x128xf32, #tpu.memory_space<hbm>> -> memref<128x128xf32, #tpu.memory_space<hbm>>
          %dma_start3A_278 = arith.constant 0 : i32
          %dma_start3A_279 = arith.constant 0 : i32
          %dma_start3A_280 = tpu.memref_slice %run_scoped3A_8[%rem3A_265, %dma_start3A_278, %dma_start3A_279] : memref<2x128x128xf32, #tpu.memory_space<vmem>> -> memref<1x128x128xf32, #tpu.memory_space<vmem>>
          %dma_start3A_281 = tpu.memref_squeeze %dma_start3A_280 : memref<1x128x128xf32, #tpu.memory_space<vmem>> -> memref<128x128xf32, #tpu.memory_space<vmem>>
          tpu.enqueue_dma source(%dma_start3A_281 : memref<128x128xf32, #tpu.memory_space<vmem>>) target(%dma_start3A_277 : memref<128x128xf32, #tpu.memory_space<hbm>>) target_semaphore(%dma_start3A_275 : memref<!tpu.dma_semaphore, #tpu.memory_space<semaphore_mem>>)
          "tpu.trace_stop"() : () -> ()
        } else {
        }
        %and3A_217 = arith.constant true
        %and3A_218 = arith.andi %or3A_213, %and3A_217 : i1
        %add3A_219 = arith.constant 1 : i32
        %add3A_220 = arith.addi %scan3A_124, %add3A_219 : i32
        %select_n3A_221 = arith.select %and3A_218, %add3A_220, %scan3A_124 : i32
        %ne3A_222 = arith.cmpi ne, %add3A_131, %add3A_140 : i32
        %or3A_223 = arith.constant false
        %or3A_224 = arith.ori %or3A_223, %ne3A_222 : i1
        %not3A_225 = arith.constant true
        %not3A_226 = arith.xori %eq3A_128, %not3A_225 : i1
        %and3A_227 = arith.andi %or3A_224, %not3A_226 : i1
        %convert_element_type3A_228 = arith.extui %and3A_227 : i1 to i32
        %cond3A_229 = arith.constant 0 : i32
        %cond3A_230 = arith.cmpi ne, %convert_element_type3A_228, %cond3A_229 : i32
        scf.if %cond3A_230 {
        } else {
        }
        %and3A_231 = arith.constant false
        %and3A_232 = arith.andi %and3A_227, %and3A_231 : i1
        %ne3A_233 = arith.cmpi ne, %add3A_131, %add3A_140 : i32
        %or3A_234 = arith.constant false
        %or3A_235 = arith.ori %or3A_234, %ne3A_233 : i1
        %or3A_236 = arith.constant false
        %or3A_237 = arith.ori %or3A_235, %or3A_236 : i1
        %not3A_238 = arith.constant true
        %not3A_239 = arith.xori %eq3A_128, %not3A_238 : i1
        %and3A_240 = arith.andi %or3A_237, %not3A_239 : i1
        %convert_element_type3A_241 = arith.extui %and3A_240 : i1 to i32
        %cond3A_242 = arith.constant 0 : i32
        %cond3A_243 = arith.cmpi ne, %convert_element_type3A_241, %cond3A_242 : i32
        scf.if %cond3A_243 {
          "tpu.trace_start"() <{level = 10 : i32, message = "ep_wait_out"}> : () -> ()
          %rem3A_264 = arith.constant 2 : i32
          %rem3A_265 = arith.remui %scan3A_125, %rem3A_264 : i32
          %mul3A_266 = arith.constant 128 : i32
          %mul3A_267 = arith.muli %mul3A_266, %add3A_140 : i32
          %dma_wait3A_268 = arith.constant 0 : i32
          %dma_wait3A_269 = arith.constant 0 : i32
          %dma_wait3A_270 = tpu.memref_slice %run_scoped3A_8[%rem3A_265, %dma_wait3A_268, %dma_wait3A_269] : memref<2x128x128xf32, #tpu.memory_space<vmem>> -> memref<1x128x128xf32, #tpu.memory_space<vmem>>
          %dma_wait3A_271 = tpu.memref_squeeze %dma_wait3A_270 : memref<1x128x128xf32, #tpu.memory_space<vmem>> -> memref<128x128xf32, #tpu.memory_space<vmem>>
          %dma_wait3A_272 = arith.constant 0 : i32
          %dma_wait3A_273 = tpu.memref_slice %arg4[%mul3A_267, %dma_wait3A_272] : memref<40960x128xf32, #tpu.memory_space<hbm>> -> memref<128x128xf32, #tpu.memory_space<hbm>>
          %dma_wait3A_274 = tpu.memref_slice %run_scoped3A_9[%rem3A_265] : memref<2x!tpu.dma_semaphore, #tpu.memory_space<semaphore_mem>> -> memref<1x!tpu.dma_semaphore, #tpu.memory_space<semaphore_mem>>
          %dma_wait3A_275 = tpu.memref_squeeze %dma_wait3A_274 : memref<1x!tpu.dma_semaphore, #tpu.memory_space<semaphore_mem>> -> memref<!tpu.dma_semaphore, #tpu.memory_space<semaphore_mem>>
          %dma_wait3A_276 = arith.constant 0 : i32
          %dma_wait3A_277 = tpu.memref_slice %arg4[%mul3A_267, %dma_wait3A_276] : memref<40960x128xf32, #tpu.memory_space<hbm>> -> memref<128x128xf32, #tpu.memory_space<hbm>>
          %dma_wait3A_278 = arith.constant 0 : i32
          %dma_wait3A_279 = arith.constant 0 : i32
          %dma_wait3A_280 = tpu.memref_slice %run_scoped3A_8[%rem3A_265, %dma_wait3A_278, %dma_wait3A_279] : memref<2x128x128xf32, #tpu.memory_space<vmem>> -> memref<1x128x128xf32, #tpu.memory_space<vmem>>
          %dma_wait3A_281 = tpu.memref_squeeze %dma_wait3A_280 : memref<1x128x128xf32, #tpu.memory_space<vmem>> -> memref<128x128xf32, #tpu.memory_space<vmem>>
          tpu.wait_dma2 semaphore(%dma_wait3A_275 : memref<!tpu.dma_semaphore, #tpu.memory_space<semaphore_mem>>) src(%dma_wait3A_281 : memref<128x128xf32, #tpu.memory_space<vmem>>) dst(%dma_wait3A_277 : memref<128x128xf32, #tpu.memory_space<hbm>>)
          "tpu.trace_stop"() : () -> ()
        } else {
        }
        %and3A_244 = arith.constant true
        %and3A_245 = arith.andi %and3A_240, %and3A_244 : i1
        %add3A_246 = arith.constant 1 : i32
        %add3A_247 = arith.addi %scan3A_125, %add3A_246 : i32
        %select_n3A_248 = arith.select %and3A_245, %add3A_247, %scan3A_125 : i32
        %ne3A_249 = arith.cmpi ne, %add3A_131, %add3A_149 : i32
        %or3A_250 = arith.constant false
        %or3A_251 = arith.ori %or3A_250, %ne3A_249 : i1
        %or3A_252 = arith.ori %or3A_251, %eq3A_130 : i1
        %add3A_253 = arith.constant 1 : i32
        %add3A_254 = arith.addi %scan3A_123, %add3A_253 : i32
        %select_n3A_255 = arith.select %or3A_252, %add3A_254, %scan3A_123 : i32
        %add3A_256 = arith.constant 1 : i32
        %add3A_257 = arith.addi %scan3A_126, %add3A_256 : i32
        %select_n3A_258 = arith.constant true
        %select_n3A_259 = arith.select %select_n3A_258, %add3A_257, %scan3A_126 : i32
        %eq3A_260 = arith.constant 10 : i32
        %eq3A_261 = arith.cmpi eq, %select_n3A_259, %eq3A_260 : i32
        %select_n3A_262 = arith.constant 0 : i32
        %select_n3A_263 = arith.select %eq3A_261, %select_n3A_262, %select_n3A_259 : i32
        scf.yield %select_n3A_167, %select_n3A_255, %select_n3A_221, %select_n3A_248, %select_n3A_263 : i32, i32, i32, i32, i32
      }
      %scan3A_68 = arith.constant 10 : i32
      %sub3A = arith.constant 1 : i32
      %sub3A_69 = arith.subi %scan3A_67#4, %sub3A : i32
      %select_n3A_70 = arith.constant true
      %select_n3A_71 = arith.select %select_n3A_70, %sub3A_69, %scan3A_67#4 : i32
      %eq3A_72 = arith.constant -1 : i32
      %eq3A_73 = arith.cmpi eq, %select_n3A_71, %eq3A_72 : i32
      %select_n3A_74 = arith.constant 9 : i32
      %select_n3A_75 = arith.select %eq3A_73, %select_n3A_74, %select_n3A_71 : i32
      %add3A_76 = arith.addi %select_n3A_75, %mul3A_6 : i32
      %sub3A_77 = arith.constant 1 : i32
      %sub3A_78 = arith.subi %select_n3A_75, %sub3A_77 : i32
      %select_n3A_79 = arith.constant true
      %select_n3A_80 = arith.select %select_n3A_79, %sub3A_78, %select_n3A_75 : i32
      %eq3A_81 = arith.constant -1 : i32
      %eq3A_82 = arith.cmpi eq, %select_n3A_80, %eq3A_81 : i32
      %select_n3A_83 = arith.constant 9 : i32
      %select_n3A_84 = arith.select %eq3A_82, %select_n3A_83, %select_n3A_80 : i32
      %add3A_85 = arith.addi %select_n3A_84, %mul3A_6 : i32
      %add3A_86 = arith.constant 1 : i32
      %add3A_87 = arith.addi %select_n3A_75, %add3A_86 : i32
      %select_n3A_88 = arith.constant true
      %select_n3A_89 = arith.select %select_n3A_88, %add3A_87, %select_n3A_75 : i32
      %eq3A_90 = arith.constant 10 : i32
      %eq3A_91 = arith.cmpi eq, %select_n3A_89, %eq3A_90 : i32
      %select_n3A_92 = arith.constant 0 : i32
      %select_n3A_93 = arith.select %eq3A_91, %select_n3A_92, %select_n3A_89 : i32
      %add3A_94 = arith.addi %select_n3A_93, %mul3A_6 : i32
      %add3A_95 = arith.constant 1 : i32
      %add3A_96 = arith.addi %select_n3A_93, %add3A_95 : i32
      %select_n3A_97 = arith.constant true
      %select_n3A_98 = arith.select %select_n3A_97, %add3A_96, %select_n3A_93 : i32
      %eq3A_99 = arith.constant 10 : i32
      %eq3A_100 = arith.cmpi eq, %select_n3A_98, %eq3A_99 : i32
      %select_n3A_101 = arith.constant 0 : i32
      %select_n3A_102 = arith.select %eq3A_100, %select_n3A_101, %select_n3A_98 : i32
      %add3A_103 = arith.addi %select_n3A_102, %mul3A_6 : i32
      "tpu.trace_start"() <{level = 10 : i32, message = "ep_finalize"}> : () -> ()
      %rem3A_104 = arith.constant 2 : i32
      %rem3A_105 = arith.remui %scan3A_67#3, %rem3A_104 : i32
      %mul3A_106 = arith.constant 128 : i32
      %mul3A_107 = arith.muli %mul3A_106, %add3A_76 : i32
      %dma_wait3A = arith.constant 0 : i32
      %dma_wait3A_108 = arith.constant 0 : i32
      %dma_wait3A_109 = tpu.memref_slice %run_scoped3A_8[%rem3A_105, %dma_wait3A, %dma_wait3A_108] : memref<2x128x128xf32, #tpu.memory_space<vmem>> -> memref<1x128x128xf32, #tpu.memory_space<vmem>>
      %dma_wait3A_110 = tpu.memref_squeeze %dma_wait3A_109 : memref<1x128x128xf32, #tpu.memory_space<vmem>> -> memref<128x128xf32, #tpu.memory_space<vmem>>
      %dma_wait3A_111 = arith.constant 0 : i32
      %dma_wait3A_112 = tpu.memref_slice %arg4[%mul3A_107, %dma_wait3A_111] : memref<40960x128xf32, #tpu.memory_space<hbm>> -> memref<128x128xf32, #tpu.memory_space<hbm>>
      %dma_wait3A_113 = tpu.memref_slice %run_scoped3A_9[%rem3A_105] : memref<2x!tpu.dma_semaphore, #tpu.memory_space<semaphore_mem>> -> memref<1x!tpu.dma_semaphore, #tpu.memory_space<semaphore_mem>>
      %dma_wait3A_114 = tpu.memref_squeeze %dma_wait3A_113 : memref<1x!tpu.dma_semaphore, #tpu.memory_space<semaphore_mem>> -> memref<!tpu.dma_semaphore, #tpu.memory_space<semaphore_mem>>
      %dma_wait3A_115 = arith.constant 0 : i32
      %dma_wait3A_116 = tpu.memref_slice %arg4[%mul3A_107, %dma_wait3A_115] : memref<40960x128xf32, #tpu.memory_space<hbm>> -> memref<128x128xf32, #tpu.memory_space<hbm>>
      %dma_wait3A_117 = arith.constant 0 : i32
      %dma_wait3A_118 = arith.constant 0 : i32
      %dma_wait3A_119 = tpu.memref_slice %run_scoped3A_8[%rem3A_105, %dma_wait3A_117, %dma_wait3A_118] : memref<2x128x128xf32, #tpu.memory_space<vmem>> -> memref<1x128x128xf32, #tpu.memory_space<vmem>>
      %dma_wait3A_120 = tpu.memref_squeeze %dma_wait3A_119 : memref<1x128x128xf32, #tpu.memory_space<vmem>> -> memref<128x128xf32, #tpu.memory_space<vmem>>
      tpu.wait_dma2 semaphore(%dma_wait3A_114 : memref<!tpu.dma_semaphore, #tpu.memory_space<semaphore_mem>>) src(%dma_wait3A_120 : memref<128x128xf32, #tpu.memory_space<vmem>>) dst(%dma_wait3A_116 : memref<128x128xf32, #tpu.memory_space<hbm>>)
      "tpu.trace_stop"() : () -> ()
      tpu.yield
    }) : () -> ()
    return
  }
}

#map = affine_map<(d0, d1) -> (0, 0)>
module attributes {stable_mosaic.version = 14 : i64} {
  func.func @gk(%arg0: i32, %arg1: i32, %arg2: memref<2048x128xf32, #tpu.memory_space<hbm>>, %arg3: memref<1x40960xi32, #tpu.memory_space<hbm>>, %arg4: memref<40960x128xf32, #tpu.memory_space<hbm>>) attributes {dimension_semantics = [#tpu.dimension_semantics<core_parallel>, #tpu.dimension_semantics<subcore_parallel>], iteration_bounds = array<i64: 2, 16>, scalar_prefetch = 0 : i64, scratch_operands = 0 : i64, tpu.core_type = #tpu.core_type<sc_vector_subcore>, window_params = [{transform_indices = #map}, {transform_indices = #map}, {transform_indices = #map}]} {
    %mul3A = arith.constant 1 : i32
    %mul3A_0 = arith.muli %arg1, %mul3A : i32
    %add3A = arith.constant 0 : i32
    %add3A_1 = arith.addi %add3A, %mul3A_0 : i32
    %mul3A_2 = arith.constant 16 : i32
    %mul3A_3 = arith.muli %arg0, %mul3A_2 : i32
    %add3A_4 = arith.addi %add3A_1, %mul3A_3 : i32
    %mul3A_5 = arith.constant 10 : i32
    %mul3A_6 = arith.muli %add3A_4, %mul3A_5 : i32
    "tpu.region"() ({
      %run_scoped3A = memref.alloca() : memref<2x1x128xi32, #tpu.memory_space<vmem>>
      %run_scoped3A_7 = tpu.sem_alloc : memref<2x!tpu.dma_semaphore, #tpu.memory_space<semaphore_mem>>
      %run_scoped3A_8 = memref.alloca() : memref<2x128x128xf32, #tpu.memory_space<vmem>>
      %run_scoped3A_9 = tpu.sem_alloc : memref<2x!tpu.dma_semaphore, #tpu.memory_space<semaphore_mem>>
      %add3A_10 = arith.constant 0 : i32
      %add3A_11 = arith.addi %add3A_10, %mul3A_6 : i32
      %select_n3A = arith.constant true
      %select_n3A_12 = arith.constant 0 : i32
      %select_n3A_13 = arith.constant -1 : i32
      %select_n3A_14 = arith.select %select_n3A, %select_n3A_13, %select_n3A_12 : i32
      %eq3A = arith.constant -1 : i32
      %eq3A_15 = arith.cmpi eq, %select_n3A_14, %eq3A : i32
      %select_n3A_16 = arith.constant 9 : i32
      %select_n3A_17 = arith.select %eq3A_15, %select_n3A_16, %select_n3A_14 : i32
      %add3A_18 = arith.addi %select_n3A_17, %mul3A_6 : i32
      %select_n3A_19 = arith.constant true
      %select_n3A_20 = arith.constant 0 : i32
      %select_n3A_21 = arith.constant 1 : i32
      %select_n3A_22 = arith.select %select_n3A_19, %select_n3A_21, %select_n3A_20 : i32
      %eq3A_23 = arith.constant 10 : i32
      %eq3A_24 = arith.cmpi eq, %select_n3A_22, %eq3A_23 : i32
      %select_n3A_25 = arith.constant 0 : i32
      %select_n3A_26 = arith.select %eq3A_24, %select_n3A_25, %select_n3A_22 : i32
      %add3A_27 = arith.addi %select_n3A_26, %mul3A_6 : i32
      %add3A_28 = arith.constant 1 : i32
      %add3A_29 = arith.addi %select_n3A_26, %add3A_28 : i32
      %select_n3A_30 = arith.constant true
      %select_n3A_31 = arith.select %select_n3A_30, %add3A_29, %select_n3A_26 : i32
      %eq3A_32 = arith.constant 10 : i32
      %eq3A_33 = arith.cmpi eq, %select_n3A_31, %eq3A_32 : i32
      %select_n3A_34 = arith.constant 0 : i32
      %select_n3A_35 = arith.select %eq3A_33, %select_n3A_34, %select_n3A_31 : i32
      %add3A_36 = arith.addi %select_n3A_35, %mul3A_6 : i32
      "tpu.trace_start"() <{level = 10 : i32, message = "ep_initialize_0"}> : () -> ()
      %rem3A = arith.constant 0 : i32
      %rem3A_37 = arith.constant 2 : i32
      %rem3A_38 = arith.remui %rem3A, %rem3A_37 : i32
      %mul3A_39 = arith.constant 128 : i32
      %mul3A_40 = arith.muli %mul3A_39, %add3A_11 : i32
      %dma_start3A = arith.constant 0 : i32
      %dma_start3A_41 = arith.constant 0 : i32
      %dma_start3A_42 = tpu.memref_slice %run_scoped3A[%rem3A_38, %dma_start3A, %dma_start3A_41] : memref<2x1x128xi32, #tpu.memory_space<vmem>> -> memref<1x1x128xi32, #tpu.memory_space<vmem>>
      %dma_start3A_43 = tpu.memref_squeeze %dma_start3A_42 : memref<1x1x128xi32, #tpu.memory_space<vmem>> -> memref<1x128xi32, #tpu.memory_space<vmem>>
      %dma_start3A_44 = arith.constant 0 : i32
      %dma_start3A_45 = tpu.memref_slice %arg3[%dma_start3A_44, %mul3A_40] : memref<1x40960xi32, #tpu.memory_space<hbm>> -> memref<1x128xi32, #tpu.memory_space<hbm>>
      %dma_start3A_46 = tpu.memref_slice %run_scoped3A_7[%rem3A_38] : memref<2x!tpu.dma_semaphore, #tpu.memory_space<semaphore_mem>> -> memref<1x!tpu.dma_semaphore, #tpu.memory_space<semaphore_mem>>
      %dma_start3A_47 = tpu.memref_squeeze %dma_start3A_46 : memref<1x!tpu.dma_semaphore, #tpu.memory_space<semaphore_mem>> -> memref<!tpu.dma_semaphore, #tpu.memory_space<semaphore_mem>>
      %dma_start3A_48 = arith.constant 0 : i32
      %dma_start3A_49 = arith.constant 0 : i32
      %dma_start3A_50 = tpu.memref_slice %run_scoped3A[%rem3A_38, %dma_start3A_48, %dma_start3A_49] : memref<2x1x128xi32, #tpu.memory_space<vmem>> -> memref<1x1x128xi32, #tpu.memory_space<vmem>>
      %dma_start3A_51 = tpu.memref_squeeze %dma_start3A_50 : memref<1x1x128xi32, #tpu.memory_space<vmem>> -> memref<1x128xi32, #tpu.memory_space<vmem>>
      %dma_start3A_52 = arith.constant 0 : i32
      %dma_start3A_53 = tpu.memref_slice %arg3[%dma_start3A_52, %mul3A_40] : memref<1x40960xi32, #tpu.memory_space<hbm>> -> memref<1x128xi32, #tpu.memory_space<hbm>>
      tpu.enqueue_dma source(%dma_start3A_53 : memref<1x128xi32, #tpu.memory_space<hbm>>) target(%dma_start3A_51 : memref<1x128xi32, #tpu.memory_space<vmem>>) target_semaphore(%dma_start3A_47 : memref<!tpu.dma_semaphore, #tpu.memory_space<semaphore_mem>>)
      %add3A_54 = arith.constant 0 : i32
      %add3A_55 = arith.constant 1 : i32
      %add3A_56 = arith.addi %add3A_54, %add3A_55 : i32
      %select_n3A_57 = arith.constant true
      %select_n3A_58 = arith.constant 0 : i32
      %select_n3A_59 = arith.select %select_n3A_57, %add3A_56, %select_n3A_58 : i32
      "tpu.trace_stop"() : () -> ()
      %scan3A = arith.constant 0 : i32
      %scan3A_60 = arith.constant 0 : i32
      %scan3A_61 = arith.constant 0 : i32
      %scan3A_62 = arith.constant 0 : i32
      %scan3A_63 = arith.constant 0 : i32
      %scan3A_64 = arith.constant 10 : i32
      %scan3A_65 = arith.addi %scan3A_63, %scan3A_64 : i32
      %scan3A_66 = arith.constant 1 : i32
      %scan3A_67:5 = scf.for %scan3A_121 = %scan3A_63 to %scan3A_65 step %scan3A_66 iter_args(%scan3A_122 = %select_n3A_59, %scan3A_123 = %scan3A, %scan3A_124 = %scan3A_60, %scan3A_125 = %scan3A_61, %scan3A_126 = %scan3A_62) -> (i32, i32, i32, i32, i32)  : i32 {
        %eq3A_127 = arith.constant 0 : i32
        %eq3A_128 = arith.cmpi eq, %scan3A_121, %eq3A_127 : i32
        %eq3A_129 = arith.constant 9 : i32
        %eq3A_130 = arith.cmpi eq, %scan3A_121, %eq3A_129 : i32
        %add3A_131 = arith.addi %scan3A_126, %mul3A_6 : i32
        %sub3A_132 = arith.constant 1 : i32
        %sub3A_133 = arith.subi %scan3A_126, %sub3A_132 : i32
        %select_n3A_134 = arith.constant true
        %select_n3A_135 = arith.select %select_n3A_134, %sub3A_133, %scan3A_126 : i32
        %eq3A_136 = arith.constant -1 : i32
        %eq3A_137 = arith.cmpi eq, %select_n3A_135, %eq3A_136 : i32
        %select_n3A_138 = arith.constant 9 : i32
        %select_n3A_139 = arith.select %eq3A_137, %select_n3A_138, %select_n3A_135 : i32
        %add3A_140 = arith.addi %select_n3A_139, %mul3A_6 : i32
        %add3A_141 = arith.constant 1 : i32
        %add3A_142 = arith.addi %scan3A_126, %add3A_141 : i32
        %select_n3A_143 = arith.constant true
        %select_n3A_144 = arith.select %select_n3A_143, %add3A_142, %scan3A_126 : i32
        %eq3A_145 = arith.constant 10 : i32
        %eq3A_146 = arith.cmpi eq, %select_n3A_144, %eq3A_145 : i32
        %select_n3A_147 = arith.constant 0 : i32
        %select_n3A_148 = arith.select %eq3A_146, %select_n3A_147, %select_n3A_144 : i32
        %add3A_149 = arith.addi %select_n3A_148, %mul3A_6 : i32
        %add3A_150 = arith.constant 1 : i32
        %add3A_151 = arith.addi %select_n3A_148, %add3A_150 : i32
        %select_n3A_152 = arith.constant true
        %select_n3A_153 = arith.select %select_n3A_152, %add3A_151, %select_n3A_148 : i32
        %eq3A_154 = arith.constant 10 : i32
        %eq3A_155 = arith.cmpi eq, %select_n3A_153, %eq3A_154 : i32
        %select_n3A_156 = arith.constant 0 : i32
        %select_n3A_157 = arith.select %eq3A_155, %select_n3A_156, %select_n3A_153 : i32
        %add3A_158 = arith.addi %select_n3A_157, %mul3A_6 : i32
        %ne3A = arith.cmpi ne, %add3A_131, %add3A_149 : i32
        %or3A = arith.constant false
        %or3A_159 = arith.ori %or3A, %ne3A : i1
        %ge3A = arith.constant 9 : i32
        %ge3A_160 = arith.cmpi sge, %scan3A_121, %ge3A : i32
        %not3A = arith.constant true
        %not3A_161 = arith.xori %ge3A_160, %not3A : i1
        %and3A = arith.andi %or3A_159, %not3A_161 : i1
        %convert_element_type3A = arith.extui %and3A : i1 to i32
        %cond3A = arith.constant 0 : i32
        %cond3A_162 = arith.cmpi ne, %convert_element_type3A, %cond3A : i32
        scf.if %cond3A_162 {
          "tpu.trace_start"() <{level = 10 : i32, message = "ep_copy_in"}> : () -> ()
          %rem3A_264 = arith.constant 2 : i32
          %rem3A_265 = arith.remui %scan3A_122, %rem3A_264 : i32
          %mul3A_266 = arith.constant 128 : i32
          %mul3A_267 = arith.muli %mul3A_266, %add3A_149 : i32
          %dma_start3A_268 = arith.constant 0 : i32
          %dma_start3A_269 = arith.constant 0 : i32
          %dma_start3A_270 = tpu.memref_slice %run_scoped3A[%rem3A_265, %dma_start3A_268, %dma_start3A_269] : memref<2x1x128xi32, #tpu.memory_space<vmem>> -> memref<1x1x128xi32, #tpu.memory_space<vmem>>
          %dma_start3A_271 = tpu.memref_squeeze %dma_start3A_270 : memref<1x1x128xi32, #tpu.memory_space<vmem>> -> memref<1x128xi32, #tpu.memory_space<vmem>>
          %dma_start3A_272 = arith.constant 0 : i32
          %dma_start3A_273 = tpu.memref_slice %arg3[%dma_start3A_272, %mul3A_267] : memref<1x40960xi32, #tpu.memory_space<hbm>> -> memref<1x128xi32, #tpu.memory_space<hbm>>
          %dma_start3A_274 = tpu.memref_slice %run_scoped3A_7[%rem3A_265] : memref<2x!tpu.dma_semaphore, #tpu.memory_space<semaphore_mem>> -> memref<1x!tpu.dma_semaphore, #tpu.memory_space<semaphore_mem>>
          %dma_start3A_275 = tpu.memref_squeeze %dma_start3A_274 : memref<1x!tpu.dma_semaphore, #tpu.memory_space<semaphore_mem>> -> memref<!tpu.dma_semaphore, #tpu.memory_space<semaphore_mem>>
          %dma_start3A_276 = arith.constant 0 : i32
          %dma_start3A_277 = arith.constant 0 : i32
          %dma_start3A_278 = tpu.memref_slice %run_scoped3A[%rem3A_265, %dma_start3A_276, %dma_start3A_277] : memref<2x1x128xi32, #tpu.memory_space<vmem>> -> memref<1x1x128xi32, #tpu.memory_space<vmem>>
          %dma_start3A_279 = tpu.memref_squeeze %dma_start3A_278 : memref<1x1x128xi32, #tpu.memory_space<vmem>> -> memref<1x128xi32, #tpu.memory_space<vmem>>
          %dma_start3A_280 = arith.constant 0 : i32
          %dma_start3A_281 = tpu.memref_slice %arg3[%dma_start3A_280, %mul3A_267] : memref<1x40960xi32, #tpu.memory_space<hbm>> -> memref<1x128xi32, #tpu.memory_space<hbm>>
          tpu.enqueue_dma source(%dma_start3A_281 : memref<1x128xi32, #tpu.memory_space<hbm>>) target(%dma_start3A_279 : memref<1x128xi32, #tpu.memory_space<vmem>>) target_semaphore(%dma_start3A_275 : memref<!tpu.dma_semaphore, #tpu.memory_space<semaphore_mem>>)
          "tpu.trace_stop"() : () -> ()
        } else {
        }
        %and3A_163 = arith.constant true
        %and3A_164 = arith.andi %and3A, %and3A_163 : i1
        %add3A_165 = arith.constant 1 : i32
        %add3A_166 = arith.addi %scan3A_122, %add3A_165 : i32
        %select_n3A_167 = arith.select %and3A_164, %add3A_166, %scan3A_122 : i32
        %ne3A_168 = arith.cmpi ne, %add3A_131, %add3A_149 : i32
        %or3A_169 = arith.constant false
        %or3A_170 = arith.ori %or3A_169, %ne3A_168 : i1
        %or3A_171 = arith.constant false
        %or3A_172 = arith.ori %or3A_170, %or3A_171 : i1
        %ge3A_173 = arith.constant 9 : i32
        %ge3A_174 = arith.cmpi sge, %scan3A_121, %ge3A_173 : i32
        %not3A_175 = arith.constant true
        %not3A_176 = arith.xori %ge3A_174, %not3A_175 : i1
        %and3A_177 = arith.andi %or3A_172, %not3A_176 : i1
        %ne3A_178 = arith.cmpi ne, %add3A_131, %add3A_140 : i32
        %or3A_179 = arith.constant false
        %or3A_180 = arith.ori %or3A_179, %ne3A_178 : i1
        %or3A_181 = arith.ori %or3A_180, %eq3A_128 : i1
        %convert_element_type3A_182 = arith.extui %or3A_181 : i1 to i32
        %cond3A_183 = arith.constant 0 : i32
        %cond3A_184 = arith.cmpi ne, %convert_element_type3A_182, %cond3A_183 : i32
        scf.if %cond3A_184 {
          "tpu.trace_start"() <{level = 10 : i32, message = "ep_wait_in"}> : () -> ()
          %mul3A_264 = arith.constant 128 : i32
          %mul3A_265 = arith.muli %mul3A_264, %add3A_131 : i32
          %rem3A_266 = arith.constant 2 : i32
          %rem3A_267 = arith.remui %scan3A_123, %rem3A_266 : i32
          %dma_wait3A_268 = arith.constant 0 : i32
          %dma_wait3A_269 = arith.constant 0 : i32
          %dma_wait3A_270 = tpu.memref_slice %run_scoped3A[%rem3A_267, %dma_wait3A_268, %dma_wait3A_269] : memref<2x1x128xi32, #tpu.memory_space<vmem>> -> memref<1x1x128xi32, #tpu.memory_space<vmem>>
          %dma_wait3A_271 = tpu.memref_squeeze %dma_wait3A_270 : memref<1x1x128xi32, #tpu.memory_space<vmem>> -> memref<1x128xi32, #tpu.memory_space<vmem>>
          %dma_wait3A_272 = arith.constant 0 : i32
          %dma_wait3A_273 = tpu.memref_slice %arg3[%dma_wait3A_272, %mul3A_265] : memref<1x40960xi32, #tpu.memory_space<hbm>> -> memref<1x128xi32, #tpu.memory_space<hbm>>
          %dma_wait3A_274 = tpu.memref_slice %run_scoped3A_7[%rem3A_267] : memref<2x!tpu.dma_semaphore, #tpu.memory_space<semaphore_mem>> -> memref<1x!tpu.dma_semaphore, #tpu.memory_space<semaphore_mem>>
          %dma_wait3A_275 = tpu.memref_squeeze %dma_wait3A_274 : memref<1x!tpu.dma_semaphore, #tpu.memory_space<semaphore_mem>> -> memref<!tpu.dma_semaphore, #tpu.memory_space<semaphore_mem>>
          %dma_wait3A_276 = arith.constant 0 : i32
          %dma_wait3A_277 = arith.constant 0 : i32
          %dma_wait3A_278 = tpu.memref_slice %run_scoped3A[%rem3A_267, %dma_wait3A_276, %dma_wait3A_277] : memref<2x1x128xi32, #tpu.memory_space<vmem>> -> memref<1x1x128xi32, #tpu.memory_space<vmem>>
          %dma_wait3A_279 = tpu.memref_squeeze %dma_wait3A_278 : memref<1x1x128xi32, #tpu.memory_space<vmem>> -> memref<1x128xi32, #tpu.memory_space<vmem>>
          %dma_wait3A_280 = arith.constant 0 : i32
          %dma_wait3A_281 = tpu.memref_slice %arg3[%dma_wait3A_280, %mul3A_265] : memref<1x40960xi32, #tpu.memory_space<hbm>> -> memref<1x128xi32, #tpu.memory_space<hbm>>
          tpu.wait_dma2 semaphore(%dma_wait3A_275 : memref<!tpu.dma_semaphore, #tpu.memory_space<semaphore_mem>>) src(%dma_wait3A_281 : memref<1x128xi32, #tpu.memory_space<hbm>>) dst(%dma_wait3A_279 : memref<1x128xi32, #tpu.memory_space<vmem>>)
          "tpu.trace_stop"() : () -> ()
        } else {
        }
        %ne3A_185 = arith.cmpi ne, %add3A_131, %add3A_140 : i32
        %or3A_186 = arith.constant false
        %or3A_187 = arith.ori %or3A_186, %ne3A_185 : i1
        %or3A_188 = arith.constant false
        %or3A_189 = arith.ori %or3A_187, %or3A_188 : i1
        %or3A_190 = arith.ori %or3A_189, %eq3A_128 : i1
        %convert_element_type3A_191 = arith.extui %or3A_190 : i1 to i32
        %cond3A_192 = arith.constant 0 : i32
        %cond3A_193 = arith.cmpi ne, %convert_element_type3A_191, %cond3A_192 : i32
        scf.if %cond3A_193 {
        } else {
        }
        %rem3A_194 = arith.constant 2 : i32
        %rem3A_195 = arith.remui %scan3A_123, %rem3A_194 : i32
        %rem3A_196 = arith.constant 2 : i32
        %rem3A_197 = arith.remui %scan3A_124, %rem3A_196 : i32
        %run_scoped3A_198 = arith.constant 0 : i32
        "tpu.trace_start"() <{level = 10 : i32, message = "ep_run_kernel"}> : () -> ()
        "tpu.region"() ({
          %run_scoped3A_264 = tpu.sem_alloc : memref<!tpu.dma_semaphore, #tpu.memory_space<semaphore_mem>>
          %dma_start3A_265 = arith.constant 0 : i32
          %dma_start3A_266 = arith.constant 0 : i32
          %dma_start3A_267 = tpu.memref_slice %run_scoped3A_8[%rem3A_197, %dma_start3A_265, %dma_start3A_266] : memref<2x128x128xf32, #tpu.memory_space<vmem>> -> memref<1x128x128xf32, #tpu.memory_space<vmem>>
          %dma_start3A_268 = tpu.memref_squeeze %dma_start3A_267 : memref<1x128x128xf32, #tpu.memory_space<vmem>> -> memref<128x128xf32, #tpu.memory_space<vmem>>
          %dma_start3A_269 = arith.constant 0 : i32
          %dma_start3A_270 = arith.constant 0 : i32
          %dma_start3A_271 = tpu.memref_slice %run_scoped3A[%rem3A_195, %dma_start3A_269, %dma_start3A_270] : memref<2x1x128xi32, #tpu.memory_space<vmem>> -> memref<1x1x128xi32, #tpu.memory_space<vmem>>
          %dma_start3A_272 = tpu.memref_squeeze %dma_start3A_271 : memref<1x1x128xi32, #tpu.memory_space<vmem>> -> memref<1x128xi32, #tpu.memory_space<vmem>>
          %dma_start3A_273 = arith.constant 0 : i32
          %dma_start3A_274 = tpu.memref_slice %dma_start3A_272[%run_scoped3A_198, %dma_start3A_273] : memref<1x128xi32, #tpu.memory_space<vmem>> -> memref<1x128xi32, #tpu.memory_space<vmem>>
          %dma_start3A_275 = tpu.memref_squeeze %dma_start3A_274 : memref<1x128xi32, #tpu.memory_space<vmem>> -> memref<128xi32, #tpu.memory_space<vmem>>
          %dma_start3A_276 = arith.constant 0 : i32
          %dma_start3A_277 = arith.constant 0 : i32
          %dma_start3A_278 = tpu.memref_slice %arg2[%dma_start3A_276, %dma_start3A_277] : memref<2048x128xf32, #tpu.memory_space<hbm>> -> memref<2048x128xf32, #tpu.memory_space<hbm>>
          tpu.enqueue_indirect_dma source(%dma_start3A_278 : memref<2048x128xf32, #tpu.memory_space<hbm>>) target(%dma_start3A_268 : memref<128x128xf32, #tpu.memory_space<vmem>>) offsets(%dma_start3A_275 : memref<128xi32, #tpu.memory_space<vmem>>) semaphore(%run_scoped3A_264 : memref<!tpu.dma_semaphore, #tpu.memory_space<semaphore_mem>>)
          %dma_wait3A_279 = arith.constant 0 : i32
          %dma_wait3A_280 = arith.constant 0 : i32
          %dma_wait3A_281 = tpu.memref_slice %run_scoped3A_8[%rem3A_197, %dma_wait3A_279, %dma_wait3A_280] : memref<2x128x128xf32, #tpu.memory_space<vmem>> -> memref<1x128x128xf32, #tpu.memory_space<vmem>>
          %dma_wait3A_282 = tpu.memref_squeeze %dma_wait3A_281 : memref<1x128x128xf32, #tpu.memory_space<vmem>> -> memref<128x128xf32, #tpu.memory_space<vmem>>
          %dma_wait3A_283 = arith.constant 0 : i32
          %dma_wait3A_284 = arith.constant 0 : i32
          %dma_wait3A_285 = tpu.memref_slice %run_scoped3A[%rem3A_195, %dma_wait3A_283, %dma_wait3A_284] : memref<2x1x128xi32, #tpu.memory_space<vmem>> -> memref<1x1x128xi32, #tpu.memory_space<vmem>>
          %dma_wait3A_286 = tpu.memref_squeeze %dma_wait3A_285 : memref<1x1x128xi32, #tpu.memory_space<vmem>> -> memref<1x128xi32, #tpu.memory_space<vmem>>
          %dma_wait3A_287 = arith.constant 0 : i32
          %dma_wait3A_288 = tpu.memref_slice %dma_wait3A_286[%run_scoped3A_198, %dma_wait3A_287] : memref<1x128xi32, #tpu.memory_space<vmem>> -> memref<1x128xi32, #tpu.memory_space<vmem>>
          %dma_wait3A_289 = tpu.memref_squeeze %dma_wait3A_288 : memref<1x128xi32, #tpu.memory_space<vmem>> -> memref<128xi32, #tpu.memory_space<vmem>>
          %dma_wait3A_290 = arith.constant 0 : i32
          %dma_wait3A_291 = arith.constant 0 : i32
          %dma_wait3A_292 = tpu.memref_slice %arg2[%dma_wait3A_290, %dma_wait3A_291] : memref<2048x128xf32, #tpu.memory_space<hbm>> -> memref<2048x128xf32, #tpu.memory_space<hbm>>
          tpu.wait_indirect_dma semaphore(%run_scoped3A_264 : memref<!tpu.dma_semaphore, #tpu.memory_space<semaphore_mem>>) src(%dma_wait3A_292 : memref<2048x128xf32, #tpu.memory_space<hbm>>) dst(%dma_wait3A_282 : memref<128x128xf32, #tpu.memory_space<vmem>>)
          tpu.yield
        }) : () -> ()
        "tpu.trace_stop"() : () -> ()
        %ne3A_199 = arith.cmpi ne, %add3A_131, %add3A_149 : i32
        %or3A_200 = arith.constant false
        %or3A_201 = arith.ori %or3A_200, %ne3A_199 : i1
        %or3A_202 = arith.ori %or3A_201, %eq3A_130 : i1
        %convert_element_type3A_203 = arith.extui %or3A_202 : i1 to i32
        %cond3A_204 = arith.constant 0 : i32
        %cond3A_205 = arith.cmpi ne, %convert_element_type3A_203, %cond3A_204 : i32
        scf.if %cond3A_205 {
        } else {
        }
        %and3A_206 = arith.constant false
        %and3A_207 = arith.andi %or3A_202, %and3A_206 : i1
        %ne3A_208 = arith.cmpi ne, %add3A_131, %add3A_149 : i32
        %or3A_209 = arith.constant false
        %or3A_210 = arith.ori %or3A_209, %ne3A_208 : i1
        %or3A_211 = arith.constant false
        %or3A_212 = arith.ori %or3A_210, %or3A_211 : i1
        %or3A_213 = arith.ori %or3A_212, %eq3A_130 : i1
        %convert_element_type3A_214 = arith.extui %or3A_213 : i1 to i32
        %cond3A_215 = arith.constant 0 : i32
        %cond3A_216 = arith.cmpi ne, %convert_element_type3A_214, %cond3A_215 : i32
        scf.if %cond3A_216 {
          "tpu.trace_start"() <{level = 10 : i32, message = "ep_copy_out"}> : () -> ()
          %rem3A_264 = arith.constant 2 : i32
          %rem3A_265 = arith.remui %scan3A_124, %rem3A_264 : i32
          %mul3A_266 = arith.constant 128 : i32
          %mul3A_267 = arith.muli %mul3A_266, %add3A_131 : i32
          %dma_start3A_268 = arith.constant 0 : i32
          %dma_start3A_269 = arith.constant 0 : i32
          %dma_start3A_270 = tpu.memref_slice %run_scoped3A_8[%rem3A_265, %dma_start3A_268, %dma_start3A_269] : memref<2x128x128xf32, #tpu.memory_space<vmem>> -> memref<1x128x128xf32, #tpu.memory_space<vmem>>
          %dma_start3A_271 = tpu.memref_squeeze %dma_start3A_270 : memref<1x128x128xf32, #tpu.memory_space<vmem>> -> memref<128x128xf32, #tpu.memory_space<vmem>>
          %dma_start3A_272 = arith.constant 0 : i32
          %dma_start3A_273 = tpu.memref_slice %arg4[%mul3A_267, %dma_start3A_272] : memref<40960x128xf32, #tpu.memory_space<hbm>> -> memref<128x128xf32, #tpu.memory_space<hbm>>
          %dma_start3A_274 = tpu.memref_slice %run_scoped3A_9[%rem3A_265] : memref<2x!tpu.dma_semaphore, #tpu.memory_space<semaphore_mem>> -> memref<1x!tpu.dma_semaphore, #tpu.memory_space<semaphore_mem>>
          %dma_start3A_275 = tpu.memref_squeeze %dma_start3A_274 : memref<1x!tpu.dma_semaphore, #tpu.memory_space<semaphore_mem>> -> memref<!tpu.dma_semaphore, #tpu.memory_space<semaphore_mem>>
          %dma_start3A_276 = arith.constant 0 : i32
          %dma_start3A_277 = tpu.memref_slice %arg4[%mul3A_267, %dma_start3A_276] : memref<40960x128xf32, #tpu.memory_space<hbm>> -> memref<128x128xf32, #tpu.memory_space<hbm>>
          %dma_start3A_278 = arith.constant 0 : i32
          %dma_start3A_279 = arith.constant 0 : i32
          %dma_start3A_280 = tpu.memref_slice %run_scoped3A_8[%rem3A_265, %dma_start3A_278, %dma_start3A_279] : memref<2x128x128xf32, #tpu.memory_space<vmem>> -> memref<1x128x128xf32, #tpu.memory_space<vmem>>
          %dma_start3A_281 = tpu.memref_squeeze %dma_start3A_280 : memref<1x128x128xf32, #tpu.memory_space<vmem>> -> memref<128x128xf32, #tpu.memory_space<vmem>>
          tpu.enqueue_dma source(%dma_start3A_281 : memref<128x128xf32, #tpu.memory_space<vmem>>) target(%dma_start3A_277 : memref<128x128xf32, #tpu.memory_space<hbm>>) target_semaphore(%dma_start3A_275 : memref<!tpu.dma_semaphore, #tpu.memory_space<semaphore_mem>>)
          "tpu.trace_stop"() : () -> ()
        } else {
        }
        %and3A_217 = arith.constant true
        %and3A_218 = arith.andi %or3A_213, %and3A_217 : i1
        %add3A_219 = arith.constant 1 : i32
        %add3A_220 = arith.addi %scan3A_124, %add3A_219 : i32
        %select_n3A_221 = arith.select %and3A_218, %add3A_220, %scan3A_124 : i32
        %ne3A_222 = arith.cmpi ne, %add3A_131, %add3A_140 : i32
        %or3A_223 = arith.constant false
        %or3A_224 = arith.ori %or3A_223, %ne3A_222 : i1
        %not3A_225 = arith.constant true
        %not3A_226 = arith.xori %eq3A_128, %not3A_225 : i1
        %and3A_227 = arith.andi %or3A_224, %not3A_226 : i1
        %convert_element_type3A_228 = arith.extui %and3A_227 : i1 to i32
        %cond3A_229 = arith.constant 0 : i32
        %cond3A_230 = arith.cmpi ne, %convert_element_type3A_228, %cond3A_229 : i32
        scf.if %cond3A_230 {
        } else {
        }
        %and3A_231 = arith.constant false
        %and3A_232 = arith.andi %and3A_227, %and3A_231 : i1
        %ne3A_233 = arith.cmpi ne, %add3A_131, %add3A_140 : i32
        %or3A_234 = arith.constant false
        %or3A_235 = arith.ori %or3A_234, %ne3A_233 : i1
        %or3A_236 = arith.constant false
        %or3A_237 = arith.ori %or3A_235, %or3A_236 : i1
        %not3A_238 = arith.constant true
        %not3A_239 = arith.xori %eq3A_128, %not3A_238 : i1
        %and3A_240 = arith.andi %or3A_237, %not3A_239 : i1
        %convert_element_type3A_241 = arith.extui %and3A_240 : i1 to i32
        %cond3A_242 = arith.constant 0 : i32
        %cond3A_243 = arith.cmpi ne, %convert_element_type3A_241, %cond3A_242 : i32
        scf.if %cond3A_243 {
          "tpu.trace_start"() <{level = 10 : i32, message = "ep_wait_out"}> : () -> ()
          %rem3A_264 = arith.constant 2 : i32
          %rem3A_265 = arith.remui %scan3A_125, %rem3A_264 : i32
          %mul3A_266 = arith.constant 128 : i32
          %mul3A_267 = arith.muli %mul3A_266, %add3A_140 : i32
          %dma_wait3A_268 = arith.constant 0 : i32
          %dma_wait3A_269 = arith.constant 0 : i32
          %dma_wait3A_270 = tpu.memref_slice %run_scoped3A_8[%rem3A_265, %dma_wait3A_268, %dma_wait3A_269] : memref<2x128x128xf32, #tpu.memory_space<vmem>> -> memref<1x128x128xf32, #tpu.memory_space<vmem>>
          %dma_wait3A_271 = tpu.memref_squeeze %dma_wait3A_270 : memref<1x128x128xf32, #tpu.memory_space<vmem>> -> memref<128x128xf32, #tpu.memory_space<vmem>>
          %dma_wait3A_272 = arith.constant 0 : i32
          %dma_wait3A_273 = tpu.memref_slice %arg4[%mul3A_267, %dma_wait3A_272] : memref<40960x128xf32, #tpu.memory_space<hbm>> -> memref<128x128xf32, #tpu.memory_space<hbm>>
          %dma_wait3A_274 = tpu.memref_slice %run_scoped3A_9[%rem3A_265] : memref<2x!tpu.dma_semaphore, #tpu.memory_space<semaphore_mem>> -> memref<1x!tpu.dma_semaphore, #tpu.memory_space<semaphore_mem>>
          %dma_wait3A_275 = tpu.memref_squeeze %dma_wait3A_274 : memref<1x!tpu.dma_semaphore, #tpu.memory_space<semaphore_mem>> -> memref<!tpu.dma_semaphore, #tpu.memory_space<semaphore_mem>>
          %dma_wait3A_276 = arith.constant 0 : i32
          %dma_wait3A_277 = tpu.memref_slice %arg4[%mul3A_267, %dma_wait3A_276] : memref<40960x128xf32, #tpu.memory_space<hbm>> -> memref<128x128xf32, #tpu.memory_space<hbm>>
          %dma_wait3A_278 = arith.constant 0 : i32
          %dma_wait3A_279 = arith.constant 0 : i32
          %dma_wait3A_280 = tpu.memref_slice %run_scoped3A_8[%rem3A_265, %dma_wait3A_278, %dma_wait3A_279] : memref<2x128x128xf32, #tpu.memory_space<vmem>> -> memref<1x128x128xf32, #tpu.memory_space<vmem>>
          %dma_wait3A_281 = tpu.memref_squeeze %dma_wait3A_280 : memref<1x128x128xf32, #tpu.memory_space<vmem>> -> memref<128x128xf32, #tpu.memory_space<vmem>>
          tpu.wait_dma2 semaphore(%dma_wait3A_275 : memref<!tpu.dma_semaphore, #tpu.memory_space<semaphore_mem>>) src(%dma_wait3A_281 : memref<128x128xf32, #tpu.memory_space<vmem>>) dst(%dma_wait3A_277 : memref<128x128xf32, #tpu.memory_space<hbm>>)
          "tpu.trace_stop"() : () -> ()
        } else {
        }
        %and3A_244 = arith.constant true
        %and3A_245 = arith.andi %and3A_240, %and3A_244 : i1
        %add3A_246 = arith.constant 1 : i32
        %add3A_247 = arith.addi %scan3A_125, %add3A_246 : i32
        %select_n3A_248 = arith.select %and3A_245, %add3A_247, %scan3A_125 : i32
        %ne3A_249 = arith.cmpi ne, %add3A_131, %add3A_149 : i32
        %or3A_250 = arith.constant false
        %or3A_251 = arith.ori %or3A_250, %ne3A_249 : i1
        %or3A_252 = arith.ori %or3A_251, %eq3A_130 : i1
        %add3A_253 = arith.constant 1 : i32
        %add3A_254 = arith.addi %scan3A_123, %add3A_253 : i32
        %select_n3A_255 = arith.select %or3A_252, %add3A_254, %scan3A_123 : i32
        %add3A_256 = arith.constant 1 : i32
        %add3A_257 = arith.addi %scan3A_126, %add3A_256 : i32
        %select_n3A_258 = arith.constant true
        %select_n3A_259 = arith.select %select_n3A_258, %add3A_257, %scan3A_126 : i32
        %eq3A_260 = arith.constant 10 : i32
        %eq3A_261 = arith.cmpi eq, %select_n3A_259, %eq3A_260 : i32
        %select_n3A_262 = arith.constant 0 : i32
        %select_n3A_263 = arith.select %eq3A_261, %select_n3A_262, %select_n3A_259 : i32
        scf.yield %select_n3A_167, %select_n3A_255, %select_n3A_221, %select_n3A_248, %select_n3A_263 : i32, i32, i32, i32, i32
      }
      %scan3A_68 = arith.constant 10 : i32
      %sub3A = arith.constant 1 : i32
      %sub3A_69 = arith.subi %scan3A_67#4, %sub3A : i32
      %select_n3A_70 = arith.constant true
      %select_n3A_71 = arith.select %select_n3A_70, %sub3A_69, %scan3A_67#4 : i32
      %eq3A_72 = arith.constant -1 : i32
      %eq3A_73 = arith.cmpi eq, %select_n3A_71, %eq3A_72 : i32
      %select_n3A_74 = arith.constant 9 : i32
      %select_n3A_75 = arith.select %eq3A_73, %select_n3A_74, %select_n3A_71 : i32
      %add3A_76 = arith.addi %select_n3A_75, %mul3A_6 : i32
      %sub3A_77 = arith.constant 1 : i32
      %sub3A_78 = arith.subi %select_n3A_75, %sub3A_77 : i32
      %select_n3A_79 = arith.constant true
      %select_n3A_80 = arith.select %select_n3A_79, %sub3A_78, %select_n3A_75 : i32
      %eq3A_81 = arith.constant -1 : i32
      %eq3A_82 = arith.cmpi eq, %select_n3A_80, %eq3A_81 : i32
      %select_n3A_83 = arith.constant 9 : i32
      %select_n3A_84 = arith.select %eq3A_82, %select_n3A_83, %select_n3A_80 : i32
      %add3A_85 = arith.addi %select_n3A_84, %mul3A_6 : i32
      %add3A_86 = arith.constant 1 : i32
      %add3A_87 = arith.addi %select_n3A_75, %add3A_86 : i32
      %select_n3A_88 = arith.constant true
      %select_n3A_89 = arith.select %select_n3A_88, %add3A_87, %select_n3A_75 : i32
      %eq3A_90 = arith.constant 10 : i32
      %eq3A_91 = arith.cmpi eq, %select_n3A_89, %eq3A_90 : i32
      %select_n3A_92 = arith.constant 0 : i32
      %select_n3A_93 = arith.select %eq3A_91, %select_n3A_92, %select_n3A_89 : i32
      %add3A_94 = arith.addi %select_n3A_93, %mul3A_6 : i32
      %add3A_95 = arith.constant 1 : i32
      %add3A_96 = arith.addi %select_n3A_93, %add3A_95 : i32
      %select_n3A_97 = arith.constant true
      %select_n3A_98 = arith.select %select_n3A_97, %add3A_96, %select_n3A_93 : i32
      %eq3A_99 = arith.constant 10 : i32
      %eq3A_100 = arith.cmpi eq, %select_n3A_98, %eq3A_99 : i32
      %select_n3A_101 = arith.constant 0 : i32
      %select_n3A_102 = arith.select %eq3A_100, %select_n3A_101, %select_n3A_98 : i32
      %add3A_103 = arith.addi %select_n3A_102, %mul3A_6 : i32
      "tpu.trace_start"() <{level = 10 : i32, message = "ep_finalize"}> : () -> ()
      %rem3A_104 = arith.constant 2 : i32
      %rem3A_105 = arith.remui %scan3A_67#3, %rem3A_104 : i32
      %mul3A_106 = arith.constant 128 : i32
      %mul3A_107 = arith.muli %mul3A_106, %add3A_76 : i32
      %dma_wait3A = arith.constant 0 : i32
      %dma_wait3A_108 = arith.constant 0 : i32
      %dma_wait3A_109 = tpu.memref_slice %run_scoped3A_8[%rem3A_105, %dma_wait3A, %dma_wait3A_108] : memref<2x128x128xf32, #tpu.memory_space<vmem>> -> memref<1x128x128xf32, #tpu.memory_space<vmem>>
      %dma_wait3A_110 = tpu.memref_squeeze %dma_wait3A_109 : memref<1x128x128xf32, #tpu.memory_space<vmem>> -> memref<128x128xf32, #tpu.memory_space<vmem>>
      %dma_wait3A_111 = arith.constant 0 : i32
      %dma_wait3A_112 = tpu.memref_slice %arg4[%mul3A_107, %dma_wait3A_111] : memref<40960x128xf32, #tpu.memory_space<hbm>> -> memref<128x128xf32, #tpu.memory_space<hbm>>
      %dma_wait3A_113 = tpu.memref_slice %run_scoped3A_9[%rem3A_105] : memref<2x!tpu.dma_semaphore, #tpu.memory_space<semaphore_mem>> -> memref<1x!tpu.dma_semaphore, #tpu.memory_space<semaphore_mem>>
      %dma_wait3A_114 = tpu.memref_squeeze %dma_wait3A_113 : memref<1x!tpu.dma_semaphore, #tpu.memory_space<semaphore_mem>> -> memref<!tpu.dma_semaphore, #tpu.memory_space<semaphore_mem>>
      %dma_wait3A_115 = arith.constant 0 : i32
      %dma_wait3A_116 = tpu.memref_slice %arg4[%mul3A_107, %dma_wait3A_115] : memref<40960x128xf32, #tpu.memory_space<hbm>> -> memref<128x128xf32, #tpu.memory_space<hbm>>
      %dma_wait3A_117 = arith.constant 0 : i32
      %dma_wait3A_118 = arith.constant 0 : i32
      %dma_wait3A_119 = tpu.memref_slice %run_scoped3A_8[%rem3A_105, %dma_wait3A_117, %dma_wait3A_118] : memref<2x128x128xf32, #tpu.memory_space<vmem>> -> memref<1x128x128xf32, #tpu.memory_space<vmem>>
      %dma_wait3A_120 = tpu.memref_squeeze %dma_wait3A_119 : memref<1x128x128xf32, #tpu.memory_space<vmem>> -> memref<128x128xf32, #tpu.memory_space<vmem>>
      tpu.wait_dma2 semaphore(%dma_wait3A_114 : memref<!tpu.dma_semaphore, #tpu.memory_space<semaphore_mem>>) src(%dma_wait3A_120 : memref<128x128xf32, #tpu.memory_space<vmem>>) dst(%dma_wait3A_116 : memref<128x128xf32, #tpu.memory_space<hbm>>)
      "tpu.trace_stop"() : () -> ()
      tpu.yield
    }) : () -> ()
    return
  }
}

#map = affine_map<(d0, d1) -> (0, 0)>
module attributes {stable_mosaic.version = 14 : i64} {
  func.func @gk(%arg0: i32, %arg1: i32, %arg2: memref<2048x128xf32, #tpu.memory_space<hbm>>, %arg3: memref<1x40960xi32, #tpu.memory_space<hbm>>, %arg4: memref<40960x128xf32, #tpu.memory_space<hbm>>) attributes {dimension_semantics = [#tpu.dimension_semantics<core_parallel>, #tpu.dimension_semantics<subcore_parallel>], iteration_bounds = array<i64: 2, 16>, scalar_prefetch = 0 : i64, scratch_operands = 0 : i64, tpu.core_type = #tpu.core_type<sc_vector_subcore>, window_params = [{transform_indices = #map}, {transform_indices = #map}, {transform_indices = #map}]} {
    %mul3A = arith.constant 1 : i32
    %mul3A_0 = arith.muli %arg1, %mul3A : i32
    %add3A = arith.constant 0 : i32
    %add3A_1 = arith.addi %add3A, %mul3A_0 : i32
    %mul3A_2 = arith.constant 16 : i32
    %mul3A_3 = arith.muli %arg0, %mul3A_2 : i32
    %add3A_4 = arith.addi %add3A_1, %mul3A_3 : i32
    %mul3A_5 = arith.constant 10 : i32
    %mul3A_6 = arith.muli %add3A_4, %mul3A_5 : i32
    "tpu.region"() ({
      %run_scoped3A = memref.alloca() : memref<2x1x128xi32, #tpu.memory_space<vmem>>
      %run_scoped3A_7 = tpu.sem_alloc : memref<2x!tpu.dma_semaphore, #tpu.memory_space<semaphore_mem>>
      %run_scoped3A_8 = memref.alloca() : memref<2x128x128xf32, #tpu.memory_space<vmem>>
      %run_scoped3A_9 = tpu.sem_alloc : memref<2x!tpu.dma_semaphore, #tpu.memory_space<semaphore_mem>>
      %add3A_10 = arith.constant 0 : i32
      %add3A_11 = arith.addi %add3A_10, %mul3A_6 : i32
      %select_n3A = arith.constant true
      %select_n3A_12 = arith.constant 0 : i32
      %select_n3A_13 = arith.constant -1 : i32
      %select_n3A_14 = arith.select %select_n3A, %select_n3A_13, %select_n3A_12 : i32
      %eq3A = arith.constant -1 : i32
      %eq3A_15 = arith.cmpi eq, %select_n3A_14, %eq3A : i32
      %select_n3A_16 = arith.constant 9 : i32
      %select_n3A_17 = arith.select %eq3A_15, %select_n3A_16, %select_n3A_14 : i32
      %add3A_18 = arith.addi %select_n3A_17, %mul3A_6 : i32
      %select_n3A_19 = arith.constant true
      %select_n3A_20 = arith.constant 0 : i32
      %select_n3A_21 = arith.constant 1 : i32
      %select_n3A_22 = arith.select %select_n3A_19, %select_n3A_21, %select_n3A_20 : i32
      %eq3A_23 = arith.constant 10 : i32
      %eq3A_24 = arith.cmpi eq, %select_n3A_22, %eq3A_23 : i32
      %select_n3A_25 = arith.constant 0 : i32
      %select_n3A_26 = arith.select %eq3A_24, %select_n3A_25, %select_n3A_22 : i32
      %add3A_27 = arith.addi %select_n3A_26, %mul3A_6 : i32
      %add3A_28 = arith.constant 1 : i32
      %add3A_29 = arith.addi %select_n3A_26, %add3A_28 : i32
      %select_n3A_30 = arith.constant true
      %select_n3A_31 = arith.select %select_n3A_30, %add3A_29, %select_n3A_26 : i32
      %eq3A_32 = arith.constant 10 : i32
      %eq3A_33 = arith.cmpi eq, %select_n3A_31, %eq3A_32 : i32
      %select_n3A_34 = arith.constant 0 : i32
      %select_n3A_35 = arith.select %eq3A_33, %select_n3A_34, %select_n3A_31 : i32
      %add3A_36 = arith.addi %select_n3A_35, %mul3A_6 : i32
      "tpu.trace_start"() <{level = 10 : i32, message = "ep_initialize_0"}> : () -> ()
      %rem3A = arith.constant 0 : i32
      %rem3A_37 = arith.constant 2 : i32
      %rem3A_38 = arith.remui %rem3A, %rem3A_37 : i32
      %mul3A_39 = arith.constant 128 : i32
      %mul3A_40 = arith.muli %mul3A_39, %add3A_11 : i32
      %dma_start3A = arith.constant 0 : i32
      %dma_start3A_41 = arith.constant 0 : i32
      %dma_start3A_42 = tpu.memref_slice %run_scoped3A[%rem3A_38, %dma_start3A, %dma_start3A_41] : memref<2x1x128xi32, #tpu.memory_space<vmem>> -> memref<1x1x128xi32, #tpu.memory_space<vmem>>
      %dma_start3A_43 = tpu.memref_squeeze %dma_start3A_42 : memref<1x1x128xi32, #tpu.memory_space<vmem>> -> memref<1x128xi32, #tpu.memory_space<vmem>>
      %dma_start3A_44 = arith.constant 0 : i32
      %dma_start3A_45 = tpu.memref_slice %arg3[%dma_start3A_44, %mul3A_40] : memref<1x40960xi32, #tpu.memory_space<hbm>> -> memref<1x128xi32, #tpu.memory_space<hbm>>
      %dma_start3A_46 = tpu.memref_slice %run_scoped3A_7[%rem3A_38] : memref<2x!tpu.dma_semaphore, #tpu.memory_space<semaphore_mem>> -> memref<1x!tpu.dma_semaphore, #tpu.memory_space<semaphore_mem>>
      %dma_start3A_47 = tpu.memref_squeeze %dma_start3A_46 : memref<1x!tpu.dma_semaphore, #tpu.memory_space<semaphore_mem>> -> memref<!tpu.dma_semaphore, #tpu.memory_space<semaphore_mem>>
      %dma_start3A_48 = arith.constant 0 : i32
      %dma_start3A_49 = arith.constant 0 : i32
      %dma_start3A_50 = tpu.memref_slice %run_scoped3A[%rem3A_38, %dma_start3A_48, %dma_start3A_49] : memref<2x1x128xi32, #tpu.memory_space<vmem>> -> memref<1x1x128xi32, #tpu.memory_space<vmem>>
      %dma_start3A_51 = tpu.memref_squeeze %dma_start3A_50 : memref<1x1x128xi32, #tpu.memory_space<vmem>> -> memref<1x128xi32, #tpu.memory_space<vmem>>
      %dma_start3A_52 = arith.constant 0 : i32
      %dma_start3A_53 = tpu.memref_slice %arg3[%dma_start3A_52, %mul3A_40] : memref<1x40960xi32, #tpu.memory_space<hbm>> -> memref<1x128xi32, #tpu.memory_space<hbm>>
      tpu.enqueue_dma source(%dma_start3A_53 : memref<1x128xi32, #tpu.memory_space<hbm>>) target(%dma_start3A_51 : memref<1x128xi32, #tpu.memory_space<vmem>>) target_semaphore(%dma_start3A_47 : memref<!tpu.dma_semaphore, #tpu.memory_space<semaphore_mem>>)
      %add3A_54 = arith.constant 0 : i32
      %add3A_55 = arith.constant 1 : i32
      %add3A_56 = arith.addi %add3A_54, %add3A_55 : i32
      %select_n3A_57 = arith.constant true
      %select_n3A_58 = arith.constant 0 : i32
      %select_n3A_59 = arith.select %select_n3A_57, %add3A_56, %select_n3A_58 : i32
      "tpu.trace_stop"() : () -> ()
      %scan3A = arith.constant 0 : i32
      %scan3A_60 = arith.constant 0 : i32
      %scan3A_61 = arith.constant 0 : i32
      %scan3A_62 = arith.constant 0 : i32
      %scan3A_63 = arith.constant 0 : i32
      %scan3A_64 = arith.constant 10 : i32
      %scan3A_65 = arith.addi %scan3A_63, %scan3A_64 : i32
      %scan3A_66 = arith.constant 1 : i32
      %scan3A_67:5 = scf.for %scan3A_121 = %scan3A_63 to %scan3A_65 step %scan3A_66 iter_args(%scan3A_122 = %select_n3A_59, %scan3A_123 = %scan3A, %scan3A_124 = %scan3A_60, %scan3A_125 = %scan3A_61, %scan3A_126 = %scan3A_62) -> (i32, i32, i32, i32, i32)  : i32 {
        %eq3A_127 = arith.constant 0 : i32
        %eq3A_128 = arith.cmpi eq, %scan3A_121, %eq3A_127 : i32
        %eq3A_129 = arith.constant 9 : i32
        %eq3A_130 = arith.cmpi eq, %scan3A_121, %eq3A_129 : i32
        %add3A_131 = arith.addi %scan3A_126, %mul3A_6 : i32
        %sub3A_132 = arith.constant 1 : i32
        %sub3A_133 = arith.subi %scan3A_126, %sub3A_132 : i32
        %select_n3A_134 = arith.constant true
        %select_n3A_135 = arith.select %select_n3A_134, %sub3A_133, %scan3A_126 : i32
        %eq3A_136 = arith.constant -1 : i32
        %eq3A_137 = arith.cmpi eq, %select_n3A_135, %eq3A_136 : i32
        %select_n3A_138 = arith.constant 9 : i32
        %select_n3A_139 = arith.select %eq3A_137, %select_n3A_138, %select_n3A_135 : i32
        %add3A_140 = arith.addi %select_n3A_139, %mul3A_6 : i32
        %add3A_141 = arith.constant 1 : i32
        %add3A_142 = arith.addi %scan3A_126, %add3A_141 : i32
        %select_n3A_143 = arith.constant true
        %select_n3A_144 = arith.select %select_n3A_143, %add3A_142, %scan3A_126 : i32
        %eq3A_145 = arith.constant 10 : i32
        %eq3A_146 = arith.cmpi eq, %select_n3A_144, %eq3A_145 : i32
        %select_n3A_147 = arith.constant 0 : i32
        %select_n3A_148 = arith.select %eq3A_146, %select_n3A_147, %select_n3A_144 : i32
        %add3A_149 = arith.addi %select_n3A_148, %mul3A_6 : i32
        %add3A_150 = arith.constant 1 : i32
        %add3A_151 = arith.addi %select_n3A_148, %add3A_150 : i32
        %select_n3A_152 = arith.constant true
        %select_n3A_153 = arith.select %select_n3A_152, %add3A_151, %select_n3A_148 : i32
        %eq3A_154 = arith.constant 10 : i32
        %eq3A_155 = arith.cmpi eq, %select_n3A_153, %eq3A_154 : i32
        %select_n3A_156 = arith.constant 0 : i32
        %select_n3A_157 = arith.select %eq3A_155, %select_n3A_156, %select_n3A_153 : i32
        %add3A_158 = arith.addi %select_n3A_157, %mul3A_6 : i32
        %ne3A = arith.cmpi ne, %add3A_131, %add3A_149 : i32
        %or3A = arith.constant false
        %or3A_159 = arith.ori %or3A, %ne3A : i1
        %ge3A = arith.constant 9 : i32
        %ge3A_160 = arith.cmpi sge, %scan3A_121, %ge3A : i32
        %not3A = arith.constant true
        %not3A_161 = arith.xori %ge3A_160, %not3A : i1
        %and3A = arith.andi %or3A_159, %not3A_161 : i1
        %convert_element_type3A = arith.extui %and3A : i1 to i32
        %cond3A = arith.constant 0 : i32
        %cond3A_162 = arith.cmpi ne, %convert_element_type3A, %cond3A : i32
        scf.if %cond3A_162 {
          "tpu.trace_start"() <{level = 10 : i32, message = "ep_copy_in"}> : () -> ()
          %rem3A_264 = arith.constant 2 : i32
          %rem3A_265 = arith.remui %scan3A_122, %rem3A_264 : i32
          %mul3A_266 = arith.constant 128 : i32
          %mul3A_267 = arith.muli %mul3A_266, %add3A_149 : i32
          %dma_start3A_268 = arith.constant 0 : i32
          %dma_start3A_269 = arith.constant 0 : i32
          %dma_start3A_270 = tpu.memref_slice %run_scoped3A[%rem3A_265, %dma_start3A_268, %dma_start3A_269] : memref<2x1x128xi32, #tpu.memory_space<vmem>> -> memref<1x1x128xi32, #tpu.memory_space<vmem>>
          %dma_start3A_271 = tpu.memref_squeeze %dma_start3A_270 : memref<1x1x128xi32, #tpu.memory_space<vmem>> -> memref<1x128xi32, #tpu.memory_space<vmem>>
          %dma_start3A_272 = arith.constant 0 : i32
          %dma_start3A_273 = tpu.memref_slice %arg3[%dma_start3A_272, %mul3A_267] : memref<1x40960xi32, #tpu.memory_space<hbm>> -> memref<1x128xi32, #tpu.memory_space<hbm>>
          %dma_start3A_274 = tpu.memref_slice %run_scoped3A_7[%rem3A_265] : memref<2x!tpu.dma_semaphore, #tpu.memory_space<semaphore_mem>> -> memref<1x!tpu.dma_semaphore, #tpu.memory_space<semaphore_mem>>
          %dma_start3A_275 = tpu.memref_squeeze %dma_start3A_274 : memref<1x!tpu.dma_semaphore, #tpu.memory_space<semaphore_mem>> -> memref<!tpu.dma_semaphore, #tpu.memory_space<semaphore_mem>>
          %dma_start3A_276 = arith.constant 0 : i32
          %dma_start3A_277 = arith.constant 0 : i32
          %dma_start3A_278 = tpu.memref_slice %run_scoped3A[%rem3A_265, %dma_start3A_276, %dma_start3A_277] : memref<2x1x128xi32, #tpu.memory_space<vmem>> -> memref<1x1x128xi32, #tpu.memory_space<vmem>>
          %dma_start3A_279 = tpu.memref_squeeze %dma_start3A_278 : memref<1x1x128xi32, #tpu.memory_space<vmem>> -> memref<1x128xi32, #tpu.memory_space<vmem>>
          %dma_start3A_280 = arith.constant 0 : i32
          %dma_start3A_281 = tpu.memref_slice %arg3[%dma_start3A_280, %mul3A_267] : memref<1x40960xi32, #tpu.memory_space<hbm>> -> memref<1x128xi32, #tpu.memory_space<hbm>>
          tpu.enqueue_dma source(%dma_start3A_281 : memref<1x128xi32, #tpu.memory_space<hbm>>) target(%dma_start3A_279 : memref<1x128xi32, #tpu.memory_space<vmem>>) target_semaphore(%dma_start3A_275 : memref<!tpu.dma_semaphore, #tpu.memory_space<semaphore_mem>>)
          "tpu.trace_stop"() : () -> ()
        } else {
        }
        %and3A_163 = arith.constant true
        %and3A_164 = arith.andi %and3A, %and3A_163 : i1
        %add3A_165 = arith.constant 1 : i32
        %add3A_166 = arith.addi %scan3A_122, %add3A_165 : i32
        %select_n3A_167 = arith.select %and3A_164, %add3A_166, %scan3A_122 : i32
        %ne3A_168 = arith.cmpi ne, %add3A_131, %add3A_149 : i32
        %or3A_169 = arith.constant false
        %or3A_170 = arith.ori %or3A_169, %ne3A_168 : i1
        %or3A_171 = arith.constant false
        %or3A_172 = arith.ori %or3A_170, %or3A_171 : i1
        %ge3A_173 = arith.constant 9 : i32
        %ge3A_174 = arith.cmpi sge, %scan3A_121, %ge3A_173 : i32
        %not3A_175 = arith.constant true
        %not3A_176 = arith.xori %ge3A_174, %not3A_175 : i1
        %and3A_177 = arith.andi %or3A_172, %not3A_176 : i1
        %ne3A_178 = arith.cmpi ne, %add3A_131, %add3A_140 : i32
        %or3A_179 = arith.constant false
        %or3A_180 = arith.ori %or3A_179, %ne3A_178 : i1
        %or3A_181 = arith.ori %or3A_180, %eq3A_128 : i1
        %convert_element_type3A_182 = arith.extui %or3A_181 : i1 to i32
        %cond3A_183 = arith.constant 0 : i32
        %cond3A_184 = arith.cmpi ne, %convert_element_type3A_182, %cond3A_183 : i32
        scf.if %cond3A_184 {
          "tpu.trace_start"() <{level = 10 : i32, message = "ep_wait_in"}> : () -> ()
          %mul3A_264 = arith.constant 128 : i32
          %mul3A_265 = arith.muli %mul3A_264, %add3A_131 : i32
          %rem3A_266 = arith.constant 2 : i32
          %rem3A_267 = arith.remui %scan3A_123, %rem3A_266 : i32
          %dma_wait3A_268 = arith.constant 0 : i32
          %dma_wait3A_269 = arith.constant 0 : i32
          %dma_wait3A_270 = tpu.memref_slice %run_scoped3A[%rem3A_267, %dma_wait3A_268, %dma_wait3A_269] : memref<2x1x128xi32, #tpu.memory_space<vmem>> -> memref<1x1x128xi32, #tpu.memory_space<vmem>>
          %dma_wait3A_271 = tpu.memref_squeeze %dma_wait3A_270 : memref<1x1x128xi32, #tpu.memory_space<vmem>> -> memref<1x128xi32, #tpu.memory_space<vmem>>
          %dma_wait3A_272 = arith.constant 0 : i32
          %dma_wait3A_273 = tpu.memref_slice %arg3[%dma_wait3A_272, %mul3A_265] : memref<1x40960xi32, #tpu.memory_space<hbm>> -> memref<1x128xi32, #tpu.memory_space<hbm>>
          %dma_wait3A_274 = tpu.memref_slice %run_scoped3A_7[%rem3A_267] : memref<2x!tpu.dma_semaphore, #tpu.memory_space<semaphore_mem>> -> memref<1x!tpu.dma_semaphore, #tpu.memory_space<semaphore_mem>>
          %dma_wait3A_275 = tpu.memref_squeeze %dma_wait3A_274 : memref<1x!tpu.dma_semaphore, #tpu.memory_space<semaphore_mem>> -> memref<!tpu.dma_semaphore, #tpu.memory_space<semaphore_mem>>
          %dma_wait3A_276 = arith.constant 0 : i32
          %dma_wait3A_277 = arith.constant 0 : i32
          %dma_wait3A_278 = tpu.memref_slice %run_scoped3A[%rem3A_267, %dma_wait3A_276, %dma_wait3A_277] : memref<2x1x128xi32, #tpu.memory_space<vmem>> -> memref<1x1x128xi32, #tpu.memory_space<vmem>>
          %dma_wait3A_279 = tpu.memref_squeeze %dma_wait3A_278 : memref<1x1x128xi32, #tpu.memory_space<vmem>> -> memref<1x128xi32, #tpu.memory_space<vmem>>
          %dma_wait3A_280 = arith.constant 0 : i32
          %dma_wait3A_281 = tpu.memref_slice %arg3[%dma_wait3A_280, %mul3A_265] : memref<1x40960xi32, #tpu.memory_space<hbm>> -> memref<1x128xi32, #tpu.memory_space<hbm>>
          tpu.wait_dma2 semaphore(%dma_wait3A_275 : memref<!tpu.dma_semaphore, #tpu.memory_space<semaphore_mem>>) src(%dma_wait3A_281 : memref<1x128xi32, #tpu.memory_space<hbm>>) dst(%dma_wait3A_279 : memref<1x128xi32, #tpu.memory_space<vmem>>)
          "tpu.trace_stop"() : () -> ()
        } else {
        }
        %ne3A_185 = arith.cmpi ne, %add3A_131, %add3A_140 : i32
        %or3A_186 = arith.constant false
        %or3A_187 = arith.ori %or3A_186, %ne3A_185 : i1
        %or3A_188 = arith.constant false
        %or3A_189 = arith.ori %or3A_187, %or3A_188 : i1
        %or3A_190 = arith.ori %or3A_189, %eq3A_128 : i1
        %convert_element_type3A_191 = arith.extui %or3A_190 : i1 to i32
        %cond3A_192 = arith.constant 0 : i32
        %cond3A_193 = arith.cmpi ne, %convert_element_type3A_191, %cond3A_192 : i32
        scf.if %cond3A_193 {
        } else {
        }
        %rem3A_194 = arith.constant 2 : i32
        %rem3A_195 = arith.remui %scan3A_123, %rem3A_194 : i32
        %rem3A_196 = arith.constant 2 : i32
        %rem3A_197 = arith.remui %scan3A_124, %rem3A_196 : i32
        %run_scoped3A_198 = arith.constant 0 : i32
        "tpu.trace_start"() <{level = 10 : i32, message = "ep_run_kernel"}> : () -> ()
        "tpu.region"() ({
          %run_scoped3A_264 = tpu.sem_alloc : memref<!tpu.dma_semaphore, #tpu.memory_space<semaphore_mem>>
          %dma_start3A_265 = arith.constant 0 : i32
          %dma_start3A_266 = arith.constant 0 : i32
          %dma_start3A_267 = tpu.memref_slice %run_scoped3A_8[%rem3A_197, %dma_start3A_265, %dma_start3A_266] : memref<2x128x128xf32, #tpu.memory_space<vmem>> -> memref<1x128x128xf32, #tpu.memory_space<vmem>>
          %dma_start3A_268 = tpu.memref_squeeze %dma_start3A_267 : memref<1x128x128xf32, #tpu.memory_space<vmem>> -> memref<128x128xf32, #tpu.memory_space<vmem>>
          %dma_start3A_269 = arith.constant 0 : i32
          %dma_start3A_270 = arith.constant 0 : i32
          %dma_start3A_271 = tpu.memref_slice %run_scoped3A[%rem3A_195, %dma_start3A_269, %dma_start3A_270] : memref<2x1x128xi32, #tpu.memory_space<vmem>> -> memref<1x1x128xi32, #tpu.memory_space<vmem>>
          %dma_start3A_272 = tpu.memref_squeeze %dma_start3A_271 : memref<1x1x128xi32, #tpu.memory_space<vmem>> -> memref<1x128xi32, #tpu.memory_space<vmem>>
          %dma_start3A_273 = arith.constant 0 : i32
          %dma_start3A_274 = tpu.memref_slice %dma_start3A_272[%run_scoped3A_198, %dma_start3A_273] : memref<1x128xi32, #tpu.memory_space<vmem>> -> memref<1x128xi32, #tpu.memory_space<vmem>>
          %dma_start3A_275 = tpu.memref_squeeze %dma_start3A_274 : memref<1x128xi32, #tpu.memory_space<vmem>> -> memref<128xi32, #tpu.memory_space<vmem>>
          %dma_start3A_276 = arith.constant 0 : i32
          %dma_start3A_277 = arith.constant 0 : i32
          %dma_start3A_278 = tpu.memref_slice %arg2[%dma_start3A_276, %dma_start3A_277] : memref<2048x128xf32, #tpu.memory_space<hbm>> -> memref<2048x128xf32, #tpu.memory_space<hbm>>
          tpu.enqueue_indirect_dma source(%dma_start3A_278 : memref<2048x128xf32, #tpu.memory_space<hbm>>) target(%dma_start3A_268 : memref<128x128xf32, #tpu.memory_space<vmem>>) offsets(%dma_start3A_275 : memref<128xi32, #tpu.memory_space<vmem>>) semaphore(%run_scoped3A_264 : memref<!tpu.dma_semaphore, #tpu.memory_space<semaphore_mem>>)
          %dma_wait3A_279 = arith.constant 0 : i32
          %dma_wait3A_280 = arith.constant 0 : i32
          %dma_wait3A_281 = tpu.memref_slice %run_scoped3A_8[%rem3A_197, %dma_wait3A_279, %dma_wait3A_280] : memref<2x128x128xf32, #tpu.memory_space<vmem>> -> memref<1x128x128xf32, #tpu.memory_space<vmem>>
          %dma_wait3A_282 = tpu.memref_squeeze %dma_wait3A_281 : memref<1x128x128xf32, #tpu.memory_space<vmem>> -> memref<128x128xf32, #tpu.memory_space<vmem>>
          %dma_wait3A_283 = arith.constant 0 : i32
          %dma_wait3A_284 = arith.constant 0 : i32
          %dma_wait3A_285 = tpu.memref_slice %run_scoped3A[%rem3A_195, %dma_wait3A_283, %dma_wait3A_284] : memref<2x1x128xi32, #tpu.memory_space<vmem>> -> memref<1x1x128xi32, #tpu.memory_space<vmem>>
          %dma_wait3A_286 = tpu.memref_squeeze %dma_wait3A_285 : memref<1x1x128xi32, #tpu.memory_space<vmem>> -> memref<1x128xi32, #tpu.memory_space<vmem>>
          %dma_wait3A_287 = arith.constant 0 : i32
          %dma_wait3A_288 = tpu.memref_slice %dma_wait3A_286[%run_scoped3A_198, %dma_wait3A_287] : memref<1x128xi32, #tpu.memory_space<vmem>> -> memref<1x128xi32, #tpu.memory_space<vmem>>
          %dma_wait3A_289 = tpu.memref_squeeze %dma_wait3A_288 : memref<1x128xi32, #tpu.memory_space<vmem>> -> memref<128xi32, #tpu.memory_space<vmem>>
          %dma_wait3A_290 = arith.constant 0 : i32
          %dma_wait3A_291 = arith.constant 0 : i32
          %dma_wait3A_292 = tpu.memref_slice %arg2[%dma_wait3A_290, %dma_wait3A_291] : memref<2048x128xf32, #tpu.memory_space<hbm>> -> memref<2048x128xf32, #tpu.memory_space<hbm>>
          tpu.wait_indirect_dma semaphore(%run_scoped3A_264 : memref<!tpu.dma_semaphore, #tpu.memory_space<semaphore_mem>>) src(%dma_wait3A_292 : memref<2048x128xf32, #tpu.memory_space<hbm>>) dst(%dma_wait3A_282 : memref<128x128xf32, #tpu.memory_space<vmem>>)
          tpu.yield
        }) : () -> ()
        "tpu.trace_stop"() : () -> ()
        %ne3A_199 = arith.cmpi ne, %add3A_131, %add3A_149 : i32
        %or3A_200 = arith.constant false
        %or3A_201 = arith.ori %or3A_200, %ne3A_199 : i1
        %or3A_202 = arith.ori %or3A_201, %eq3A_130 : i1
        %convert_element_type3A_203 = arith.extui %or3A_202 : i1 to i32
        %cond3A_204 = arith.constant 0 : i32
        %cond3A_205 = arith.cmpi ne, %convert_element_type3A_203, %cond3A_204 : i32
        scf.if %cond3A_205 {
        } else {
        }
        %and3A_206 = arith.constant false
        %and3A_207 = arith.andi %or3A_202, %and3A_206 : i1
        %ne3A_208 = arith.cmpi ne, %add3A_131, %add3A_149 : i32
        %or3A_209 = arith.constant false
        %or3A_210 = arith.ori %or3A_209, %ne3A_208 : i1
        %or3A_211 = arith.constant false
        %or3A_212 = arith.ori %or3A_210, %or3A_211 : i1
        %or3A_213 = arith.ori %or3A_212, %eq3A_130 : i1
        %convert_element_type3A_214 = arith.extui %or3A_213 : i1 to i32
        %cond3A_215 = arith.constant 0 : i32
        %cond3A_216 = arith.cmpi ne, %convert_element_type3A_214, %cond3A_215 : i32
        scf.if %cond3A_216 {
          "tpu.trace_start"() <{level = 10 : i32, message = "ep_copy_out"}> : () -> ()
          %rem3A_264 = arith.constant 2 : i32
          %rem3A_265 = arith.remui %scan3A_124, %rem3A_264 : i32
          %mul3A_266 = arith.constant 128 : i32
          %mul3A_267 = arith.muli %mul3A_266, %add3A_131 : i32
          %dma_start3A_268 = arith.constant 0 : i32
          %dma_start3A_269 = arith.constant 0 : i32
          %dma_start3A_270 = tpu.memref_slice %run_scoped3A_8[%rem3A_265, %dma_start3A_268, %dma_start3A_269] : memref<2x128x128xf32, #tpu.memory_space<vmem>> -> memref<1x128x128xf32, #tpu.memory_space<vmem>>
          %dma_start3A_271 = tpu.memref_squeeze %dma_start3A_270 : memref<1x128x128xf32, #tpu.memory_space<vmem>> -> memref<128x128xf32, #tpu.memory_space<vmem>>
          %dma_start3A_272 = arith.constant 0 : i32
          %dma_start3A_273 = tpu.memref_slice %arg4[%mul3A_267, %dma_start3A_272] : memref<40960x128xf32, #tpu.memory_space<hbm>> -> memref<128x128xf32, #tpu.memory_space<hbm>>
          %dma_start3A_274 = tpu.memref_slice %run_scoped3A_9[%rem3A_265] : memref<2x!tpu.dma_semaphore, #tpu.memory_space<semaphore_mem>> -> memref<1x!tpu.dma_semaphore, #tpu.memory_space<semaphore_mem>>
          %dma_start3A_275 = tpu.memref_squeeze %dma_start3A_274 : memref<1x!tpu.dma_semaphore, #tpu.memory_space<semaphore_mem>> -> memref<!tpu.dma_semaphore, #tpu.memory_space<semaphore_mem>>
          %dma_start3A_276 = arith.constant 0 : i32
          %dma_start3A_277 = tpu.memref_slice %arg4[%mul3A_267, %dma_start3A_276] : memref<40960x128xf32, #tpu.memory_space<hbm>> -> memref<128x128xf32, #tpu.memory_space<hbm>>
          %dma_start3A_278 = arith.constant 0 : i32
          %dma_start3A_279 = arith.constant 0 : i32
          %dma_start3A_280 = tpu.memref_slice %run_scoped3A_8[%rem3A_265, %dma_start3A_278, %dma_start3A_279] : memref<2x128x128xf32, #tpu.memory_space<vmem>> -> memref<1x128x128xf32, #tpu.memory_space<vmem>>
          %dma_start3A_281 = tpu.memref_squeeze %dma_start3A_280 : memref<1x128x128xf32, #tpu.memory_space<vmem>> -> memref<128x128xf32, #tpu.memory_space<vmem>>
          tpu.enqueue_dma source(%dma_start3A_281 : memref<128x128xf32, #tpu.memory_space<vmem>>) target(%dma_start3A_277 : memref<128x128xf32, #tpu.memory_space<hbm>>) target_semaphore(%dma_start3A_275 : memref<!tpu.dma_semaphore, #tpu.memory_space<semaphore_mem>>)
          "tpu.trace_stop"() : () -> ()
        } else {
        }
        %and3A_217 = arith.constant true
        %and3A_218 = arith.andi %or3A_213, %and3A_217 : i1
        %add3A_219 = arith.constant 1 : i32
        %add3A_220 = arith.addi %scan3A_124, %add3A_219 : i32
        %select_n3A_221 = arith.select %and3A_218, %add3A_220, %scan3A_124 : i32
        %ne3A_222 = arith.cmpi ne, %add3A_131, %add3A_140 : i32
        %or3A_223 = arith.constant false
        %or3A_224 = arith.ori %or3A_223, %ne3A_222 : i1
        %not3A_225 = arith.constant true
        %not3A_226 = arith.xori %eq3A_128, %not3A_225 : i1
        %and3A_227 = arith.andi %or3A_224, %not3A_226 : i1
        %convert_element_type3A_228 = arith.extui %and3A_227 : i1 to i32
        %cond3A_229 = arith.constant 0 : i32
        %cond3A_230 = arith.cmpi ne, %convert_element_type3A_228, %cond3A_229 : i32
        scf.if %cond3A_230 {
        } else {
        }
        %and3A_231 = arith.constant false
        %and3A_232 = arith.andi %and3A_227, %and3A_231 : i1
        %ne3A_233 = arith.cmpi ne, %add3A_131, %add3A_140 : i32
        %or3A_234 = arith.constant false
        %or3A_235 = arith.ori %or3A_234, %ne3A_233 : i1
        %or3A_236 = arith.constant false
        %or3A_237 = arith.ori %or3A_235, %or3A_236 : i1
        %not3A_238 = arith.constant true
        %not3A_239 = arith.xori %eq3A_128, %not3A_238 : i1
        %and3A_240 = arith.andi %or3A_237, %not3A_239 : i1
        %convert_element_type3A_241 = arith.extui %and3A_240 : i1 to i32
        %cond3A_242 = arith.constant 0 : i32
        %cond3A_243 = arith.cmpi ne, %convert_element_type3A_241, %cond3A_242 : i32
        scf.if %cond3A_243 {
          "tpu.trace_start"() <{level = 10 : i32, message = "ep_wait_out"}> : () -> ()
          %rem3A_264 = arith.constant 2 : i32
          %rem3A_265 = arith.remui %scan3A_125, %rem3A_264 : i32
          %mul3A_266 = arith.constant 128 : i32
          %mul3A_267 = arith.muli %mul3A_266, %add3A_140 : i32
          %dma_wait3A_268 = arith.constant 0 : i32
          %dma_wait3A_269 = arith.constant 0 : i32
          %dma_wait3A_270 = tpu.memref_slice %run_scoped3A_8[%rem3A_265, %dma_wait3A_268, %dma_wait3A_269] : memref<2x128x128xf32, #tpu.memory_space<vmem>> -> memref<1x128x128xf32, #tpu.memory_space<vmem>>
          %dma_wait3A_271 = tpu.memref_squeeze %dma_wait3A_270 : memref<1x128x128xf32, #tpu.memory_space<vmem>> -> memref<128x128xf32, #tpu.memory_space<vmem>>
          %dma_wait3A_272 = arith.constant 0 : i32
          %dma_wait3A_273 = tpu.memref_slice %arg4[%mul3A_267, %dma_wait3A_272] : memref<40960x128xf32, #tpu.memory_space<hbm>> -> memref<128x128xf32, #tpu.memory_space<hbm>>
          %dma_wait3A_274 = tpu.memref_slice %run_scoped3A_9[%rem3A_265] : memref<2x!tpu.dma_semaphore, #tpu.memory_space<semaphore_mem>> -> memref<1x!tpu.dma_semaphore, #tpu.memory_space<semaphore_mem>>
          %dma_wait3A_275 = tpu.memref_squeeze %dma_wait3A_274 : memref<1x!tpu.dma_semaphore, #tpu.memory_space<semaphore_mem>> -> memref<!tpu.dma_semaphore, #tpu.memory_space<semaphore_mem>>
          %dma_wait3A_276 = arith.constant 0 : i32
          %dma_wait3A_277 = tpu.memref_slice %arg4[%mul3A_267, %dma_wait3A_276] : memref<40960x128xf32, #tpu.memory_space<hbm>> -> memref<128x128xf32, #tpu.memory_space<hbm>>
          %dma_wait3A_278 = arith.constant 0 : i32
          %dma_wait3A_279 = arith.constant 0 : i32
          %dma_wait3A_280 = tpu.memref_slice %run_scoped3A_8[%rem3A_265, %dma_wait3A_278, %dma_wait3A_279] : memref<2x128x128xf32, #tpu.memory_space<vmem>> -> memref<1x128x128xf32, #tpu.memory_space<vmem>>
          %dma_wait3A_281 = tpu.memref_squeeze %dma_wait3A_280 : memref<1x128x128xf32, #tpu.memory_space<vmem>> -> memref<128x128xf32, #tpu.memory_space<vmem>>
          tpu.wait_dma2 semaphore(%dma_wait3A_275 : memref<!tpu.dma_semaphore, #tpu.memory_space<semaphore_mem>>) src(%dma_wait3A_281 : memref<128x128xf32, #tpu.memory_space<vmem>>) dst(%dma_wait3A_277 : memref<128x128xf32, #tpu.memory_space<hbm>>)
          "tpu.trace_stop"() : () -> ()
        } else {
        }
        %and3A_244 = arith.constant true
        %and3A_245 = arith.andi %and3A_240, %and3A_244 : i1
        %add3A_246 = arith.constant 1 : i32
        %add3A_247 = arith.addi %scan3A_125, %add3A_246 : i32
        %select_n3A_248 = arith.select %and3A_245, %add3A_247, %scan3A_125 : i32
        %ne3A_249 = arith.cmpi ne, %add3A_131, %add3A_149 : i32
        %or3A_250 = arith.constant false
        %or3A_251 = arith.ori %or3A_250, %ne3A_249 : i1
        %or3A_252 = arith.ori %or3A_251, %eq3A_130 : i1
        %add3A_253 = arith.constant 1 : i32
        %add3A_254 = arith.addi %scan3A_123, %add3A_253 : i32
        %select_n3A_255 = arith.select %or3A_252, %add3A_254, %scan3A_123 : i32
        %add3A_256 = arith.constant 1 : i32
        %add3A_257 = arith.addi %scan3A_126, %add3A_256 : i32
        %select_n3A_258 = arith.constant true
        %select_n3A_259 = arith.select %select_n3A_258, %add3A_257, %scan3A_126 : i32
        %eq3A_260 = arith.constant 10 : i32
        %eq3A_261 = arith.cmpi eq, %select_n3A_259, %eq3A_260 : i32
        %select_n3A_262 = arith.constant 0 : i32
        %select_n3A_263 = arith.select %eq3A_261, %select_n3A_262, %select_n3A_259 : i32
        scf.yield %select_n3A_167, %select_n3A_255, %select_n3A_221, %select_n3A_248, %select_n3A_263 : i32, i32, i32, i32, i32
      }
      %scan3A_68 = arith.constant 10 : i32
      %sub3A = arith.constant 1 : i32
      %sub3A_69 = arith.subi %scan3A_67#4, %sub3A : i32
      %select_n3A_70 = arith.constant true
      %select_n3A_71 = arith.select %select_n3A_70, %sub3A_69, %scan3A_67#4 : i32
      %eq3A_72 = arith.constant -1 : i32
      %eq3A_73 = arith.cmpi eq, %select_n3A_71, %eq3A_72 : i32
      %select_n3A_74 = arith.constant 9 : i32
      %select_n3A_75 = arith.select %eq3A_73, %select_n3A_74, %select_n3A_71 : i32
      %add3A_76 = arith.addi %select_n3A_75, %mul3A_6 : i32
      %sub3A_77 = arith.constant 1 : i32
      %sub3A_78 = arith.subi %select_n3A_75, %sub3A_77 : i32
      %select_n3A_79 = arith.constant true
      %select_n3A_80 = arith.select %select_n3A_79, %sub3A_78, %select_n3A_75 : i32
      %eq3A_81 = arith.constant -1 : i32
      %eq3A_82 = arith.cmpi eq, %select_n3A_80, %eq3A_81 : i32
      %select_n3A_83 = arith.constant 9 : i32
      %select_n3A_84 = arith.select %eq3A_82, %select_n3A_83, %select_n3A_80 : i32
      %add3A_85 = arith.addi %select_n3A_84, %mul3A_6 : i32
      %add3A_86 = arith.constant 1 : i32
      %add3A_87 = arith.addi %select_n3A_75, %add3A_86 : i32
      %select_n3A_88 = arith.constant true
      %select_n3A_89 = arith.select %select_n3A_88, %add3A_87, %select_n3A_75 : i32
      %eq3A_90 = arith.constant 10 : i32
      %eq3A_91 = arith.cmpi eq, %select_n3A_89, %eq3A_90 : i32
      %select_n3A_92 = arith.constant 0 : i32
      %select_n3A_93 = arith.select %eq3A_91, %select_n3A_92, %select_n3A_89 : i32
      %add3A_94 = arith.addi %select_n3A_93, %mul3A_6 : i32
      %add3A_95 = arith.constant 1 : i32
      %add3A_96 = arith.addi %select_n3A_93, %add3A_95 : i32
      %select_n3A_97 = arith.constant true
      %select_n3A_98 = arith.select %select_n3A_97, %add3A_96, %select_n3A_93 : i32
      %eq3A_99 = arith.constant 10 : i32
      %eq3A_100 = arith.cmpi eq, %select_n3A_98, %eq3A_99 : i32
      %select_n3A_101 = arith.constant 0 : i32
      %select_n3A_102 = arith.select %eq3A_100, %select_n3A_101, %select_n3A_98 : i32
      %add3A_103 = arith.addi %select_n3A_102, %mul3A_6 : i32
      "tpu.trace_start"() <{level = 10 : i32, message = "ep_finalize"}> : () -> ()
      %rem3A_104 = arith.constant 2 : i32
      %rem3A_105 = arith.remui %scan3A_67#3, %rem3A_104 : i32
      %mul3A_106 = arith.constant 128 : i32
      %mul3A_107 = arith.muli %mul3A_106, %add3A_76 : i32
      %dma_wait3A = arith.constant 0 : i32
      %dma_wait3A_108 = arith.constant 0 : i32
      %dma_wait3A_109 = tpu.memref_slice %run_scoped3A_8[%rem3A_105, %dma_wait3A, %dma_wait3A_108] : memref<2x128x128xf32, #tpu.memory_space<vmem>> -> memref<1x128x128xf32, #tpu.memory_space<vmem>>
      %dma_wait3A_110 = tpu.memref_squeeze %dma_wait3A_109 : memref<1x128x128xf32, #tpu.memory_space<vmem>> -> memref<128x128xf32, #tpu.memory_space<vmem>>
      %dma_wait3A_111 = arith.constant 0 : i32
      %dma_wait3A_112 = tpu.memref_slice %arg4[%mul3A_107, %dma_wait3A_111] : memref<40960x128xf32, #tpu.memory_space<hbm>> -> memref<128x128xf32, #tpu.memory_space<hbm>>
      %dma_wait3A_113 = tpu.memref_slice %run_scoped3A_9[%rem3A_105] : memref<2x!tpu.dma_semaphore, #tpu.memory_space<semaphore_mem>> -> memref<1x!tpu.dma_semaphore, #tpu.memory_space<semaphore_mem>>
      %dma_wait3A_114 = tpu.memref_squeeze %dma_wait3A_113 : memref<1x!tpu.dma_semaphore, #tpu.memory_space<semaphore_mem>> -> memref<!tpu.dma_semaphore, #tpu.memory_space<semaphore_mem>>
      %dma_wait3A_115 = arith.constant 0 : i32
      %dma_wait3A_116 = tpu.memref_slice %arg4[%mul3A_107, %dma_wait3A_115] : memref<40960x128xf32, #tpu.memory_space<hbm>> -> memref<128x128xf32, #tpu.memory_space<hbm>>
      %dma_wait3A_117 = arith.constant 0 : i32
      %dma_wait3A_118 = arith.constant 0 : i32
      %dma_wait3A_119 = tpu.memref_slice %run_scoped3A_8[%rem3A_105, %dma_wait3A_117, %dma_wait3A_118] : memref<2x128x128xf32, #tpu.memory_space<vmem>> -> memref<1x128x128xf32, #tpu.memory_space<vmem>>
      %dma_wait3A_120 = tpu.memref_squeeze %dma_wait3A_119 : memref<1x128x128xf32, #tpu.memory_space<vmem>> -> memref<128x128xf32, #tpu.memory_space<vmem>>
      tpu.wait_dma2 semaphore(%dma_wait3A_114 : memref<!tpu.dma_semaphore, #tpu.memory_space<semaphore_mem>>) src(%dma_wait3A_120 : memref<128x128xf32, #tpu.memory_space<vmem>>) dst(%dma_wait3A_116 : memref<128x128xf32, #tpu.memory_space<hbm>>)
      "tpu.trace_stop"() : () -> ()
      tpu.yield
    }) : () -> ()
    return
  }
}

module attributes {stable_mosaic.version = 14 : i64} {
  func.func @_knn_body(%arg0: i32, %arg1: i32, %arg2: memref<1x64x2048xf32, #tpu.memory_space<vmem>>, %arg3: memref<1x64x512xf32, #tpu.memory_space<vmem>>, %arg4: memref<64x128xf32, #tpu.memory_space<vmem>>, %arg5: memref<64x128xf32, #tpu.memory_space<vmem>>, %arg6: memref<20x512xi32, #tpu.memory_space<vmem>>, %arg7: memref<1x512x128xf32, #tpu.memory_space<vmem>>, %arg8: memref<1x512x128xf32, #tpu.memory_space<vmem>>) attributes {dimension_semantics = [#tpu.dimension_semantics<arbitrary>, #tpu.dimension_semantics<arbitrary>], iteration_bounds = array<i64: 1, 4>, scalar_prefetch = 0 : i64, scratch_operands = 0 : i64, tpu.core_type = #tpu.core_type<tc>, window_params = [{transform_indices = @transform_0, window_bounds = array<i64: 1, 64, 2048>}, {transform_indices = @transform_1, window_bounds = array<i64: 1, 64, 512>}, {pipeline_mode = #tpu.pipeline_mode<synchronous>, transform_indices = @transform_2, window_bounds = array<i64: 64, 128>}, {pipeline_mode = #tpu.pipeline_mode<synchronous>, transform_indices = @transform_3, window_bounds = array<i64: 64, 128>}, {transform_indices = @transform_4, window_bounds = array<i64: 20, 512>}, {transform_indices = @transform_5, window_bounds = array<i64: 1, 512, 128>}, {transform_indices = @transform_6, window_bounds = array<i64: 1, 512, 128>}]} {
    %get3A = arith.constant 0 : index
    %get3A_0 = arith.constant 0 : index
    %get3A_1 = arith.constant 0 : index
    %get3A_2 = vector.load %arg2[%get3A, %get3A_0, %get3A_1] : memref<1x64x2048xf32, #tpu.memory_space<vmem>>, vector<1x64x2048xf32>
    %get3A_3 = vector.shape_cast %get3A_2 : vector<1x64x2048xf32> to vector<64x2048xf32>
    %get3A_4 = arith.constant 0 : index
    %get3A_5 = arith.constant 0 : index
    %get3A_6 = arith.constant 0 : index
    %get3A_7 = vector.load %arg3[%get3A_4, %get3A_5, %get3A_6] : memref<1x64x512xf32, #tpu.memory_space<vmem>>, vector<1x64x512xf32>
    %get3A_8 = vector.shape_cast %get3A_7 : vector<1x64x512xf32> to vector<64x512xf32>
    %get3A_9 = arith.constant 0 : index
    %get3A_10 = arith.constant 0 : index
    %get3A_11 = vector.load %arg4[%get3A_9, %get3A_10] : memref<64x128xf32, #tpu.memory_space<vmem>>, vector<64x128xf32>
    %dot_general3A = arith.constant dense<0.000000e+00> : vector<512x128xf32>
    %dot_general3A_12 = tpu.matmul %get3A_8, %get3A_11, %dot_general3A {dimension_numbers = #tpu.dot_dimension_numbers<[0], [0], [1], [1], [0, 1, 1, 1], [], []>, transpose_lhs_hint = false} : vector<64x512xf32>, vector<64x128xf32>, vector<512x128xf32> -> vector<512x128xf32>
    %swap3A = arith.constant 0 : index
    %swap3A_13 = arith.constant 0 : index
    %swap3A_14 = arith.constant 0 : index
    %swap3A_15 = vector.load %arg7[%swap3A, %swap3A_13, %swap3A_14] : memref<1x512x128xf32, #tpu.memory_space<vmem>>, vector<1x512x128xf32>
    %swap3A_16 = vector.shape_cast %swap3A_15 : vector<1x512x128xf32> to vector<512x128xf32>
    %swap3A_17 = vector.shape_cast %dot_general3A_12 : vector<512x128xf32> to vector<1x512x128xf32>
    tpu.vector_store %arg7[%swap3A, %swap3A_13, %swap3A_14], %swap3A_17 {strides = array<i32>} : memref<1x512x128xf32, #tpu.memory_space<vmem>>, vector<1x512x128xf32>,
    %get3A_18 = arith.constant 0 : index
    %get3A_19 = arith.constant 0 : index
    %get3A_20 = vector.load %arg5[%get3A_18, %get3A_19] : memref<64x128xf32, #tpu.memory_space<vmem>>, vector<64x128xf32>
    %dot_general3A_21 = arith.constant dense<0.000000e+00> : vector<512x128xf32>
    %dot_general3A_22 = tpu.matmul %get3A_8, %get3A_20, %dot_general3A_21 {dimension_numbers = #tpu.dot_dimension_numbers<[0], [0], [1], [1], [0, 1, 1, 1], [], []>, transpose_lhs_hint = false} : vector<64x512xf32>, vector<64x128xf32>, vector<512x128xf32> -> vector<512x128xf32>
    %swap3A_23 = arith.constant 0 : index
    %swap3A_24 = arith.constant 0 : index
    %swap3A_25 = arith.constant 0 : index
    %swap3A_26 = vector.load %arg8[%swap3A_23, %swap3A_24, %swap3A_25] : memref<1x512x128xf32, #tpu.memory_space<vmem>>, vector<1x512x128xf32>
    %swap3A_27 = vector.shape_cast %swap3A_26 : vector<1x512x128xf32> to vector<512x128xf32>
    %swap3A_28 = vector.shape_cast %dot_general3A_22 : vector<512x128xf32> to vector<1x512x128xf32>
    tpu.vector_store %arg8[%swap3A_23, %swap3A_24, %swap3A_25], %swap3A_28 {strides = array<i32>} : memref<1x512x128xf32, #tpu.memory_space<vmem>>, vector<1x512x128xf32>,
    %dot_general3A_29 = arith.constant dense<0.000000e+00> : vector<512x2048xf32>
    %dot_general3A_30 = tpu.matmul %get3A_8, %get3A_3, %dot_general3A_29 {dimension_numbers = #tpu.dot_dimension_numbers<[0], [0], [1], [1], [0, 1, 1, 1], [], []>, transpose_lhs_hint = false} : vector<64x512xf32>, vector<64x2048xf32>, vector<512x2048xf32> -> vector<512x2048xf32>
    %mul3A = arith.mulf %get3A_3, %get3A_3 : vector<64x2048xf32>
    %reduce_sum3A = arith.constant dense<0.000000e+00> : vector<2048xf32>
    %reduce_sum3A_31 = vector.multi_reduction <add>, %mul3A, %reduce_sum3A [0] : vector<64x2048xf32> to vector<2048xf32>
    %mul3A_32 = arith.mulf %get3A_8, %get3A_8 : vector<64x512xf32>
    %reduce_sum3A_33 = arith.constant dense<0.000000e+00> : vector<512xf32>
    %reduce_sum3A_34 = vector.multi_reduction <add>, %mul3A_32, %reduce_sum3A_33 [0] : vector<64x512xf32> to vector<512xf32>
    %mul3A_35 = arith.constant 2.000000e+00 : f32
    %mul3A_36 = vector.broadcast %mul3A_35 : f32 to vector<512x2048xf32>
    %mul3A_37 = arith.mulf %mul3A_36, %dot_general3A_30 : vector<512x2048xf32>
    %broadcast_in_dim3A = vector.shape_cast %reduce_sum3A_31 : vector<2048xf32> to vector<1x2048xf32>
    %sub3A = vector.broadcast %broadcast_in_dim3A : vector<1x2048xf32> to vector<512x2048xf32>
    %sub3A_38 = arith.subf %mul3A_37, %sub3A : vector<512x2048xf32>
    %broadcast_in_dim3A_39 = vector.shape_cast %reduce_sum3A_34 : vector<512xf32> to vector<512x1xf32>
    %sub3A_40 = vector.broadcast %broadcast_in_dim3A_39 : vector<512x1xf32> to vector<512x2048xf32>
    %sub3A_41 = arith.subf %sub3A_38, %sub3A_40 : vector<512x2048xf32>
    %reduce_min3A = arith.constant dense<0x7F800000> : vector<512xf32>
    %reduce_min3A_42 = vector.multi_reduction <minimumf>, %sub3A_41, %reduce_min3A [1] : vector<512x2048xf32> to vector<512xf32>
    %broadcast_in_dim3A_43 = vector.shape_cast %reduce_min3A_42 : vector<512xf32> to vector<512x1xf32>
    %neg3A = arith.constant 0.000000e+00 : f32
    %neg3A_44 = vector.broadcast %neg3A : f32 to vector<512x1xf32>
    %neg3A_45 = arith.subf %neg3A_44, %broadcast_in_dim3A_43 : vector<512x1xf32>
    %max3A = arith.constant 1.000000e-30 : f32
    %max3A_46 = vector.broadcast %max3A : f32 to vector<512x1xf32>
    %max3A_47 = arith.maximumf %neg3A_45, %max3A_46 : vector<512x1xf32>
    %div3A = arith.constant 0x497EFFC0 : f32
    %div3A_48 = vector.broadcast %div3A : f32 to vector<512x1xf32>
    %div3A_49 = arith.divf %div3A_48, %max3A_47 : vector<512x1xf32>
    %mul3A_50 = vector.broadcast %div3A_49 : vector<512x1xf32> to vector<512x2048xf32>
    %mul3A_51 = arith.mulf %sub3A_41, %mul3A_50 : vector<512x2048xf32>
    %convert_element_type3A = arith.fptosi %mul3A_51 : vector<512x2048xf32> to vector<512x2048xi32>
    %min3A = arith.constant 0 : i32
    %min3A_52 = vector.broadcast %min3A : i32 to vector<512x2048xi32>
    %min3A_53 = arith.minsi %convert_element_type3A, %min3A_52 : vector<512x2048xi32>
    %iota3A = tpu.iota {dimensions = array<i32: 1>} : vector<512x2048xi32>
    %add3A = arith.constant 1044477 : i32
    %add3A_54 = vector.broadcast %add3A : i32 to vector<512x2048xi32>
    %add3A_55 = arith.addi %min3A_53, %add3A_54 : vector<512x2048xi32>
    %mul3A_56 = arith.constant 2048 : i32
    %mul3A_57 = vector.broadcast %mul3A_56 : i32 to vector<512x2048xi32>
    %mul3A_58 = arith.muli %add3A_55, %mul3A_57 : vector<512x2048xi32>
    %sub3A_59 = arith.constant 2047 : i32
    %sub3A_60 = vector.broadcast %sub3A_59 : i32 to vector<512x2048xi32>
    %sub3A_61 = arith.subi %sub3A_60, %iota3A : vector<512x2048xi32>
    %or3A = arith.ori %mul3A_58, %sub3A_61 : vector<512x2048xi32>
    %bitcast_convert_type3A = tpu.bitcast %or3A : vector<512x2048xi32> -> vector<512x2048xf32>
    %slice3A = vector.extract_strided_slice %bitcast_convert_type3A {offsets = [0, 0], sizes = [512, 128], strides = [1, 1]} : vector<512x2048xf32> to vector<512x128xf32>
    %slice3A_62 = vector.extract_strided_slice %bitcast_convert_type3A {offsets = [0, 128], sizes = [512, 128], strides = [1, 1]} : vector<512x2048xf32> to vector<512x128xf32>
    %slice3A_63 = vector.extract_strided_slice %bitcast_convert_type3A {offsets = [0, 256], sizes = [512, 128], strides = [1, 1]} : vector<512x2048xf32> to vector<512x128xf32>
    %slice3A_64 = vector.extract_strided_slice %bitcast_convert_type3A {offsets = [0, 384], sizes = [512, 128], strides = [1, 1]} : vector<512x2048xf32> to vector<512x128xf32>
    %slice3A_65 = vector.extract_strided_slice %bitcast_convert_type3A {offsets = [0, 512], sizes = [512, 128], strides = [1, 1]} : vector<512x2048xf32> to vector<512x128xf32>
    %slice3A_66 = vector.extract_strided_slice %bitcast_convert_type3A {offsets = [0, 640], sizes = [512, 128], strides = [1, 1]} : vector<512x2048xf32> to vector<512x128xf32>
    %slice3A_67 = vector.extract_strided_slice %bitcast_convert_type3A {offsets = [0, 768], sizes = [512, 128], strides = [1, 1]} : vector<512x2048xf32> to vector<512x128xf32>
    %slice3A_68 = vector.extract_strided_slice %bitcast_convert_type3A {offsets = [0, 896], sizes = [512, 128], strides = [1, 1]} : vector<512x2048xf32> to vector<512x128xf32>
    %slice3A_69 = vector.extract_strided_slice %bitcast_convert_type3A {offsets = [0, 1024], sizes = [512, 128], strides = [1, 1]} : vector<512x2048xf32> to vector<512x128xf32>
    %slice3A_70 = vector.extract_strided_slice %bitcast_convert_type3A {offsets = [0, 1152], sizes = [512, 128], strides = [1, 1]} : vector<512x2048xf32> to vector<512x128xf32>
    %slice3A_71 = vector.extract_strided_slice %bitcast_convert_type3A {offsets = [0, 1280], sizes = [512, 128], strides = [1, 1]} : vector<512x2048xf32> to vector<512x128xf32>
    %slice3A_72 = vector.extract_strided_slice %bitcast_convert_type3A {offsets = [0, 1408], sizes = [512, 128], strides = [1, 1]} : vector<512x2048xf32> to vector<512x128xf32>
    %slice3A_73 = vector.extract_strided_slice %bitcast_convert_type3A {offsets = [0, 1536], sizes = [512, 128], strides = [1, 1]} : vector<512x2048xf32> to vector<512x128xf32>
    %slice3A_74 = vector.extract_strided_slice %bitcast_convert_type3A {offsets = [0, 1664], sizes = [512, 128], strides = [1, 1]} : vector<512x2048xf32> to vector<512x128xf32>
    %slice3A_75 = vector.extract_strided_slice %bitcast_convert_type3A {offsets = [0, 1792], sizes = [512, 128], strides = [1, 1]} : vector<512x2048xf32> to vector<512x128xf32>
    %slice3A_76 = vector.extract_strided_slice %bitcast_convert_type3A {offsets = [0, 1920], sizes = [512, 128], strides = [1, 1]} : vector<512x2048xf32> to vector<512x128xf32>
    %max3A_77 = arith.maximumf %slice3A, %slice3A_62 : vector<512x128xf32>
    %min3A_78 = arith.minimumf %slice3A, %slice3A_62 : vector<512x128xf32>
    %max3A_79 = arith.maximumf %slice3A_63, %slice3A_64 : vector<512x128xf32>
    %min3A_80 = arith.minimumf %slice3A_63, %slice3A_64 : vector<512x128xf32>
    %max3A_81 = arith.maximumf %max3A_77, %max3A_79 : vector<512x128xf32>
    %min3A_82 = arith.minimumf %max3A_77, %max3A_79 : vector<512x128xf32>
    %max3A_83 = arith.maximumf %min3A_78, %min3A_80 : vector<512x128xf32>
    %min3A_84 = arith.minimumf %min3A_78, %min3A_80 : vector<512x128xf32>
    %max3A_85 = arith.maximumf %max3A_83, %min3A_82 : vector<512x128xf32>
    %min3A_86 = arith.minimumf %max3A_83, %min3A_82 : vector<512x128xf32>
    %max3A_87 = arith.maximumf %slice3A_65, %slice3A_66 : vector<512x128xf32>
    %min3A_88 = arith.minimumf %slice3A_65, %slice3A_66 : vector<512x128xf32>
    %max3A_89 = arith.maximumf %slice3A_67, %slice3A_68 : vector<512x128xf32>
    %min3A_90 = arith.minimumf %slice3A_67, %slice3A_68 : vector<512x128xf32>
    %max3A_91 = arith.maximumf %max3A_87, %max3A_89 : vector<512x128xf32>
    %min3A_92 = arith.minimumf %max3A_87, %max3A_89 : vector<512x128xf32>
    %max3A_93 = arith.maximumf %min3A_88, %min3A_90 : vector<512x128xf32>
    %min3A_94 = arith.minimumf %min3A_88, %min3A_90 : vector<512x128xf32>
    %max3A_95 = arith.maximumf %max3A_93, %min3A_92 : vector<512x128xf32>
    %min3A_96 = arith.minimumf %max3A_93, %min3A_92 : vector<512x128xf32>
    %max3A_97 = arith.maximumf %max3A_81, %max3A_91 : vector<512x128xf32>
    %min3A_98 = arith.minimumf %max3A_81, %max3A_91 : vector<512x128xf32>
    %max3A_99 = arith.maximumf %min3A_86, %min3A_96 : vector<512x128xf32>
    %min3A_100 = arith.minimumf %min3A_86, %min3A_96 : vector<512x128xf32>
    %max3A_101 = arith.maximumf %max3A_99, %min3A_98 : vector<512x128xf32>
    %min3A_102 = arith.minimumf %max3A_99, %min3A_98 : vector<512x128xf32>
    %max3A_103 = arith.maximumf %max3A_85, %max3A_95 : vector<512x128xf32>
    %min3A_104 = arith.minimumf %max3A_85, %max3A_95 : vector<512x128xf32>
    %max3A_105 = arith.maximumf %min3A_84, %min3A_94 : vector<512x128xf32>
    %min3A_106 = arith.minimumf %min3A_84, %min3A_94 : vector<512x128xf32>
    %max3A_107 = arith.maximumf %max3A_105, %min3A_104 : vector<512x128xf32>
    %min3A_108 = arith.minimumf %max3A_105, %min3A_104 : vector<512x128xf32>
    %max3A_109 = arith.maximumf %max3A_103, %max3A_101 : vector<512x128xf32>
    %min3A_110 = arith.minimumf %max3A_103, %max3A_101 : vector<512x128xf32>
    %max3A_111 = arith.maximumf %max3A_107, %min3A_102 : vector<512x128xf32>
    %min3A_112 = arith.minimumf %max3A_107, %min3A_102 : vector<512x128xf32>
    %max3A_113 = arith.maximumf %min3A_108, %min3A_100 : vector<512x128xf32>
    %min3A_114 = arith.minimumf %min3A_108, %min3A_100 : vector<512x128xf32>
    %max3A_115 = arith.maximumf %slice3A_69, %slice3A_70 : vector<512x128xf32>
    %min3A_116 = arith.minimumf %slice3A_69, %slice3A_70 : vector<512x128xf32>
    %max3A_117 = arith.maximumf %slice3A_71, %slice3A_72 : vector<512x128xf32>
    %min3A_118 = arith.minimumf %slice3A_71, %slice3A_72 : vector<512x128xf32>
    %max3A_119 = arith.maximumf %max3A_115, %max3A_117 : vector<512x128xf32>
    %min3A_120 = arith.minimumf %max3A_115, %max3A_117 : vector<512x128xf32>
    %max3A_121 = arith.maximumf %min3A_116, %min3A_118 : vector<512x128xf32>
    %min3A_122 = arith.minimumf %min3A_116, %min3A_118 : vector<512x128xf32>
    %max3A_123 = arith.maximumf %max3A_121, %min3A_120 : vector<512x128xf32>
    %min3A_124 = arith.minimumf %max3A_121, %min3A_120 : vector<512x128xf32>
    %max3A_125 = arith.maximumf %slice3A_73, %slice3A_74 : vector<512x128xf32>
    %min3A_126 = arith.minimumf %slice3A_73, %slice3A_74 : vector<512x128xf32>
    %max3A_127 = arith.maximumf %slice3A_75, %slice3A_76 : vector<512x128xf32>
    %min3A_128 = arith.minimumf %slice3A_75, %slice3A_76 : vector<512x128xf32>
    %max3A_129 = arith.maximumf %max3A_125, %max3A_127 : vector<512x128xf32>
    %min3A_130 = arith.minimumf %max3A_125, %max3A_127 : vector<512x128xf32>
    %max3A_131 = arith.maximumf %min3A_126, %min3A_128 : vector<512x128xf32>
    %min3A_132 = arith.minimumf %min3A_126, %min3A_128 : vector<512x128xf32>
    %max3A_133 = arith.maximumf %max3A_131, %min3A_130 : vector<512x128xf32>
    %min3A_134 = arith.minimumf %max3A_131, %min3A_130 : vector<512x128xf32>
    %max3A_135 = arith.maximumf %max3A_119, %max3A_129 : vector<512x128xf32>
    %min3A_136 = arith.minimumf %max3A_119, %max3A_129 : vector<512x128xf32>
    %max3A_137 = arith.maximumf %min3A_124, %min3A_134 : vector<512x128xf32>
    %min3A_138 = arith.minimumf %min3A_124, %min3A_134 : vector<512x128xf32>
    %max3A_139 = arith.maximumf %max3A_137, %min3A_136 : vector<512x128xf32>
    %min3A_140 = arith.minimumf %max3A_137, %min3A_136 : vector<512x128xf32>
    %max3A_141 = arith.maximumf %max3A_123, %max3A_133 : vector<512x128xf32>
    %min3A_142 = arith.minimumf %max3A_123, %max3A_133 : vector<512x128xf32>
    %max3A_143 = arith.maximumf %min3A_122, %min3A_132 : vector<512x128xf32>
    %min3A_144 = arith.minimumf %min3A_122, %min3A_132 : vector<512x128xf32>
    %max3A_145 = arith.maximumf %max3A_143, %min3A_142 : vector<512x128xf32>
    %min3A_146 = arith.minimumf %max3A_143, %min3A_142 : vector<512x128xf32>
    %max3A_147 = arith.maximumf %max3A_141, %max3A_139 : vector<512x128xf32>
    %min3A_148 = arith.minimumf %max3A_141, %max3A_139 : vector<512x128xf32>
    %max3A_149 = arith.maximumf %max3A_145, %min3A_140 : vector<512x128xf32>
    %min3A_150 = arith.minimumf %max3A_145, %min3A_140 : vector<512x128xf32>
    %max3A_151 = arith.maximumf %min3A_146, %min3A_138 : vector<512x128xf32>
    %min3A_152 = arith.minimumf %min3A_146, %min3A_138 : vector<512x128xf32>
    %max3A_153 = arith.maximumf %max3A_97, %max3A_135 : vector<512x128xf32>
    %min3A_154 = arith.minimumf %max3A_97, %max3A_135 : vector<512x128xf32>
    %max3A_155 = arith.maximumf %min3A_112, %min3A_150 : vector<512x128xf32>
    %min3A_156 = arith.minimumf %min3A_112, %min3A_150 : vector<512x128xf32>
    %max3A_157 = arith.maximumf %max3A_155, %min3A_154 : vector<512x128xf32>
    %min3A_158 = arith.minimumf %max3A_155, %min3A_154 : vector<512x128xf32>
    %max3A_159 = arith.maximumf %min3A_110, %min3A_148 : vector<512x128xf32>
    %min3A_160 = arith.minimumf %min3A_110, %min3A_148 : vector<512x128xf32>
    %max3A_161 = arith.maximumf %min3A_114, %min3A_152 : vector<512x128xf32>
    %min3A_162 = arith.minimumf %min3A_114, %min3A_152 : vector<512x128xf32>
    %max3A_163 = arith.maximumf %max3A_161, %min3A_160 : vector<512x128xf32>
    %min3A_164 = arith.minimumf %max3A_161, %min3A_160 : vector<512x128xf32>
    %max3A_165 = arith.maximumf %max3A_159, %max3A_157 : vector<512x128xf32>
    %min3A_166 = arith.minimumf %max3A_159, %max3A_157 : vector<512x128xf32>
    %max3A_167 = arith.maximumf %max3A_163, %min3A_158 : vector<512x128xf32>
    %min3A_168 = arith.minimumf %max3A_163, %min3A_158 : vector<512x128xf32>
    %max3A_169 = arith.maximumf %min3A_164, %min3A_156 : vector<512x128xf32>
    %min3A_170 = arith.minimumf %min3A_164, %min3A_156 : vector<512x128xf32>
    %max3A_171 = arith.maximumf %max3A_109, %max3A_147 : vector<512x128xf32>
    %min3A_172 = arith.minimumf %max3A_109, %max3A_147 : vector<512x128xf32>
    %max3A_173 = arith.maximumf %max3A_113, %max3A_151 : vector<512x128xf32>
    %min3A_174 = arith.minimumf %max3A_113, %max3A_151 : vector<512x128xf32>
    %max3A_175 = arith.maximumf %max3A_173, %min3A_172 : vector<512x128xf32>
    %min3A_176 = arith.minimumf %max3A_173, %min3A_172 : vector<512x128xf32>
    %max3A_177 = arith.maximumf %max3A_111, %max3A_149 : vector<512x128xf32>
    %min3A_178 = arith.minimumf %max3A_111, %max3A_149 : vector<512x128xf32>
    %max3A_179 = arith.maximumf %min3A_106, %min3A_144 : vector<512x128xf32>
    %min3A_180 = arith.minimumf %min3A_106, %min3A_144 : vector<512x128xf32>
    %max3A_181 = arith.maximumf %max3A_179, %min3A_178 : vector<512x128xf32>
    %min3A_182 = arith.minimumf %max3A_179, %min3A_178 : vector<512x128xf32>
    %max3A_183 = arith.maximumf %max3A_177, %max3A_175 : vector<512x128xf32>
    %min3A_184 = arith.minimumf %max3A_177, %max3A_175 : vector<512x128xf32>
    %max3A_185 = arith.maximumf %max3A_181, %min3A_176 : vector<512x128xf32>
    %min3A_186 = arith.minimumf %max3A_181, %min3A_176 : vector<512x128xf32>
    %max3A_187 = arith.maximumf %min3A_182, %min3A_174 : vector<512x128xf32>
    %min3A_188 = arith.minimumf %min3A_182, %min3A_174 : vector<512x128xf32>
    %max3A_189 = arith.maximumf %max3A_171, %max3A_165 : vector<512x128xf32>
    %min3A_190 = arith.minimumf %max3A_171, %max3A_165 : vector<512x128xf32>
    %max3A_191 = arith.maximumf %max3A_183, %min3A_166 : vector<512x128xf32>
    %min3A_192 = arith.minimumf %max3A_183, %min3A_166 : vector<512x128xf32>
    %max3A_193 = arith.maximumf %min3A_184, %max3A_167 : vector<512x128xf32>
    %min3A_194 = arith.minimumf %min3A_184, %max3A_167 : vector<512x128xf32>
    %max3A_195 = arith.maximumf %max3A_185, %min3A_168 : vector<512x128xf32>
    %min3A_196 = arith.minimumf %max3A_185, %min3A_168 : vector<512x128xf32>
    %max3A_197 = arith.maximumf %min3A_186, %max3A_169 : vector<512x128xf32>
    %min3A_198 = arith.minimumf %min3A_186, %max3A_169 : vector<512x128xf32>
    %max3A_199 = arith.maximumf %max3A_187, %min3A_170 : vector<512x128xf32>
    %min3A_200 = arith.minimumf %max3A_187, %min3A_170 : vector<512x128xf32>
    %max3A_201 = arith.maximumf %min3A_188, %min3A_162 : vector<512x128xf32>
    %min3A_202 = arith.minimumf %min3A_188, %min3A_162 : vector<512x128xf32>
    %mul3A_203 = arith.constant 2048 : i32
    %mul3A_204 = arith.muli %arg0, %mul3A_203 : i32
    %reduce_max3A = arith.constant dense<0xFF800000> : vector<512xf32>
    %reduce_max3A_205 = vector.multi_reduction <maximumf>, %max3A_153, %reduce_max3A [1] : vector<512x128xf32> to vector<512xf32>
    %broadcast_in_dim3A_206 = vector.shape_cast %reduce_max3A_205 : vector<512xf32> to vector<512x1xf32>
    %bitcast_convert_type3A_207 = tpu.bitcast %broadcast_in_dim3A_206 : vector<512x1xf32> -> vector<512x1xi32>
    %and3A = arith.constant 2047 : i32
    %and3A_208 = vector.broadcast %and3A : i32 to vector<512x1xi32>
    %and3A_209 = arith.andi %bitcast_convert_type3A_207, %and3A_208 : vector<512x1xi32>
    %sub3A_210 = arith.constant 2047 : i32
    %sub3A_211 = vector.broadcast %sub3A_210 : i32 to vector<512x1xi32>
    %sub3A_212 = arith.subi %sub3A_211, %and3A_209 : vector<512x1xi32>
    %add3A_213 = vector.broadcast %mul3A_204 : i32 to vector<512x1xi32>
    %add3A_214 = arith.addi %sub3A_212, %add3A_213 : vector<512x1xi32>
    %eq3A = vector.broadcast %broadcast_in_dim3A_206 : vector<512x1xf32> to vector<512x128xf32>
    %eq3A_215 = arith.cmpf oeq, %max3A_153, %eq3A : vector<512x128xf32>
    %select_n3A = arith.select %eq3A_215, %max3A_189, %max3A_153 : vector<512x128xi1>, vector<512x128xf32>
    %select_n3A_216 = arith.select %eq3A_215, %min3A_190, %max3A_189 : vector<512x128xi1>, vector<512x128xf32>
    %select_n3A_217 = arith.select %eq3A_215, %max3A_191, %min3A_190 : vector<512x128xi1>, vector<512x128xf32>
    %select_n3A_218 = arith.select %eq3A_215, %min3A_192, %max3A_191 : vector<512x128xi1>, vector<512x128xf32>
    %select_n3A_219 = arith.select %eq3A_215, %max3A_193, %min3A_192 : vector<512x128xi1>, vector<512x128xf32>
    %select_n3A_220 = arith.select %eq3A_215, %min3A_194, %max3A_193 : vector<512x128xi1>, vector<512x128xf32>
    %select_n3A_221 = arith.select %eq3A_215, %max3A_195, %min3A_194 : vector<512x128xi1>, vector<512x128xf32>
    %select_n3A_222 = arith.select %eq3A_215, %min3A_196, %max3A_195 : vector<512x128xi1>, vector<512x128xf32>
    %select_n3A_223 = arith.select %eq3A_215, %max3A_197, %min3A_196 : vector<512x128xi1>, vector<512x128xf32>
    %select_n3A_224 = arith.select %eq3A_215, %min3A_198, %max3A_197 : vector<512x128xi1>, vector<512x128xf32>
    %select_n3A_225 = arith.select %eq3A_215, %max3A_199, %min3A_198 : vector<512x128xi1>, vector<512x128xf32>
    %select_n3A_226 = arith.select %eq3A_215, %min3A_200, %max3A_199 : vector<512x128xi1>, vector<512x128xf32>
    %select_n3A_227 = arith.select %eq3A_215, %max3A_201, %min3A_200 : vector<512x128xi1>, vector<512x128xf32>
    %select_n3A_228 = arith.select %eq3A_215, %min3A_202, %max3A_201 : vector<512x128xi1>, vector<512x128xf32>
    %select_n3A_229 = arith.select %eq3A_215, %min3A_180, %min3A_202 : vector<512x128xi1>, vector<512x128xf32>
    %jit3A = arith.constant 0.000000e+00 : f32
    %broadcast_in_dim3A_230 = vector.broadcast %jit3A : f32 to vector<512x128xf32>
    %select_n3A_231 = arith.select %eq3A_215, %broadcast_in_dim3A_230, %min3A_180 : vector<512x128xi1>, vector<512x128xf32>
    %reduce_max3A_232 = arith.constant dense<0xFF800000> : vector<512xf32>
    %reduce_max3A_233 = vector.multi_reduction <maximumf>, %select_n3A, %reduce_max3A_232 [1] : vector<512x128xf32> to vector<512xf32>
    %broadcast_in_dim3A_234 = vector.shape_cast %reduce_max3A_233 : vector<512xf32> to vector<512x1xf32>
    %bitcast_convert_type3A_235 = tpu.bitcast %broadcast_in_dim3A_234 : vector<512x1xf32> -> vector<512x1xi32>
    %and3A_236 = arith.constant 2047 : i32
    %and3A_237 = vector.broadcast %and3A_236 : i32 to vector<512x1xi32>
    %and3A_238 = arith.andi %bitcast_convert_type3A_235, %and3A_237 : vector<512x1xi32>
    %sub3A_239 = arith.constant 2047 : i32
    %sub3A_240 = vector.broadcast %sub3A_239 : i32 to vector<512x1xi32>
    %sub3A_241 = arith.subi %sub3A_240, %and3A_238 : vector<512x1xi32>
    %add3A_242 = vector.broadcast %mul3A_204 : i32 to vector<512x1xi32>
    %add3A_243 = arith.addi %sub3A_241, %add3A_242 : vector<512x1xi32>
    %eq3A_244 = vector.broadcast %broadcast_in_dim3A_234 : vector<512x1xf32> to vector<512x128xf32>
    %eq3A_245 = arith.cmpf oeq, %select_n3A, %eq3A_244 : vector<512x128xf32>
    %select_n3A_246 = arith.select %eq3A_245, %select_n3A_216, %select_n3A : vector<512x128xi1>, vector<512x128xf32>
    %select_n3A_247 = arith.select %eq3A_245, %select_n3A_217, %select_n3A_216 : vector<512x128xi1>, vector<512x128xf32>
    %select_n3A_248 = arith.select %eq3A_245, %select_n3A_218, %select_n3A_217 : vector<512x128xi1>, vector<512x128xf32>
    %select_n3A_249 = arith.select %eq3A_245, %select_n3A_219, %select_n3A_218 : vector<512x128xi1>, vector<512x128xf32>
    %select_n3A_250 = arith.select %eq3A_245, %select_n3A_220, %select_n3A_219 : vector<512x128xi1>, vector<512x128xf32>
    %select_n3A_251 = arith.select %eq3A_245, %select_n3A_221, %select_n3A_220 : vector<512x128xi1>, vector<512x128xf32>
    %select_n3A_252 = arith.select %eq3A_245, %select_n3A_222, %select_n3A_221 : vector<512x128xi1>, vector<512x128xf32>
    %select_n3A_253 = arith.select %eq3A_245, %select_n3A_223, %select_n3A_222 : vector<512x128xi1>, vector<512x128xf32>
    %select_n3A_254 = arith.select %eq3A_245, %select_n3A_224, %select_n3A_223 : vector<512x128xi1>, vector<512x128xf32>
    %select_n3A_255 = arith.select %eq3A_245, %select_n3A_225, %select_n3A_224 : vector<512x128xi1>, vector<512x128xf32>
    %select_n3A_256 = arith.select %eq3A_245, %select_n3A_226, %select_n3A_225 : vector<512x128xi1>, vector<512x128xf32>
    %select_n3A_257 = arith.select %eq3A_245, %select_n3A_227, %select_n3A_226 : vector<512x128xi1>, vector<512x128xf32>
    %select_n3A_258 = arith.select %eq3A_245, %select_n3A_228, %select_n3A_227 : vector<512x128xi1>, vector<512x128xf32>
    %select_n3A_259 = arith.select %eq3A_245, %select_n3A_229, %select_n3A_228 : vector<512x128xi1>, vector<512x128xf32>
    %select_n3A_260 = arith.select %eq3A_245, %select_n3A_231, %select_n3A_229 : vector<512x128xi1>, vector<512x128xf32>
    %jit3A_261 = arith.constant 0.000000e+00 : f32
    %broadcast_in_dim3A_262 = vector.broadcast %jit3A_261 : f32 to vector<512x128xf32>
    %select_n3A_263 = arith.select %eq3A_245, %broadcast_in_dim3A_262, %select_n3A_231 : vector<512x128xi1>, vector<512x128xf32>
    %reduce_max3A_264 = arith.constant dense<0xFF800000> : vector<512xf32>
    %reduce_max3A_265 = vector.multi_reduction <maximumf>, %select_n3A_246, %reduce_max3A_264 [1] : vector<512x128xf32> to vector<512xf32>
    %broadcast_in_dim3A_266 = vector.shape_cast %reduce_max3A_265 : vector<512xf32> to vector<512x1xf32>
    %bitcast_convert_type3A_267 = tpu.bitcast %broadcast_in_dim3A_266 : vector<512x1xf32> -> vector<512x1xi32>
    %and3A_268 = arith.constant 2047 : i32
    %and3A_269 = vector.broadcast %and3A_268 : i32 to vector<512x1xi32>
    %and3A_270 = arith.andi %bitcast_convert_type3A_267, %and3A_269 : vector<512x1xi32>
    %sub3A_271 = arith.constant 2047 : i32
    %sub3A_272 = vector.broadcast %sub3A_271 : i32 to vector<512x1xi32>
    %sub3A_273 = arith.subi %sub3A_272, %and3A_270 : vector<512x1xi32>
    %add3A_274 = vector.broadcast %mul3A_204 : i32 to vector<512x1xi32>
    %add3A_275 = arith.addi %sub3A_273, %add3A_274 : vector<512x1xi32>
    %eq3A_276 = vector.broadcast %broadcast_in_dim3A_266 : vector<512x1xf32> to vector<512x128xf32>
    %eq3A_277 = arith.cmpf oeq, %select_n3A_246, %eq3A_276 : vector<512x128xf32>
    %select_n3A_278 = arith.select %eq3A_277, %select_n3A_247, %select_n3A_246 : vector<512x128xi1>, vector<512x128xf32>
    %select_n3A_279 = arith.select %eq3A_277, %select_n3A_248, %select_n3A_247 : vector<512x128xi1>, vector<512x128xf32>
    %select_n3A_280 = arith.select %eq3A_277, %select_n3A_249, %select_n3A_248 : vector<512x128xi1>, vector<512x128xf32>
    %select_n3A_281 = arith.select %eq3A_277, %select_n3A_250, %select_n3A_249 : vector<512x128xi1>, vector<512x128xf32>
    %select_n3A_282 = arith.select %eq3A_277, %select_n3A_251, %select_n3A_250 : vector<512x128xi1>, vector<512x128xf32>
    %select_n3A_283 = arith.select %eq3A_277, %select_n3A_252, %select_n3A_251 : vector<512x128xi1>, vector<512x128xf32>
    %select_n3A_284 = arith.select %eq3A_277, %select_n3A_253, %select_n3A_252 : vector<512x128xi1>, vector<512x128xf32>
    %select_n3A_285 = arith.select %eq3A_277, %select_n3A_254, %select_n3A_253 : vector<512x128xi1>, vector<512x128xf32>
    %select_n3A_286 = arith.select %eq3A_277, %select_n3A_255, %select_n3A_254 : vector<512x128xi1>, vector<512x128xf32>
    %select_n3A_287 = arith.select %eq3A_277, %select_n3A_256, %select_n3A_255 : vector<512x128xi1>, vector<512x128xf32>
    %select_n3A_288 = arith.select %eq3A_277, %select_n3A_257, %select_n3A_256 : vector<512x128xi1>, vector<512x128xf32>
    %select_n3A_289 = arith.select %eq3A_277, %select_n3A_258, %select_n3A_257 : vector<512x128xi1>, vector<512x128xf32>
    %select_n3A_290 = arith.select %eq3A_277, %select_n3A_259, %select_n3A_258 : vector<512x128xi1>, vector<512x128xf32>
    %select_n3A_291 = arith.select %eq3A_277, %select_n3A_260, %select_n3A_259 : vector<512x128xi1>, vector<512x128xf32>
    %select_n3A_292 = arith.select %eq3A_277, %select_n3A_263, %select_n3A_260 : vector<512x128xi1>, vector<512x128xf32>
    %jit3A_293 = arith.constant 0.000000e+00 : f32
    %broadcast_in_dim3A_294 = vector.broadcast %jit3A_293 : f32 to vector<512x128xf32>
    %select_n3A_295 = arith.select %eq3A_277, %broadcast_in_dim3A_294, %select_n3A_263 : vector<512x128xi1>, vector<512x128xf32>
    %reduce_max3A_296 = arith.constant dense<0xFF800000> : vector<512xf32>
    %reduce_max3A_297 = vector.multi_reduction <maximumf>, %select_n3A_278, %reduce_max3A_296 [1] : vector<512x128xf32> to vector<512xf32>
    %broadcast_in_dim3A_298 = vector.shape_cast %reduce_max3A_297 : vector<512xf32> to vector<512x1xf32>
    %bitcast_convert_type3A_299 = tpu.bitcast %broadcast_in_dim3A_298 : vector<512x1xf32> -> vector<512x1xi32>
    %and3A_300 = arith.constant 2047 : i32
    %and3A_301 = vector.broadcast %and3A_300 : i32 to vector<512x1xi32>
    %and3A_302 = arith.andi %bitcast_convert_type3A_299, %and3A_301 : vector<512x1xi32>
    %sub3A_303 = arith.constant 2047 : i32
    %sub3A_304 = vector.broadcast %sub3A_303 : i32 to vector<512x1xi32>
    %sub3A_305 = arith.subi %sub3A_304, %and3A_302 : vector<512x1xi32>
    %add3A_306 = vector.broadcast %mul3A_204 : i32 to vector<512x1xi32>
    %add3A_307 = arith.addi %sub3A_305, %add3A_306 : vector<512x1xi32>
    %eq3A_308 = vector.broadcast %broadcast_in_dim3A_298 : vector<512x1xf32> to vector<512x128xf32>
    %eq3A_309 = arith.cmpf oeq, %select_n3A_278, %eq3A_308 : vector<512x128xf32>
    %select_n3A_310 = arith.select %eq3A_309, %select_n3A_279, %select_n3A_278 : vector<512x128xi1>, vector<512x128xf32>
    %select_n3A_311 = arith.select %eq3A_309, %select_n3A_280, %select_n3A_279 : vector<512x128xi1>, vector<512x128xf32>
    %select_n3A_312 = arith.select %eq3A_309, %select_n3A_281, %select_n3A_280 : vector<512x128xi1>, vector<512x128xf32>
    %select_n3A_313 = arith.select %eq3A_309, %select_n3A_282, %select_n3A_281 : vector<512x128xi1>, vector<512x128xf32>
    %select_n3A_314 = arith.select %eq3A_309, %select_n3A_283, %select_n3A_282 : vector<512x128xi1>, vector<512x128xf32>
    %select_n3A_315 = arith.select %eq3A_309, %select_n3A_284, %select_n3A_283 : vector<512x128xi1>, vector<512x128xf32>
    %select_n3A_316 = arith.select %eq3A_309, %select_n3A_285, %select_n3A_284 : vector<512x128xi1>, vector<512x128xf32>
    %select_n3A_317 = arith.select %eq3A_309, %select_n3A_286, %select_n3A_285 : vector<512x128xi1>, vector<512x128xf32>
    %select_n3A_318 = arith.select %eq3A_309, %select_n3A_287, %select_n3A_286 : vector<512x128xi1>, vector<512x128xf32>
    %select_n3A_319 = arith.select %eq3A_309, %select_n3A_288, %select_n3A_287 : vector<512x128xi1>, vector<512x128xf32>
    %select_n3A_320 = arith.select %eq3A_309, %select_n3A_289, %select_n3A_288 : vector<512x128xi1>, vector<512x128xf32>
    %select_n3A_321 = arith.select %eq3A_309, %select_n3A_290, %select_n3A_289 : vector<512x128xi1>, vector<512x128xf32>
    %select_n3A_322 = arith.select %eq3A_309, %select_n3A_291, %select_n3A_290 : vector<512x128xi1>, vector<512x128xf32>
    %select_n3A_323 = arith.select %eq3A_309, %select_n3A_292, %select_n3A_291 : vector<512x128xi1>, vector<512x128xf32>
    %select_n3A_324 = arith.select %eq3A_309, %select_n3A_295, %select_n3A_292 : vector<512x128xi1>, vector<512x128xf32>
    %jit3A_325 = arith.constant 0.000000e+00 : f32
    %broadcast_in_dim3A_326 = vector.broadcast %jit3A_325 : f32 to vector<512x128xf32>
    %select_n3A_327 = arith.select %eq3A_309, %broadcast_in_dim3A_326, %select_n3A_295 : vector<512x128xi1>, vector<512x128xf32>
    %reduce_max3A_328 = arith.constant dense<0xFF800000> : vector<512xf32>
    %reduce_max3A_329 = vector.multi_reduction <maximumf>, %select_n3A_310, %reduce_max3A_328 [1] : vector<512x128xf32> to vector<512xf32>
    %broadcast_in_dim3A_330 = vector.shape_cast %reduce_max3A_329 : vector<512xf32> to vector<512x1xf32>
    %bitcast_convert_type3A_331 = tpu.bitcast %broadcast_in_dim3A_330 : vector<512x1xf32> -> vector<512x1xi32>
    %and3A_332 = arith.constant 2047 : i32
    %and3A_333 = vector.broadcast %and3A_332 : i32 to vector<512x1xi32>
    %and3A_334 = arith.andi %bitcast_convert_type3A_331, %and3A_333 : vector<512x1xi32>
    %sub3A_335 = arith.constant 2047 : i32
    %sub3A_336 = vector.broadcast %sub3A_335 : i32 to vector<512x1xi32>
    %sub3A_337 = arith.subi %sub3A_336, %and3A_334 : vector<512x1xi32>
    %add3A_338 = vector.broadcast %mul3A_204 : i32 to vector<512x1xi32>
    %add3A_339 = arith.addi %sub3A_337, %add3A_338 : vector<512x1xi32>
    %eq3A_340 = vector.broadcast %broadcast_in_dim3A_330 : vector<512x1xf32> to vector<512x128xf32>
    %eq3A_341 = arith.cmpf oeq, %select_n3A_310, %eq3A_340 : vector<512x128xf32>
    %select_n3A_342 = arith.select %eq3A_341, %select_n3A_311, %select_n3A_310 : vector<512x128xi1>, vector<512x128xf32>
    %select_n3A_343 = arith.select %eq3A_341, %select_n3A_312, %select_n3A_311 : vector<512x128xi1>, vector<512x128xf32>
    %select_n3A_344 = arith.select %eq3A_341, %select_n3A_313, %select_n3A_312 : vector<512x128xi1>, vector<512x128xf32>
    %select_n3A_345 = arith.select %eq3A_341, %select_n3A_314, %select_n3A_313 : vector<512x128xi1>, vector<512x128xf32>
    %select_n3A_346 = arith.select %eq3A_341, %select_n3A_315, %select_n3A_314 : vector<512x128xi1>, vector<512x128xf32>
    %select_n3A_347 = arith.select %eq3A_341, %select_n3A_316, %select_n3A_315 : vector<512x128xi1>, vector<512x128xf32>
    %select_n3A_348 = arith.select %eq3A_341, %select_n3A_317, %select_n3A_316 : vector<512x128xi1>, vector<512x128xf32>
    %select_n3A_349 = arith.select %eq3A_341, %select_n3A_318, %select_n3A_317 : vector<512x128xi1>, vector<512x128xf32>
    %select_n3A_350 = arith.select %eq3A_341, %select_n3A_319, %select_n3A_318 : vector<512x128xi1>, vector<512x128xf32>
    %select_n3A_351 = arith.select %eq3A_341, %select_n3A_320, %select_n3A_319 : vector<512x128xi1>, vector<512x128xf32>
    %select_n3A_352 = arith.select %eq3A_341, %select_n3A_321, %select_n3A_320 : vector<512x128xi1>, vector<512x128xf32>
    %select_n3A_353 = arith.select %eq3A_341, %select_n3A_322, %select_n3A_321 : vector<512x128xi1>, vector<512x128xf32>
    %select_n3A_354 = arith.select %eq3A_341, %select_n3A_323, %select_n3A_322 : vector<512x128xi1>, vector<512x128xf32>
    %select_n3A_355 = arith.select %eq3A_341, %select_n3A_324, %select_n3A_323 : vector<512x128xi1>, vector<512x128xf32>
    %select_n3A_356 = arith.select %eq3A_341, %select_n3A_327, %select_n3A_324 : vector<512x128xi1>, vector<512x128xf32>
    %reduce_max3A_357 = arith.constant dense<0xFF800000> : vector<512xf32>
    %reduce_max3A_358 = vector.multi_reduction <maximumf>, %select_n3A_342, %reduce_max3A_357 [1] : vector<512x128xf32> to vector<512xf32>
    %broadcast_in_dim3A_359 = vector.shape_cast %reduce_max3A_358 : vector<512xf32> to vector<512x1xf32>
    %bitcast_convert_type3A_360 = tpu.bitcast %broadcast_in_dim3A_359 : vector<512x1xf32> -> vector<512x1xi32>
    %and3A_361 = arith.constant 2047 : i32
    %and3A_362 = vector.broadcast %and3A_361 : i32 to vector<512x1xi32>
    %and3A_363 = arith.andi %bitcast_convert_type3A_360, %and3A_362 : vector<512x1xi32>
    %sub3A_364 = arith.constant 2047 : i32
    %sub3A_365 = vector.broadcast %sub3A_364 : i32 to vector<512x1xi32>
    %sub3A_366 = arith.subi %sub3A_365, %and3A_363 : vector<512x1xi32>
    %add3A_367 = vector.broadcast %mul3A_204 : i32 to vector<512x1xi32>
    %add3A_368 = arith.addi %sub3A_366, %add3A_367 : vector<512x1xi32>
    %eq3A_369 = vector.broadcast %broadcast_in_dim3A_359 : vector<512x1xf32> to vector<512x128xf32>
    %eq3A_370 = arith.cmpf oeq, %select_n3A_342, %eq3A_369 : vector<512x128xf32>
    %select_n3A_371 = arith.select %eq3A_370, %select_n3A_343, %select_n3A_342 : vector<512x128xi1>, vector<512x128xf32>
    %select_n3A_372 = arith.select %eq3A_370, %select_n3A_344, %select_n3A_343 : vector<512x128xi1>, vector<512x128xf32>
    %select_n3A_373 = arith.select %eq3A_370, %select_n3A_345, %select_n3A_344 : vector<512x128xi1>, vector<512x128xf32>
    %select_n3A_374 = arith.select %eq3A_370, %select_n3A_346, %select_n3A_345 : vector<512x128xi1>, vector<512x128xf32>
    %select_n3A_375 = arith.select %eq3A_370, %select_n3A_347, %select_n3A_346 : vector<512x128xi1>, vector<512x128xf32>
    %select_n3A_376 = arith.select %eq3A_370, %select_n3A_348, %select_n3A_347 : vector<512x128xi1>, vector<512x128xf32>
    %select_n3A_377 = arith.select %eq3A_370, %select_n3A_349, %select_n3A_348 : vector<512x128xi1>, vector<512x128xf32>
    %select_n3A_378 = arith.select %eq3A_370, %select_n3A_350, %select_n3A_349 : vector<512x128xi1>, vector<512x128xf32>
    %select_n3A_379 = arith.select %eq3A_370, %select_n3A_351, %select_n3A_350 : vector<512x128xi1>, vector<512x128xf32>
    %select_n3A_380 = arith.select %eq3A_370, %select_n3A_352, %select_n3A_351 : vector<512x128xi1>, vector<512x128xf32>
    %select_n3A_381 = arith.select %eq3A_370, %select_n3A_353, %select_n3A_352 : vector<512x128xi1>, vector<512x128xf32>
    %select_n3A_382 = arith.select %eq3A_370, %select_n3A_354, %select_n3A_353 : vector<512x128xi1>, vector<512x128xf32>
    %select_n3A_383 = arith.select %eq3A_370, %select_n3A_355, %select_n3A_354 : vector<512x128xi1>, vector<512x128xf32>
    %select_n3A_384 = arith.select %eq3A_370, %select_n3A_356, %select_n3A_355 : vector<512x128xi1>, vector<512x128xf32>
    %reduce_max3A_385 = arith.constant dense<0xFF800000> : vector<512xf32>
    %reduce_max3A_386 = vector.multi_reduction <maximumf>, %select_n3A_371, %reduce_max3A_385 [1] : vector<512x128xf32> to vector<512xf32>
    %broadcast_in_dim3A_387 = vector.shape_cast %reduce_max3A_386 : vector<512xf32> to vector<512x1xf32>
    %bitcast_convert_type3A_388 = tpu.bitcast %broadcast_in_dim3A_387 : vector<512x1xf32> -> vector<512x1xi32>
    %and3A_389 = arith.constant 2047 : i32
    %and3A_390 = vector.broadcast %and3A_389 : i32 to vector<512x1xi32>
    %and3A_391 = arith.andi %bitcast_convert_type3A_388, %and3A_390 : vector<512x1xi32>
    %sub3A_392 = arith.constant 2047 : i32
    %sub3A_393 = vector.broadcast %sub3A_392 : i32 to vector<512x1xi32>
    %sub3A_394 = arith.subi %sub3A_393, %and3A_391 : vector<512x1xi32>
    %add3A_395 = vector.broadcast %mul3A_204 : i32 to vector<512x1xi32>
    %add3A_396 = arith.addi %sub3A_394, %add3A_395 : vector<512x1xi32>
    %eq3A_397 = vector.broadcast %broadcast_in_dim3A_387 : vector<512x1xf32> to vector<512x128xf32>
    %eq3A_398 = arith.cmpf oeq, %select_n3A_371, %eq3A_397 : vector<512x128xf32>
    %select_n3A_399 = arith.select %eq3A_398, %select_n3A_372, %select_n3A_371 : vector<512x128xi1>, vector<512x128xf32>
    %select_n3A_400 = arith.select %eq3A_398, %select_n3A_373, %select_n3A_372 : vector<512x128xi1>, vector<512x128xf32>
    %select_n3A_401 = arith.select %eq3A_398, %select_n3A_374, %select_n3A_373 : vector<512x128xi1>, vector<512x128xf32>
    %select_n3A_402 = arith.select %eq3A_398, %select_n3A_375, %select_n3A_374 : vector<512x128xi1>, vector<512x128xf32>
    %select_n3A_403 = arith.select %eq3A_398, %select_n3A_376, %select_n3A_375 : vector<512x128xi1>, vector<512x128xf32>
    %select_n3A_404 = arith.select %eq3A_398, %select_n3A_377, %select_n3A_376 : vector<512x128xi1>, vector<512x128xf32>
    %select_n3A_405 = arith.select %eq3A_398, %select_n3A_378, %select_n3A_377 : vector<512x128xi1>, vector<512x128xf32>
    %select_n3A_406 = arith.select %eq3A_398, %select_n3A_379, %select_n3A_378 : vector<512x128xi1>, vector<512x128xf32>
    %select_n3A_407 = arith.select %eq3A_398, %select_n3A_380, %select_n3A_379 : vector<512x128xi1>, vector<512x128xf32>
    %select_n3A_408 = arith.select %eq3A_398, %select_n3A_381, %select_n3A_380 : vector<512x128xi1>, vector<512x128xf32>
    %select_n3A_409 = arith.select %eq3A_398, %select_n3A_382, %select_n3A_381 : vector<512x128xi1>, vector<512x128xf32>
    %select_n3A_410 = arith.select %eq3A_398, %select_n3A_383, %select_n3A_382 : vector<512x128xi1>, vector<512x128xf32>
    %select_n3A_411 = arith.select %eq3A_398, %select_n3A_384, %select_n3A_383 : vector<512x128xi1>, vector<512x128xf32>
    %reduce_max3A_412 = arith.constant dense<0xFF800000> : vector<512xf32>
    %reduce_max3A_413 = vector.multi_reduction <maximumf>, %select_n3A_399, %reduce_max3A_412 [1] : vector<512x128xf32> to vector<512xf32>
    %broadcast_in_dim3A_414 = vector.shape_cast %reduce_max3A_413 : vector<512xf32> to vector<512x1xf32>
    %bitcast_convert_type3A_415 = tpu.bitcast %broadcast_in_dim3A_414 : vector<512x1xf32> -> vector<512x1xi32>
    %and3A_416 = arith.constant 2047 : i32
    %and3A_417 = vector.broadcast %and3A_416 : i32 to vector<512x1xi32>
    %and3A_418 = arith.andi %bitcast_convert_type3A_415, %and3A_417 : vector<512x1xi32>
    %sub3A_419 = arith.constant 2047 : i32
    %sub3A_420 = vector.broadcast %sub3A_419 : i32 to vector<512x1xi32>
    %sub3A_421 = arith.subi %sub3A_420, %and3A_418 : vector<512x1xi32>
    %add3A_422 = vector.broadcast %mul3A_204 : i32 to vector<512x1xi32>
    %add3A_423 = arith.addi %sub3A_421, %add3A_422 : vector<512x1xi32>
    %eq3A_424 = vector.broadcast %broadcast_in_dim3A_414 : vector<512x1xf32> to vector<512x128xf32>
    %eq3A_425 = arith.cmpf oeq, %select_n3A_399, %eq3A_424 : vector<512x128xf32>
    %select_n3A_426 = arith.select %eq3A_425, %select_n3A_400, %select_n3A_399 : vector<512x128xi1>, vector<512x128xf32>
    %select_n3A_427 = arith.select %eq3A_425, %select_n3A_401, %select_n3A_400 : vector<512x128xi1>, vector<512x128xf32>
    %select_n3A_428 = arith.select %eq3A_425, %select_n3A_402, %select_n3A_401 : vector<512x128xi1>, vector<512x128xf32>
    %select_n3A_429 = arith.select %eq3A_425, %select_n3A_403, %select_n3A_402 : vector<512x128xi1>, vector<512x128xf32>
    %select_n3A_430 = arith.select %eq3A_425, %select_n3A_404, %select_n3A_403 : vector<512x128xi1>, vector<512x128xf32>
    %select_n3A_431 = arith.select %eq3A_425, %select_n3A_405, %select_n3A_404 : vector<512x128xi1>, vector<512x128xf32>
    %select_n3A_432 = arith.select %eq3A_425, %select_n3A_406, %select_n3A_405 : vector<512x128xi1>, vector<512x128xf32>
    %select_n3A_433 = arith.select %eq3A_425, %select_n3A_407, %select_n3A_406 : vector<512x128xi1>, vector<512x128xf32>
    %select_n3A_434 = arith.select %eq3A_425, %select_n3A_408, %select_n3A_407 : vector<512x128xi1>, vector<512x128xf32>
    %select_n3A_435 = arith.select %eq3A_425, %select_n3A_409, %select_n3A_408 : vector<512x128xi1>, vector<512x128xf32>
    %select_n3A_436 = arith.select %eq3A_425, %select_n3A_410, %select_n3A_409 : vector<512x128xi1>, vector<512x128xf32>
    %select_n3A_437 = arith.select %eq3A_425, %select_n3A_411, %select_n3A_410 : vector<512x128xi1>, vector<512x128xf32>
    %reduce_max3A_438 = arith.constant dense<0xFF800000> : vector<512xf32>
    %reduce_max3A_439 = vector.multi_reduction <maximumf>, %select_n3A_426, %reduce_max3A_438 [1] : vector<512x128xf32> to vector<512xf32>
    %broadcast_in_dim3A_440 = vector.shape_cast %reduce_max3A_439 : vector<512xf32> to vector<512x1xf32>
    %bitcast_convert_type3A_441 = tpu.bitcast %broadcast_in_dim3A_440 : vector<512x1xf32> -> vector<512x1xi32>
    %and3A_442 = arith.constant 2047 : i32
    %and3A_443 = vector.broadcast %and3A_442 : i32 to vector<512x1xi32>
    %and3A_444 = arith.andi %bitcast_convert_type3A_441, %and3A_443 : vector<512x1xi32>
    %sub3A_445 = arith.constant 2047 : i32
    %sub3A_446 = vector.broadcast %sub3A_445 : i32 to vector<512x1xi32>
    %sub3A_447 = arith.subi %sub3A_446, %and3A_444 : vector<512x1xi32>
    %add3A_448 = vector.broadcast %mul3A_204 : i32 to vector<512x1xi32>
    %add3A_449 = arith.addi %sub3A_447, %add3A_448 : vector<512x1xi32>
    %eq3A_450 = vector.broadcast %broadcast_in_dim3A_440 : vector<512x1xf32> to vector<512x128xf32>
    %eq3A_451 = arith.cmpf oeq, %select_n3A_426, %eq3A_450 : vector<512x128xf32>
    %select_n3A_452 = arith.select %eq3A_451, %select_n3A_427, %select_n3A_426 : vector<512x128xi1>, vector<512x128xf32>
    %select_n3A_453 = arith.select %eq3A_451, %select_n3A_428, %select_n3A_427 : vector<512x128xi1>, vector<512x128xf32>
    %select_n3A_454 = arith.select %eq3A_451, %select_n3A_429, %select_n3A_428 : vector<512x128xi1>, vector<512x128xf32>
    %select_n3A_455 = arith.select %eq3A_451, %select_n3A_430, %select_n3A_429 : vector<512x128xi1>, vector<512x128xf32>
    %select_n3A_456 = arith.select %eq3A_451, %select_n3A_431, %select_n3A_430 : vector<512x128xi1>, vector<512x128xf32>
    %select_n3A_457 = arith.select %eq3A_451, %select_n3A_432, %select_n3A_431 : vector<512x128xi1>, vector<512x128xf32>
    %select_n3A_458 = arith.select %eq3A_451, %select_n3A_433, %select_n3A_432 : vector<512x128xi1>, vector<512x128xf32>
    %select_n3A_459 = arith.select %eq3A_451, %select_n3A_434, %select_n3A_433 : vector<512x128xi1>, vector<512x128xf32>
    %select_n3A_460 = arith.select %eq3A_451, %select_n3A_435, %select_n3A_434 : vector<512x128xi1>, vector<512x128xf32>
    %select_n3A_461 = arith.select %eq3A_451, %select_n3A_436, %select_n3A_435 : vector<512x128xi1>, vector<512x128xf32>
    %select_n3A_462 = arith.select %eq3A_451, %select_n3A_437, %select_n3A_436 : vector<512x128xi1>, vector<512x128xf32>
    %reduce_max3A_463 = arith.constant dense<0xFF800000> : vector<512xf32>
    %reduce_max3A_464 = vector.multi_reduction <maximumf>, %select_n3A_452, %reduce_max3A_463 [1] : vector<512x128xf32> to vector<512xf32>
    %broadcast_in_dim3A_465 = vector.shape_cast %reduce_max3A_464 : vector<512xf32> to vector<512x1xf32>
    %bitcast_convert_type3A_466 = tpu.bitcast %broadcast_in_dim3A_465 : vector<512x1xf32> -> vector<512x1xi32>
    %and3A_467 = arith.constant 2047 : i32
    %and3A_468 = vector.broadcast %and3A_467 : i32 to vector<512x1xi32>
    %and3A_469 = arith.andi %bitcast_convert_type3A_466, %and3A_468 : vector<512x1xi32>
    %sub3A_470 = arith.constant 2047 : i32
    %sub3A_471 = vector.broadcast %sub3A_470 : i32 to vector<512x1xi32>
    %sub3A_472 = arith.subi %sub3A_471, %and3A_469 : vector<512x1xi32>
    %add3A_473 = vector.broadcast %mul3A_204 : i32 to vector<512x1xi32>
    %add3A_474 = arith.addi %sub3A_472, %add3A_473 : vector<512x1xi32>
    %eq3A_475 = vector.broadcast %broadcast_in_dim3A_465 : vector<512x1xf32> to vector<512x128xf32>
    %eq3A_476 = arith.cmpf oeq, %select_n3A_452, %eq3A_475 : vector<512x128xf32>
    %select_n3A_477 = arith.select %eq3A_476, %select_n3A_453, %select_n3A_452 : vector<512x128xi1>, vector<512x128xf32>
    %select_n3A_478 = arith.select %eq3A_476, %select_n3A_454, %select_n3A_453 : vector<512x128xi1>, vector<512x128xf32>
    %select_n3A_479 = arith.select %eq3A_476, %select_n3A_455, %select_n3A_454 : vector<512x128xi1>, vector<512x128xf32>
    %select_n3A_480 = arith.select %eq3A_476, %select_n3A_456, %select_n3A_455 : vector<512x128xi1>, vector<512x128xf32>
    %select_n3A_481 = arith.select %eq3A_476, %select_n3A_457, %select_n3A_456 : vector<512x128xi1>, vector<512x128xf32>
    %select_n3A_482 = arith.select %eq3A_476, %select_n3A_458, %select_n3A_457 : vector<512x128xi1>, vector<512x128xf32>
    %select_n3A_483 = arith.select %eq3A_476, %select_n3A_459, %select_n3A_458 : vector<512x128xi1>, vector<512x128xf32>
    %select_n3A_484 = arith.select %eq3A_476, %select_n3A_460, %select_n3A_459 : vector<512x128xi1>, vector<512x128xf32>
    %select_n3A_485 = arith.select %eq3A_476, %select_n3A_461, %select_n3A_460 : vector<512x128xi1>, vector<512x128xf32>
    %select_n3A_486 = arith.select %eq3A_476, %select_n3A_462, %select_n3A_461 : vector<512x128xi1>, vector<512x128xf32>
    %reduce_max3A_487 = arith.constant dense<0xFF800000> : vector<512xf32>
    %reduce_max3A_488 = vector.multi_reduction <maximumf>, %select_n3A_477, %reduce_max3A_487 [1] : vector<512x128xf32> to vector<512xf32>
    %broadcast_in_dim3A_489 = vector.shape_cast %reduce_max3A_488 : vector<512xf32> to vector<512x1xf32>
    %bitcast_convert_type3A_490 = tpu.bitcast %broadcast_in_dim3A_489 : vector<512x1xf32> -> vector<512x1xi32>
    %and3A_491 = arith.constant 2047 : i32
    %and3A_492 = vector.broadcast %and3A_491 : i32 to vector<512x1xi32>
    %and3A_493 = arith.andi %bitcast_convert_type3A_490, %and3A_492 : vector<512x1xi32>
    %sub3A_494 = arith.constant 2047 : i32
    %sub3A_495 = vector.broadcast %sub3A_494 : i32 to vector<512x1xi32>
    %sub3A_496 = arith.subi %sub3A_495, %and3A_493 : vector<512x1xi32>
    %add3A_497 = vector.broadcast %mul3A_204 : i32 to vector<512x1xi32>
    %add3A_498 = arith.addi %sub3A_496, %add3A_497 : vector<512x1xi32>
    %eq3A_499 = vector.broadcast %broadcast_in_dim3A_489 : vector<512x1xf32> to vector<512x128xf32>
    %eq3A_500 = arith.cmpf oeq, %select_n3A_477, %eq3A_499 : vector<512x128xf32>
    %select_n3A_501 = arith.select %eq3A_500, %select_n3A_478, %select_n3A_477 : vector<512x128xi1>, vector<512x128xf32>
    %select_n3A_502 = arith.select %eq3A_500, %select_n3A_479, %select_n3A_478 : vector<512x128xi1>, vector<512x128xf32>
    %select_n3A_503 = arith.select %eq3A_500, %select_n3A_480, %select_n3A_479 : vector<512x128xi1>, vector<512x128xf32>
    %select_n3A_504 = arith.select %eq3A_500, %select_n3A_481, %select_n3A_480 : vector<512x128xi1>, vector<512x128xf32>
    %select_n3A_505 = arith.select %eq3A_500, %select_n3A_482, %select_n3A_481 : vector<512x128xi1>, vector<512x128xf32>
    %select_n3A_506 = arith.select %eq3A_500, %select_n3A_483, %select_n3A_482 : vector<512x128xi1>, vector<512x128xf32>
    %select_n3A_507 = arith.select %eq3A_500, %select_n3A_484, %select_n3A_483 : vector<512x128xi1>, vector<512x128xf32>
    %select_n3A_508 = arith.select %eq3A_500, %select_n3A_485, %select_n3A_484 : vector<512x128xi1>, vector<512x128xf32>
    %select_n3A_509 = arith.select %eq3A_500, %select_n3A_486, %select_n3A_485 : vector<512x128xi1>, vector<512x128xf32>
    %reduce_max3A_510 = arith.constant dense<0xFF800000> : vector<512xf32>
    %reduce_max3A_511 = vector.multi_reduction <maximumf>, %select_n3A_501, %reduce_max3A_510 [1] : vector<512x128xf32> to vector<512xf32>
    %broadcast_in_dim3A_512 = vector.shape_cast %reduce_max3A_511 : vector<512xf32> to vector<512x1xf32>
    %bitcast_convert_type3A_513 = tpu.bitcast %broadcast_in_dim3A_512 : vector<512x1xf32> -> vector<512x1xi32>
    %and3A_514 = arith.constant 2047 : i32
    %and3A_515 = vector.broadcast %and3A_514 : i32 to vector<512x1xi32>
    %and3A_516 = arith.andi %bitcast_convert_type3A_513, %and3A_515 : vector<512x1xi32>
    %sub3A_517 = arith.constant 2047 : i32
    %sub3A_518 = vector.broadcast %sub3A_517 : i32 to vector<512x1xi32>
    %sub3A_519 = arith.subi %sub3A_518, %and3A_516 : vector<512x1xi32>
    %add3A_520 = vector.broadcast %mul3A_204 : i32 to vector<512x1xi32>
    %add3A_521 = arith.addi %sub3A_519, %add3A_520 : vector<512x1xi32>
    %eq3A_522 = vector.broadcast %broadcast_in_dim3A_512 : vector<512x1xf32> to vector<512x128xf32>
    %eq3A_523 = arith.cmpf oeq, %select_n3A_501, %eq3A_522 : vector<512x128xf32>
    %select_n3A_524 = arith.select %eq3A_523, %select_n3A_502, %select_n3A_501 : vector<512x128xi1>, vector<512x128xf32>
    %select_n3A_525 = arith.select %eq3A_523, %select_n3A_503, %select_n3A_502 : vector<512x128xi1>, vector<512x128xf32>
    %select_n3A_526 = arith.select %eq3A_523, %select_n3A_504, %select_n3A_503 : vector<512x128xi1>, vector<512x128xf32>
    %select_n3A_527 = arith.select %eq3A_523, %select_n3A_505, %select_n3A_504 : vector<512x128xi1>, vector<512x128xf32>
    %select_n3A_528 = arith.select %eq3A_523, %select_n3A_506, %select_n3A_505 : vector<512x128xi1>, vector<512x128xf32>
    %select_n3A_529 = arith.select %eq3A_523, %select_n3A_507, %select_n3A_506 : vector<512x128xi1>, vector<512x128xf32>
    %select_n3A_530 = arith.select %eq3A_523, %select_n3A_508, %select_n3A_507 : vector<512x128xi1>, vector<512x128xf32>
    %select_n3A_531 = arith.select %eq3A_523, %select_n3A_509, %select_n3A_508 : vector<512x128xi1>, vector<512x128xf32>
    %reduce_max3A_532 = arith.constant dense<0xFF800000> : vector<512xf32>
    %reduce_max3A_533 = vector.multi_reduction <maximumf>, %select_n3A_524, %reduce_max3A_532 [1] : vector<512x128xf32> to vector<512xf32>
    %broadcast_in_dim3A_534 = vector.shape_cast %reduce_max3A_533 : vector<512xf32> to vector<512x1xf32>
    %bitcast_convert_type3A_535 = tpu.bitcast %broadcast_in_dim3A_534 : vector<512x1xf32> -> vector<512x1xi32>
    %and3A_536 = arith.constant 2047 : i32
    %and3A_537 = vector.broadcast %and3A_536 : i32 to vector<512x1xi32>
    %and3A_538 = arith.andi %bitcast_convert_type3A_535, %and3A_537 : vector<512x1xi32>
    %sub3A_539 = arith.constant 2047 : i32
    %sub3A_540 = vector.broadcast %sub3A_539 : i32 to vector<512x1xi32>
    %sub3A_541 = arith.subi %sub3A_540, %and3A_538 : vector<512x1xi32>
    %add3A_542 = vector.broadcast %mul3A_204 : i32 to vector<512x1xi32>
    %add3A_543 = arith.addi %sub3A_541, %add3A_542 : vector<512x1xi32>
    %eq3A_544 = vector.broadcast %broadcast_in_dim3A_534 : vector<512x1xf32> to vector<512x128xf32>
    %eq3A_545 = arith.cmpf oeq, %select_n3A_524, %eq3A_544 : vector<512x128xf32>
    %select_n3A_546 = arith.select %eq3A_545, %select_n3A_525, %select_n3A_524 : vector<512x128xi1>, vector<512x128xf32>
    %select_n3A_547 = arith.select %eq3A_545, %select_n3A_526, %select_n3A_525 : vector<512x128xi1>, vector<512x128xf32>
    %select_n3A_548 = arith.select %eq3A_545, %select_n3A_527, %select_n3A_526 : vector<512x128xi1>, vector<512x128xf32>
    %select_n3A_549 = arith.select %eq3A_545, %select_n3A_528, %select_n3A_527 : vector<512x128xi1>, vector<512x128xf32>
    %select_n3A_550 = arith.select %eq3A_545, %select_n3A_529, %select_n3A_528 : vector<512x128xi1>, vector<512x128xf32>
    %select_n3A_551 = arith.select %eq3A_545, %select_n3A_530, %select_n3A_529 : vector<512x128xi1>, vector<512x128xf32>
    %select_n3A_552 = arith.select %eq3A_545, %select_n3A_531, %select_n3A_530 : vector<512x128xi1>, vector<512x128xf32>
    %reduce_max3A_553 = arith.constant dense<0xFF800000> : vector<512xf32>
    %reduce_max3A_554 = vector.multi_reduction <maximumf>, %select_n3A_546, %reduce_max3A_553 [1] : vector<512x128xf32> to vector<512xf32>
    %broadcast_in_dim3A_555 = vector.shape_cast %reduce_max3A_554 : vector<512xf32> to vector<512x1xf32>
    %bitcast_convert_type3A_556 = tpu.bitcast %broadcast_in_dim3A_555 : vector<512x1xf32> -> vector<512x1xi32>
    %and3A_557 = arith.constant 2047 : i32
    %and3A_558 = vector.broadcast %and3A_557 : i32 to vector<512x1xi32>
    %and3A_559 = arith.andi %bitcast_convert_type3A_556, %and3A_558 : vector<512x1xi32>
    %sub3A_560 = arith.constant 2047 : i32
    %sub3A_561 = vector.broadcast %sub3A_560 : i32 to vector<512x1xi32>
    %sub3A_562 = arith.subi %sub3A_561, %and3A_559 : vector<512x1xi32>
    %add3A_563 = vector.broadcast %mul3A_204 : i32 to vector<512x1xi32>
    %add3A_564 = arith.addi %sub3A_562, %add3A_563 : vector<512x1xi32>
    %eq3A_565 = vector.broadcast %broadcast_in_dim3A_555 : vector<512x1xf32> to vector<512x128xf32>
    %eq3A_566 = arith.cmpf oeq, %select_n3A_546, %eq3A_565 : vector<512x128xf32>
    %select_n3A_567 = arith.select %eq3A_566, %select_n3A_547, %select_n3A_546 : vector<512x128xi1>, vector<512x128xf32>
    %select_n3A_568 = arith.select %eq3A_566, %select_n3A_548, %select_n3A_547 : vector<512x128xi1>, vector<512x128xf32>
    %select_n3A_569 = arith.select %eq3A_566, %select_n3A_549, %select_n3A_548 : vector<512x128xi1>, vector<512x128xf32>
    %select_n3A_570 = arith.select %eq3A_566, %select_n3A_550, %select_n3A_549 : vector<512x128xi1>, vector<512x128xf32>
    %select_n3A_571 = arith.select %eq3A_566, %select_n3A_551, %select_n3A_550 : vector<512x128xi1>, vector<512x128xf32>
    %select_n3A_572 = arith.select %eq3A_566, %select_n3A_552, %select_n3A_551 : vector<512x128xi1>, vector<512x128xf32>
    %reduce_max3A_573 = arith.constant dense<0xFF800000> : vector<512xf32>
    %reduce_max3A_574 = vector.multi_reduction <maximumf>, %select_n3A_567, %reduce_max3A_573 [1] : vector<512x128xf32> to vector<512xf32>
    %broadcast_in_dim3A_575 = vector.shape_cast %reduce_max3A_574 : vector<512xf32> to vector<512x1xf32>
    %bitcast_convert_type3A_576 = tpu.bitcast %broadcast_in_dim3A_575 : vector<512x1xf32> -> vector<512x1xi32>
    %and3A_577 = arith.constant 2047 : i32
    %and3A_578 = vector.broadcast %and3A_577 : i32 to vector<512x1xi32>
    %and3A_579 = arith.andi %bitcast_convert_type3A_576, %and3A_578 : vector<512x1xi32>
    %sub3A_580 = arith.constant 2047 : i32
    %sub3A_581 = vector.broadcast %sub3A_580 : i32 to vector<512x1xi32>
    %sub3A_582 = arith.subi %sub3A_581, %and3A_579 : vector<512x1xi32>
    %add3A_583 = vector.broadcast %mul3A_204 : i32 to vector<512x1xi32>
    %add3A_584 = arith.addi %sub3A_582, %add3A_583 : vector<512x1xi32>
    %eq3A_585 = vector.broadcast %broadcast_in_dim3A_575 : vector<512x1xf32> to vector<512x128xf32>
    %eq3A_586 = arith.cmpf oeq, %select_n3A_567, %eq3A_585 : vector<512x128xf32>
    %select_n3A_587 = arith.select %eq3A_586, %select_n3A_568, %select_n3A_567 : vector<512x128xi1>, vector<512x128xf32>
    %select_n3A_588 = arith.select %eq3A_586, %select_n3A_569, %select_n3A_568 : vector<512x128xi1>, vector<512x128xf32>
    %select_n3A_589 = arith.select %eq3A_586, %select_n3A_570, %select_n3A_569 : vector<512x128xi1>, vector<512x128xf32>
    %select_n3A_590 = arith.select %eq3A_586, %select_n3A_571, %select_n3A_570 : vector<512x128xi1>, vector<512x128xf32>
    %select_n3A_591 = arith.select %eq3A_586, %select_n3A_572, %select_n3A_571 : vector<512x128xi1>, vector<512x128xf32>
    %reduce_max3A_592 = arith.constant dense<0xFF800000> : vector<512xf32>
    %reduce_max3A_593 = vector.multi_reduction <maximumf>, %select_n3A_587, %reduce_max3A_592 [1] : vector<512x128xf32> to vector<512xf32>
    %broadcast_in_dim3A_594 = vector.shape_cast %reduce_max3A_593 : vector<512xf32> to vector<512x1xf32>
    %bitcast_convert_type3A_595 = tpu.bitcast %broadcast_in_dim3A_594 : vector<512x1xf32> -> vector<512x1xi32>
    %and3A_596 = arith.constant 2047 : i32
    %and3A_597 = vector.broadcast %and3A_596 : i32 to vector<512x1xi32>
    %and3A_598 = arith.andi %bitcast_convert_type3A_595, %and3A_597 : vector<512x1xi32>
    %sub3A_599 = arith.constant 2047 : i32
    %sub3A_600 = vector.broadcast %sub3A_599 : i32 to vector<512x1xi32>
    %sub3A_601 = arith.subi %sub3A_600, %and3A_598 : vector<512x1xi32>
    %add3A_602 = vector.broadcast %mul3A_204 : i32 to vector<512x1xi32>
    %add3A_603 = arith.addi %sub3A_601, %add3A_602 : vector<512x1xi32>
    %eq3A_604 = vector.broadcast %broadcast_in_dim3A_594 : vector<512x1xf32> to vector<512x128xf32>
    %eq3A_605 = arith.cmpf oeq, %select_n3A_587, %eq3A_604 : vector<512x128xf32>
    %select_n3A_606 = arith.select %eq3A_605, %select_n3A_588, %select_n3A_587 : vector<512x128xi1>, vector<512x128xf32>
    %select_n3A_607 = arith.select %eq3A_605, %select_n3A_589, %select_n3A_588 : vector<512x128xi1>, vector<512x128xf32>
    %select_n3A_608 = arith.select %eq3A_605, %select_n3A_590, %select_n3A_589 : vector<512x128xi1>, vector<512x128xf32>
    %select_n3A_609 = arith.select %eq3A_605, %select_n3A_591, %select_n3A_590 : vector<512x128xi1>, vector<512x128xf32>
    %reduce_max3A_610 = arith.constant dense<0xFF800000> : vector<512xf32>
    %reduce_max3A_611 = vector.multi_reduction <maximumf>, %select_n3A_606, %reduce_max3A_610 [1] : vector<512x128xf32> to vector<512xf32>
    %broadcast_in_dim3A_612 = vector.shape_cast %reduce_max3A_611 : vector<512xf32> to vector<512x1xf32>
    %bitcast_convert_type3A_613 = tpu.bitcast %broadcast_in_dim3A_612 : vector<512x1xf32> -> vector<512x1xi32>
    %and3A_614 = arith.constant 2047 : i32
    %and3A_615 = vector.broadcast %and3A_614 : i32 to vector<512x1xi32>
    %and3A_616 = arith.andi %bitcast_convert_type3A_613, %and3A_615 : vector<512x1xi32>
    %sub3A_617 = arith.constant 2047 : i32
    %sub3A_618 = vector.broadcast %sub3A_617 : i32 to vector<512x1xi32>
    %sub3A_619 = arith.subi %sub3A_618, %and3A_616 : vector<512x1xi32>
    %add3A_620 = vector.broadcast %mul3A_204 : i32 to vector<512x1xi32>
    %add3A_621 = arith.addi %sub3A_619, %add3A_620 : vector<512x1xi32>
    %eq3A_622 = vector.broadcast %broadcast_in_dim3A_612 : vector<512x1xf32> to vector<512x128xf32>
    %eq3A_623 = arith.cmpf oeq, %select_n3A_606, %eq3A_622 : vector<512x128xf32>
    %select_n3A_624 = arith.select %eq3A_623, %select_n3A_607, %select_n3A_606 : vector<512x128xi1>, vector<512x128xf32>
    %select_n3A_625 = arith.select %eq3A_623, %select_n3A_608, %select_n3A_607 : vector<512x128xi1>, vector<512x128xf32>
    %select_n3A_626 = arith.select %eq3A_623, %select_n3A_609, %select_n3A_608 : vector<512x128xi1>, vector<512x128xf32>
    %reduce_max3A_627 = arith.constant dense<0xFF800000> : vector<512xf32>
    %reduce_max3A_628 = vector.multi_reduction <maximumf>, %select_n3A_624, %reduce_max3A_627 [1] : vector<512x128xf32> to vector<512xf32>
    %broadcast_in_dim3A_629 = vector.shape_cast %reduce_max3A_628 : vector<512xf32> to vector<512x1xf32>
    %bitcast_convert_type3A_630 = tpu.bitcast %broadcast_in_dim3A_629 : vector<512x1xf32> -> vector<512x1xi32>
    %and3A_631 = arith.constant 2047 : i32
    %and3A_632 = vector.broadcast %and3A_631 : i32 to vector<512x1xi32>
    %and3A_633 = arith.andi %bitcast_convert_type3A_630, %and3A_632 : vector<512x1xi32>
    %sub3A_634 = arith.constant 2047 : i32
    %sub3A_635 = vector.broadcast %sub3A_634 : i32 to vector<512x1xi32>
    %sub3A_636 = arith.subi %sub3A_635, %and3A_633 : vector<512x1xi32>
    %add3A_637 = vector.broadcast %mul3A_204 : i32 to vector<512x1xi32>
    %add3A_638 = arith.addi %sub3A_636, %add3A_637 : vector<512x1xi32>
    %eq3A_639 = vector.broadcast %broadcast_in_dim3A_629 : vector<512x1xf32> to vector<512x128xf32>
    %eq3A_640 = arith.cmpf oeq, %select_n3A_624, %eq3A_639 : vector<512x128xf32>
    %select_n3A_641 = arith.select %eq3A_640, %select_n3A_625, %select_n3A_624 : vector<512x128xi1>, vector<512x128xf32>
    %select_n3A_642 = arith.select %eq3A_640, %select_n3A_626, %select_n3A_625 : vector<512x128xi1>, vector<512x128xf32>
    %reduce_max3A_643 = arith.constant dense<0xFF800000> : vector<512xf32>
    %reduce_max3A_644 = vector.multi_reduction <maximumf>, %select_n3A_641, %reduce_max3A_643 [1] : vector<512x128xf32> to vector<512xf32>
    %broadcast_in_dim3A_645 = vector.shape_cast %reduce_max3A_644 : vector<512xf32> to vector<512x1xf32>
    %bitcast_convert_type3A_646 = tpu.bitcast %broadcast_in_dim3A_645 : vector<512x1xf32> -> vector<512x1xi32>
    %and3A_647 = arith.constant 2047 : i32
    %and3A_648 = vector.broadcast %and3A_647 : i32 to vector<512x1xi32>
    %and3A_649 = arith.andi %bitcast_convert_type3A_646, %and3A_648 : vector<512x1xi32>
    %sub3A_650 = arith.constant 2047 : i32
    %sub3A_651 = vector.broadcast %sub3A_650 : i32 to vector<512x1xi32>
    %sub3A_652 = arith.subi %sub3A_651, %and3A_649 : vector<512x1xi32>
    %add3A_653 = vector.broadcast %mul3A_204 : i32 to vector<512x1xi32>
    %add3A_654 = arith.addi %sub3A_652, %add3A_653 : vector<512x1xi32>
    %eq3A_655 = vector.broadcast %broadcast_in_dim3A_645 : vector<512x1xf32> to vector<512x128xf32>
    %eq3A_656 = arith.cmpf oeq, %select_n3A_641, %eq3A_655 : vector<512x128xf32>
    %select_n3A_657 = arith.select %eq3A_656, %select_n3A_642, %select_n3A_641 : vector<512x128xi1>, vector<512x128xf32>
    %reduce_max3A_658 = arith.constant dense<0xFF800000> : vector<512xf32>
    %reduce_max3A_659 = vector.multi_reduction <maximumf>, %select_n3A_657, %reduce_max3A_658 [1] : vector<512x128xf32> to vector<512xf32>
    %broadcast_in_dim3A_660 = vector.shape_cast %reduce_max3A_659 : vector<512xf32> to vector<512x1xf32>
    %bitcast_convert_type3A_661 = tpu.bitcast %broadcast_in_dim3A_660 : vector<512x1xf32> -> vector<512x1xi32>
    %and3A_662 = arith.constant 2047 : i32
    %and3A_663 = vector.broadcast %and3A_662 : i32 to vector<512x1xi32>
    %and3A_664 = arith.andi %bitcast_convert_type3A_661, %and3A_663 : vector<512x1xi32>
    %sub3A_665 = arith.constant 2047 : i32
    %sub3A_666 = vector.broadcast %sub3A_665 : i32 to vector<512x1xi32>
    %sub3A_667 = arith.subi %sub3A_666, %and3A_664 : vector<512x1xi32>
    %add3A_668 = vector.broadcast %mul3A_204 : i32 to vector<512x1xi32>
    %add3A_669 = arith.addi %sub3A_667, %add3A_668 : vector<512x1xi32>
    %concatenate3A = tpu.concatenate %add3A_214, %add3A_243, %add3A_275, %add3A_307, %add3A_339, %add3A_368, %add3A_396, %add3A_423, %add3A_449, %add3A_474, %add3A_498, %add3A_521, %add3A_543, %add3A_564, %add3A_584, %add3A_603, %add3A_621, %add3A_638, %add3A_654, %add3A_669 in 1 : vector<512x1xi32>, vector<512x1xi32>, vector<512x1xi32>, vector<512x1xi32>, vector<512x1xi32>, vector<512x1xi32>, vector<512x1xi32>, vector<512x1xi32>, vector<512x1xi32>, vector<512x1xi32>, vector<512x1xi32>, vector<512x1xi32>, vector<512x1xi32>, vector<512x1xi32>, vector<512x1xi32>, vector<512x1xi32>, vector<512x1xi32>, vector<512x1xi32>, vector<512x1xi32>, vector<512x1xi32> -> vector<512x20xi32>
    %transpose3A = tpu.transpose %concatenate3A, [1, 0] : vector<512x20xi32> -> vector<20x512xi32>
    %swap3A_670 = arith.constant 0 : index
    %swap3A_671 = arith.constant 0 : index
    %swap3A_672 = vector.load %arg6[%swap3A_670, %swap3A_671] : memref<20x512xi32, #tpu.memory_space<vmem>>, vector<20x512xi32>
    tpu.vector_store %arg6[%swap3A_670, %swap3A_671], %transpose3A {strides = array<i32>} : memref<20x512xi32, #tpu.memory_space<vmem>>, vector<20x512xi32>,
    return
  }
  func.func @transform_0(%arg0: i32, %arg1: i32) -> (i32, i32, i32) {
    %c0_i32 = arith.constant 0 : i32
    %c0_i32_0 = arith.constant 0 : i32
    %c0_i32_1 = arith.constant 0 : i32
    return %arg0, %c0_i32, %c0_i32_0 : i32, i32, i32
  }
  func.func @transform_1(%arg0: i32, %arg1: i32) -> (i32, i32, i32) {
    %c0_i32 = arith.constant 0 : i32
    %c0_i32_0 = arith.constant 0 : i32
    return %arg0, %c0_i32, %arg1 : i32, i32, i32
  }
  func.func @transform_2(%arg0: i32, %arg1: i32) -> (i32, i32) {
    %c0_i32 = arith.constant 0 : i32
    %c0_i32_0 = arith.constant 0 : i32
    %c0_i32_1 = arith.constant 0 : i32
    return %c0_i32, %c0_i32_0 : i32, i32
  }
  func.func @transform_3(%arg0: i32, %arg1: i32) -> (i32, i32) {
    %c0_i32 = arith.constant 0 : i32
    %c0_i32_0 = arith.constant 0 : i32
    %c0_i32_1 = arith.constant 0 : i32
    return %c0_i32, %c0_i32_0 : i32, i32
  }
  func.func @transform_4(%arg0: i32, %arg1: i32) -> (i32, i32) {
    %c0_i32 = arith.constant 0 : i32
    %c0_i32_0 = arith.constant 0 : i32
    return %c0_i32, %arg1 : i32, i32
  }
  func.func @transform_5(%arg0: i32, %arg1: i32) -> (i32, i32, i32) {
    %c0_i32 = arith.constant 0 : i32
    %c0_i32_0 = arith.constant 0 : i32
    return %arg0, %arg1, %c0_i32 : i32, i32, i32
  }
  func.func @transform_6(%arg0: i32, %arg1: i32) -> (i32, i32, i32) {
    %c0_i32 = arith.constant 0 : i32
    %c0_i32_0 = arith.constant 0 : i32
    return %arg0, %arg1, %c0_i32 : i32, i32, i32
  }
}

module attributes {stable_mosaic.version = 14 : i64} {
  func.func @_mlp_body(%arg0: i32, %arg1: memref<20x512x128xf32, #tpu.memory_space<vmem>>, %arg2: memref<512x128xf32, #tpu.memory_space<vmem>>, %arg3: memref<256x128xf32, #tpu.memory_space<vmem>>, %arg4: memref<256x512xf32, #tpu.memory_space<vmem>>) attributes {dimension_semantics = [#tpu.dimension_semantics<arbitrary>], iteration_bounds = array<i64: 4>, scalar_prefetch = 0 : i64, scratch_operands = 0 : i64, tpu.core_type = #tpu.core_type<tc>, window_params = [{transform_indices = @transform_0, window_bounds = array<i64: 20, 512, 128>}, {transform_indices = @transform_1, window_bounds = array<i64: 512, 128>}, {pipeline_mode = #tpu.pipeline_mode<synchronous>, transform_indices = @transform_2, window_bounds = array<i64: 256, 128>}, {transform_indices = @transform_3, window_bounds = array<i64: 256, 512>}]} {
    %get3A = arith.constant 0 : index
    %get3A_0 = arith.constant 0 : index
    %get3A_1 = vector.load %arg2[%get3A, %get3A_0] : memref<512x128xf32, #tpu.memory_space<vmem>>, vector<512x128xf32>
    %get3A_2 = arith.constant 0 : index
    %get3A_3 = arith.constant 0 : index
    %get3A_4 = vector.load %arg3[%get3A_2, %get3A_3] : memref<256x128xf32, #tpu.memory_space<vmem>>, vector<256x128xf32>
    %get3A_5 = arith.constant 0 : index
    %get3A_6 = arith.constant 0 : index
    %get3A_7 = arith.constant 0 : index
    %get3A_8 = vector.load %arg1[%get3A_5, %get3A_6, %get3A_7] : memref<20x512x128xf32, #tpu.memory_space<vmem>>, vector<1x512x128xf32>
    %get3A_9 = vector.shape_cast %get3A_8 : vector<1x512x128xf32> to vector<512x128xf32>
    %add3A = arith.addf %get3A_9, %get3A_1 : vector<512x128xf32>
    %gt3A = arith.constant 0.000000e+00 : f32
    %gt3A_10 = vector.broadcast %gt3A : f32 to vector<512x128xf32>
    %gt3A_11 = arith.cmpf ogt, %add3A, %gt3A_10 : vector<512x128xf32>
    %mul3A = arith.constant 2.000000e-01 : f32
    %mul3A_12 = vector.broadcast %mul3A : f32 to vector<512x128xf32>
    %mul3A_13 = arith.mulf %mul3A_12, %add3A : vector<512x128xf32>
    %select_n3A = arith.select %gt3A_11, %add3A, %mul3A_13 : vector<512x128xi1>, vector<512x128xf32>
    %dot_general3A = arith.constant dense<0.000000e+00> : vector<256x512xf32>
    %dot_general3A_14 = tpu.matmul %get3A_4, %select_n3A, %dot_general3A {dimension_numbers = #tpu.dot_dimension_numbers<[1], [1], [0], [0], [0, 0, 1, 0], [], []>, transpose_lhs_hint = false} : vector<256x128xf32>, vector<512x128xf32>, vector<256x512xf32> -> vector<256x512xf32>
    %gt3A_15 = arith.constant 0.000000e+00 : f32
    %gt3A_16 = vector.broadcast %gt3A_15 : f32 to vector<256x512xf32>
    %gt3A_17 = arith.cmpf ogt, %dot_general3A_14, %gt3A_16 : vector<256x512xf32>
    %mul3A_18 = arith.constant 2.000000e-01 : f32
    %mul3A_19 = vector.broadcast %mul3A_18 : f32 to vector<256x512xf32>
    %mul3A_20 = arith.mulf %mul3A_19, %dot_general3A_14 : vector<256x512xf32>
    %select_n3A_21 = arith.select %gt3A_17, %dot_general3A_14, %mul3A_20 : vector<256x512xi1>, vector<256x512xf32>
    %get3A_22 = arith.constant 1 : index
    %get3A_23 = arith.constant 0 : index
    %get3A_24 = arith.constant 0 : index
    %get3A_25 = vector.load %arg1[%get3A_22, %get3A_23, %get3A_24] : memref<20x512x128xf32, #tpu.memory_space<vmem>>, vector<1x512x128xf32>
    %get3A_26 = vector.shape_cast %get3A_25 : vector<1x512x128xf32> to vector<512x128xf32>
    %add3A_27 = arith.addf %get3A_26, %get3A_1 : vector<512x128xf32>
    %gt3A_28 = arith.constant 0.000000e+00 : f32
    %gt3A_29 = vector.broadcast %gt3A_28 : f32 to vector<512x128xf32>
    %gt3A_30 = arith.cmpf ogt, %add3A_27, %gt3A_29 : vector<512x128xf32>
    %mul3A_31 = arith.constant 2.000000e-01 : f32
    %mul3A_32 = vector.broadcast %mul3A_31 : f32 to vector<512x128xf32>
    %mul3A_33 = arith.mulf %mul3A_32, %add3A_27 : vector<512x128xf32>
    %select_n3A_34 = arith.select %gt3A_30, %add3A_27, %mul3A_33 : vector<512x128xi1>, vector<512x128xf32>
    %dot_general3A_35 = arith.constant dense<0.000000e+00> : vector<256x512xf32>
    %dot_general3A_36 = tpu.matmul %get3A_4, %select_n3A_34, %dot_general3A_35 {dimension_numbers = #tpu.dot_dimension_numbers<[1], [1], [0], [0], [0, 0, 1, 0], [], []>, transpose_lhs_hint = false} : vector<256x128xf32>, vector<512x128xf32>, vector<256x512xf32> -> vector<256x512xf32>
    %gt3A_37 = arith.constant 0.000000e+00 : f32
    %gt3A_38 = vector.broadcast %gt3A_37 : f32 to vector<256x512xf32>
    %gt3A_39 = arith.cmpf ogt, %dot_general3A_36, %gt3A_38 : vector<256x512xf32>
    %mul3A_40 = arith.constant 2.000000e-01 : f32
    %mul3A_41 = vector.broadcast %mul3A_40 : f32 to vector<256x512xf32>
    %mul3A_42 = arith.mulf %mul3A_41, %dot_general3A_36 : vector<256x512xf32>
    %select_n3A_43 = arith.select %gt3A_39, %dot_general3A_36, %mul3A_42 : vector<256x512xi1>, vector<256x512xf32>
    %max3A = arith.maximumf %select_n3A_21, %select_n3A_43 : vector<256x512xf32>
    %get3A_44 = arith.constant 2 : index
    %get3A_45 = arith.constant 0 : index
    %get3A_46 = arith.constant 0 : index
    %get3A_47 = vector.load %arg1[%get3A_44, %get3A_45, %get3A_46] : memref<20x512x128xf32, #tpu.memory_space<vmem>>, vector<1x512x128xf32>
    %get3A_48 = vector.shape_cast %get3A_47 : vector<1x512x128xf32> to vector<512x128xf32>
    %add3A_49 = arith.addf %get3A_48, %get3A_1 : vector<512x128xf32>
    %gt3A_50 = arith.constant 0.000000e+00 : f32
    %gt3A_51 = vector.broadcast %gt3A_50 : f32 to vector<512x128xf32>
    %gt3A_52 = arith.cmpf ogt, %add3A_49, %gt3A_51 : vector<512x128xf32>
    %mul3A_53 = arith.constant 2.000000e-01 : f32
    %mul3A_54 = vector.broadcast %mul3A_53 : f32 to vector<512x128xf32>
    %mul3A_55 = arith.mulf %mul3A_54, %add3A_49 : vector<512x128xf32>
    %select_n3A_56 = arith.select %gt3A_52, %add3A_49, %mul3A_55 : vector<512x128xi1>, vector<512x128xf32>
    %dot_general3A_57 = arith.constant dense<0.000000e+00> : vector<256x512xf32>
    %dot_general3A_58 = tpu.matmul %get3A_4, %select_n3A_56, %dot_general3A_57 {dimension_numbers = #tpu.dot_dimension_numbers<[1], [1], [0], [0], [0, 0, 1, 0], [], []>, transpose_lhs_hint = false} : vector<256x128xf32>, vector<512x128xf32>, vector<256x512xf32> -> vector<256x512xf32>
    %gt3A_59 = arith.constant 0.000000e+00 : f32
    %gt3A_60 = vector.broadcast %gt3A_59 : f32 to vector<256x512xf32>
    %gt3A_61 = arith.cmpf ogt, %dot_general3A_58, %gt3A_60 : vector<256x512xf32>
    %mul3A_62 = arith.constant 2.000000e-01 : f32
    %mul3A_63 = vector.broadcast %mul3A_62 : f32 to vector<256x512xf32>
    %mul3A_64 = arith.mulf %mul3A_63, %dot_general3A_58 : vector<256x512xf32>
    %select_n3A_65 = arith.select %gt3A_61, %dot_general3A_58, %mul3A_64 : vector<256x512xi1>, vector<256x512xf32>
    %max3A_66 = arith.maximumf %max3A, %select_n3A_65 : vector<256x512xf32>
    %get3A_67 = arith.constant 3 : index
    %get3A_68 = arith.constant 0 : index
    %get3A_69 = arith.constant 0 : index
    %get3A_70 = vector.load %arg1[%get3A_67, %get3A_68, %get3A_69] : memref<20x512x128xf32, #tpu.memory_space<vmem>>, vector<1x512x128xf32>
    %get3A_71 = vector.shape_cast %get3A_70 : vector<1x512x128xf32> to vector<512x128xf32>
    %add3A_72 = arith.addf %get3A_71, %get3A_1 : vector<512x128xf32>
    %gt3A_73 = arith.constant 0.000000e+00 : f32
    %gt3A_74 = vector.broadcast %gt3A_73 : f32 to vector<512x128xf32>
    %gt3A_75 = arith.cmpf ogt, %add3A_72, %gt3A_74 : vector<512x128xf32>
    %mul3A_76 = arith.constant 2.000000e-01 : f32
    %mul3A_77 = vector.broadcast %mul3A_76 : f32 to vector<512x128xf32>
    %mul3A_78 = arith.mulf %mul3A_77, %add3A_72 : vector<512x128xf32>
    %select_n3A_79 = arith.select %gt3A_75, %add3A_72, %mul3A_78 : vector<512x128xi1>, vector<512x128xf32>
    %dot_general3A_80 = arith.constant dense<0.000000e+00> : vector<256x512xf32>
    %dot_general3A_81 = tpu.matmul %get3A_4, %select_n3A_79, %dot_general3A_80 {dimension_numbers = #tpu.dot_dimension_numbers<[1], [1], [0], [0], [0, 0, 1, 0], [], []>, transpose_lhs_hint = false} : vector<256x128xf32>, vector<512x128xf32>, vector<256x512xf32> -> vector<256x512xf32>
    %gt3A_82 = arith.constant 0.000000e+00 : f32
    %gt3A_83 = vector.broadcast %gt3A_82 : f32 to vector<256x512xf32>
    %gt3A_84 = arith.cmpf ogt, %dot_general3A_81, %gt3A_83 : vector<256x512xf32>
    %mul3A_85 = arith.constant 2.000000e-01 : f32
    %mul3A_86 = vector.broadcast %mul3A_85 : f32 to vector<256x512xf32>
    %mul3A_87 = arith.mulf %mul3A_86, %dot_general3A_81 : vector<256x512xf32>
    %select_n3A_88 = arith.select %gt3A_84, %dot_general3A_81, %mul3A_87 : vector<256x512xi1>, vector<256x512xf32>
    %max3A_89 = arith.maximumf %max3A_66, %select_n3A_88 : vector<256x512xf32>
    %get3A_90 = arith.constant 4 : index
    %get3A_91 = arith.constant 0 : index
    %get3A_92 = arith.constant 0 : index
    %get3A_93 = vector.load %arg1[%get3A_90, %get3A_91, %get3A_92] : memref<20x512x128xf32, #tpu.memory_space<vmem>>, vector<1x512x128xf32>
    %get3A_94 = vector.shape_cast %get3A_93 : vector<1x512x128xf32> to vector<512x128xf32>
    %add3A_95 = arith.addf %get3A_94, %get3A_1 : vector<512x128xf32>
    %gt3A_96 = arith.constant 0.000000e+00 : f32
    %gt3A_97 = vector.broadcast %gt3A_96 : f32 to vector<512x128xf32>
    %gt3A_98 = arith.cmpf ogt, %add3A_95, %gt3A_97 : vector<512x128xf32>
    %mul3A_99 = arith.constant 2.000000e-01 : f32
    %mul3A_100 = vector.broadcast %mul3A_99 : f32 to vector<512x128xf32>
    %mul3A_101 = arith.mulf %mul3A_100, %add3A_95 : vector<512x128xf32>
    %select_n3A_102 = arith.select %gt3A_98, %add3A_95, %mul3A_101 : vector<512x128xi1>, vector<512x128xf32>
    %dot_general3A_103 = arith.constant dense<0.000000e+00> : vector<256x512xf32>
    %dot_general3A_104 = tpu.matmul %get3A_4, %select_n3A_102, %dot_general3A_103 {dimension_numbers = #tpu.dot_dimension_numbers<[1], [1], [0], [0], [0, 0, 1, 0], [], []>, transpose_lhs_hint = false} : vector<256x128xf32>, vector<512x128xf32>, vector<256x512xf32> -> vector<256x512xf32>
    %gt3A_105 = arith.constant 0.000000e+00 : f32
    %gt3A_106 = vector.broadcast %gt3A_105 : f32 to vector<256x512xf32>
    %gt3A_107 = arith.cmpf ogt, %dot_general3A_104, %gt3A_106 : vector<256x512xf32>
    %mul3A_108 = arith.constant 2.000000e-01 : f32
    %mul3A_109 = vector.broadcast %mul3A_108 : f32 to vector<256x512xf32>
    %mul3A_110 = arith.mulf %mul3A_109, %dot_general3A_104 : vector<256x512xf32>
    %select_n3A_111 = arith.select %gt3A_107, %dot_general3A_104, %mul3A_110 : vector<256x512xi1>, vector<256x512xf32>
    %max3A_112 = arith.maximumf %max3A_89, %select_n3A_111 : vector<256x512xf32>
    %get3A_113 = arith.constant 5 : index
    %get3A_114 = arith.constant 0 : index
    %get3A_115 = arith.constant 0 : index
    %get3A_116 = vector.load %arg1[%get3A_113, %get3A_114, %get3A_115] : memref<20x512x128xf32, #tpu.memory_space<vmem>>, vector<1x512x128xf32>
    %get3A_117 = vector.shape_cast %get3A_116 : vector<1x512x128xf32> to vector<512x128xf32>
    %add3A_118 = arith.addf %get3A_117, %get3A_1 : vector<512x128xf32>
    %gt3A_119 = arith.constant 0.000000e+00 : f32
    %gt3A_120 = vector.broadcast %gt3A_119 : f32 to vector<512x128xf32>
    %gt3A_121 = arith.cmpf ogt, %add3A_118, %gt3A_120 : vector<512x128xf32>
    %mul3A_122 = arith.constant 2.000000e-01 : f32
    %mul3A_123 = vector.broadcast %mul3A_122 : f32 to vector<512x128xf32>
    %mul3A_124 = arith.mulf %mul3A_123, %add3A_118 : vector<512x128xf32>
    %select_n3A_125 = arith.select %gt3A_121, %add3A_118, %mul3A_124 : vector<512x128xi1>, vector<512x128xf32>
    %dot_general3A_126 = arith.constant dense<0.000000e+00> : vector<256x512xf32>
    %dot_general3A_127 = tpu.matmul %get3A_4, %select_n3A_125, %dot_general3A_126 {dimension_numbers = #tpu.dot_dimension_numbers<[1], [1], [0], [0], [0, 0, 1, 0], [], []>, transpose_lhs_hint = false} : vector<256x128xf32>, vector<512x128xf32>, vector<256x512xf32> -> vector<256x512xf32>
    %gt3A_128 = arith.constant 0.000000e+00 : f32
    %gt3A_129 = vector.broadcast %gt3A_128 : f32 to vector<256x512xf32>
    %gt3A_130 = arith.cmpf ogt, %dot_general3A_127, %gt3A_129 : vector<256x512xf32>
    %mul3A_131 = arith.constant 2.000000e-01 : f32
    %mul3A_132 = vector.broadcast %mul3A_131 : f32 to vector<256x512xf32>
    %mul3A_133 = arith.mulf %mul3A_132, %dot_general3A_127 : vector<256x512xf32>
    %select_n3A_134 = arith.select %gt3A_130, %dot_general3A_127, %mul3A_133 : vector<256x512xi1>, vector<256x512xf32>
    %max3A_135 = arith.maximumf %max3A_112, %select_n3A_134 : vector<256x512xf32>
    %get3A_136 = arith.constant 6 : index
    %get3A_137 = arith.constant 0 : index
    %get3A_138 = arith.constant 0 : index
    %get3A_139 = vector.load %arg1[%get3A_136, %get3A_137, %get3A_138] : memref<20x512x128xf32, #tpu.memory_space<vmem>>, vector<1x512x128xf32>
    %get3A_140 = vector.shape_cast %get3A_139 : vector<1x512x128xf32> to vector<512x128xf32>
    %add3A_141 = arith.addf %get3A_140, %get3A_1 : vector<512x128xf32>
    %gt3A_142 = arith.constant 0.000000e+00 : f32
    %gt3A_143 = vector.broadcast %gt3A_142 : f32 to vector<512x128xf32>
    %gt3A_144 = arith.cmpf ogt, %add3A_141, %gt3A_143 : vector<512x128xf32>
    %mul3A_145 = arith.constant 2.000000e-01 : f32
    %mul3A_146 = vector.broadcast %mul3A_145 : f32 to vector<512x128xf32>
    %mul3A_147 = arith.mulf %mul3A_146, %add3A_141 : vector<512x128xf32>
    %select_n3A_148 = arith.select %gt3A_144, %add3A_141, %mul3A_147 : vector<512x128xi1>, vector<512x128xf32>
    %dot_general3A_149 = arith.constant dense<0.000000e+00> : vector<256x512xf32>
    %dot_general3A_150 = tpu.matmul %get3A_4, %select_n3A_148, %dot_general3A_149 {dimension_numbers = #tpu.dot_dimension_numbers<[1], [1], [0], [0], [0, 0, 1, 0], [], []>, transpose_lhs_hint = false} : vector<256x128xf32>, vector<512x128xf32>, vector<256x512xf32> -> vector<256x512xf32>
    %gt3A_151 = arith.constant 0.000000e+00 : f32
    %gt3A_152 = vector.broadcast %gt3A_151 : f32 to vector<256x512xf32>
    %gt3A_153 = arith.cmpf ogt, %dot_general3A_150, %gt3A_152 : vector<256x512xf32>
    %mul3A_154 = arith.constant 2.000000e-01 : f32
    %mul3A_155 = vector.broadcast %mul3A_154 : f32 to vector<256x512xf32>
    %mul3A_156 = arith.mulf %mul3A_155, %dot_general3A_150 : vector<256x512xf32>
    %select_n3A_157 = arith.select %gt3A_153, %dot_general3A_150, %mul3A_156 : vector<256x512xi1>, vector<256x512xf32>
    %max3A_158 = arith.maximumf %max3A_135, %select_n3A_157 : vector<256x512xf32>
    %get3A_159 = arith.constant 7 : index
    %get3A_160 = arith.constant 0 : index
    %get3A_161 = arith.constant 0 : index
    %get3A_162 = vector.load %arg1[%get3A_159, %get3A_160, %get3A_161] : memref<20x512x128xf32, #tpu.memory_space<vmem>>, vector<1x512x128xf32>
    %get3A_163 = vector.shape_cast %get3A_162 : vector<1x512x128xf32> to vector<512x128xf32>
    %add3A_164 = arith.addf %get3A_163, %get3A_1 : vector<512x128xf32>
    %gt3A_165 = arith.constant 0.000000e+00 : f32
    %gt3A_166 = vector.broadcast %gt3A_165 : f32 to vector<512x128xf32>
    %gt3A_167 = arith.cmpf ogt, %add3A_164, %gt3A_166 : vector<512x128xf32>
    %mul3A_168 = arith.constant 2.000000e-01 : f32
    %mul3A_169 = vector.broadcast %mul3A_168 : f32 to vector<512x128xf32>
    %mul3A_170 = arith.mulf %mul3A_169, %add3A_164 : vector<512x128xf32>
    %select_n3A_171 = arith.select %gt3A_167, %add3A_164, %mul3A_170 : vector<512x128xi1>, vector<512x128xf32>
    %dot_general3A_172 = arith.constant dense<0.000000e+00> : vector<256x512xf32>
    %dot_general3A_173 = tpu.matmul %get3A_4, %select_n3A_171, %dot_general3A_172 {dimension_numbers = #tpu.dot_dimension_numbers<[1], [1], [0], [0], [0, 0, 1, 0], [], []>, transpose_lhs_hint = false} : vector<256x128xf32>, vector<512x128xf32>, vector<256x512xf32> -> vector<256x512xf32>
    %gt3A_174 = arith.constant 0.000000e+00 : f32
    %gt3A_175 = vector.broadcast %gt3A_174 : f32 to vector<256x512xf32>
    %gt3A_176 = arith.cmpf ogt, %dot_general3A_173, %gt3A_175 : vector<256x512xf32>
    %mul3A_177 = arith.constant 2.000000e-01 : f32
    %mul3A_178 = vector.broadcast %mul3A_177 : f32 to vector<256x512xf32>
    %mul3A_179 = arith.mulf %mul3A_178, %dot_general3A_173 : vector<256x512xf32>
    %select_n3A_180 = arith.select %gt3A_176, %dot_general3A_173, %mul3A_179 : vector<256x512xi1>, vector<256x512xf32>
    %max3A_181 = arith.maximumf %max3A_158, %select_n3A_180 : vector<256x512xf32>
    %get3A_182 = arith.constant 8 : index
    %get3A_183 = arith.constant 0 : index
    %get3A_184 = arith.constant 0 : index
    %get3A_185 = vector.load %arg1[%get3A_182, %get3A_183, %get3A_184] : memref<20x512x128xf32, #tpu.memory_space<vmem>>, vector<1x512x128xf32>
    %get3A_186 = vector.shape_cast %get3A_185 : vector<1x512x128xf32> to vector<512x128xf32>
    %add3A_187 = arith.addf %get3A_186, %get3A_1 : vector<512x128xf32>
    %gt3A_188 = arith.constant 0.000000e+00 : f32
    %gt3A_189 = vector.broadcast %gt3A_188 : f32 to vector<512x128xf32>
    %gt3A_190 = arith.cmpf ogt, %add3A_187, %gt3A_189 : vector<512x128xf32>
    %mul3A_191 = arith.constant 2.000000e-01 : f32
    %mul3A_192 = vector.broadcast %mul3A_191 : f32 to vector<512x128xf32>
    %mul3A_193 = arith.mulf %mul3A_192, %add3A_187 : vector<512x128xf32>
    %select_n3A_194 = arith.select %gt3A_190, %add3A_187, %mul3A_193 : vector<512x128xi1>, vector<512x128xf32>
    %dot_general3A_195 = arith.constant dense<0.000000e+00> : vector<256x512xf32>
    %dot_general3A_196 = tpu.matmul %get3A_4, %select_n3A_194, %dot_general3A_195 {dimension_numbers = #tpu.dot_dimension_numbers<[1], [1], [0], [0], [0, 0, 1, 0], [], []>, transpose_lhs_hint = false} : vector<256x128xf32>, vector<512x128xf32>, vector<256x512xf32> -> vector<256x512xf32>
    %gt3A_197 = arith.constant 0.000000e+00 : f32
    %gt3A_198 = vector.broadcast %gt3A_197 : f32 to vector<256x512xf32>
    %gt3A_199 = arith.cmpf ogt, %dot_general3A_196, %gt3A_198 : vector<256x512xf32>
    %mul3A_200 = arith.constant 2.000000e-01 : f32
    %mul3A_201 = vector.broadcast %mul3A_200 : f32 to vector<256x512xf32>
    %mul3A_202 = arith.mulf %mul3A_201, %dot_general3A_196 : vector<256x512xf32>
    %select_n3A_203 = arith.select %gt3A_199, %dot_general3A_196, %mul3A_202 : vector<256x512xi1>, vector<256x512xf32>
    %max3A_204 = arith.maximumf %max3A_181, %select_n3A_203 : vector<256x512xf32>
    %get3A_205 = arith.constant 9 : index
    %get3A_206 = arith.constant 0 : index
    %get3A_207 = arith.constant 0 : index
    %get3A_208 = vector.load %arg1[%get3A_205, %get3A_206, %get3A_207] : memref<20x512x128xf32, #tpu.memory_space<vmem>>, vector<1x512x128xf32>
    %get3A_209 = vector.shape_cast %get3A_208 : vector<1x512x128xf32> to vector<512x128xf32>
    %add3A_210 = arith.addf %get3A_209, %get3A_1 : vector<512x128xf32>
    %gt3A_211 = arith.constant 0.000000e+00 : f32
    %gt3A_212 = vector.broadcast %gt3A_211 : f32 to vector<512x128xf32>
    %gt3A_213 = arith.cmpf ogt, %add3A_210, %gt3A_212 : vector<512x128xf32>
    %mul3A_214 = arith.constant 2.000000e-01 : f32
    %mul3A_215 = vector.broadcast %mul3A_214 : f32 to vector<512x128xf32>
    %mul3A_216 = arith.mulf %mul3A_215, %add3A_210 : vector<512x128xf32>
    %select_n3A_217 = arith.select %gt3A_213, %add3A_210, %mul3A_216 : vector<512x128xi1>, vector<512x128xf32>
    %dot_general3A_218 = arith.constant dense<0.000000e+00> : vector<256x512xf32>
    %dot_general3A_219 = tpu.matmul %get3A_4, %select_n3A_217, %dot_general3A_218 {dimension_numbers = #tpu.dot_dimension_numbers<[1], [1], [0], [0], [0, 0, 1, 0], [], []>, transpose_lhs_hint = false} : vector<256x128xf32>, vector<512x128xf32>, vector<256x512xf32> -> vector<256x512xf32>
    %gt3A_220 = arith.constant 0.000000e+00 : f32
    %gt3A_221 = vector.broadcast %gt3A_220 : f32 to vector<256x512xf32>
    %gt3A_222 = arith.cmpf ogt, %dot_general3A_219, %gt3A_221 : vector<256x512xf32>
    %mul3A_223 = arith.constant 2.000000e-01 : f32
    %mul3A_224 = vector.broadcast %mul3A_223 : f32 to vector<256x512xf32>
    %mul3A_225 = arith.mulf %mul3A_224, %dot_general3A_219 : vector<256x512xf32>
    %select_n3A_226 = arith.select %gt3A_222, %dot_general3A_219, %mul3A_225 : vector<256x512xi1>, vector<256x512xf32>
    %max3A_227 = arith.maximumf %max3A_204, %select_n3A_226 : vector<256x512xf32>
    %get3A_228 = arith.constant 10 : index
    %get3A_229 = arith.constant 0 : index
    %get3A_230 = arith.constant 0 : index
    %get3A_231 = vector.load %arg1[%get3A_228, %get3A_229, %get3A_230] : memref<20x512x128xf32, #tpu.memory_space<vmem>>, vector<1x512x128xf32>
    %get3A_232 = vector.shape_cast %get3A_231 : vector<1x512x128xf32> to vector<512x128xf32>
    %add3A_233 = arith.addf %get3A_232, %get3A_1 : vector<512x128xf32>
    %gt3A_234 = arith.constant 0.000000e+00 : f32
    %gt3A_235 = vector.broadcast %gt3A_234 : f32 to vector<512x128xf32>
    %gt3A_236 = arith.cmpf ogt, %add3A_233, %gt3A_235 : vector<512x128xf32>
    %mul3A_237 = arith.constant 2.000000e-01 : f32
    %mul3A_238 = vector.broadcast %mul3A_237 : f32 to vector<512x128xf32>
    %mul3A_239 = arith.mulf %mul3A_238, %add3A_233 : vector<512x128xf32>
    %select_n3A_240 = arith.select %gt3A_236, %add3A_233, %mul3A_239 : vector<512x128xi1>, vector<512x128xf32>
    %dot_general3A_241 = arith.constant dense<0.000000e+00> : vector<256x512xf32>
    %dot_general3A_242 = tpu.matmul %get3A_4, %select_n3A_240, %dot_general3A_241 {dimension_numbers = #tpu.dot_dimension_numbers<[1], [1], [0], [0], [0, 0, 1, 0], [], []>, transpose_lhs_hint = false} : vector<256x128xf32>, vector<512x128xf32>, vector<256x512xf32> -> vector<256x512xf32>
    %gt3A_243 = arith.constant 0.000000e+00 : f32
    %gt3A_244 = vector.broadcast %gt3A_243 : f32 to vector<256x512xf32>
    %gt3A_245 = arith.cmpf ogt, %dot_general3A_242, %gt3A_244 : vector<256x512xf32>
    %mul3A_246 = arith.constant 2.000000e-01 : f32
    %mul3A_247 = vector.broadcast %mul3A_246 : f32 to vector<256x512xf32>
    %mul3A_248 = arith.mulf %mul3A_247, %dot_general3A_242 : vector<256x512xf32>
    %select_n3A_249 = arith.select %gt3A_245, %dot_general3A_242, %mul3A_248 : vector<256x512xi1>, vector<256x512xf32>
    %max3A_250 = arith.maximumf %max3A_227, %select_n3A_249 : vector<256x512xf32>
    %get3A_251 = arith.constant 11 : index
    %get3A_252 = arith.constant 0 : index
    %get3A_253 = arith.constant 0 : index
    %get3A_254 = vector.load %arg1[%get3A_251, %get3A_252, %get3A_253] : memref<20x512x128xf32, #tpu.memory_space<vmem>>, vector<1x512x128xf32>
    %get3A_255 = vector.shape_cast %get3A_254 : vector<1x512x128xf32> to vector<512x128xf32>
    %add3A_256 = arith.addf %get3A_255, %get3A_1 : vector<512x128xf32>
    %gt3A_257 = arith.constant 0.000000e+00 : f32
    %gt3A_258 = vector.broadcast %gt3A_257 : f32 to vector<512x128xf32>
    %gt3A_259 = arith.cmpf ogt, %add3A_256, %gt3A_258 : vector<512x128xf32>
    %mul3A_260 = arith.constant 2.000000e-01 : f32
    %mul3A_261 = vector.broadcast %mul3A_260 : f32 to vector<512x128xf32>
    %mul3A_262 = arith.mulf %mul3A_261, %add3A_256 : vector<512x128xf32>
    %select_n3A_263 = arith.select %gt3A_259, %add3A_256, %mul3A_262 : vector<512x128xi1>, vector<512x128xf32>
    %dot_general3A_264 = arith.constant dense<0.000000e+00> : vector<256x512xf32>
    %dot_general3A_265 = tpu.matmul %get3A_4, %select_n3A_263, %dot_general3A_264 {dimension_numbers = #tpu.dot_dimension_numbers<[1], [1], [0], [0], [0, 0, 1, 0], [], []>, transpose_lhs_hint = false} : vector<256x128xf32>, vector<512x128xf32>, vector<256x512xf32> -> vector<256x512xf32>
    %gt3A_266 = arith.constant 0.000000e+00 : f32
    %gt3A_267 = vector.broadcast %gt3A_266 : f32 to vector<256x512xf32>
    %gt3A_268 = arith.cmpf ogt, %dot_general3A_265, %gt3A_267 : vector<256x512xf32>
    %mul3A_269 = arith.constant 2.000000e-01 : f32
    %mul3A_270 = vector.broadcast %mul3A_269 : f32 to vector<256x512xf32>
    %mul3A_271 = arith.mulf %mul3A_270, %dot_general3A_265 : vector<256x512xf32>
    %select_n3A_272 = arith.select %gt3A_268, %dot_general3A_265, %mul3A_271 : vector<256x512xi1>, vector<256x512xf32>
    %max3A_273 = arith.maximumf %max3A_250, %select_n3A_272 : vector<256x512xf32>
    %get3A_274 = arith.constant 12 : index
    %get3A_275 = arith.constant 0 : index
    %get3A_276 = arith.constant 0 : index
    %get3A_277 = vector.load %arg1[%get3A_274, %get3A_275, %get3A_276] : memref<20x512x128xf32, #tpu.memory_space<vmem>>, vector<1x512x128xf32>
    %get3A_278 = vector.shape_cast %get3A_277 : vector<1x512x128xf32> to vector<512x128xf32>
    %add3A_279 = arith.addf %get3A_278, %get3A_1 : vector<512x128xf32>
    %gt3A_280 = arith.constant 0.000000e+00 : f32
    %gt3A_281 = vector.broadcast %gt3A_280 : f32 to vector<512x128xf32>
    %gt3A_282 = arith.cmpf ogt, %add3A_279, %gt3A_281 : vector<512x128xf32>
    %mul3A_283 = arith.constant 2.000000e-01 : f32
    %mul3A_284 = vector.broadcast %mul3A_283 : f32 to vector<512x128xf32>
    %mul3A_285 = arith.mulf %mul3A_284, %add3A_279 : vector<512x128xf32>
    %select_n3A_286 = arith.select %gt3A_282, %add3A_279, %mul3A_285 : vector<512x128xi1>, vector<512x128xf32>
    %dot_general3A_287 = arith.constant dense<0.000000e+00> : vector<256x512xf32>
    %dot_general3A_288 = tpu.matmul %get3A_4, %select_n3A_286, %dot_general3A_287 {dimension_numbers = #tpu.dot_dimension_numbers<[1], [1], [0], [0], [0, 0, 1, 0], [], []>, transpose_lhs_hint = false} : vector<256x128xf32>, vector<512x128xf32>, vector<256x512xf32> -> vector<256x512xf32>
    %gt3A_289 = arith.constant 0.000000e+00 : f32
    %gt3A_290 = vector.broadcast %gt3A_289 : f32 to vector<256x512xf32>
    %gt3A_291 = arith.cmpf ogt, %dot_general3A_288, %gt3A_290 : vector<256x512xf32>
    %mul3A_292 = arith.constant 2.000000e-01 : f32
    %mul3A_293 = vector.broadcast %mul3A_292 : f32 to vector<256x512xf32>
    %mul3A_294 = arith.mulf %mul3A_293, %dot_general3A_288 : vector<256x512xf32>
    %select_n3A_295 = arith.select %gt3A_291, %dot_general3A_288, %mul3A_294 : vector<256x512xi1>, vector<256x512xf32>
    %max3A_296 = arith.maximumf %max3A_273, %select_n3A_295 : vector<256x512xf32>
    %get3A_297 = arith.constant 13 : index
    %get3A_298 = arith.constant 0 : index
    %get3A_299 = arith.constant 0 : index
    %get3A_300 = vector.load %arg1[%get3A_297, %get3A_298, %get3A_299] : memref<20x512x128xf32, #tpu.memory_space<vmem>>, vector<1x512x128xf32>
    %get3A_301 = vector.shape_cast %get3A_300 : vector<1x512x128xf32> to vector<512x128xf32>
    %add3A_302 = arith.addf %get3A_301, %get3A_1 : vector<512x128xf32>
    %gt3A_303 = arith.constant 0.000000e+00 : f32
    %gt3A_304 = vector.broadcast %gt3A_303 : f32 to vector<512x128xf32>
    %gt3A_305 = arith.cmpf ogt, %add3A_302, %gt3A_304 : vector<512x128xf32>
    %mul3A_306 = arith.constant 2.000000e-01 : f32
    %mul3A_307 = vector.broadcast %mul3A_306 : f32 to vector<512x128xf32>
    %mul3A_308 = arith.mulf %mul3A_307, %add3A_302 : vector<512x128xf32>
    %select_n3A_309 = arith.select %gt3A_305, %add3A_302, %mul3A_308 : vector<512x128xi1>, vector<512x128xf32>
    %dot_general3A_310 = arith.constant dense<0.000000e+00> : vector<256x512xf32>
    %dot_general3A_311 = tpu.matmul %get3A_4, %select_n3A_309, %dot_general3A_310 {dimension_numbers = #tpu.dot_dimension_numbers<[1], [1], [0], [0], [0, 0, 1, 0], [], []>, transpose_lhs_hint = false} : vector<256x128xf32>, vector<512x128xf32>, vector<256x512xf32> -> vector<256x512xf32>
    %gt3A_312 = arith.constant 0.000000e+00 : f32
    %gt3A_313 = vector.broadcast %gt3A_312 : f32 to vector<256x512xf32>
    %gt3A_314 = arith.cmpf ogt, %dot_general3A_311, %gt3A_313 : vector<256x512xf32>
    %mul3A_315 = arith.constant 2.000000e-01 : f32
    %mul3A_316 = vector.broadcast %mul3A_315 : f32 to vector<256x512xf32>
    %mul3A_317 = arith.mulf %mul3A_316, %dot_general3A_311 : vector<256x512xf32>
    %select_n3A_318 = arith.select %gt3A_314, %dot_general3A_311, %mul3A_317 : vector<256x512xi1>, vector<256x512xf32>
    %max3A_319 = arith.maximumf %max3A_296, %select_n3A_318 : vector<256x512xf32>
    %get3A_320 = arith.constant 14 : index
    %get3A_321 = arith.constant 0 : index
    %get3A_322 = arith.constant 0 : index
    %get3A_323 = vector.load %arg1[%get3A_320, %get3A_321, %get3A_322] : memref<20x512x128xf32, #tpu.memory_space<vmem>>, vector<1x512x128xf32>
    %get3A_324 = vector.shape_cast %get3A_323 : vector<1x512x128xf32> to vector<512x128xf32>
    %add3A_325 = arith.addf %get3A_324, %get3A_1 : vector<512x128xf32>
    %gt3A_326 = arith.constant 0.000000e+00 : f32
    %gt3A_327 = vector.broadcast %gt3A_326 : f32 to vector<512x128xf32>
    %gt3A_328 = arith.cmpf ogt, %add3A_325, %gt3A_327 : vector<512x128xf32>
    %mul3A_329 = arith.constant 2.000000e-01 : f32
    %mul3A_330 = vector.broadcast %mul3A_329 : f32 to vector<512x128xf32>
    %mul3A_331 = arith.mulf %mul3A_330, %add3A_325 : vector<512x128xf32>
    %select_n3A_332 = arith.select %gt3A_328, %add3A_325, %mul3A_331 : vector<512x128xi1>, vector<512x128xf32>
    %dot_general3A_333 = arith.constant dense<0.000000e+00> : vector<256x512xf32>
    %dot_general3A_334 = tpu.matmul %get3A_4, %select_n3A_332, %dot_general3A_333 {dimension_numbers = #tpu.dot_dimension_numbers<[1], [1], [0], [0], [0, 0, 1, 0], [], []>, transpose_lhs_hint = false} : vector<256x128xf32>, vector<512x128xf32>, vector<256x512xf32> -> vector<256x512xf32>
    %gt3A_335 = arith.constant 0.000000e+00 : f32
    %gt3A_336 = vector.broadcast %gt3A_335 : f32 to vector<256x512xf32>
    %gt3A_337 = arith.cmpf ogt, %dot_general3A_334, %gt3A_336 : vector<256x512xf32>
    %mul3A_338 = arith.constant 2.000000e-01 : f32
    %mul3A_339 = vector.broadcast %mul3A_338 : f32 to vector<256x512xf32>
    %mul3A_340 = arith.mulf %mul3A_339, %dot_general3A_334 : vector<256x512xf32>
    %select_n3A_341 = arith.select %gt3A_337, %dot_general3A_334, %mul3A_340 : vector<256x512xi1>, vector<256x512xf32>
    %max3A_342 = arith.maximumf %max3A_319, %select_n3A_341 : vector<256x512xf32>
    %get3A_343 = arith.constant 15 : index
    %get3A_344 = arith.constant 0 : index
    %get3A_345 = arith.constant 0 : index
    %get3A_346 = vector.load %arg1[%get3A_343, %get3A_344, %get3A_345] : memref<20x512x128xf32, #tpu.memory_space<vmem>>, vector<1x512x128xf32>
    %get3A_347 = vector.shape_cast %get3A_346 : vector<1x512x128xf32> to vector<512x128xf32>
    %add3A_348 = arith.addf %get3A_347, %get3A_1 : vector<512x128xf32>
    %gt3A_349 = arith.constant 0.000000e+00 : f32
    %gt3A_350 = vector.broadcast %gt3A_349 : f32 to vector<512x128xf32>
    %gt3A_351 = arith.cmpf ogt, %add3A_348, %gt3A_350 : vector<512x128xf32>
    %mul3A_352 = arith.constant 2.000000e-01 : f32
    %mul3A_353 = vector.broadcast %mul3A_352 : f32 to vector<512x128xf32>
    %mul3A_354 = arith.mulf %mul3A_353, %add3A_348 : vector<512x128xf32>
    %select_n3A_355 = arith.select %gt3A_351, %add3A_348, %mul3A_354 : vector<512x128xi1>, vector<512x128xf32>
    %dot_general3A_356 = arith.constant dense<0.000000e+00> : vector<256x512xf32>
    %dot_general3A_357 = tpu.matmul %get3A_4, %select_n3A_355, %dot_general3A_356 {dimension_numbers = #tpu.dot_dimension_numbers<[1], [1], [0], [0], [0, 0, 1, 0], [], []>, transpose_lhs_hint = false} : vector<256x128xf32>, vector<512x128xf32>, vector<256x512xf32> -> vector<256x512xf32>
    %gt3A_358 = arith.constant 0.000000e+00 : f32
    %gt3A_359 = vector.broadcast %gt3A_358 : f32 to vector<256x512xf32>
    %gt3A_360 = arith.cmpf ogt, %dot_general3A_357, %gt3A_359 : vector<256x512xf32>
    %mul3A_361 = arith.constant 2.000000e-01 : f32
    %mul3A_362 = vector.broadcast %mul3A_361 : f32 to vector<256x512xf32>
    %mul3A_363 = arith.mulf %mul3A_362, %dot_general3A_357 : vector<256x512xf32>
    %select_n3A_364 = arith.select %gt3A_360, %dot_general3A_357, %mul3A_363 : vector<256x512xi1>, vector<256x512xf32>
    %max3A_365 = arith.maximumf %max3A_342, %select_n3A_364 : vector<256x512xf32>
    %get3A_366 = arith.constant 16 : index
    %get3A_367 = arith.constant 0 : index
    %get3A_368 = arith.constant 0 : index
    %get3A_369 = vector.load %arg1[%get3A_366, %get3A_367, %get3A_368] : memref<20x512x128xf32, #tpu.memory_space<vmem>>, vector<1x512x128xf32>
    %get3A_370 = vector.shape_cast %get3A_369 : vector<1x512x128xf32> to vector<512x128xf32>
    %add3A_371 = arith.addf %get3A_370, %get3A_1 : vector<512x128xf32>
    %gt3A_372 = arith.constant 0.000000e+00 : f32
    %gt3A_373 = vector.broadcast %gt3A_372 : f32 to vector<512x128xf32>
    %gt3A_374 = arith.cmpf ogt, %add3A_371, %gt3A_373 : vector<512x128xf32>
    %mul3A_375 = arith.constant 2.000000e-01 : f32
    %mul3A_376 = vector.broadcast %mul3A_375 : f32 to vector<512x128xf32>
    %mul3A_377 = arith.mulf %mul3A_376, %add3A_371 : vector<512x128xf32>
    %select_n3A_378 = arith.select %gt3A_374, %add3A_371, %mul3A_377 : vector<512x128xi1>, vector<512x128xf32>
    %dot_general3A_379 = arith.constant dense<0.000000e+00> : vector<256x512xf32>
    %dot_general3A_380 = tpu.matmul %get3A_4, %select_n3A_378, %dot_general3A_379 {dimension_numbers = #tpu.dot_dimension_numbers<[1], [1], [0], [0], [0, 0, 1, 0], [], []>, transpose_lhs_hint = false} : vector<256x128xf32>, vector<512x128xf32>, vector<256x512xf32> -> vector<256x512xf32>
    %gt3A_381 = arith.constant 0.000000e+00 : f32
    %gt3A_382 = vector.broadcast %gt3A_381 : f32 to vector<256x512xf32>
    %gt3A_383 = arith.cmpf ogt, %dot_general3A_380, %gt3A_382 : vector<256x512xf32>
    %mul3A_384 = arith.constant 2.000000e-01 : f32
    %mul3A_385 = vector.broadcast %mul3A_384 : f32 to vector<256x512xf32>
    %mul3A_386 = arith.mulf %mul3A_385, %dot_general3A_380 : vector<256x512xf32>
    %select_n3A_387 = arith.select %gt3A_383, %dot_general3A_380, %mul3A_386 : vector<256x512xi1>, vector<256x512xf32>
    %max3A_388 = arith.maximumf %max3A_365, %select_n3A_387 : vector<256x512xf32>
    %get3A_389 = arith.constant 17 : index
    %get3A_390 = arith.constant 0 : index
    %get3A_391 = arith.constant 0 : index
    %get3A_392 = vector.load %arg1[%get3A_389, %get3A_390, %get3A_391] : memref<20x512x128xf32, #tpu.memory_space<vmem>>, vector<1x512x128xf32>
    %get3A_393 = vector.shape_cast %get3A_392 : vector<1x512x128xf32> to vector<512x128xf32>
    %add3A_394 = arith.addf %get3A_393, %get3A_1 : vector<512x128xf32>
    %gt3A_395 = arith.constant 0.000000e+00 : f32
    %gt3A_396 = vector.broadcast %gt3A_395 : f32 to vector<512x128xf32>
    %gt3A_397 = arith.cmpf ogt, %add3A_394, %gt3A_396 : vector<512x128xf32>
    %mul3A_398 = arith.constant 2.000000e-01 : f32
    %mul3A_399 = vector.broadcast %mul3A_398 : f32 to vector<512x128xf32>
    %mul3A_400 = arith.mulf %mul3A_399, %add3A_394 : vector<512x128xf32>
    %select_n3A_401 = arith.select %gt3A_397, %add3A_394, %mul3A_400 : vector<512x128xi1>, vector<512x128xf32>
    %dot_general3A_402 = arith.constant dense<0.000000e+00> : vector<256x512xf32>
    %dot_general3A_403 = tpu.matmul %get3A_4, %select_n3A_401, %dot_general3A_402 {dimension_numbers = #tpu.dot_dimension_numbers<[1], [1], [0], [0], [0, 0, 1, 0], [], []>, transpose_lhs_hint = false} : vector<256x128xf32>, vector<512x128xf32>, vector<256x512xf32> -> vector<256x512xf32>
    %gt3A_404 = arith.constant 0.000000e+00 : f32
    %gt3A_405 = vector.broadcast %gt3A_404 : f32 to vector<256x512xf32>
    %gt3A_406 = arith.cmpf ogt, %dot_general3A_403, %gt3A_405 : vector<256x512xf32>
    %mul3A_407 = arith.constant 2.000000e-01 : f32
    %mul3A_408 = vector.broadcast %mul3A_407 : f32 to vector<256x512xf32>
    %mul3A_409 = arith.mulf %mul3A_408, %dot_general3A_403 : vector<256x512xf32>
    %select_n3A_410 = arith.select %gt3A_406, %dot_general3A_403, %mul3A_409 : vector<256x512xi1>, vector<256x512xf32>
    %max3A_411 = arith.maximumf %max3A_388, %select_n3A_410 : vector<256x512xf32>
    %get3A_412 = arith.constant 18 : index
    %get3A_413 = arith.constant 0 : index
    %get3A_414 = arith.constant 0 : index
    %get3A_415 = vector.load %arg1[%get3A_412, %get3A_413, %get3A_414] : memref<20x512x128xf32, #tpu.memory_space<vmem>>, vector<1x512x128xf32>
    %get3A_416 = vector.shape_cast %get3A_415 : vector<1x512x128xf32> to vector<512x128xf32>
    %add3A_417 = arith.addf %get3A_416, %get3A_1 : vector<512x128xf32>
    %gt3A_418 = arith.constant 0.000000e+00 : f32
    %gt3A_419 = vector.broadcast %gt3A_418 : f32 to vector<512x128xf32>
    %gt3A_420 = arith.cmpf ogt, %add3A_417, %gt3A_419 : vector<512x128xf32>
    %mul3A_421 = arith.constant 2.000000e-01 : f32
    %mul3A_422 = vector.broadcast %mul3A_421 : f32 to vector<512x128xf32>
    %mul3A_423 = arith.mulf %mul3A_422, %add3A_417 : vector<512x128xf32>
    %select_n3A_424 = arith.select %gt3A_420, %add3A_417, %mul3A_423 : vector<512x128xi1>, vector<512x128xf32>
    %dot_general3A_425 = arith.constant dense<0.000000e+00> : vector<256x512xf32>
    %dot_general3A_426 = tpu.matmul %get3A_4, %select_n3A_424, %dot_general3A_425 {dimension_numbers = #tpu.dot_dimension_numbers<[1], [1], [0], [0], [0, 0, 1, 0], [], []>, transpose_lhs_hint = false} : vector<256x128xf32>, vector<512x128xf32>, vector<256x512xf32> -> vector<256x512xf32>
    %gt3A_427 = arith.constant 0.000000e+00 : f32
    %gt3A_428 = vector.broadcast %gt3A_427 : f32 to vector<256x512xf32>
    %gt3A_429 = arith.cmpf ogt, %dot_general3A_426, %gt3A_428 : vector<256x512xf32>
    %mul3A_430 = arith.constant 2.000000e-01 : f32
    %mul3A_431 = vector.broadcast %mul3A_430 : f32 to vector<256x512xf32>
    %mul3A_432 = arith.mulf %mul3A_431, %dot_general3A_426 : vector<256x512xf32>
    %select_n3A_433 = arith.select %gt3A_429, %dot_general3A_426, %mul3A_432 : vector<256x512xi1>, vector<256x512xf32>
    %max3A_434 = arith.maximumf %max3A_411, %select_n3A_433 : vector<256x512xf32>
    %get3A_435 = arith.constant 19 : index
    %get3A_436 = arith.constant 0 : index
    %get3A_437 = arith.constant 0 : index
    %get3A_438 = vector.load %arg1[%get3A_435, %get3A_436, %get3A_437] : memref<20x512x128xf32, #tpu.memory_space<vmem>>, vector<1x512x128xf32>
    %get3A_439 = vector.shape_cast %get3A_438 : vector<1x512x128xf32> to vector<512x128xf32>
    %add3A_440 = arith.addf %get3A_439, %get3A_1 : vector<512x128xf32>
    %gt3A_441 = arith.constant 0.000000e+00 : f32
    %gt3A_442 = vector.broadcast %gt3A_441 : f32 to vector<512x128xf32>
    %gt3A_443 = arith.cmpf ogt, %add3A_440, %gt3A_442 : vector<512x128xf32>
    %mul3A_444 = arith.constant 2.000000e-01 : f32
    %mul3A_445 = vector.broadcast %mul3A_444 : f32 to vector<512x128xf32>
    %mul3A_446 = arith.mulf %mul3A_445, %add3A_440 : vector<512x128xf32>
    %select_n3A_447 = arith.select %gt3A_443, %add3A_440, %mul3A_446 : vector<512x128xi1>, vector<512x128xf32>
    %dot_general3A_448 = arith.constant dense<0.000000e+00> : vector<256x512xf32>
    %dot_general3A_449 = tpu.matmul %get3A_4, %select_n3A_447, %dot_general3A_448 {dimension_numbers = #tpu.dot_dimension_numbers<[1], [1], [0], [0], [0, 0, 1, 0], [], []>, transpose_lhs_hint = false} : vector<256x128xf32>, vector<512x128xf32>, vector<256x512xf32> -> vector<256x512xf32>
    %gt3A_450 = arith.constant 0.000000e+00 : f32
    %gt3A_451 = vector.broadcast %gt3A_450 : f32 to vector<256x512xf32>
    %gt3A_452 = arith.cmpf ogt, %dot_general3A_449, %gt3A_451 : vector<256x512xf32>
    %mul3A_453 = arith.constant 2.000000e-01 : f32
    %mul3A_454 = vector.broadcast %mul3A_453 : f32 to vector<256x512xf32>
    %mul3A_455 = arith.mulf %mul3A_454, %dot_general3A_449 : vector<256x512xf32>
    %select_n3A_456 = arith.select %gt3A_452, %dot_general3A_449, %mul3A_455 : vector<256x512xi1>, vector<256x512xf32>
    %max3A_457 = arith.maximumf %max3A_434, %select_n3A_456 : vector<256x512xf32>
    %swap3A = arith.constant 0 : index
    %swap3A_458 = arith.constant 0 : index
    %swap3A_459 = vector.load %arg4[%swap3A, %swap3A_458] : memref<256x512xf32, #tpu.memory_space<vmem>>, vector<256x512xf32>
    tpu.vector_store %arg4[%swap3A, %swap3A_458], %max3A_457 {strides = array<i32>} : memref<256x512xf32, #tpu.memory_space<vmem>>, vector<256x512xf32>,
    return
  }
  func.func @transform_0(%arg0: i32) -> (i32, i32, i32) {
    %c0_i32 = arith.constant 0 : i32
    %c0_i32_0 = arith.constant 0 : i32
    %c0_i32_1 = arith.constant 0 : i32
    return %c0_i32, %arg0, %c0_i32_0 : i32, i32, i32
  }
  func.func @transform_1(%arg0: i32) -> (i32, i32) {
    %c0_i32 = arith.constant 0 : i32
    %c0_i32_0 = arith.constant 0 : i32
    return %arg0, %c0_i32 : i32, i32
  }
  func.func @transform_2(%arg0: i32) -> (i32, i32) {
    %c0_i32 = arith.constant 0 : i32
    %c0_i32_0 = arith.constant 0 : i32
    %c0_i32_1 = arith.constant 0 : i32
    return %c0_i32, %c0_i32_0 : i32, i32
  }
  func.func @transform_3(%arg0: i32) -> (i32, i32) {
    %c0_i32 = arith.constant 0 : i32
    %c0_i32_0 = arith.constant 0 : i32
    return %c0_i32, %arg0 : i32, i32
  }
}

</mosaic_0001>

<sc_bundles>
// kernel: kernel.14.cloned.1.call-start
scs
__scs_entry_jumppad:
0x0: {  	(pc) =	sbr.rel $0x88, $3  }
0x1: {  	(tag) =	ssettag $0x0;
	lr =	simm.s32 $0x1  }
0x2: {  	[smem:$0x3F9E] =	sst lr;
	_ =	strace $0xD0000000  }
0x3: {  	_ = 	snop  }
0x4: {  	_ = 	snop  }
0x5: {  	_ = 	snop  }
0x6: {  	_ = 	snop  }
0x7: {  	_ = 	snop  }
__scs_overlays_trampoline_lowered:
0x8: {  	[smem:$0x3FAD] =	sst s0  }
0x9: {  	[smem:$0x3FAE] =	sst s1  }
0xa: {  	[smem:$0x3FAF] =	sst s2  }
0xb: {  	[smem:$0x3FB0] =	sst s3  }
0xc: {  	[smem:$0x3FB1] =	sst s4  }
0xd: {  	[smem:$0x3FB2] =	sst s5  }
0xe: {  	[smem:$0x3FB3] =	sst s6  }
0xf: {  	[smem:$0x3FB4] =	sst s7  }
0x10: {  	[smem:$0x3FB5] =	sst s8  }
0x11: {  	[smem:$0x3FB6] =	sst s9;
	s0 =	simm.s32 @!p0 $0x0  }
0x12: {  	s1 =	sld [smem:$0x3F9C];
	s0 =	simm.s32 @p0 $0x1  }
0x13: {  	[smem:$0x3FB7] =	sst s0;
	s0 =	simm.s32 @!p1 $0x0  }
0x14: {  	s2 =	sld [smem:$0x3F9B];
	s0 =	simm.s32 @p1 $0x1  }
0x15: {  	[smem:$0x3FB8] =	sst s0;
	s0 =	simm.s32 @!p2 $0x0  }
0x16: {  	s3 =	sld [smem:$0x3FDB];
	s0 =	simm.s32 @p2 $0x1  }
0x17: {  	s4 =	simm.s32 $0x1BF5;
	[smem:$0x3FBA] =	sst s0  }
0x18: {  	s0 =	sld [smem:$0x3F9D];
	_ =	swait.ge [sflag:s4], $0x0  }
0x19: {  	s7 =	sld [smem:$0x3F9E]  }
0x1a: {  	s8 =	sadd.s32 $0xFFFFE003, lr  }
0x1b: {  	s9 =	sadd.s32 $0xFFFFFEF7, lr;
	s5 =	simm.s32 $0xFFFFFFFF;
	p2 =	slt.u32 s8, $0xFFFFF086  }
0x1c: {  	p1 =	slt.u32 s9, $0xF7A;
	s5 =	simm.s32 @!p2 $0x0  }
0x1d: {  	s5 =	simm.s32 @p1 $0x1;
	p0 =	seq.s32 s7, s2  }
0x1e: {  	s7 =	smul.u32 @!p0 $0xF7A, s2;
	p2 =	seq.s32 @!p0 s5, $0x0  }
0x1f: {  	s9 =	smul.u32 $0xF7A, s1;
	s8 =	simm.s32 @!p0 $0x1BF5;
	p2 =	por !p2, p0  }
0x20: {  	[sflag:s8] =	ssyncset.s32 @!p0 $0xFFFFF086;
	s6 =	sadd.s32 @!p0 s3, s7;
	s7 =	simm.s32 @!p0 $0x108  }
0x21: {  	s3 =	sadd.s32 s3, s9;
	s6 =	sadd.s32 @!p0 $0x88, s6;
	s7 =	simm.s32 @p2 $0x1082  }
0x22: {  	[simem:s7], [sflag:s8] =	dma.local @!p0 [hbm:s6], $0xF7A  }
0x23: {  	s9 =	sor.u32 $0xD0000000, s2;
	s6 =	simm.s32 $0x108;
	_ =	swait.ge @!p0 [sflag:s8], $0x0  }
0x24: {  	s3 =	sadd.s32 $0x88, s3;
	s6 =	simm.s32 @!p1 $0x1082;
	[sflag:s4] =	ssyncset.s32 $0xFFFFF086  }
0x25: {  	[simem:s6], [sflag:s4] =	dma.local [hbm:s3], $0xF7A  }
0x26: {  	[smem:$0x3F9E] =	sst s1;
	(tag) =	ssettag s2;
	_ =	strace s9  }
0x27: {  	s1 =	sld [smem:$0x3FAE]  }
0x28: {  	s2 =	sld [smem:$0x3FAF]  }
0x29: {  	s4 =	sld [smem:$0x3FB1]  }
0x2a: {  	p0 =	seq.s32 s5, $0x0;
	s5 =	sld [smem:$0x3FB2]  }
0x2b: {  	s6 =	sld [smem:$0x3FB3]  }
0x2c: {  	s7 =	sld [smem:$0x3FB4]  }
0x2d: {  	s3 =	simm.s32 $0x108;
	s8 =	sld [smem:$0x3FB5]  }
0x2e: {  	s3 =	simm.s32 @!p0 $0x1082;
	s9 =	sld [smem:$0x3FB6]  }
0x2f: {  	lr =	sadd.s32 s0, s3;
	s0 =	sld [smem:$0x3FAD]  }
0x30: {  	s3 =	sld [smem:$0x3FB0]  }
0x31: {  	[smem:$0x3FB9] =	sst s10  }
0x32: {  	s10 =	sld [smem:$0x3FB7];
	_ =	sdelay $0x3  }
0x33: {  	p0 =	seq.s32 s10, $0x1;
	s10 =	sld [smem:$0x3FB9];
	_ =	sdelay $0x3  }
0x34: {  	[smem:$0x3FB9] =	sst s10  }
0x35: {  	s10 =	sld [smem:$0x3FB8];
	_ =	sdelay $0x3  }
0x36: {  	p1 =	seq.s32 s10, $0x1;
	s10 =	sld [smem:$0x3FB9];
	_ =	sdelay $0x3  }
0x37: {  	[smem:$0x3FB9] =	sst s10  }
0x38: {  	s10 =	sld [smem:$0x3FBA]  }
0x39: {  	_ = 	snop;
	(pc) =	sbr.ind lr, $3  }
0x3a: {  	_ = 	snop  }
0x3b: {  	_ = 	snop  }
0x3c: {  	p2 =	seq.s32 s10, $0x1;
	s10 =	sld [smem:$0x3FB9]  }
0x3d: {  	_ =	shalt  }
0x3e: {  	_ =	shalt  }
0x3f: {  	_ =	shalt  }
0x40: {  	_ =	shalt  }
0x41: {  	_ =	shalt  }
0x42: {  	_ =	shalt  }
0x43: {  	_ =	shalt  }
0x44: {  	_ =	shalt  }
0x45: {  	_ =	shalt  }
0x46: {  	_ =	shalt  }
0x47: {  	_ =	shalt  }
0x48: {  	_ =	shalt  }
0x49: {  	_ =	shalt  }
0x4a: {  	_ =	shalt  }
0x4b: {  	_ =	shalt  }
0x4c: {  	_ =	shalt  }
0x4d: {  	_ =	shalt  }
0x4e: {  	_ =	shalt  }
0x4f: {  	_ =	shalt  }
0x50: {  	_ =	shalt  }
0x51: {  	_ =	shalt  }
0x52: {  	_ =	shalt  }
0x53: {  	_ =	shalt  }
0x54: {  	_ =	shalt  }
0x55: {  	_ =	shalt  }
0x56: {  	_ =	shalt  }
0x57: {  	_ =	shalt  }
0x58: {  	_ =	shalt  }
0x59: {  	_ =	shalt  }
0x5a: {  	_ =	shalt  }
0x5b: {  	_ =	shalt  }
0x5c: {  	_ =	shalt  }
0x5d: {  	_ =	shalt  }
0x5e: {  	_ =	shalt  }
0x5f: {  	_ =	shalt  }
0x60: {  	_ =	shalt  }
0x61: {  	_ =	shalt  }
0x62: {  	_ =	shalt  }
0x63: {  	_ =	shalt  }
0x64: {  	_ =	shalt  }
0x65: {  	_ =	shalt  }
0x66: {  	_ =	shalt  }
0x67: {  	_ =	shalt  }
0x68: {  	_ =	shalt  }
0x69: {  	_ =	shalt  }
0x6a: {  	_ =	shalt  }
0x6b: {  	_ =	shalt  }
0x6c: {  	_ =	shalt  }
0x6d: {  	_ =	shalt  }
0x6e: {  	_ =	shalt  }
0x6f: {  	_ =	shalt  }
0x70: {  	_ =	shalt  }
0x71: {  	_ =	shalt  }
0x72: {  	_ =	shalt  }
0x73: {  	_ =	shalt  }
0x74: {  	_ =	shalt  }
0x75: {  	_ =	shalt  }
0x76: {  	_ =	shalt  }
0x77: {  	_ =	shalt  }
0x78: {  	_ =	shalt  }
0x79: {  	_ =	shalt  }
0x7a: {  	_ =	shalt  }
0x7b: {  	_ =	shalt  }
0x7c: {  	_ =	shalt  }
0x7d: {  	_ =	shalt  }
0x7e: {  	_ =	shalt  }
0x7f: {  	_ =	shalt  }
0x80: {  	_ =	shalt  }
0x81: {  	_ =	shalt  }
0x82: {  	_ =	shalt  }
0x83: {  	_ =	shalt  }
0x84: {  	_ =	shalt  }
0x85: {  	_ =	shalt  }
0x86: {  	_ =	shalt  }
0x87: {  	_ =	shalt  }
.Lfunc_end0:
.L_simem_size_0:
called_computation_lowered:
.L_overlay_start_0:
0x88: {  	s2 =	sld [smem:$0x3FD9]  }
0x89: {  	s3 =	sld [smem:$0x3FFE];
	_ =	sdelay $0x1  }
0x8a: {  	s1 =	srdreg.scid  }
0x8b: {  	s0 =	sand.u32 $0x1, s1  }
0x8c: {  	s16 =	sshll.u32 s0, $0xA;
	s2 =	sadd.s32 s3, s2  }
0x8d: {  	s2 =	sadd.s32 s2, s16  }
0x8e: {  	[smem:$0x3FC5] =	sst s2  }
0x8f: {  	_ = 	snop  }
0x90: {  	(tm) =	ssettm $0x1  }
0x91: {  	s17 =	sld [smem:$0x3FFB];
	_ =	sdelay $0x3  }
0x92: {  	_ =	strace s17  }
0x93: {  	s2 =	sld [smem:$0x3FFC];
	_ =	sdelay $0x3  }
0x94: {  	_ =	strace s2  }
0x95: {  	s2 =	sld [smem:$0x3FFD];
	_ =	sdelay $0x3  }
0x96: {  	_ =	strace s2  }
0x97: {  	_ =	strace $0x8FFFFFFF  }
0x98: {  	s18 =	sld [smem:$0x3FDB];
	_ =	sdelay $0x1  }
0x99: {  	s19 =	simm.s32 $_scs_section_size  }
0x9a: {  	s4 =	simm.s32 $_size__tile_overlayer_lowered;
	s5 =	simm.s32 $_tile_overlayer_lowered  }
0x9b: {  	s22 =	simm.s32 $0x1BFF;
	s21 =	sshll.u32 s5, $0x1;
	s2 =	sadd.s32 s19, s18  }
0x9c: {  	s6 =	simm.s32 $0x0;
	s20 =	sshll.u32 s4, $0x1;
	s4 =	sadd.s32 s21, s2  }
0x9d: {  	[timem:s6], [sflag:s22] =	dma.local [hbm:s4], s20  }
0x9e: {  	_ =	swait.ge [sflag:s22], s20  }
0x9f: {  	s3 =	ssub.s32 $0x0, s20;
	[sflag:s22] =	ssyncset.done $0x0  }
0xa0: {  	[sflag:s22] =	ssyncadd.s32 s3;
	_ =	sdelay $0x1  }
0xa1: {  	s23 =	simm.s32 $0x1B8B  }
0xa2: {  	_ =	swait.ge [sflag:s23], $0x1  }
0xa3: {  	[sflag:s23] =	ssyncset.done $0x0  }
0xa4: {  	s25 =	simm.s32 $0x1B8E;
	s24 =	sld [smem:$0x3FFE];
	[sflag:s23] =	ssyncadd.s32 $0xFFFFFFFF  }
0xa5: {  	s26 =	simm.s32 $execute0_lowered;
	[smem:$0x3FD2] =	sst s25  }
0xa6: {  	s4 =	sshll.u32 s26, $0x1;
	_ =	strace $0x80000046;
	[dreg:$0x1] =	wrdreg $0xFFFFFFFF  }
0xa7: {  	s28 =	simm.s32 $_size_execute0_lowered;
	s2 =	sadd.s32 s2, s4;
	[dreg:$0x0] =	wrdreg $0x0  }
0xa8: {  	s4 =	sshll.u32 s28, $0x1;
	[dreg:$0x2] =	wrdreg s2  }
0xa9: {  	[dreg:$0x3] =	wrdreg s4  }
0xaa: {  	[dreg:$0x4] =	wrdreg $0xC0  }
0xab: {  	_ =	task [dreg:s6], $0x5FFFF  }
0xac: {  	[dreg:$0x1] =	wrdreg $0xFFFFFFFF  }
0xad: {  	[dreg:$0x0] =	wrdreg $0x60  }
0xae: {  	[dreg:$0x2] =	wrdreg s24  }
0xaf: {  	[dreg:$0x3] =	wrdreg $0x9  }
0xb0: {  	_ =	task.clear_ibuf [dreg:s6], $0x4FFFF;
	_ =	strace $0x90000046  }
0xb1: {  	s29 =	simm.s32 $0x9;
	_ =	strace $0x8000004F  }
0xb2: {  	_ =	swait.ge [sflag:s29], $0x1  }
0xb3: {  	[sflag:s29] =	ssyncadd.s32 $0xFFFFFFFF  }
0xb4: {  	_ =	strace $0x9000004F  }
0xb5: {  	_ =	sfence  }
0xb6: {  	s30 =	sld [smem:$0x0];
	_ =	sdelay $0x2  }
0xb7: {  	s31 =	sshll.u32 s1, $0xD;
	s1 =	sshrl.u32 s1, $0x2  }
0xb8: {  	s3 =	sand.u32 $0x4000, s31;
	s1 =	sadd.s32 s1, s30  }
0xb9: {  	s0 =	sor.u32 s3, s0;
	s1 =	sshll.u32 s1, $0x11  }
0xba: {  	s0 =	sor.u32 s1, s0  }
0xbb: {  	s0 =	sadd.s32 $0x8F2B, s0  }
0xbc: {  	[sflag:s0] =	ssyncadd.remote.s32 $0x1  }
0xbd: {  	_ =	sfence.sel $0xFFFF  }
0xbe: {  	[dreg:$0x0] =	wrdreg $0xFFFFFFFF;
	(pc) =	sbr.abs _section_cstart, $3  }
0xbf: {  	[dreg:$0x1] =	wrdreg $0xFFFFFFFF  }
0xc0: {  	_ =	task.clear_ibuf [dreg:s6], $0x2FFFF;
	_ =	strace $0x9FFFFFFF  }
0xc1: {  	(tm) =	ssettm $0x7FFFFFFF  }
tec
execute0_lowered:
.L_overlay_start_1:
0x0: {  	(tag) =	ssettag $0x1  }
0x1: {  	s3 =	rddreg [dreg:$0x0]  }
0x2: {  	s0 =	rddreg [dreg:$0x1];
	s1 =	simm.s32 $0x0;
	s2 =	srdreg.scid  }
0x3: {  	s31 =	simm.s32 $0x80;
	s9 =	simm.s32 $0x4;
	s10 =	simm.s32 $0x0  }
0x4: {  	[smem:$0x7FF] =	sst s1;
	s4 =	sand.u32 $0x1, s2;
	s5 =	sadd.s32 $0x2600, s3  }
0x5: {  	s2 =	stileid.u32;
	s29 =	sadd.s32 $0xBA00, s3;
	s3 =	sadd.s32 $0xA600, s3  }
0x6: {  	_ =	strace $0x80000047;
	s6 =	sshll.u32 s4, $0x4;
	[dreg:$0x2] =	wrdreg s5  }
0x7: {  	s4 =	ssub.s32 $0x2, s4;
	[dreg:$0x4] =	wrdreg s29;
	s28 =	sor.u32 s2, s6  }
0x8: {  	[dreg:$0x3] =	wrdreg s31;
	s7 =	sshrl.u32 s4, $0x1;
	s8 =	smul.u32 $0xA0, s28  }
0x9: {  	s30 =	ssub.s32 s4, s7;
	s4 =	smul.u32 $0xA, s28;
	s7 =	simm.s32 $0x1  }
0xa: {  	s6 =	smax.u32 s30, $0x1;
	s5 =	sadd.s32 s3, s8;
	s8 =	simm.s32 $0x5  }
.LBB2_1:
0xb: {  	_ =	strace $0x80000048;
	s11 =	simm.s32 $0x1;
	p0 =	por $0x0, $0x0  }
0xc: {  	[tilespmem:s1], [sflag:$0x1] =	stream.linear.gather [hbm4b:s5+s1], $0x80, $0x200038;
	[tilespmem:$0x8100] =	vst v63  }
0xd: {  	s11 =	simm.s32 @p0 $0x0  }
0xe: {  	p4 =	por $0x1, $0x1;
	s20 =	sand.u32 $0x1, s1;
	p1 =	sne.s32 s11, $0x0  }
0xf: {  	p2 =	por $0x1, $0x1;
	s18 =	simm.s32 $0x8;
	p0 =	por !p4, !p1  }
0x10: {  	s16 =	simm.s32 $0x0;
	p5 =	por $0x0, $0x0;
	p0 =	por !p0, !p0  }
0x11: {  	s23 =	sadd.s32 $0x0, s4;
	s30 =	sadd.s32 $0x1, s20;
	s12 =	sadd.s32 @p0 s4, s11  }
0x12: {  	_ =	strace $0x90000048;
	s13 =	sand.u32 @p0 $0x1, s7;
	s12 =	sshll.u32 @p0 s12, $0x4  }
0x13: {  	_ =	strace @p0 $0x80000049;
	s15 =	simm.s32 @p0 $0x0;
	s12 =	sand.u32 @p0 $0x1FFFFFF0, s12  }
0x14: {  	s14 =	sshll.u32 @p0 s13, $0x7;
	s13 =	sadd.s32 @p0 $0x1, s13;
	s12 =	sadd.s32 @p0 s3, s12  }
0x15: {  	[tilespmem:s14], [sflag:s13] =	stream.linear.gather @p0 [hbm4b:s12+s15], $0x80, $0x200038;
	[tilespmem:$0x8100] =	vst v63  }
0x16: {  	p3 =	por p2, p2;
	s21 =	sshll.u32 s20, $0xE;
	_ =	strace @p0 $0x90000049  }
0x17: {  	s16 =	sand.u32 $0x80, s16;
	p2 =	por p5, p5;
	_ =	strace $0x8000004A  }
0x18: {  	s17 =	sadd.s32 $0x1, s11;
	s22 =	sor.u32 $0x100, s21;
	_ =	swait.ge [sflag:s30], $0x80  }
0x19: {  	s21 =	simm.s32 $0x1;
	p6 =	por p1, p1;
	[sflag:s30] =	ssyncset.done $0x0  }
0x1a: {  	p1 =	por p3, p3;
	p4 =	por $0x1, $0x1;
	[sflag:s30] =	ssyncadd.s32 $0xFFFFFF80  }
0x1b: {  	s12 =	simm.s32 $0x9;
	s15 =	sand.u32 @!p3 $0x1, s1;
	_ =	strace $0x9000004A  }
0x1c: {  	s13 =	simm.s32 $0x1;
	p3 =	seq.s32 s17, $0xA;
	_ =	strace $0x8000004B  }
0x1d: {  	s13 =	simm.s32 @!p0 $0x0;
	s17 =	simm.s32 @p3 $0x0;
	s19 =	rddreg [dreg:$0x3]  }
0x1e: {  	p0 =	por $0x0, $0x0;
	s14 =	sadd.s32 $0x1, s13;
	s31 =	rddreg [dreg:$0x2]  }
0x1f: {  	[tilespmem:s22], [sflag:$0x5] =	stream.indirect.gather [hbm4b:s31+s19], $0x80, s16, s19, $0x2000b8;
	[tilespmem:$0x8100] =	vst v63  }
0x20: {  	p3 =	sne.s32 s11, s17;
	s21 =	simm.s32 @!p0 $0x0;
	_ =	swait.ge [sflag:s8], $0x4000  }
0x21: {  	p5 =	por !p4, !p3;
	p4 =	por $0x0, $0x0;
	[sflag:s8] =	ssyncset.done $0x0  }
0x22: {  	s13 =	simm.s32 $0x0;
	p6 =	por p4, p6;
	[sflag:s8] =	ssyncadd.s32 $0xFFFFC000  }
0x23: {  	s16 =	simm.s32 $0x0;
	s19 =	simm.s32 $0x0;
	_ =	strace $0x9000004B  }
.LBB2_2:
0x24: {  	_ =	strace @p6 $0x8000004C;
	s13 =	sadd.s32 s21, s13;
	s21 =	smov.u32 s12  }
0x25: {  	s12 =	smov.u32 s18;
	s18 =	sadd.s32 $0xFFFFFFFF, s18;
	p0 =	por p3, p3  }
0x26: {  	s28 =	sshll.u32 @p6 s23, $0xB;
	s20 =	sadd.s32 @p6 $0x3, s20;
	s24 =	simm.s32 @!p0 $0x0  }
0x27: {  	s25 =	rddreg [dreg:$0x4];
	s28 =	sand.u32 @p6 $0x1FFFF800, s28;
	s24 =	simm.s32 @p0 $0x1  }
0x28: {  	s25 =	sadd.s32 @p6 s25, s28;
	s28 =	simm.s32 @p6 $0x0;
	p0 =	sne.s32 s18, $0x0  }
0x29: {  	[hbm4b:s25+s28] =	stream.linear.scatter @p6 [tilespmem:s22], [sflag:s20], $0x4000, $0x200038;
	[tilespmem:$0x8100] =	vst v63  }
0x2a: {  	s20 =	sadd.s32 @!p1 $0x3, s15;
	s15 =	simm.s32 @!p0 $0x0  }
0x2b: {  	s26 =	simm.s32 $0x1;
	[smem:$0x7FC] =	sst s24;
	s15 =	simm.s32 @p0 $0x1  }
0x2c: {  	s26 =	simm.s32 @!p6 $0x0;
	_ =	strace @p6 $0x9000004C;
	[smem:$0x7FD] =	sst s15  }
0x2d: {  	p5 =	por !p5, !p5;
	s19 =	sadd.s32 s26, s19;
	_ =	strace @!p1 $0x8000004D  }
0x2e: {  	s24 =	sand.u32 @!p2 $0x1, s13;
	s22 =	sand.u32 @p5 $0x1, s14;
	_ =	swait.ge @!p1 [sflag:s20], $0x4000  }
0x2f: {  	s15 =	smov.u32 s24;
	s24 =	sadd.s32 @p5 s4, s17;
	[sflag:s20] =	ssyncset.done @!p1 $0x0  }
0x30: {  	s25 =	sshll.u32 @p5 s22, $0x7;
	s24 =	sshll.u32 @p5 s24, $0x4;
	[sflag:s20] =	ssyncadd.s32 @!p1 $0xFFFFC000  }
0x31: {  	s20 =	sadd.s32 @p5 $0x1, s22;
	s22 =	sand.u32 @p5 $0x1FFFFFF0, s24;
	_ =	strace @!p1 $0x9000004D  }
0x32: {  	s24 =	simm.s32 @p5 $0x0;
	s22 =	sadd.s32 @p5 s3, s22;
	_ =	strace @p5 $0x80000049  }
0x33: {  	[tilespmem:s25], [sflag:s20] =	stream.linear.gather @p5 [hbm4b:s22+s24], $0x80, $0x200038;
	[tilespmem:$0x8100] =	vst v63  }
0x34: {  	s16 =	sadd.s32 s26, s16;
	s26 =	sand.u32 $0x1, s19;
	_ =	strace @p5 $0x90000049  }
0x35: {  	s24 =	sadd.s32 $0x1, s26;
	_ =	strace $0x8000004A  }
0x36: {  	_ =	swait.ge [sflag:s24], $0x80  }
0x37: {  	[sflag:s24] =	ssyncset.done $0x0  }
0x38: {  	s20 =	simm.s32 $0x1;
	[sflag:s24] =	ssyncadd.s32 $0xFFFFFF80  }
0x39: {  	s20 =	simm.s32 @!p5 $0x0;
	_ =	strace $0x9000004A  }
0x3a: {  	s14 =	sadd.s32 s20, s14;
	s20 =	sand.u32 $0x1, s16;
	_ =	strace $0x8000004B  }
0x3b: {  	s29 =	sshll.u32 s19, $0x7;
	s25 =	sshll.u32 s20, $0xE;
	s26 =	rddreg [dreg:$0x3]  }
0x3c: {  	s29 =	sand.u32 $0x80, s29;
	s22 =	sor.u32 $0x100, s25;
	s30 =	rddreg [dreg:$0x2]  }
0x3d: {  	[tilespmem:s22], [sflag:$0x5] =	stream.indirect.gather [hbm4b:s30+s26], $0x80, s29, s26, $0x2000b8;
	[tilespmem:$0x8100] =	vst v63  }
0x3e: {  	_ =	swait.ge [sflag:s8], $0x4000  }
0x3f: {  	s31 =	sadd.s32 $0x1, s17;
	[sflag:s8] =	ssyncset.done $0x0  }
0x40: {  	s23 =	sadd.s32 s4, s11;
	s11 =	smov.u32 s17;
	[sflag:s8] =	ssyncadd.s32 $0xFFFFC000  }
0x41: {  	p3 =	seq.s32 s31, $0xA;
	s17 =	smov.u32 s31;
	_ =	strace $0x9000004B  }
0x42: {  	s17 =	simm.s32 @p3 $0x0;
	s31 =	sld [smem:$0x7FD]  }
0x43: {  	p6 =	sne.s32 s12, $0x1;
	p0 =	sne.s32 s21, $0xA;
	p3 =	sne.s32 s11, s17  }
0x44: {  	p5 =	por !p6, !p3;
	p6 =	seq.s32 s21, $0x1;
	s21 =	simm.s32 $0x1  }
0x45: {  	s21 =	simm.s32 @!p0 $0x0;
	p0 =	seq.s32 s31, $0x1  }
.Ltmp0:
0x46: {  	s30 =	sld [smem:$0x7FC];
	(pc) =	sbr.rel @p0 .LBB2_2-.Ltmp0, $4  }
0x47: {  	_ = 	snop  }
0x48: {  	p4 =	seq.s32 s12, $0xA  }
0x49: {  	p1 =	por p2, p2;
	p2 =	por p4, p4;
	p4 =	seq.s32 s30, $0x1  }
0x4a: {  	p6 =	por p6, p4  }
0x4b: {  	_ =	strace @p6 $0x8000004C;
	s23 =	sshll.u32 @p6 s23, $0xB  }
0x4c: {  	s18 =	rddreg [dreg:$0x4];
	s23 =	sand.u32 @p6 $0x1FFFF800, s23  }
0x4d: {  	s20 =	sadd.s32 @p6 $0x3, s20;
	s18 =	sadd.s32 @p6 s18, s23;
	s23 =	simm.s32 @p6 $0x0  }
0x4e: {  	[hbm4b:s18+s23] =	stream.linear.scatter @p6 [tilespmem:s22], [sflag:s20], $0x4000, $0x200038;
	[tilespmem:$0x8100] =	vst v63  }
0x4f: {  	p0 =	por !p5, !p5;
	_ =	strace @p6 $0x9000004C  }
0x50: {  	s15 =	sadd.s32 @!p1 $0x3, s15;
	s17 =	sadd.s32 @p0 s4, s17;
	_ =	strace @!p1 $0x8000004D  }
0x51: {  	s14 =	sand.u32 @p0 $0x1, s14;
	s17 =	sshll.u32 @p0 s17, $0x4;
	_ =	swait.ge @!p1 [sflag:s15], $0x4000  }
0x52: {  	s18 =	simm.s32 $0x1;
	s20 =	sshll.u32 @p0 s14, $0x7;
	[sflag:s15] =	ssyncset.done @!p1 $0x0  }
0x53: {  	s14 =	sadd.s32 @p0 $0x1, s14;
	s18 =	simm.s32 @!p6 $0x0;
	[sflag:s15] =	ssyncadd.s32 @!p1 $0xFFFFC000  }
0x54: {  	s19 =	sadd.s32 s18, s19;
	s15 =	sand.u32 @p0 $0x1FFFFFF0, s17;
	_ =	strace @!p1 $0x9000004D  }
0x55: {  	s17 =	simm.s32 @p0 $0x0;
	s15 =	sadd.s32 @p0 s3, s15;
	_ =	strace @p0 $0x80000049  }
0x56: {  	[tilespmem:s20], [sflag:s14] =	stream.linear.gather @p0 [hbm4b:s15+s17], $0x80, $0x200038;
	[tilespmem:$0x8100] =	vst v63  }
0x57: {  	s25 =	sand.u32 $0x1, s19;
	_ =	strace @p0 $0x90000049  }
0x58: {  	s14 =	sadd.s32 $0x1, s25;
	_ =	strace $0x8000004A  }
0x59: {  	_ =	swait.ge [sflag:s14], $0x80  }
0x5a: {  	[sflag:s14] =	ssyncset.done $0x0  }
0x5b: {  	[sflag:s14] =	ssyncadd.s32 $0xFFFFFF80  }
0x5c: {  	s26 =	sadd.s32 s18, s16;
	_ =	strace $0x9000004A  }
0x5d: {  	s14 =	sand.u32 $0x1, s26;
	_ =	strace $0x8000004B  }
0x5e: {  	s30 =	sshll.u32 s19, $0x7;
	s31 =	sshll.u32 s14, $0xE;
	s28 =	rddreg [dreg:$0x3]  }
0x5f: {  	s17 =	sand.u32 $0x80, s30;
	s18 =	sor.u32 $0x100, s31;
	s29 =	rddreg [dreg:$0x2]  }
0x60: {  	[tilespmem:s18], [sflag:$0x5] =	stream.indirect.gather [hbm4b:s29+s28], $0x80, s17, s28, $0x2000b8;
	[tilespmem:$0x8100] =	vst v63  }
0x61: {  	_ =	swait.ge [sflag:s8], $0x4000  }
0x62: {  	[sflag:s8] =	ssyncset.done $0x0  }
0x63: {  	p5 =	por p3, p3;
	p6 =	seq.s32 s12, $0x1;
	[sflag:s8] =	ssyncadd.s32 $0xFFFFC000  }
0x64: {  	s11 =	sadd.s32 s4, s11;
	p0 =	por p6, p5;
	_ =	strace $0x9000004B  }
0x65: {  	s11 =	sshll.u32 @p0 s11, $0xB;
	_ =	strace @p0 $0x8000004C  }
0x66: {  	s13 =	sadd.s32 s21, s13;
	s11 =	sand.u32 @p0 $0x1FFFF800, s11;
	s12 =	rddreg [dreg:$0x4]  }
0x67: {  	s14 =	sadd.s32 @p0 $0x3, s14;
	s11 =	sadd.s32 @p0 s12, s11;
	s12 =	simm.s32 @p0 $0x0  }
0x68: {  	[hbm4b:s11+s12] =	stream.linear.scatter @p0 [tilespmem:s18], [sflag:s14], $0x4000, $0x200038;
	[tilespmem:$0x8100] =	vst v63  }
0x69: {  	p1 =	por p2, p2;
	s11 =	sand.u32 @!p2 $0x1, s13;
	_ =	strace @p0 $0x9000004C  }
0x6a: {  	s11 =	sadd.s32 @!p1 $0x3, s11;
	_ =	strace @!p1 $0x8000004D  }
0x6b: {  	_ =	swait.ge @!p1 [sflag:s11], $0x4000  }
0x6c: {  	[sflag:s11] =	ssyncset.done @!p1 $0x0  }
0x6d: {  	s10 =	sadd.s32 $0x1, s10;
	[sflag:s11] =	ssyncadd.s32 @!p1 $0xFFFFC000  }
0x6e: {  	p0 =	sne.s32 s10, s6;
	_ =	strace @!p1 $0x9000004D  }
.Ltmp1:
0x6f: {  	_ =	strace $0x8000004E;
	(pc) =	sbr.rel @p0 .LBB2_1-.Ltmp1, $4  }
0x70: {  	_ =	swait.ge [sflag:s9], $0x4000  }
0x71: {  	[sflag:s9] =	ssyncset.done $0x0  }
0x72: {  	[sflag:s9] =	ssyncadd.s32 $0xFFFFC000  }
0x73: {  	_ =	strace $0x9000004E  }
0x74: {  	_ =	sfence.sel $0x180000  }
0x75: {  	[bflag:$0x0] =	sbarrier.arrive $0xFFFF  }
0x76: {  	p0 =	sne.s32 s2, $0x0;
	_ =	strace $0x90000047  }
0x77: {  	s0 =	sadd.s32 @!p0 $0x100000, s0;
	[bflag:$0x2] =	sbarrier.arrive $0xFFFF  }
0x78: {  	[sflag:s0] =	ssyncadd.tile.s32 @!p0 $0x1;
	_ =	shalt  }
.Lfunc_end2:
_tile_overlayer_lowered:
.L_overlay_start_2:
0x79: {  	(tag) =	ssettag $0x2  }
0x7a: {  	s0 =	rddreg [dreg:$0x0];
	s2 =	stileid.u32  }
0x7b: {  	s1 =	rddreg [dreg:$0x1];
	p0 =	sne.s32 s2, $0x0  }
0x7c: {  	s3 =	rddreg [dreg:$0x2];
	[bflag:$0x3] =	sbarrier.arrive $0xFFFF;
	s2 =	simm.s32 @!p0 $0x1C01  }
0x7d: {  	[timem:s3], [sflag:s2] =	dma.local @!p0 [hbm:s0], s1  }
0x7e: {  	s0 =	simm.s32 @!p0 $0x1  }
0x7f: {  	_ =	swait.ge @!p0 [sflag:s0], s1  }
0x80: {  	s1 =	ssub.s32 @!p0 $0x0, s1;
	[sflag:s0] =	ssyncset.done @!p0 $0x0  }
0x81: {  	[sflag:s0] =	ssyncadd.s32 @!p0 s1  }
0x82: {  	[bflag:$0x3] =	sbarrier.arrive $0xFFFF  }
0x83: {  	_ =	shalt  }

// kernel: kernel.17.cloned.1.call-start
scs
__scs_entry_jumppad:
0x0: {  	(pc) =	sbr.rel $0x88, $3  }
0x1: {  	(tag) =	ssettag $0x0;
	lr =	simm.s32 $0x1  }
0x2: {  	[smem:$0x3F9E] =	sst lr;
	_ =	strace $0xD0000000  }
0x3: {  	_ = 	snop  }
0x4: {  	_ = 	snop  }
0x5: {  	_ = 	snop  }
0x6: {  	_ = 	snop  }
0x7: {  	_ = 	snop  }
__scs_overlays_trampoline_lowered:
0x8: {  	[smem:$0x3FAD] =	sst s0  }
0x9: {  	[smem:$0x3FAE] =	sst s1  }
0xa: {  	[smem:$0x3FAF] =	sst s2  }
0xb: {  	[smem:$0x3FB0] =	sst s3  }
0xc: {  	[smem:$0x3FB1] =	sst s4  }
0xd: {  	[smem:$0x3FB2] =	sst s5  }
0xe: {  	[smem:$0x3FB3] =	sst s6  }
0xf: {  	[smem:$0x3FB4] =	sst s7  }
0x10: {  	[smem:$0x3FB5] =	sst s8  }
0x11: {  	[smem:$0x3FB6] =	sst s9;
	s0 =	simm.s32 @!p0 $0x0  }
0x12: {  	s1 =	sld [smem:$0x3F9C];
	s0 =	simm.s32 @p0 $0x1  }
0x13: {  	[smem:$0x3FB7] =	sst s0;
	s0 =	simm.s32 @!p1 $0x0  }
0x14: {  	s2 =	sld [smem:$0x3F9B];
	s0 =	simm.s32 @p1 $0x1  }
0x15: {  	[smem:$0x3FB8] =	sst s0;
	s0 =	simm.s32 @!p2 $0x0  }
0x16: {  	s3 =	sld [smem:$0x3FDB];
	s0 =	simm.s32 @p2 $0x1  }
0x17: {  	s4 =	simm.s32 $0x1BF5;
	[smem:$0x3FBA] =	sst s0  }
0x18: {  	s0 =	sld [smem:$0x3F9D];
	_ =	swait.ge [sflag:s4], $0x0  }
0x19: {  	s7 =	sld [smem:$0x3F9E]  }
0x1a: {  	s8 =	sadd.s32 $0xFFFFE003, lr  }
0x1b: {  	s9 =	sadd.s32 $0xFFFFFEF7, lr;
	s5 =	simm.s32 $0xFFFFFFFF;
	p2 =	slt.u32 s8, $0xFFFFF086  }
0x1c: {  	p1 =	slt.u32 s9, $0xF7A;
	s5 =	simm.s32 @!p2 $0x0  }
0x1d: {  	s5 =	simm.s32 @p1 $0x1;
	p0 =	seq.s32 s7, s2  }
0x1e: {  	s7 =	smul.u32 @!p0 $0xF7A, s2;
	p2 =	seq.s32 @!p0 s5, $0x0  }
0x1f: {  	s9 =	smul.u32 $0xF7A, s1;
	s8 =	simm.s32 @!p0 $0x1BF5;
	p2 =	por !p2, p0  }
0x20: {  	[sflag:s8] =	ssyncset.s32 @!p0 $0xFFFFF086;
	s6 =	sadd.s32 @!p0 s3, s7;
	s7 =	simm.s32 @!p0 $0x108  }
0x21: {  	s3 =	sadd.s32 s3, s9;
	s6 =	sadd.s32 @!p0 $0x88, s6;
	s7 =	simm.s32 @p2 $0x1082  }
0x22: {  	[simem:s7], [sflag:s8] =	dma.local @!p0 [hbm:s6], $0xF7A  }
0x23: {  	s9 =	sor.u32 $0xD0000000, s2;
	s6 =	simm.s32 $0x108;
	_ =	swait.ge @!p0 [sflag:s8], $0x0  }
0x24: {  	s3 =	sadd.s32 $0x88, s3;
	s6 =	simm.s32 @!p1 $0x1082;
	[sflag:s4] =	ssyncset.s32 $0xFFFFF086  }
0x25: {  	[simem:s6], [sflag:s4] =	dma.local [hbm:s3], $0xF7A  }
0x26: {  	[smem:$0x3F9E] =	sst s1;
	(tag) =	ssettag s2;
	_ =	strace s9  }
0x27: {  	s1 =	sld [smem:$0x3FAE]  }
0x28: {  	s2 =	sld [smem:$0x3FAF]  }
0x29: {  	s4 =	sld [smem:$0x3FB1]  }
0x2a: {  	p0 =	seq.s32 s5, $0x0;
	s5 =	sld [smem:$0x3FB2]  }
0x2b: {  	s6 =	sld [smem:$0x3FB3]  }
0x2c: {  	s7 =	sld [smem:$0x3FB4]  }
0x2d: {  	s3 =	simm.s32 $0x108;
	s8 =	sld [smem:$0x3FB5]  }
0x2e: {  	s3 =	simm.s32 @!p0 $0x1082;
	s9 =	sld [smem:$0x3FB6]  }
0x2f: {  	lr =	sadd.s32 s0, s3;
	s0 =	sld [smem:$0x3FAD]  }
0x30: {  	s3 =	sld [smem:$0x3FB0]  }
0x31: {  	[smem:$0x3FB9] =	sst s10  }
0x32: {  	s10 =	sld [smem:$0x3FB7];
	_ =	sdelay $0x3  }
0x33: {  	p0 =	seq.s32 s10, $0x1;
	s10 =	sld [smem:$0x3FB9];
	_ =	sdelay $0x3  }
0x34: {  	[smem:$0x3FB9] =	sst s10  }
0x35: {  	s10 =	sld [smem:$0x3FB8];
	_ =	sdelay $0x3  }
0x36: {  	p1 =	seq.s32 s10, $0x1;
	s10 =	sld [smem:$0x3FB9];
	_ =	sdelay $0x3  }
0x37: {  	[smem:$0x3FB9] =	sst s10  }
0x38: {  	s10 =	sld [smem:$0x3FBA]  }
0x39: {  	_ = 	snop;
	(pc) =	sbr.ind lr, $3  }
0x3a: {  	_ = 	snop  }
0x3b: {  	_ = 	snop  }
0x3c: {  	p2 =	seq.s32 s10, $0x1;
	s10 =	sld [smem:$0x3FB9]  }
0x3d: {  	_ =	shalt  }
0x3e: {  	_ =	shalt  }
0x3f: {  	_ =	shalt  }
0x40: {  	_ =	shalt  }
0x41: {  	_ =	shalt  }
0x42: {  	_ =	shalt  }
0x43: {  	_ =	shalt  }
0x44: {  	_ =	shalt  }
0x45: {  	_ =	shalt  }
0x46: {  	_ =	shalt  }
0x47: {  	_ =	shalt  }
0x48: {  	_ =	shalt  }
0x49: {  	_ =	shalt  }
0x4a: {  	_ =	shalt  }
0x4b: {  	_ =	shalt  }
0x4c: {  	_ =	shalt  }
0x4d: {  	_ =	shalt  }
0x4e: {  	_ =	shalt  }
0x4f: {  	_ =	shalt  }
0x50: {  	_ =	shalt  }
0x51: {  	_ =	shalt  }
0x52: {  	_ =	shalt  }
0x53: {  	_ =	shalt  }
0x54: {  	_ =	shalt  }
0x55: {  	_ =	shalt  }
0x56: {  	_ =	shalt  }
0x57: {  	_ =	shalt  }
0x58: {  	_ =	shalt  }
0x59: {  	_ =	shalt  }
0x5a: {  	_ =	shalt  }
0x5b: {  	_ =	shalt  }
0x5c: {  	_ =	shalt  }
0x5d: {  	_ =	shalt  }
0x5e: {  	_ =	shalt  }
0x5f: {  	_ =	shalt  }
0x60: {  	_ =	shalt  }
0x61: {  	_ =	shalt  }
0x62: {  	_ =	shalt  }
0x63: {  	_ =	shalt  }
0x64: {  	_ =	shalt  }
0x65: {  	_ =	shalt  }
0x66: {  	_ =	shalt  }
0x67: {  	_ =	shalt  }
0x68: {  	_ =	shalt  }
0x69: {  	_ =	shalt  }
0x6a: {  	_ =	shalt  }
0x6b: {  	_ =	shalt  }
0x6c: {  	_ =	shalt  }
0x6d: {  	_ =	shalt  }
0x6e: {  	_ =	shalt  }
0x6f: {  	_ =	shalt  }
0x70: {  	_ =	shalt  }
0x71: {  	_ =	shalt  }
0x72: {  	_ =	shalt  }
0x73: {  	_ =	shalt  }
0x74: {  	_ =	shalt  }
0x75: {  	_ =	shalt  }
0x76: {  	_ =	shalt  }
0x77: {  	_ =	shalt  }
0x78: {  	_ =	shalt  }
0x79: {  	_ =	shalt  }
0x7a: {  	_ =	shalt  }
0x7b: {  	_ =	shalt  }
0x7c: {  	_ =	shalt  }
0x7d: {  	_ =	shalt  }
0x7e: {  	_ =	shalt  }
0x7f: {  	_ =	shalt  }
0x80: {  	_ =	shalt  }
0x81: {  	_ =	shalt  }
0x82: {  	_ =	shalt  }
0x83: {  	_ =	shalt  }
0x84: {  	_ =	shalt  }
0x85: {  	_ =	shalt  }
0x86: {  	_ =	shalt  }
0x87: {  	_ =	shalt  }
.Lfunc_end0:
.L_simem_size_0:
called_computation.1_lowered:
.L_overlay_start_0:
0x88: {  	s2 =	sld [smem:$0x3FD9]  }
0x89: {  	s3 =	sld [smem:$0x3FFE];
	_ =	sdelay $0x1  }
0x8a: {  	s1 =	srdreg.scid  }
0x8b: {  	s0 =	sand.u32 $0x1, s1  }
0x8c: {  	s17 =	sshll.u32 s0, $0xA;
	s2 =	sadd.s32 s3, s2  }
0x8d: {  	s2 =	sadd.s32 s2, s17  }
0x8e: {  	[smem:$0x3FC5] =	sst s2  }
0x8f: {  	_ = 	snop  }
0x90: {  	(tm) =	ssettm $0x1  }
0x91: {  	s18 =	sld [smem:$0x3FFB];
	_ =	sdelay $0x3  }
0x92: {  	_ =	strace s18  }
0x93: {  	s2 =	sld [smem:$0x3FFC];
	_ =	sdelay $0x3  }
0x94: {  	_ =	strace s2  }
0x95: {  	s2 =	sld [smem:$0x3FFD];
	_ =	sdelay $0x3  }
0x96: {  	_ =	strace s2  }
0x97: {  	_ =	strace $0x8FFFFFFF  }
0x98: {  	s19 =	sld [smem:$0x3FDB];
	_ =	sdelay $0x1  }
0x99: {  	s20 =	simm.s32 $_scs_section_size  }
0x9a: {  	s4 =	simm.s32 $_size__tile_overlayer_lowered;
	s5 =	simm.s32 $_tile_overlayer_lowered  }
0x9b: {  	s6 =	simm.s32 $0x1BFF;
	s21 =	sshll.u32 s5, $0x1;
	s3 =	sadd.s32 s20, s19  }
0x9c: {  	s22 =	simm.s32 $0x0;
	s4 =	sshll.u32 s4, $0x1;
	s5 =	sadd.s32 s21, s3  }
0x9d: {  	[timem:s22], [sflag:s6] =	dma.local [hbm:s5], s4  }
0x9e: {  	_ =	swait.ge [sflag:s6], s4  }
0x9f: {  	s4 =	ssub.s32 $0x0, s4;
	[sflag:s6] =	ssyncset.done $0x0  }
0xa0: {  	[sflag:s6] =	ssyncadd.s32 s4;
	_ =	sdelay $0x1  }
0xa1: {  	s23 =	simm.s32 $0x1B8B  }
0xa2: {  	_ =	swait.ge [sflag:s23], $0x1  }
0xa3: {  	[sflag:s23] =	ssyncset.done $0x0  }
0xa4: {  	[sflag:s23] =	ssyncadd.s32 $0xFFFFFFFF  }
0xa5: {  	s4 =	sld [smem:$0x0]  }
0xa6: {  	s5 =	sand.u32 $0xFFFFFFFE, s1  }
0xa7: {  	p0 =	sne.s32 s1, s5  }
0xa8: {  	s5 =	sshll.u32 @p0 s5, $0xE  }
0xa9: {  	s5 =	sadd.s32 @p0 $0x11B8D, s5;
	s6 =	sshll.u32 @p0 s4, $0x11  }
0xaa: {  	s5 =	sor.u32 @p0 s6, s5  }
0xab: {  	[sflag:s5] =	ssyncadd.remote.s32 @p0 $0x1;
	_ =	sdelay $0x1  }
0xac: {  	s5 =	simm.s32 @p0 $0x1B8D  }
0xad: {  	_ =	swait.eq @p0 [sflag:s5], $0x1  }
0xae: {  	[sflag:s5] =	ssyncadd.s32 @p0 $0xFFFFFFFF  }
0xaf: {  	s6 =	sshll.u32 @!p0 s1, $0xE  }
0xb0: {  	s6 =	sor.u32 @!p0 $0x4000, s6;
	s5 =	simm.s32 @!p0 $0x1B8D  }
0xb1: {  	s4 =	sshll.u32 @!p0 s4, $0x11;
	s6 =	sadd.s32 @!p0 $0x11B8D, s6;
	_ =	swait.eq @!p0 [sflag:s5], $0x1  }
0xb2: {  	s4 =	sor.u32 @!p0 s4, s6;
	[sflag:s5] =	ssyncadd.s32 @!p0 $0xFFFFFFFF  }
0xb3: {  	s25 =	simm.s32 $0x1B8E;
	s24 =	sld [smem:$0x3FFE];
	[sflag:s4] =	ssyncadd.remote.s32 @!p0 $0x1  }
0xb4: {  	s26 =	simm.s32 $execute0_lowered;
	[smem:$0x3FD2] =	sst s25  }
0xb5: {  	s5 =	sshll.u32 s26, $0x1;
	_ =	strace $0x80000050;
	[dreg:$0x1] =	wrdreg $0xFFFFFFFF  }
0xb6: {  	s28 =	simm.s32 $_size_execute0_lowered;
	s3 =	sadd.s32 s3, s5;
	[dreg:$0x0] =	wrdreg $0x0  }
0xb7: {  	s5 =	sshll.u32 s28, $0x1;
	[dreg:$0x2] =	wrdreg s3  }
0xb8: {  	[dreg:$0x3] =	wrdreg s5  }
0xb9: {  	[dreg:$0x4] =	wrdreg $0xC0  }
0xba: {  	_ =	task [dreg:s22], $0x5FFFF  }
0xbb: {  	[dreg:$0x1] =	wrdreg $0xFFFFFFFF  }
0xbc: {  	[dreg:$0x0] =	wrdreg $0x60  }
0xbd: {  	[dreg:$0x2] =	wrdreg s24  }
0xbe: {  	[dreg:$0x3] =	wrdreg $0xA  }
0xbf: {  	_ =	task.clear_ibuf [dreg:s22], $0x4FFFF;
	_ =	strace $0x90000050  }
0xc0: {  	s29 =	simm.s32 $0xA;
	_ =	strace $0x80000059  }
0xc1: {  	_ =	swait.ge [sflag:s29], $0x1  }
0xc2: {  	[sflag:s29] =	ssyncadd.s32 $0xFFFFFFFF  }
0xc3: {  	_ =	strace $0x90000059  }
0xc4: {  	_ =	sfence  }
0xc5: {  	s30 =	sld [smem:$0x0];
	_ =	sdelay $0x2  }
0xc6: {  	s31 =	sshll.u32 s1, $0xD;
	s1 =	sshrl.u32 s1, $0x2  }
0xc7: {  	s4 =	sand.u32 $0x4000, s31;
	s1 =	sadd.s32 s1, s30  }
0xc8: {  	s0 =	sor.u32 s4, s0;
	s1 =	sshll.u32 s1, $0x11  }
0xc9: {  	s0 =	sor.u32 s1, s0  }
0xca: {  	s0 =	sadd.s32 $0x8F2B, s0  }
0xcb: {  	[sflag:s0] =	ssyncadd.remote.s32 $0x1  }
0xcc: {  	_ =	sfence.sel $0xFFFF  }
0xcd: {  	[dreg:$0x0] =	wrdreg $0xFFFFFFFF;
	(pc) =	sbr.abs _section_cstart, $3  }
0xce: {  	[dreg:$0x1] =	wrdreg $0xFFFFFFFF  }
0xcf: {  	_ =	task.clear_ibuf [dreg:s22], $0x2FFFF;
	_ =	strace $0x9FFFFFFF  }
0xd0: {  	(tm) =	ssettm $0x7FFFFFFF  }
0xd1: {  	_ =	shalt  }
tec
execute0_lowered:
.L_overlay_start_1:
0x0: {  	(tag) =	ssettag $0x1  }
0x1: {  	s3 =	rddreg [dreg:$0x0]  }
0x2: {  	s0 =	rddreg [dreg:$0x1];
	s1 =	simm.s32 $0x0;
	s2 =	srdreg.scid  }
0x3: {  	s31 =	simm.s32 $0x80;
	s9 =	simm.s32 $0x4;
	s10 =	simm.s32 $0x0  }
0x4: {  	[smem:$0x7FF] =	sst s1;
	s4 =	sand.u32 $0x1, s2;
	s5 =	sadd.s32 $0xABA00, s3  }
0x5: {  	s2 =	stileid.u32;
	s29 =	sadd.s32 $0xB4E00, s3;
	s3 =	sadd.s32 $0xB3A00, s3  }
0x6: {  	_ =	strace $0x80000051;
	s6 =	sshll.u32 s4, $0x4;
	[dreg:$0x2] =	wrdreg s5  }
0x7: {  	s4 =	ssub.s32 $0x2, s4;
	[dreg:$0x4] =	wrdreg s29;
	s28 =	sor.u32 s2, s6  }
0x8: {  	[dreg:$0x3] =	wrdreg s31;
	s7 =	sshrl.u32 s4, $0x1;
	s8 =	smul.u32 $0xA0, s28  }
0x9: {  	s30 =	ssub.s32 s4, s7;
	s4 =	smul.u32 $0xA, s28;
	s7 =	simm.s32 $0x1  }
0xa: {  	s6 =	smax.u32 s30, $0x1;
	s5 =	sadd.s32 s3, s8;
	s8 =	simm.s32 $0x5  }
.LBB2_1:
0xb: {  	_ =	strace $0x80000052;
	s11 =	simm.s32 $0x1;
	p0 =	por $0x0, $0x0  }
0xc: {  	[tilespmem:s1], [sflag:$0x1] =	stream.linear.gather [hbm4b:s5+s1], $0x80, $0x200038;
	[tilespmem:$0x8100] =	vst v63  }
0xd: {  	s11 =	simm.s32 @p0 $0x0  }
0xe: {  	p4 =	por $0x1, $0x1;
	s20 =	sand.u32 $0x1, s1;
	p1 =	sne.s32 s11, $0x0  }
0xf: {  	p2 =	por $0x1, $0x1;
	s18 =	simm.s32 $0x8;
	p0 =	por !p4, !p1  }
0x10: {  	s16 =	simm.s32 $0x0;
	p5 =	por $0x0, $0x0;
	p0 =	por !p0, !p0  }
0x11: {  	s23 =	sadd.s32 $0x0, s4;
	s30 =	sadd.s32 $0x1, s20;
	s12 =	sadd.s32 @p0 s4, s11  }
0x12: {  	_ =	strace $0x90000052;
	s13 =	sand.u32 @p0 $0x1, s7;
	s12 =	sshll.u32 @p0 s12, $0x4  }
0x13: {  	_ =	strace @p0 $0x80000053;
	s15 =	simm.s32 @p0 $0x0;
	s12 =	sand.u32 @p0 $0x1FFFFFF0, s12  }
0x14: {  	s14 =	sshll.u32 @p0 s13, $0x7;
	s13 =	sadd.s32 @p0 $0x1, s13;
	s12 =	sadd.s32 @p0 s3, s12  }
0x15: {  	[tilespmem:s14], [sflag:s13] =	stream.linear.gather @p0 [hbm4b:s12+s15], $0x80, $0x200038;
	[tilespmem:$0x8100] =	vst v63  }
0x16: {  	p3 =	por p2, p2;
	s21 =	sshll.u32 s20, $0xE;
	_ =	strace @p0 $0x90000053  }
0x17: {  	s16 =	sand.u32 $0x80, s16;
	p2 =	por p5, p5;
	_ =	strace $0x80000054  }
0x18: {  	s17 =	sadd.s32 $0x1, s11;
	s22 =	sor.u32 $0x100, s21;
	_ =	swait.ge [sflag:s30], $0x80  }
0x19: {  	s21 =	simm.s32 $0x1;
	p6 =	por p1, p1;
	[sflag:s30] =	ssyncset.done $0x0  }
0x1a: {  	p1 =	por p3, p3;
	p4 =	por $0x1, $0x1;
	[sflag:s30] =	ssyncadd.s32 $0xFFFFFF80  }
0x1b: {  	s12 =	simm.s32 $0x9;
	s15 =	sand.u32 @!p3 $0x1, s1;
	_ =	strace $0x90000054  }
0x1c: {  	s13 =	simm.s32 $0x1;
	p3 =	seq.s32 s17, $0xA;
	_ =	strace $0x80000055  }
0x1d: {  	s13 =	simm.s32 @!p0 $0x0;
	s17 =	simm.s32 @p3 $0x0;
	s19 =	rddreg [dreg:$0x3]  }
0x1e: {  	p0 =	por $0x0, $0x0;
	s14 =	sadd.s32 $0x1, s13;
	s31 =	rddreg [dreg:$0x2]  }
0x1f: {  	[tilespmem:s22], [sflag:$0x5] =	stream.indirect.gather [hbm4b:s31+s19], $0x80, s16, s19, $0x2000b8;
	[tilespmem:$0x8100] =	vst v63  }
0x20: {  	p3 =	sne.s32 s11, s17;
	s21 =	simm.s32 @!p0 $0x0;
	_ =	swait.ge [sflag:s8], $0x4000  }
0x21: {  	p5 =	por !p4, !p3;
	p4 =	por $0x0, $0x0;
	[sflag:s8] =	ssyncset.done $0x0  }
0x22: {  	s13 =	simm.s32 $0x0;
	p6 =	por p4, p6;
	[sflag:s8] =	ssyncadd.s32 $0xFFFFC000  }
0x23: {  	s16 =	simm.s32 $0x0;
	s19 =	simm.s32 $0x0;
	_ =	strace $0x90000055  }
.LBB2_2:
0x24: {  	_ =	strace @p6 $0x80000056;
	s13 =	sadd.s32 s21, s13;
	s21 =	smov.u32 s12  }
0x25: {  	s12 =	smov.u32 s18;
	s18 =	sadd.s32 $0xFFFFFFFF, s18;
	p0 =	por p3, p3  }
0x26: {  	s28 =	sshll.u32 @p6 s23, $0xB;
	s20 =	sadd.s32 @p6 $0x3, s20;
	s24 =	simm.s32 @!p0 $0x0  }
0x27: {  	s25 =	rddreg [dreg:$0x4];
	s28 =	sand.u32 @p6 $0x1FFFF800, s28;
	s24 =	simm.s32 @p0 $0x1  }
0x28: {  	s25 =	sadd.s32 @p6 s25, s28;
	s28 =	simm.s32 @p6 $0x0;
	p0 =	sne.s32 s18, $0x0  }
0x29: {  	[hbm4b:s25+s28] =	stream.linear.scatter @p6 [tilespmem:s22], [sflag:s20], $0x4000, $0x200038;
	[tilespmem:$0x8100] =	vst v63  }
0x2a: {  	s20 =	sadd.s32 @!p1 $0x3, s15;
	s15 =	simm.s32 @!p0 $0x0  }
0x2b: {  	s26 =	simm.s32 $0x1;
	[smem:$0x7FC] =	sst s24;
	s15 =	simm.s32 @p0 $0x1  }
0x2c: {  	s26 =	simm.s32 @!p6 $0x0;
	_ =	strace @p6 $0x90000056;
	[smem:$0x7FD] =	sst s15  }
0x2d: {  	p5 =	por !p5, !p5;
	s19 =	sadd.s32 s26, s19;
	_ =	strace @!p1 $0x80000057  }
0x2e: {  	s24 =	sand.u32 @!p2 $0x1, s13;
	s22 =	sand.u32 @p5 $0x1, s14;
	_ =	swait.ge @!p1 [sflag:s20], $0x4000  }
0x2f: {  	s15 =	smov.u32 s24;
	s24 =	sadd.s32 @p5 s4, s17;
	[sflag:s20] =	ssyncset.done @!p1 $0x0  }
0x30: {  	s25 =	sshll.u32 @p5 s22, $0x7;
	s24 =	sshll.u32 @p5 s24, $0x4;
	[sflag:s20] =	ssyncadd.s32 @!p1 $0xFFFFC000  }
0x31: {  	s20 =	sadd.s32 @p5 $0x1, s22;
	s22 =	sand.u32 @p5 $0x1FFFFFF0, s24;
	_ =	strace @!p1 $0x90000057  }
0x32: {  	s24 =	simm.s32 @p5 $0x0;
	s22 =	sadd.s32 @p5 s3, s22;
	_ =	strace @p5 $0x80000053  }
0x33: {  	[tilespmem:s25], [sflag:s20] =	stream.linear.gather @p5 [hbm4b:s22+s24], $0x80, $0x200038;
	[tilespmem:$0x8100] =	vst v63  }
0x34: {  	s16 =	sadd.s32 s26, s16;
	s26 =	sand.u32 $0x1, s19;
	_ =	strace @p5 $0x90000053  }
0x35: {  	s24 =	sadd.s32 $0x1, s26;
	_ =	strace $0x80000054  }
0x36: {  	_ =	swait.ge [sflag:s24], $0x80  }
0x37: {  	[sflag:s24] =	ssyncset.done $0x0  }
0x38: {  	s20 =	simm.s32 $0x1;
	[sflag:s24] =	ssyncadd.s32 $0xFFFFFF80  }
0x39: {  	s20 =	simm.s32 @!p5 $0x0;
	_ =	strace $0x90000054  }
0x3a: {  	s14 =	sadd.s32 s20, s14;
	s20 =	sand.u32 $0x1, s16;
	_ =	strace $0x80000055  }
0x3b: {  	s29 =	sshll.u32 s19, $0x7;
	s25 =	sshll.u32 s20, $0xE;
	s26 =	rddreg [dreg:$0x3]  }
0x3c: {  	s29 =	sand.u32 $0x80, s29;
	s22 =	sor.u32 $0x100, s25;
	s30 =	rddreg [dreg:$0x2]  }
0x3d: {  	[tilespmem:s22], [sflag:$0x5] =	stream.indirect.gather [hbm4b:s30+s26], $0x80, s29, s26, $0x2000b8;
	[tilespmem:$0x8100] =	vst v63  }
0x3e: {  	_ =	swait.ge [sflag:s8], $0x4000  }
0x3f: {  	s31 =	sadd.s32 $0x1, s17;
	[sflag:s8] =	ssyncset.done $0x0  }
0x40: {  	s23 =	sadd.s32 s4, s11;
	s11 =	smov.u32 s17;
	[sflag:s8] =	ssyncadd.s32 $0xFFFFC000  }
0x41: {  	p3 =	seq.s32 s31, $0xA;
	s17 =	smov.u32 s31;
	_ =	strace $0x90000055  }
0x42: {  	s17 =	simm.s32 @p3 $0x0;
	s31 =	sld [smem:$0x7FD]  }
0x43: {  	p6 =	sne.s32 s12, $0x1;
	p0 =	sne.s32 s21, $0xA;
	p3 =	sne.s32 s11, s17  }
0x44: {  	p5 =	por !p6, !p3;
	p6 =	seq.s32 s21, $0x1;
	s21 =	simm.s32 $0x1  }
0x45: {  	s21 =	simm.s32 @!p0 $0x0;
	p0 =	seq.s32 s31, $0x1  }
.Ltmp0:
0x46: {  	s30 =	sld [smem:$0x7FC];
	(pc) =	sbr.rel @p0 .LBB2_2-.Ltmp0, $4  }
0x47: {  	_ = 	snop  }
0x48: {  	p4 =	seq.s32 s12, $0xA  }
0x49: {  	p1 =	por p2, p2;
	p2 =	por p4, p4;
	p4 =	seq.s32 s30, $0x1  }
0x4a: {  	p6 =	por p6, p4  }
0x4b: {  	_ =	strace @p6 $0x80000056;
	s23 =	sshll.u32 @p6 s23, $0xB  }
0x4c: {  	s18 =	rddreg [dreg:$0x4];
	s23 =	sand.u32 @p6 $0x1FFFF800, s23  }
0x4d: {  	s20 =	sadd.s32 @p6 $0x3, s20;
	s18 =	sadd.s32 @p6 s18, s23;
	s23 =	simm.s32 @p6 $0x0  }
0x4e: {  	[hbm4b:s18+s23] =	stream.linear.scatter @p6 [tilespmem:s22], [sflag:s20], $0x4000, $0x200038;
	[tilespmem:$0x8100] =	vst v63  }
0x4f: {  	p0 =	por !p5, !p5;
	_ =	strace @p6 $0x90000056  }
0x50: {  	s15 =	sadd.s32 @!p1 $0x3, s15;
	s17 =	sadd.s32 @p0 s4, s17;
	_ =	strace @!p1 $0x80000057  }
0x51: {  	s14 =	sand.u32 @p0 $0x1, s14;
	s17 =	sshll.u32 @p0 s17, $0x4;
	_ =	swait.ge @!p1 [sflag:s15], $0x4000  }
0x52: {  	s18 =	simm.s32 $0x1;
	s20 =	sshll.u32 @p0 s14, $0x7;
	[sflag:s15] =	ssyncset.done @!p1 $0x0  }
0x53: {  	s14 =	sadd.s32 @p0 $0x1, s14;
	s18 =	simm.s32 @!p6 $0x0;
	[sflag:s15] =	ssyncadd.s32 @!p1 $0xFFFFC000  }
0x54: {  	s19 =	sadd.s32 s18, s19;
	s15 =	sand.u32 @p0 $0x1FFFFFF0, s17;
	_ =	strace @!p1 $0x90000057  }
0x55: {  	s17 =	simm.s32 @p0 $0x0;
	s15 =	sadd.s32 @p0 s3, s15;
	_ =	strace @p0 $0x80000053  }
0x56: {  	[tilespmem:s20], [sflag:s14] =	stream.linear.gather @p0 [hbm4b:s15+s17], $0x80, $0x200038;
	[tilespmem:$0x8100] =	vst v63  }
0x57: {  	s25 =	sand.u32 $0x1, s19;
	_ =	strace @p0 $0x90000053  }
0x58: {  	s14 =	sadd.s32 $0x1, s25;
	_ =	strace $0x80000054  }
0x59: {  	_ =	swait.ge [sflag:s14], $0x80  }
0x5a: {  	[sflag:s14] =	ssyncset.done $0x0  }
0x5b: {  	[sflag:s14] =	ssyncadd.s32 $0xFFFFFF80  }
0x5c: {  	s26 =	sadd.s32 s18, s16;
	_ =	strace $0x90000054  }
0x5d: {  	s14 =	sand.u32 $0x1, s26;
	_ =	strace $0x80000055  }
0x5e: {  	s30 =	sshll.u32 s19, $0x7;
	s31 =	sshll.u32 s14, $0xE;
	s28 =	rddreg [dreg:$0x3]  }
0x5f: {  	s17 =	sand.u32 $0x80, s30;
	s18 =	sor.u32 $0x100, s31;
	s29 =	rddreg [dreg:$0x2]  }
0x60: {  	[tilespmem:s18], [sflag:$0x5] =	stream.indirect.gather [hbm4b:s29+s28], $0x80, s17, s28, $0x2000b8;
	[tilespmem:$0x8100] =	vst v63  }
0x61: {  	_ =	swait.ge [sflag:s8], $0x4000  }
0x62: {  	[sflag:s8] =	ssyncset.done $0x0  }
0x63: {  	p5 =	por p3, p3;
	p6 =	seq.s32 s12, $0x1;
	[sflag:s8] =	ssyncadd.s32 $0xFFFFC000  }
0x64: {  	s11 =	sadd.s32 s4, s11;
	p0 =	por p6, p5;
	_ =	strace $0x90000055  }
0x65: {  	s11 =	sshll.u32 @p0 s11, $0xB;
	_ =	strace @p0 $0x80000056  }
0x66: {  	s13 =	sadd.s32 s21, s13;
	s11 =	sand.u32 @p0 $0x1FFFF800, s11;
	s12 =	rddreg [dreg:$0x4]  }
0x67: {  	s14 =	sadd.s32 @p0 $0x3, s14;
	s11 =	sadd.s32 @p0 s12, s11;
	s12 =	simm.s32 @p0 $0x0  }
0x68: {  	[hbm4b:s11+s12] =	stream.linear.scatter @p0 [tilespmem:s18], [sflag:s14], $0x4000, $0x200038;
	[tilespmem:$0x8100] =	vst v63  }
0x69: {  	p1 =	por p2, p2;
	s11 =	sand.u32 @!p2 $0x1, s13;
	_ =	strace @p0 $0x90000056  }
0x6a: {  	s11 =	sadd.s32 @!p1 $0x3, s11;
	_ =	strace @!p1 $0x80000057  }
0x6b: {  	_ =	swait.ge @!p1 [sflag:s11], $0x4000  }
0x6c: {  	[sflag:s11] =	ssyncset.done @!p1 $0x0  }
0x6d: {  	s10 =	sadd.s32 $0x1, s10;
	[sflag:s11] =	ssyncadd.s32 @!p1 $0xFFFFC000  }
0x6e: {  	p0 =	sne.s32 s10, s6;
	_ =	strace @!p1 $0x90000057  }
.Ltmp1:
0x6f: {  	_ =	strace $0x80000058;
	(pc) =	sbr.rel @p0 .LBB2_1-.Ltmp1, $4  }
0x70: {  	_ =	swait.ge [sflag:s9], $0x4000  }
0x71: {  	[sflag:s9] =	ssyncset.done $0x0  }
0x72: {  	[sflag:s9] =	ssyncadd.s32 $0xFFFFC000  }
0x73: {  	_ =	strace $0x90000058  }
0x74: {  	_ =	sfence.sel $0x180000  }
0x75: {  	[bflag:$0x0] =	sbarrier.arrive $0xFFFF  }
0x76: {  	p0 =	sne.s32 s2, $0x0;
	_ =	strace $0x90000051  }
0x77: {  	s0 =	sadd.s32 @!p0 $0x100000, s0;
	[bflag:$0x2] =	sbarrier.arrive $0xFFFF  }
0x78: {  	[sflag:s0] =	ssyncadd.tile.s32 @!p0 $0x1;
	_ =	shalt  }
.Lfunc_end2:
_tile_overlayer_lowered:
.L_overlay_start_2:
0x79: {  	(tag) =	ssettag $0x2  }
0x7a: {  	s0 =	rddreg [dreg:$0x0];
	s2 =	stileid.u32  }
0x7b: {  	s1 =	rddreg [dreg:$0x1];
	p0 =	sne.s32 s2, $0x0  }
0x7c: {  	s3 =	rddreg [dreg:$0x2];
	[bflag:$0x3] =	sbarrier.arrive $0xFFFF;
	s2 =	simm.s32 @!p0 $0x1C01  }
0x7d: {  	[timem:s3], [sflag:s2] =	dma.local @!p0 [hbm:s0], s1  }
0x7e: {  	s0 =	simm.s32 @!p0 $0x1  }
0x7f: {  	_ =	swait.ge @!p0 [sflag:s0], s1  }
0x80: {  	s1 =	ssub.s32 @!p0 $0x0, s1;
	[sflag:s0] =	ssyncset.done @!p0 $0x0  }
0x81: {  	[sflag:s0] =	ssyncadd.s32 @!p0 s1  }
0x82: {  	[bflag:$0x3] =	sbarrier.arrive $0xFFFF  }
0x83: {  	_ =	shalt  }

// kernel: kernel.20.cloned.1.call-start
scs
__scs_entry_jumppad:
0x0: {  	(pc) =	sbr.rel $0x88, $3  }
0x1: {  	(tag) =	ssettag $0x0;
	lr =	simm.s32 $0x1  }
0x2: {  	[smem:$0x3F9E] =	sst lr;
	_ =	strace $0xD0000000  }
0x3: {  	_ = 	snop  }
0x4: {  	_ = 	snop  }
0x5: {  	_ = 	snop  }
0x6: {  	_ = 	snop  }
0x7: {  	_ = 	snop  }
__scs_overlays_trampoline_lowered:
0x8: {  	[smem:$0x3FAD] =	sst s0  }
0x9: {  	[smem:$0x3FAE] =	sst s1  }
0xa: {  	[smem:$0x3FAF] =	sst s2  }
0xb: {  	[smem:$0x3FB0] =	sst s3  }
0xc: {  	[smem:$0x3FB1] =	sst s4  }
0xd: {  	[smem:$0x3FB2] =	sst s5  }
0xe: {  	[smem:$0x3FB3] =	sst s6  }
0xf: {  	[smem:$0x3FB4] =	sst s7  }
0x10: {  	[smem:$0x3FB5] =	sst s8  }
0x11: {  	[smem:$0x3FB6] =	sst s9;
	s0 =	simm.s32 @!p0 $0x0  }
0x12: {  	s1 =	sld [smem:$0x3F9C];
	s0 =	simm.s32 @p0 $0x1  }
0x13: {  	[smem:$0x3FB7] =	sst s0;
	s0 =	simm.s32 @!p1 $0x0  }
0x14: {  	s2 =	sld [smem:$0x3F9B];
	s0 =	simm.s32 @p1 $0x1  }
0x15: {  	[smem:$0x3FB8] =	sst s0;
	s0 =	simm.s32 @!p2 $0x0  }
0x16: {  	s3 =	sld [smem:$0x3FDB];
	s0 =	simm.s32 @p2 $0x1  }
0x17: {  	s4 =	simm.s32 $0x1BF5;
	[smem:$0x3FBA] =	sst s0  }
0x18: {  	s0 =	sld [smem:$0x3F9D];
	_ =	swait.ge [sflag:s4], $0x0  }
0x19: {  	s7 =	sld [smem:$0x3F9E]  }
0x1a: {  	s8 =	sadd.s32 $0xFFFFE003, lr  }
0x1b: {  	s9 =	sadd.s32 $0xFFFFFEF7, lr;
	s5 =	simm.s32 $0xFFFFFFFF;
	p2 =	slt.u32 s8, $0xFFFFF086  }
0x1c: {  	p1 =	slt.u32 s9, $0xF7A;
	s5 =	simm.s32 @!p2 $0x0  }
0x1d: {  	s5 =	simm.s32 @p1 $0x1;
	p0 =	seq.s32 s7, s2  }
0x1e: {  	s7 =	smul.u32 @!p0 $0xF7A, s2;
	p2 =	seq.s32 @!p0 s5, $0x0  }
0x1f: {  	s9 =	smul.u32 $0xF7A, s1;
	s8 =	simm.s32 @!p0 $0x1BF5;
	p2 =	por !p2, p0  }
0x20: {  	[sflag:s8] =	ssyncset.s32 @!p0 $0xFFFFF086;
	s6 =	sadd.s32 @!p0 s3, s7;
	s7 =	simm.s32 @!p0 $0x108  }
0x21: {  	s3 =	sadd.s32 s3, s9;
	s6 =	sadd.s32 @!p0 $0x88, s6;
	s7 =	simm.s32 @p2 $0x1082  }
0x22: {  	[simem:s7], [sflag:s8] =	dma.local @!p0 [hbm:s6], $0xF7A  }
0x23: {  	s9 =	sor.u32 $0xD0000000, s2;
	s6 =	simm.s32 $0x108;
	_ =	swait.ge @!p0 [sflag:s8], $0x0  }
0x24: {  	s3 =	sadd.s32 $0x88, s3;
	s6 =	simm.s32 @!p1 $0x1082;
	[sflag:s4] =	ssyncset.s32 $0xFFFFF086  }
0x25: {  	[simem:s6], [sflag:s4] =	dma.local [hbm:s3], $0xF7A  }
0x26: {  	[smem:$0x3F9E] =	sst s1;
	(tag) =	ssettag s2;
	_ =	strace s9  }
0x27: {  	s1 =	sld [smem:$0x3FAE]  }
0x28: {  	s2 =	sld [smem:$0x3FAF]  }
0x29: {  	s4 =	sld [smem:$0x3FB1]  }
0x2a: {  	p0 =	seq.s32 s5, $0x0;
	s5 =	sld [smem:$0x3FB2]  }
0x2b: {  	s6 =	sld [smem:$0x3FB3]  }
0x2c: {  	s7 =	sld [smem:$0x3FB4]  }
0x2d: {  	s3 =	simm.s32 $0x108;
	s8 =	sld [smem:$0x3FB5]  }
0x2e: {  	s3 =	simm.s32 @!p0 $0x1082;
	s9 =	sld [smem:$0x3FB6]  }
0x2f: {  	lr =	sadd.s32 s0, s3;
	s0 =	sld [smem:$0x3FAD]  }
0x30: {  	s3 =	sld [smem:$0x3FB0]  }
0x31: {  	[smem:$0x3FB9] =	sst s10  }
0x32: {  	s10 =	sld [smem:$0x3FB7];
	_ =	sdelay $0x3  }
0x33: {  	p0 =	seq.s32 s10, $0x1;
	s10 =	sld [smem:$0x3FB9];
	_ =	sdelay $0x3  }
0x34: {  	[smem:$0x3FB9] =	sst s10  }
0x35: {  	s10 =	sld [smem:$0x3FB8];
	_ =	sdelay $0x3  }
0x36: {  	p1 =	seq.s32 s10, $0x1;
	s10 =	sld [smem:$0x3FB9];
	_ =	sdelay $0x3  }
0x37: {  	[smem:$0x3FB9] =	sst s10  }
0x38: {  	s10 =	sld [smem:$0x3FBA]  }
0x39: {  	_ = 	snop;
	(pc) =	sbr.ind lr, $3  }
0x3a: {  	_ = 	snop  }
0x3b: {  	_ = 	snop  }
0x3c: {  	p2 =	seq.s32 s10, $0x1;
	s10 =	sld [smem:$0x3FB9]  }
0x3d: {  	_ =	shalt  }
0x3e: {  	_ =	shalt  }
0x3f: {  	_ =	shalt  }
0x40: {  	_ =	shalt  }
0x41: {  	_ =	shalt  }
0x42: {  	_ =	shalt  }
0x43: {  	_ =	shalt  }
0x44: {  	_ =	shalt  }
0x45: {  	_ =	shalt  }
0x46: {  	_ =	shalt  }
0x47: {  	_ =	shalt  }
0x48: {  	_ =	shalt  }
0x49: {  	_ =	shalt  }
0x4a: {  	_ =	shalt  }
0x4b: {  	_ =	shalt  }
0x4c: {  	_ =	shalt  }
0x4d: {  	_ =	shalt  }
0x4e: {  	_ =	shalt  }
0x4f: {  	_ =	shalt  }
0x50: {  	_ =	shalt  }
0x51: {  	_ =	shalt  }
0x52: {  	_ =	shalt  }
0x53: {  	_ =	shalt  }
0x54: {  	_ =	shalt  }
0x55: {  	_ =	shalt  }
0x56: {  	_ =	shalt  }
0x57: {  	_ =	shalt  }
0x58: {  	_ =	shalt  }
0x59: {  	_ =	shalt  }
0x5a: {  	_ =	shalt  }
0x5b: {  	_ =	shalt  }
0x5c: {  	_ =	shalt  }
0x5d: {  	_ =	shalt  }
0x5e: {  	_ =	shalt  }
0x5f: {  	_ =	shalt  }
0x60: {  	_ =	shalt  }
0x61: {  	_ =	shalt  }
0x62: {  	_ =	shalt  }
0x63: {  	_ =	shalt  }
0x64: {  	_ =	shalt  }
0x65: {  	_ =	shalt  }
0x66: {  	_ =	shalt  }
0x67: {  	_ =	shalt  }
0x68: {  	_ =	shalt  }
0x69: {  	_ =	shalt  }
0x6a: {  	_ =	shalt  }
0x6b: {  	_ =	shalt  }
0x6c: {  	_ =	shalt  }
0x6d: {  	_ =	shalt  }
0x6e: {  	_ =	shalt  }
0x6f: {  	_ =	shalt  }
0x70: {  	_ =	shalt  }
0x71: {  	_ =	shalt  }
0x72: {  	_ =	shalt  }
0x73: {  	_ =	shalt  }
0x74: {  	_ =	shalt  }
0x75: {  	_ =	shalt  }
0x76: {  	_ =	shalt  }
0x77: {  	_ =	shalt  }
0x78: {  	_ =	shalt  }
0x79: {  	_ =	shalt  }
0x7a: {  	_ =	shalt  }
0x7b: {  	_ =	shalt  }
0x7c: {  	_ =	shalt  }
0x7d: {  	_ =	shalt  }
0x7e: {  	_ =	shalt  }
0x7f: {  	_ =	shalt  }
0x80: {  	_ =	shalt  }
0x81: {  	_ =	shalt  }
0x82: {  	_ =	shalt  }
0x83: {  	_ =	shalt  }
0x84: {  	_ =	shalt  }
0x85: {  	_ =	shalt  }
0x86: {  	_ =	shalt  }
0x87: {  	_ =	shalt  }
.Lfunc_end0:
.L_simem_size_0:
called_computation.2_lowered:
.L_overlay_start_0:
0x88: {  	s2 =	sld [smem:$0x3FD9]  }
0x89: {  	s3 =	sld [smem:$0x3FFE];
	_ =	sdelay $0x1  }
0x8a: {  	s1 =	srdreg.scid  }
0x8b: {  	s0 =	sand.u32 $0x1, s1  }
0x8c: {  	s17 =	sshll.u32 s0, $0xA;
	s2 =	sadd.s32 s3, s2  }
0x8d: {  	s2 =	sadd.s32 s2, s17  }
0x8e: {  	[smem:$0x3FC5] =	sst s2  }
0x8f: {  	_ = 	snop  }
0x90: {  	(tm) =	ssettm $0x1  }
0x91: {  	s18 =	sld [smem:$0x3FFB];
	_ =	sdelay $0x3  }
0x92: {  	_ =	strace s18  }
0x93: {  	s2 =	sld [smem:$0x3FFC];
	_ =	sdelay $0x3  }
0x94: {  	_ =	strace s2  }
0x95: {  	s2 =	sld [smem:$0x3FFD];
	_ =	sdelay $0x3  }
0x96: {  	_ =	strace s2  }
0x97: {  	_ =	strace $0x8FFFFFFF  }
0x98: {  	s19 =	sld [smem:$0x3FDB];
	_ =	sdelay $0x1  }
0x99: {  	s20 =	simm.s32 $_scs_section_size  }
0x9a: {  	s4 =	simm.s32 $_size__tile_overlayer_lowered;
	s5 =	simm.s32 $_tile_overlayer_lowered  }
0x9b: {  	s6 =	simm.s32 $0x1BFF;
	s21 =	sshll.u32 s5, $0x1;
	s3 =	sadd.s32 s20, s19  }
0x9c: {  	s22 =	simm.s32 $0x0;
	s4 =	sshll.u32 s4, $0x1;
	s5 =	sadd.s32 s21, s3  }
0x9d: {  	[timem:s22], [sflag:s6] =	dma.local [hbm:s5], s4  }
0x9e: {  	_ =	swait.ge [sflag:s6], s4  }
0x9f: {  	s4 =	ssub.s32 $0x0, s4;
	[sflag:s6] =	ssyncset.done $0x0  }
0xa0: {  	[sflag:s6] =	ssyncadd.s32 s4;
	_ =	sdelay $0x1  }
0xa1: {  	s23 =	simm.s32 $0x1B8B  }
0xa2: {  	_ =	swait.ge [sflag:s23], $0x1  }
0xa3: {  	[sflag:s23] =	ssyncset.done $0x0  }
0xa4: {  	[sflag:s23] =	ssyncadd.s32 $0xFFFFFFFF  }
0xa5: {  	s4 =	sld [smem:$0x0]  }
0xa6: {  	s5 =	sand.u32 $0xFFFFFFFE, s1  }
0xa7: {  	p0 =	sne.s32 s1, s5  }
0xa8: {  	s5 =	sshll.u32 @p0 s5, $0xE  }
0xa9: {  	s5 =	sadd.s32 @p0 $0x11B8D, s5;
	s6 =	sshll.u32 @p0 s4, $0x11  }
0xaa: {  	s5 =	sor.u32 @p0 s6, s5  }
0xab: {  	[sflag:s5] =	ssyncadd.remote.s32 @p0 $0x1;
	_ =	sdelay $0x1  }
0xac: {  	s5 =	simm.s32 @p0 $0x1B8D  }
0xad: {  	_ =	swait.eq @p0 [sflag:s5], $0x1  }
0xae: {  	[sflag:s5] =	ssyncadd.s32 @p0 $0xFFFFFFFF  }
0xaf: {  	s6 =	sshll.u32 @!p0 s1, $0xE  }
0xb0: {  	s6 =	sor.u32 @!p0 $0x4000, s6;
	s5 =	simm.s32 @!p0 $0x1B8D  }
0xb1: {  	s4 =	sshll.u32 @!p0 s4, $0x11;
	s6 =	sadd.s32 @!p0 $0x11B8D, s6;
	_ =	swait.eq @!p0 [sflag:s5], $0x1  }
0xb2: {  	s4 =	sor.u32 @!p0 s4, s6;
	[sflag:s5] =	ssyncadd.s32 @!p0 $0xFFFFFFFF  }
0xb3: {  	s25 =	simm.s32 $0x1B8E;
	s24 =	sld [smem:$0x3FFE];
	[sflag:s4] =	ssyncadd.remote.s32 @!p0 $0x1  }
0xb4: {  	s26 =	simm.s32 $execute0_lowered;
	[smem:$0x3FD2] =	sst s25  }
0xb5: {  	s5 =	sshll.u32 s26, $0x1;
	_ =	strace $0x8000005A;
	[dreg:$0x1] =	wrdreg $0xFFFFFFFF  }
0xb6: {  	s28 =	simm.s32 $_size_execute0_lowered;
	s3 =	sadd.s32 s3, s5;
	[dreg:$0x0] =	wrdreg $0x0  }
0xb7: {  	s5 =	sshll.u32 s28, $0x1;
	[dreg:$0x2] =	wrdreg s3  }
0xb8: {  	[dreg:$0x3] =	wrdreg s5  }
0xb9: {  	[dreg:$0x4] =	wrdreg $0xC0  }
0xba: {  	_ =	task [dreg:s22], $0x5FFFF  }
0xbb: {  	[dreg:$0x1] =	wrdreg $0xFFFFFFFF  }
0xbc: {  	[dreg:$0x0] =	wrdreg $0x60  }
0xbd: {  	[dreg:$0x2] =	wrdreg s24  }
0xbe: {  	[dreg:$0x3] =	wrdreg $0xB  }
0xbf: {  	_ =	task.clear_ibuf [dreg:s22], $0x4FFFF;
	_ =	strace $0x9000005A  }
0xc0: {  	s29 =	simm.s32 $0xB;
	_ =	strace $0x80000063  }
0xc1: {  	_ =	swait.ge [sflag:s29], $0x1  }
0xc2: {  	[sflag:s29] =	ssyncadd.s32 $0xFFFFFFFF  }
0xc3: {  	_ =	strace $0x90000063  }
0xc4: {  	_ =	sfence  }
0xc5: {  	s30 =	sld [smem:$0x0];
	_ =	sdelay $0x2  }
0xc6: {  	s31 =	sshll.u32 s1, $0xD;
	s1 =	sshrl.u32 s1, $0x2  }
0xc7: {  	s4 =	sand.u32 $0x4000, s31;
	s1 =	sadd.s32 s1, s30  }
0xc8: {  	s0 =	sor.u32 s4, s0;
	s1 =	sshll.u32 s1, $0x11  }
0xc9: {  	s0 =	sor.u32 s1, s0  }
0xca: {  	s0 =	sadd.s32 $0x8F2B, s0  }
0xcb: {  	[sflag:s0] =	ssyncadd.remote.s32 $0x1  }
0xcc: {  	_ =	sfence.sel $0xFFFF  }
0xcd: {  	[dreg:$0x0] =	wrdreg $0xFFFFFFFF;
	(pc) =	sbr.abs _section_cstart, $3  }
0xce: {  	[dreg:$0x1] =	wrdreg $0xFFFFFFFF  }
0xcf: {  	_ =	task.clear_ibuf [dreg:s22], $0x2FFFF;
	_ =	strace $0x9FFFFFFF  }
0xd0: {  	(tm) =	ssettm $0x7FFFFFFF  }
0xd1: {  	_ =	shalt  }
tec
execute0_lowered:
.L_overlay_start_1:
0x0: {  	(tag) =	ssettag $0x1  }
0x1: {  	s3 =	rddreg [dreg:$0x0]  }
0x2: {  	s0 =	rddreg [dreg:$0x1];
	s1 =	simm.s32 $0x0;
	s2 =	srdreg.scid  }
0x3: {  	s31 =	simm.s32 $0x80;
	s9 =	simm.s32 $0x4;
	s10 =	simm.s32 $0x0  }
0x4: {  	[smem:$0x7FF] =	sst s1;
	s4 =	sand.u32 $0x1, s2;
	s5 =	sadd.s32 $0x154E00, s3  }
0x5: {  	s2 =	stileid.u32;
	s29 =	sadd.s32 $0x15E200, s3;
	s3 =	sadd.s32 $0x15CE00, s3  }
0x6: {  	_ =	strace $0x8000005B;
	s6 =	sshll.u32 s4, $0x4;
	[dreg:$0x2] =	wrdreg s5  }
0x7: {  	s4 =	ssub.s32 $0x2, s4;
	[dreg:$0x4] =	wrdreg s29;
	s28 =	sor.u32 s2, s6  }
0x8: {  	[dreg:$0x3] =	wrdreg s31;
	s7 =	sshrl.u32 s4, $0x1;
	s8 =	smul.u32 $0xA0, s28  }
0x9: {  	s30 =	ssub.s32 s4, s7;
	s4 =	smul.u32 $0xA, s28;
	s7 =	simm.s32 $0x1  }
0xa: {  	s6 =	smax.u32 s30, $0x1;
	s5 =	sadd.s32 s3, s8;
	s8 =	simm.s32 $0x5  }
.LBB2_1:
0xb: {  	_ =	strace $0x8000005C;
	s11 =	simm.s32 $0x1;
	p0 =	por $0x0, $0x0  }
0xc: {  	[tilespmem:s1], [sflag:$0x1] =	stream.linear.gather [hbm4b:s5+s1], $0x80, $0x200038;
	[tilespmem:$0x8100] =	vst v63  }
0xd: {  	s11 =	simm.s32 @p0 $0x0  }
0xe: {  	p4 =	por $0x1, $0x1;
	s20 =	sand.u32 $0x1, s1;
	p1 =	sne.s32 s11, $0x0  }
0xf: {  	p2 =	por $0x1, $0x1;
	s18 =	simm.s32 $0x8;
	p0 =	por !p4, !p1  }
0x10: {  	s16 =	simm.s32 $0x0;
	p5 =	por $0x0, $0x0;
	p0 =	por !p0, !p0  }
0x11: {  	s23 =	sadd.s32 $0x0, s4;
	s30 =	sadd.s32 $0x1, s20;
	s12 =	sadd.s32 @p0 s4, s11  }
0x12: {  	_ =	strace $0x9000005C;
	s13 =	sand.u32 @p0 $0x1, s7;
	s12 =	sshll.u32 @p0 s12, $0x4  }
0x13: {  	_ =	strace @p0 $0x8000005D;
	s15 =	simm.s32 @p0 $0x0;
	s12 =	sand.u32 @p0 $0x1FFFFFF0, s12  }
0x14: {  	s14 =	sshll.u32 @p0 s13, $0x7;
	s13 =	sadd.s32 @p0 $0x1, s13;
	s12 =	sadd.s32 @p0 s3, s12  }
0x15: {  	[tilespmem:s14], [sflag:s13] =	stream.linear.gather @p0 [hbm4b:s12+s15], $0x80, $0x200038;
	[tilespmem:$0x8100] =	vst v63  }
0x16: {  	p3 =	por p2, p2;
	s21 =	sshll.u32 s20, $0xE;
	_ =	strace @p0 $0x9000005D  }
0x17: {  	s16 =	sand.u32 $0x80, s16;
	p2 =	por p5, p5;
	_ =	strace $0x8000005E  }
0x18: {  	s17 =	sadd.s32 $0x1, s11;
	s22 =	sor.u32 $0x100, s21;
	_ =	swait.ge [sflag:s30], $0x80  }
0x19: {  	s21 =	simm.s32 $0x1;
	p6 =	por p1, p1;
	[sflag:s30] =	ssyncset.done $0x0  }
0x1a: {  	p1 =	por p3, p3;
	p4 =	por $0x1, $0x1;
	[sflag:s30] =	ssyncadd.s32 $0xFFFFFF80  }
0x1b: {  	s12 =	simm.s32 $0x9;
	s15 =	sand.u32 @!p3 $0x1, s1;
	_ =	strace $0x9000005E  }
0x1c: {  	s13 =	simm.s32 $0x1;
	p3 =	seq.s32 s17, $0xA;
	_ =	strace $0x8000005F  }
0x1d: {  	s13 =	simm.s32 @!p0 $0x0;
	s17 =	simm.s32 @p3 $0x0;
	s19 =	rddreg [dreg:$0x3]  }
0x1e: {  	p0 =	por $0x0, $0x0;
	s14 =	sadd.s32 $0x1, s13;
	s31 =	rddreg [dreg:$0x2]  }
0x1f: {  	[tilespmem:s22], [sflag:$0x5] =	stream.indirect.gather [hbm4b:s31+s19], $0x80, s16, s19, $0x2000b8;
	[tilespmem:$0x8100] =	vst v63  }
0x20: {  	p3 =	sne.s32 s11, s17;
	s21 =	simm.s32 @!p0 $0x0;
	_ =	swait.ge [sflag:s8], $0x4000  }
0x21: {  	p5 =	por !p4, !p3;
	p4 =	por $0x0, $0x0;
	[sflag:s8] =	ssyncset.done $0x0  }
0x22: {  	s13 =	simm.s32 $0x0;
	p6 =	por p4, p6;
	[sflag:s8] =	ssyncadd.s32 $0xFFFFC000  }
0x23: {  	s16 =	simm.s32 $0x0;
	s19 =	simm.s32 $0x0;
	_ =	strace $0x9000005F  }
.LBB2_2:
0x24: {  	_ =	strace @p6 $0x80000060;
	s13 =	sadd.s32 s21, s13;
	s21 =	smov.u32 s12  }
0x25: {  	s12 =	smov.u32 s18;
	s18 =	sadd.s32 $0xFFFFFFFF, s18;
	p0 =	por p3, p3  }
0x26: {  	s28 =	sshll.u32 @p6 s23, $0xB;
	s20 =	sadd.s32 @p6 $0x3, s20;
	s24 =	simm.s32 @!p0 $0x0  }
0x27: {  	s25 =	rddreg [dreg:$0x4];
	s28 =	sand.u32 @p6 $0x1FFFF800, s28;
	s24 =	simm.s32 @p0 $0x1  }
0x28: {  	s25 =	sadd.s32 @p6 s25, s28;
	s28 =	simm.s32 @p6 $0x0;
	p0 =	sne.s32 s18, $0x0  }
0x29: {  	[hbm4b:s25+s28] =	stream.linear.scatter @p6 [tilespmem:s22], [sflag:s20], $0x4000, $0x200038;
	[tilespmem:$0x8100] =	vst v63  }
0x2a: {  	s20 =	sadd.s32 @!p1 $0x3, s15;
	s15 =	simm.s32 @!p0 $0x0  }
0x2b: {  	s26 =	simm.s32 $0x1;
	[smem:$0x7FC] =	sst s24;
	s15 =	simm.s32 @p0 $0x1  }
0x2c: {  	s26 =	simm.s32 @!p6 $0x0;
	_ =	strace @p6 $0x90000060;
	[smem:$0x7FD] =	sst s15  }
0x2d: {  	p5 =	por !p5, !p5;
	s19 =	sadd.s32 s26, s19;
	_ =	strace @!p1 $0x80000061  }
0x2e: {  	s24 =	sand.u32 @!p2 $0x1, s13;
	s22 =	sand.u32 @p5 $0x1, s14;
	_ =	swait.ge @!p1 [sflag:s20], $0x4000  }
0x2f: {  	s15 =	smov.u32 s24;
	s24 =	sadd.s32 @p5 s4, s17;
	[sflag:s20] =	ssyncset.done @!p1 $0x0  }
0x30: {  	s25 =	sshll.u32 @p5 s22, $0x7;
	s24 =	sshll.u32 @p5 s24, $0x4;
	[sflag:s20] =	ssyncadd.s32 @!p1 $0xFFFFC000  }
0x31: {  	s20 =	sadd.s32 @p5 $0x1, s22;
	s22 =	sand.u32 @p5 $0x1FFFFFF0, s24;
	_ =	strace @!p1 $0x90000061  }
0x32: {  	s24 =	simm.s32 @p5 $0x0;
	s22 =	sadd.s32 @p5 s3, s22;
	_ =	strace @p5 $0x8000005D  }
0x33: {  	[tilespmem:s25], [sflag:s20] =	stream.linear.gather @p5 [hbm4b:s22+s24], $0x80, $0x200038;
	[tilespmem:$0x8100] =	vst v63  }
0x34: {  	s16 =	sadd.s32 s26, s16;
	s26 =	sand.u32 $0x1, s19;
	_ =	strace @p5 $0x9000005D  }
0x35: {  	s24 =	sadd.s32 $0x1, s26;
	_ =	strace $0x8000005E  }
0x36: {  	_ =	swait.ge [sflag:s24], $0x80  }
0x37: {  	[sflag:s24] =	ssyncset.done $0x0  }
0x38: {  	s20 =	simm.s32 $0x1;
	[sflag:s24] =	ssyncadd.s32 $0xFFFFFF80  }
0x39: {  	s20 =	simm.s32 @!p5 $0x0;
	_ =	strace $0x9000005E  }
0x3a: {  	s14 =	sadd.s32 s20, s14;
	s20 =	sand.u32 $0x1, s16;
	_ =	strace $0x8000005F  }
0x3b: {  	s29 =	sshll.u32 s19, $0x7;
	s25 =	sshll.u32 s20, $0xE;
	s26 =	rddreg [dreg:$0x3]  }
0x3c: {  	s29 =	sand.u32 $0x80, s29;
	s22 =	sor.u32 $0x100, s25;
	s30 =	rddreg [dreg:$0x2]  }
0x3d: {  	[tilespmem:s22], [sflag:$0x5] =	stream.indirect.gather [hbm4b:s30+s26], $0x80, s29, s26, $0x2000b8;
	[tilespmem:$0x8100] =	vst v63  }
0x3e: {  	_ =	swait.ge [sflag:s8], $0x4000  }
0x3f: {  	s31 =	sadd.s32 $0x1, s17;
	[sflag:s8] =	ssyncset.done $0x0  }
0x40: {  	s23 =	sadd.s32 s4, s11;
	s11 =	smov.u32 s17;
	[sflag:s8] =	ssyncadd.s32 $0xFFFFC000  }
0x41: {  	p3 =	seq.s32 s31, $0xA;
	s17 =	smov.u32 s31;
	_ =	strace $0x9000005F  }
0x42: {  	s17 =	simm.s32 @p3 $0x0;
	s31 =	sld [smem:$0x7FD]  }
0x43: {  	p6 =	sne.s32 s12, $0x1;
	p0 =	sne.s32 s21, $0xA;
	p3 =	sne.s32 s11, s17  }
0x44: {  	p5 =	por !p6, !p3;
	p6 =	seq.s32 s21, $0x1;
	s21 =	simm.s32 $0x1  }
0x45: {  	s21 =	simm.s32 @!p0 $0x0;
	p0 =	seq.s32 s31, $0x1  }
.Ltmp0:
0x46: {  	s30 =	sld [smem:$0x7FC];
	(pc) =	sbr.rel @p0 .LBB2_2-.Ltmp0, $4  }
0x47: {  	_ = 	snop  }
0x48: {  	p4 =	seq.s32 s12, $0xA  }
0x49: {  	p1 =	por p2, p2;
	p2 =	por p4, p4;
	p4 =	seq.s32 s30, $0x1  }
0x4a: {  	p6 =	por p6, p4  }
0x4b: {  	_ =	strace @p6 $0x80000060;
	s23 =	sshll.u32 @p6 s23, $0xB  }
0x4c: {  	s18 =	rddreg [dreg:$0x4];
	s23 =	sand.u32 @p6 $0x1FFFF800, s23  }
0x4d: {  	s20 =	sadd.s32 @p6 $0x3, s20;
	s18 =	sadd.s32 @p6 s18, s23;
	s23 =	simm.s32 @p6 $0x0  }
0x4e: {  	[hbm4b:s18+s23] =	stream.linear.scatter @p6 [tilespmem:s22], [sflag:s20], $0x4000, $0x200038;
	[tilespmem:$0x8100] =	vst v63  }
0x4f: {  	p0 =	por !p5, !p5;
	_ =	strace @p6 $0x90000060  }
0x50: {  	s15 =	sadd.s32 @!p1 $0x3, s15;
	s17 =	sadd.s32 @p0 s4, s17;
	_ =	strace @!p1 $0x80000061  }
0x51: {  	s14 =	sand.u32 @p0 $0x1, s14;
	s17 =	sshll.u32 @p0 s17, $0x4;
	_ =	swait.ge @!p1 [sflag:s15], $0x4000  }
0x52: {  	s18 =	simm.s32 $0x1;
	s20 =	sshll.u32 @p0 s14, $0x7;
	[sflag:s15] =	ssyncset.done @!p1 $0x0  }
0x53: {  	s14 =	sadd.s32 @p0 $0x1, s14;
	s18 =	simm.s32 @!p6 $0x0;
	[sflag:s15] =	ssyncadd.s32 @!p1 $0xFFFFC000  }
0x54: {  	s19 =	sadd.s32 s18, s19;
	s15 =	sand.u32 @p0 $0x1FFFFFF0, s17;
	_ =	strace @!p1 $0x90000061  }
0x55: {  	s17 =	simm.s32 @p0 $0x0;
	s15 =	sadd.s32 @p0 s3, s15;
	_ =	strace @p0 $0x8000005D  }
0x56: {  	[tilespmem:s20], [sflag:s14] =	stream.linear.gather @p0 [hbm4b:s15+s17], $0x80, $0x200038;
	[tilespmem:$0x8100] =	vst v63  }
0x57: {  	s25 =	sand.u32 $0x1, s19;
	_ =	strace @p0 $0x9000005D  }
0x58: {  	s14 =	sadd.s32 $0x1, s25;
	_ =	strace $0x8000005E  }
0x59: {  	_ =	swait.ge [sflag:s14], $0x80  }
0x5a: {  	[sflag:s14] =	ssyncset.done $0x0  }
0x5b: {  	[sflag:s14] =	ssyncadd.s32 $0xFFFFFF80  }
0x5c: {  	s26 =	sadd.s32 s18, s16;
	_ =	strace $0x9000005E  }
0x5d: {  	s14 =	sand.u32 $0x1, s26;
	_ =	strace $0x8000005F  }
0x5e: {  	s30 =	sshll.u32 s19, $0x7;
	s31 =	sshll.u32 s14, $0xE;
	s28 =	rddreg [dreg:$0x3]  }
0x5f: {  	s17 =	sand.u32 $0x80, s30;
	s18 =	sor.u32 $0x100, s31;
	s29 =	rddreg [dreg:$0x2]  }
0x60: {  	[tilespmem:s18], [sflag:$0x5] =	stream.indirect.gather [hbm4b:s29+s28], $0x80, s17, s28, $0x2000b8;
	[tilespmem:$0x8100] =	vst v63  }
0x61: {  	_ =	swait.ge [sflag:s8], $0x4000  }
0x62: {  	[sflag:s8] =	ssyncset.done $0x0  }
0x63: {  	p5 =	por p3, p3;
	p6 =	seq.s32 s12, $0x1;
	[sflag:s8] =	ssyncadd.s32 $0xFFFFC000  }
0x64: {  	s11 =	sadd.s32 s4, s11;
	p0 =	por p6, p5;
	_ =	strace $0x9000005F  }
0x65: {  	s11 =	sshll.u32 @p0 s11, $0xB;
	_ =	strace @p0 $0x80000060  }
0x66: {  	s13 =	sadd.s32 s21, s13;
	s11 =	sand.u32 @p0 $0x1FFFF800, s11;
	s12 =	rddreg [dreg:$0x4]  }
0x67: {  	s14 =	sadd.s32 @p0 $0x3, s14;
	s11 =	sadd.s32 @p0 s12, s11;
	s12 =	simm.s32 @p0 $0x0  }
0x68: {  	[hbm4b:s11+s12] =	stream.linear.scatter @p0 [tilespmem:s18], [sflag:s14], $0x4000, $0x200038;
	[tilespmem:$0x8100] =	vst v63  }
0x69: {  	p1 =	por p2, p2;
	s11 =	sand.u32 @!p2 $0x1, s13;
	_ =	strace @p0 $0x90000060  }
0x6a: {  	s11 =	sadd.s32 @!p1 $0x3, s11;
	_ =	strace @!p1 $0x80000061  }
0x6b: {  	_ =	swait.ge @!p1 [sflag:s11], $0x4000  }
0x6c: {  	[sflag:s11] =	ssyncset.done @!p1 $0x0  }
0x6d: {  	s10 =	sadd.s32 $0x1, s10;
	[sflag:s11] =	ssyncadd.s32 @!p1 $0xFFFFC000  }
0x6e: {  	p0 =	sne.s32 s10, s6;
	_ =	strace @!p1 $0x90000061  }
.Ltmp1:
0x6f: {  	_ =	strace $0x80000062;
	(pc) =	sbr.rel @p0 .LBB2_1-.Ltmp1, $4  }
0x70: {  	_ =	swait.ge [sflag:s9], $0x4000  }
0x71: {  	[sflag:s9] =	ssyncset.done $0x0  }
0x72: {  	[sflag:s9] =	ssyncadd.s32 $0xFFFFC000  }
0x73: {  	_ =	strace $0x90000062  }
0x74: {  	_ =	sfence.sel $0x180000  }
0x75: {  	[bflag:$0x0] =	sbarrier.arrive $0xFFFF  }
0x76: {  	p0 =	sne.s32 s2, $0x0;
	_ =	strace $0x9000005B  }
0x77: {  	s0 =	sadd.s32 @!p0 $0x100000, s0;
	[bflag:$0x2] =	sbarrier.arrive $0xFFFF  }
0x78: {  	[sflag:s0] =	ssyncadd.tile.s32 @!p0 $0x1;
	_ =	shalt  }
.Lfunc_end2:
_tile_overlayer_lowered:
.L_overlay_start_2:
0x79: {  	(tag) =	ssettag $0x2  }
0x7a: {  	s0 =	rddreg [dreg:$0x0];
	s2 =	stileid.u32  }
0x7b: {  	s1 =	rddreg [dreg:$0x1];
	p0 =	sne.s32 s2, $0x0  }
0x7c: {  	s3 =	rddreg [dreg:$0x2];
	[bflag:$0x3] =	sbarrier.arrive $0xFFFF;
	s2 =	simm.s32 @!p0 $0x1C01  }
0x7d: {  	[timem:s3], [sflag:s2] =	dma.local @!p0 [hbm:s0], s1  }
0x7e: {  	s0 =	simm.s32 @!p0 $0x1  }
0x7f: {  	_ =	swait.ge @!p0 [sflag:s0], s1  }
0x80: {  	s1 =	ssub.s32 @!p0 $0x0, s1;
	[sflag:s0] =	ssyncset.done @!p0 $0x0  }
0x81: {  	[sflag:s0] =	ssyncadd.s32 @!p0 s1  }
0x82: {  	[bflag:$0x3] =	sbarrier.arrive $0xFFFF  }
0x83: {  	_ =	shalt  }

// kernel: kernel.23.cloned.1.call-start
scs
__scs_entry_jumppad:
0x0: {  	(pc) =	sbr.rel $0x88, $3  }
0x1: {  	(tag) =	ssettag $0x0;
	lr =	simm.s32 $0x1  }
0x2: {  	[smem:$0x3F9E] =	sst lr;
	_ =	strace $0xD0000000  }
0x3: {  	_ = 	snop  }
0x4: {  	_ = 	snop  }
0x5: {  	_ = 	snop  }
0x6: {  	_ = 	snop  }
0x7: {  	_ = 	snop  }
__scs_overlays_trampoline_lowered:
0x8: {  	[smem:$0x3FAD] =	sst s0  }
0x9: {  	[smem:$0x3FAE] =	sst s1  }
0xa: {  	[smem:$0x3FAF] =	sst s2  }
0xb: {  	[smem:$0x3FB0] =	sst s3  }
0xc: {  	[smem:$0x3FB1] =	sst s4  }
0xd: {  	[smem:$0x3FB2] =	sst s5  }
0xe: {  	[smem:$0x3FB3] =	sst s6  }
0xf: {  	[smem:$0x3FB4] =	sst s7  }
0x10: {  	[smem:$0x3FB5] =	sst s8  }
0x11: {  	[smem:$0x3FB6] =	sst s9;
	s0 =	simm.s32 @!p0 $0x0  }
0x12: {  	s1 =	sld [smem:$0x3F9C];
	s0 =	simm.s32 @p0 $0x1  }
0x13: {  	[smem:$0x3FB7] =	sst s0;
	s0 =	simm.s32 @!p1 $0x0  }
0x14: {  	s2 =	sld [smem:$0x3F9B];
	s0 =	simm.s32 @p1 $0x1  }
0x15: {  	[smem:$0x3FB8] =	sst s0;
	s0 =	simm.s32 @!p2 $0x0  }
0x16: {  	s3 =	sld [smem:$0x3FDB];
	s0 =	simm.s32 @p2 $0x1  }
0x17: {  	s4 =	simm.s32 $0x1BF5;
	[smem:$0x3FBA] =	sst s0  }
0x18: {  	s0 =	sld [smem:$0x3F9D];
	_ =	swait.ge [sflag:s4], $0x0  }
0x19: {  	s7 =	sld [smem:$0x3F9E]  }
0x1a: {  	s8 =	sadd.s32 $0xFFFFE003, lr  }
0x1b: {  	s9 =	sadd.s32 $0xFFFFFEF7, lr;
	s5 =	simm.s32 $0xFFFFFFFF;
	p2 =	slt.u32 s8, $0xFFFFF086  }
0x1c: {  	p1 =	slt.u32 s9, $0xF7A;
	s5 =	simm.s32 @!p2 $0x0  }
0x1d: {  	s5 =	simm.s32 @p1 $0x1;
	p0 =	seq.s32 s7, s2  }
0x1e: {  	s7 =	smul.u32 @!p0 $0xF7A, s2;
	p2 =	seq.s32 @!p0 s5, $0x0  }
0x1f: {  	s9 =	smul.u32 $0xF7A, s1;
	s8 =	simm.s32 @!p0 $0x1BF5;
	p2 =	por !p2, p0  }
0x20: {  	[sflag:s8] =	ssyncset.s32 @!p0 $0xFFFFF086;
	s6 =	sadd.s32 @!p0 s3, s7;
	s7 =	simm.s32 @!p0 $0x108  }
0x21: {  	s3 =	sadd.s32 s3, s9;
	s6 =	sadd.s32 @!p0 $0x88, s6;
	s7 =	simm.s32 @p2 $0x1082  }
0x22: {  	[simem:s7], [sflag:s8] =	dma.local @!p0 [hbm:s6], $0xF7A  }
0x23: {  	s9 =	sor.u32 $0xD0000000, s2;
	s6 =	simm.s32 $0x108;
	_ =	swait.ge @!p0 [sflag:s8], $0x0  }
0x24: {  	s3 =	sadd.s32 $0x88, s3;
	s6 =	simm.s32 @!p1 $0x1082;
	[sflag:s4] =	ssyncset.s32 $0xFFFFF086  }
0x25: {  	[simem:s6], [sflag:s4] =	dma.local [hbm:s3], $0xF7A  }
0x26: {  	[smem:$0x3F9E] =	sst s1;
	(tag) =	ssettag s2;
	_ =	strace s9  }
0x27: {  	s1 =	sld [smem:$0x3FAE]  }
0x28: {  	s2 =	sld [smem:$0x3FAF]  }
0x29: {  	s4 =	sld [smem:$0x3FB1]  }
0x2a: {  	p0 =	seq.s32 s5, $0x0;
	s5 =	sld [smem:$0x3FB2]  }
0x2b: {  	s6 =	sld [smem:$0x3FB3]  }
0x2c: {  	s7 =	sld [smem:$0x3FB4]  }
0x2d: {  	s3 =	simm.s32 $0x108;
	s8 =	sld [smem:$0x3FB5]  }
0x2e: {  	s3 =	simm.s32 @!p0 $0x1082;
	s9 =	sld [smem:$0x3FB6]  }
0x2f: {  	lr =	sadd.s32 s0, s3;
	s0 =	sld [smem:$0x3FAD]  }
0x30: {  	s3 =	sld [smem:$0x3FB0]  }
0x31: {  	[smem:$0x3FB9] =	sst s10  }
0x32: {  	s10 =	sld [smem:$0x3FB7];
	_ =	sdelay $0x3  }
0x33: {  	p0 =	seq.s32 s10, $0x1;
	s10 =	sld [smem:$0x3FB9];
	_ =	sdelay $0x3  }
0x34: {  	[smem:$0x3FB9] =	sst s10  }
0x35: {  	s10 =	sld [smem:$0x3FB8];
	_ =	sdelay $0x3  }
0x36: {  	p1 =	seq.s32 s10, $0x1;
	s10 =	sld [smem:$0x3FB9];
	_ =	sdelay $0x3  }
0x37: {  	[smem:$0x3FB9] =	sst s10  }
0x38: {  	s10 =	sld [smem:$0x3FBA]  }
0x39: {  	_ = 	snop;
	(pc) =	sbr.ind lr, $3  }
0x3a: {  	_ = 	snop  }
0x3b: {  	_ = 	snop  }
0x3c: {  	p2 =	seq.s32 s10, $0x1;
	s10 =	sld [smem:$0x3FB9]  }
0x3d: {  	_ =	shalt  }
0x3e: {  	_ =	shalt  }
0x3f: {  	_ =	shalt  }
0x40: {  	_ =	shalt  }
0x41: {  	_ =	shalt  }
0x42: {  	_ =	shalt  }
0x43: {  	_ =	shalt  }
0x44: {  	_ =	shalt  }
0x45: {  	_ =	shalt  }
0x46: {  	_ =	shalt  }
0x47: {  	_ =	shalt  }
0x48: {  	_ =	shalt  }
0x49: {  	_ =	shalt  }
0x4a: {  	_ =	shalt  }
0x4b: {  	_ =	shalt  }
0x4c: {  	_ =	shalt  }
0x4d: {  	_ =	shalt  }
0x4e: {  	_ =	shalt  }
0x4f: {  	_ =	shalt  }
0x50: {  	_ =	shalt  }
0x51: {  	_ =	shalt  }
0x52: {  	_ =	shalt  }
0x53: {  	_ =	shalt  }
0x54: {  	_ =	shalt  }
0x55: {  	_ =	shalt  }
0x56: {  	_ =	shalt  }
0x57: {  	_ =	shalt  }
0x58: {  	_ =	shalt  }
0x59: {  	_ =	shalt  }
0x5a: {  	_ =	shalt  }
0x5b: {  	_ =	shalt  }
0x5c: {  	_ =	shalt  }
0x5d: {  	_ =	shalt  }
0x5e: {  	_ =	shalt  }
0x5f: {  	_ =	shalt  }
0x60: {  	_ =	shalt  }
0x61: {  	_ =	shalt  }
0x62: {  	_ =	shalt  }
0x63: {  	_ =	shalt  }
0x64: {  	_ =	shalt  }
0x65: {  	_ =	shalt  }
0x66: {  	_ =	shalt  }
0x67: {  	_ =	shalt  }
0x68: {  	_ =	shalt  }
0x69: {  	_ =	shalt  }
0x6a: {  	_ =	shalt  }
0x6b: {  	_ =	shalt  }
0x6c: {  	_ =	shalt  }
0x6d: {  	_ =	shalt  }
0x6e: {  	_ =	shalt  }
0x6f: {  	_ =	shalt  }
0x70: {  	_ =	shalt  }
0x71: {  	_ =	shalt  }
0x72: {  	_ =	shalt  }
0x73: {  	_ =	shalt  }
0x74: {  	_ =	shalt  }
0x75: {  	_ =	shalt  }
0x76: {  	_ =	shalt  }
0x77: {  	_ =	shalt  }
0x78: {  	_ =	shalt  }
0x79: {  	_ =	shalt  }
0x7a: {  	_ =	shalt  }
0x7b: {  	_ =	shalt  }
0x7c: {  	_ =	shalt  }
0x7d: {  	_ =	shalt  }
0x7e: {  	_ =	shalt  }
0x7f: {  	_ =	shalt  }
0x80: {  	_ =	shalt  }
0x81: {  	_ =	shalt  }
0x82: {  	_ =	shalt  }
0x83: {  	_ =	shalt  }
0x84: {  	_ =	shalt  }
0x85: {  	_ =	shalt  }
0x86: {  	_ =	shalt  }
0x87: {  	_ =	shalt  }
.Lfunc_end0:
.L_simem_size_0:
called_computation.3_lowered:
.L_overlay_start_0:
0x88: {  	s2 =	sld [smem:$0x3FD9]  }
0x89: {  	s3 =	sld [smem:$0x3FFE];
	_ =	sdelay $0x1  }
0x8a: {  	s1 =	srdreg.scid  }
0x8b: {  	s0 =	sand.u32 $0x1, s1  }
0x8c: {  	s17 =	sshll.u32 s0, $0xA;
	s2 =	sadd.s32 s3, s2  }
0x8d: {  	s2 =	sadd.s32 s2, s17  }
0x8e: {  	[smem:$0x3FC5] =	sst s2  }
0x8f: {  	_ = 	snop  }
0x90: {  	s18 =	sld [smem:$0x3FD0];
	(tm) =	ssettm $0x1  }
0x91: {  	s19 =	sld [smem:$0x3FFB];
	_ =	sdelay $0x3  }
0x92: {  	_ =	strace s19  }
0x93: {  	s2 =	sld [smem:$0x3FFC];
	_ =	sdelay $0x3  }
0x94: {  	_ =	strace s2  }
0x95: {  	s2 =	sld [smem:$0x3FFD];
	_ =	sdelay $0x3  }
0x96: {  	_ =	strace s2  }
0x97: {  	_ =	strace $0x8FFFFFFF  }
0x98: {  	s20 =	sld [smem:$0x3FDB];
	_ =	sdelay $0x1  }
0x99: {  	s4 =	simm.s32 $_scs_section_size  }
0x9a: {  	s5 =	simm.s32 $_size__tile_overlayer_lowered;
	s6 =	simm.s32 $_tile_overlayer_lowered  }
0x9b: {  	s7 =	simm.s32 $0x1BFF;
	s21 =	sshll.u32 s6, $0x1;
	s4 =	sadd.s32 s4, s20  }
0x9c: {  	s22 =	simm.s32 $0x0;
	s5 =	sshll.u32 s5, $0x1;
	s6 =	sadd.s32 s21, s4  }
0x9d: {  	[timem:s22], [sflag:s7] =	dma.local [hbm:s6], s5  }
0x9e: {  	_ =	swait.ge [sflag:s7], s5  }
0x9f: {  	s5 =	ssub.s32 $0x0, s5;
	[sflag:s7] =	ssyncset.done $0x0  }
0xa0: {  	[sflag:s7] =	ssyncadd.s32 s5;
	_ =	sdelay $0x1  }
0xa1: {  	s23 =	simm.s32 $0x1B8B  }
0xa2: {  	_ =	swait.ge [sflag:s23], $0x1  }
0xa3: {  	[sflag:s23] =	ssyncset.done $0x0  }
0xa4: {  	[sflag:s23] =	ssyncadd.s32 $0xFFFFFFFF  }
0xa5: {  	s5 =	sld [smem:$0x0]  }
0xa6: {  	s6 =	sand.u32 $0xFFFFFFFE, s1  }
0xa7: {  	p0 =	sne.s32 s1, s6  }
0xa8: {  	s6 =	sshll.u32 @p0 s6, $0xE  }
0xa9: {  	s6 =	sadd.s32 @p0 $0x11B8D, s6;
	s7 =	sshll.u32 @p0 s5, $0x11  }
0xaa: {  	s6 =	sor.u32 @p0 s7, s6  }
0xab: {  	[sflag:s6] =	ssyncadd.remote.s32 @p0 $0x1;
	_ =	sdelay $0x1  }
0xac: {  	s6 =	simm.s32 @p0 $0x1B8D  }
0xad: {  	_ =	swait.eq @p0 [sflag:s6], $0x1  }
0xae: {  	[sflag:s6] =	ssyncadd.s32 @p0 $0xFFFFFFFF  }
0xaf: {  	s7 =	sshll.u32 @!p0 s1, $0xE  }
0xb0: {  	s7 =	sor.u32 @!p0 $0x4000, s7;
	s6 =	simm.s32 @!p0 $0x1B8D  }
0xb1: {  	s5 =	sshll.u32 @!p0 s5, $0x11;
	s7 =	sadd.s32 @!p0 $0x11B8D, s7;
	_ =	swait.eq @!p0 [sflag:s6], $0x1  }
0xb2: {  	s5 =	sor.u32 @!p0 s5, s7;
	[sflag:s6] =	ssyncadd.s32 @!p0 $0xFFFFFFFF  }
0xb3: {  	s25 =	simm.s32 $0x1B8E;
	s24 =	sld [smem:$0x3FFE];
	[sflag:s5] =	ssyncadd.remote.s32 @!p0 $0x1  }
0xb4: {  	s26 =	simm.s32 $execute0_lowered;
	[smem:$0x3FD2] =	sst s25  }
0xb5: {  	s6 =	sshll.u32 s26, $0x1;
	_ =	strace $0x80000064;
	[dreg:$0x1] =	wrdreg $0xFFFFFFFF  }
0xb6: {  	s28 =	simm.s32 $_size_execute0_lowered;
	s4 =	sadd.s32 s4, s6;
	[dreg:$0x0] =	wrdreg $0x0  }
0xb7: {  	s6 =	sshll.u32 s28, $0x1;
	[dreg:$0x2] =	wrdreg s4  }
0xb8: {  	[dreg:$0x3] =	wrdreg s6  }
0xb9: {  	[dreg:$0x4] =	wrdreg $0xC0  }
0xba: {  	_ =	task [dreg:s22], $0x5FFFF  }
0xbb: {  	[dreg:$0x1] =	wrdreg $0xFFFFFFFF  }
0xbc: {  	[dreg:$0x0] =	wrdreg $0x60  }
0xbd: {  	[dreg:$0x2] =	wrdreg s18  }
0xbe: {  	[dreg:$0x3] =	wrdreg s24  }
0xbf: {  	[dreg:$0x4] =	wrdreg $0xC  }
0xc0: {  	_ =	task.clear_ibuf [dreg:s22], $0x5FFFF;
	_ =	strace $0x90000064  }
0xc1: {  	s29 =	simm.s32 $0xC;
	_ =	strace $0x8000006D  }
0xc2: {  	_ =	swait.ge [sflag:s29], $0x1  }
0xc3: {  	[sflag:s29] =	ssyncadd.s32 $0xFFFFFFFF  }
0xc4: {  	_ =	strace $0x9000006D  }
0xc5: {  	_ =	sfence  }
0xc6: {  	s30 =	sld [smem:$0x0];
	_ =	sdelay $0x2  }
0xc7: {  	s31 =	sshll.u32 s1, $0xD;
	s1 =	sshrl.u32 s1, $0x2  }
0xc8: {  	s4 =	sand.u32 $0x4000, s31;
	s1 =	sadd.s32 s1, s30  }
0xc9: {  	s0 =	sor.u32 s4, s0;
	s1 =	sshll.u32 s1, $0x11  }
0xca: {  	s0 =	sor.u32 s1, s0  }
0xcb: {  	s0 =	sadd.s32 $0x8F2B, s0  }
0xcc: {  	[sflag:s0] =	ssyncadd.remote.s32 $0x1  }
0xcd: {  	_ =	sfence.sel $0xFFFF  }
0xce: {  	[dreg:$0x0] =	wrdreg $0xFFFFFFFF;
	(pc) =	sbr.abs _section_cstart, $3  }
0xcf: {  	[dreg:$0x1] =	wrdreg $0xFFFFFFFF  }
0xd0: {  	_ =	task.clear_ibuf [dreg:s22], $0x2FFFF;
	_ =	strace $0x9FFFFFFF  }
0xd1: {  	(tm) =	ssettm $0x7FFFFFFF  }
tec
execute0_lowered:
.L_overlay_start_1:
0x0: {  	(tag) =	ssettag $0x1  }
0x1: {  	s0 =	rddreg [dreg:$0x0]  }
0x2: {  	s3 =	rddreg [dreg:$0x1];
	s1 =	srdreg.scid;
	s2 =	simm.s32 $0x0  }
0x3: {  	s31 =	simm.s32 $0x80;
	s9 =	simm.s32 $0x4;
	[dreg:$0x3] =	wrdreg s0  }
0x4: {  	s10 =	simm.s32 $0x0;
	s0 =	rddreg [dreg:$0x2];
	s4 =	sand.u32 $0x1, s1  }
0x5: {  	[smem:$0x7FF] =	sst s2;
	s1 =	stileid.u32;
	s6 =	sadd.s32 $0x1FF600, s3  }
0x6: {  	s3 =	sadd.s32 $0x1FE200, s3;
	s5 =	sshll.u32 s4, $0x4;
	_ =	strace $0x80000065  }
0x7: {  	s4 =	ssub.s32 $0x2, s4;
	[dreg:$0x5] =	wrdreg s6;
	s5 =	sor.u32 s1, s5  }
0x8: {  	[dreg:$0x4] =	wrdreg s31;
	s7 =	sshrl.u32 s4, $0x1;
	s8 =	smul.u32 $0xA0, s5  }
0x9: {  	s30 =	ssub.s32 s4, s7;
	s4 =	smul.u32 $0xA, s5;
	s7 =	simm.s32 $0x1  }
0xa: {  	s6 =	smax.u32 s30, $0x1;
	s5 =	sadd.s32 s3, s8;
	s8 =	simm.s32 $0x5  }
.LBB2_1:
0xb: {  	_ =	strace $0x80000066;
	s11 =	simm.s32 $0x1;
	p0 =	por $0x0, $0x0  }
0xc: {  	[tilespmem:s2], [sflag:$0x1] =	stream.linear.gather [hbm4b:s5+s2], $0x80, $0x200038;
	[tilespmem:$0x8100] =	vst v63  }
0xd: {  	s11 =	simm.s32 @p0 $0x0  }
0xe: {  	p4 =	por $0x1, $0x1;
	s20 =	sand.u32 $0x1, s2;
	p1 =	sne.s32 s11, $0x0  }
0xf: {  	p2 =	por $0x1, $0x1;
	s18 =	simm.s32 $0x8;
	p0 =	por !p4, !p1  }
0x10: {  	s16 =	simm.s32 $0x0;
	p5 =	por $0x0, $0x0;
	p0 =	por !p0, !p0  }
0x11: {  	s23 =	sadd.s32 $0x0, s4;
	s30 =	sadd.s32 $0x1, s20;
	s12 =	sadd.s32 @p0 s4, s11  }
0x12: {  	_ =	strace $0x90000066;
	s13 =	sand.u32 @p0 $0x1, s7;
	s12 =	sshll.u32 @p0 s12, $0x4  }
0x13: {  	_ =	strace @p0 $0x80000067;
	s15 =	simm.s32 @p0 $0x0;
	s12 =	sand.u32 @p0 $0x1FFFFFF0, s12  }
0x14: {  	s14 =	sshll.u32 @p0 s13, $0x7;
	s13 =	sadd.s32 @p0 $0x1, s13;
	s12 =	sadd.s32 @p0 s3, s12  }
0x15: {  	[tilespmem:s14], [sflag:s13] =	stream.linear.gather @p0 [hbm4b:s12+s15], $0x80, $0x200038;
	[tilespmem:$0x8100] =	vst v63  }
0x16: {  	p3 =	por p2, p2;
	s21 =	sshll.u32 s20, $0xE;
	_ =	strace @p0 $0x90000067  }
0x17: {  	s16 =	sand.u32 $0x80, s16;
	p2 =	por p5, p5;
	_ =	strace $0x80000068  }
0x18: {  	s17 =	sadd.s32 $0x1, s11;
	s22 =	sor.u32 $0x100, s21;
	_ =	swait.ge [sflag:s30], $0x80  }
0x19: {  	s21 =	simm.s32 $0x1;
	p6 =	por p1, p1;
	[sflag:s30] =	ssyncset.done $0x0  }
0x1a: {  	p1 =	por p3, p3;
	p4 =	por $0x1, $0x1;
	[sflag:s30] =	ssyncadd.s32 $0xFFFFFF80  }
0x1b: {  	s12 =	simm.s32 $0x9;
	s15 =	sand.u32 @!p3 $0x1, s2;
	_ =	strace $0x90000068  }
0x1c: {  	s13 =	simm.s32 $0x1;
	p3 =	seq.s32 s17, $0xA;
	_ =	strace $0x80000069  }
0x1d: {  	s13 =	simm.s32 @!p0 $0x0;
	s17 =	simm.s32 @p3 $0x0;
	s19 =	rddreg [dreg:$0x4]  }
0x1e: {  	p0 =	por $0x0, $0x0;
	s14 =	sadd.s32 $0x1, s13;
	s31 =	rddreg [dreg:$0x3]  }
0x1f: {  	[tilespmem:s22], [sflag:$0x5] =	stream.indirect.gather [hbm4b:s31+s19], $0x80, s16, s19, $0x2000b8;
	[tilespmem:$0x8100] =	vst v63  }
0x20: {  	p3 =	sne.s32 s11, s17;
	s21 =	simm.s32 @!p0 $0x0;
	_ =	swait.ge [sflag:s8], $0x4000  }
0x21: {  	p5 =	por !p4, !p3;
	p4 =	por $0x0, $0x0;
	[sflag:s8] =	ssyncset.done $0x0  }
0x22: {  	s13 =	simm.s32 $0x0;
	p6 =	por p4, p6;
	[sflag:s8] =	ssyncadd.s32 $0xFFFFC000  }
0x23: {  	s16 =	simm.s32 $0x0;
	s19 =	simm.s32 $0x0;
	_ =	strace $0x90000069  }
.LBB2_2:
0x24: {  	_ =	strace @p6 $0x8000006A;
	s13 =	sadd.s32 s21, s13;
	s21 =	smov.u32 s12  }
0x25: {  	s12 =	smov.u32 s18;
	s18 =	sadd.s32 $0xFFFFFFFF, s18;
	p0 =	por p3, p3  }
0x26: {  	s28 =	sshll.u32 @p6 s23, $0xB;
	s20 =	sadd.s32 @p6 $0x3, s20;
	s24 =	simm.s32 @!p0 $0x0  }
0x27: {  	s25 =	rddreg [dreg:$0x5];
	s28 =	sand.u32 @p6 $0x1FFFF800, s28;
	s24 =	simm.s32 @p0 $0x1  }
0x28: {  	s25 =	sadd.s32 @p6 s25, s28;
	s28 =	simm.s32 @p6 $0x0;
	p0 =	sne.s32 s18, $0x0  }
0x29: {  	[hbm4b:s25+s28] =	stream.linear.scatter @p6 [tilespmem:s22], [sflag:s20], $0x4000, $0x200038;
	[tilespmem:$0x8100] =	vst v63  }
0x2a: {  	s20 =	sadd.s32 @!p1 $0x3, s15;
	s15 =	simm.s32 @!p0 $0x0  }
0x2b: {  	s26 =	simm.s32 $0x1;
	[smem:$0x7FC] =	sst s24;
	s15 =	simm.s32 @p0 $0x1  }
0x2c: {  	s26 =	simm.s32 @!p6 $0x0;
	_ =	strace @p6 $0x9000006A;
	[smem:$0x7FD] =	sst s15  }
0x2d: {  	p5 =	por !p5, !p5;
	s19 =	sadd.s32 s26, s19;
	_ =	strace @!p1 $0x8000006B  }
0x2e: {  	s24 =	sand.u32 @!p2 $0x1, s13;
	s22 =	sand.u32 @p5 $0x1, s14;
	_ =	swait.ge @!p1 [sflag:s20], $0x4000  }
0x2f: {  	s15 =	smov.u32 s24;
	s24 =	sadd.s32 @p5 s4, s17;
	[sflag:s20] =	ssyncset.done @!p1 $0x0  }
0x30: {  	s25 =	sshll.u32 @p5 s22, $0x7;
	s24 =	sshll.u32 @p5 s24, $0x4;
	[sflag:s20] =	ssyncadd.s32 @!p1 $0xFFFFC000  }
0x31: {  	s20 =	sadd.s32 @p5 $0x1, s22;
	s22 =	sand.u32 @p5 $0x1FFFFFF0, s24;
	_ =	strace @!p1 $0x9000006B  }
0x32: {  	s24 =	simm.s32 @p5 $0x0;
	s22 =	sadd.s32 @p5 s3, s22;
	_ =	strace @p5 $0x80000067  }
0x33: {  	[tilespmem:s25], [sflag:s20] =	stream.linear.gather @p5 [hbm4b:s22+s24], $0x80, $0x200038;
	[tilespmem:$0x8100] =	vst v63  }
0x34: {  	s16 =	sadd.s32 s26, s16;
	s26 =	sand.u32 $0x1, s19;
	_ =	strace @p5 $0x90000067  }
0x35: {  	s24 =	sadd.s32 $0x1, s26;
	_ =	strace $0x80000068  }
0x36: {  	_ =	swait.ge [sflag:s24], $0x80  }
0x37: {  	[sflag:s24] =	ssyncset.done $0x0  }
0x38: {  	s20 =	simm.s32 $0x1;
	[sflag:s24] =	ssyncadd.s32 $0xFFFFFF80  }
0x39: {  	s20 =	simm.s32 @!p5 $0x0;
	_ =	strace $0x90000068  }
0x3a: {  	s14 =	sadd.s32 s20, s14;
	s20 =	sand.u32 $0x1, s16;
	_ =	strace $0x80000069  }
0x3b: {  	s29 =	sshll.u32 s19, $0x7;
	s25 =	sshll.u32 s20, $0xE;
	s26 =	rddreg [dreg:$0x4]  }
0x3c: {  	s29 =	sand.u32 $0x80, s29;
	s22 =	sor.u32 $0x100, s25;
	s30 =	rddreg [dreg:$0x3]  }
0x3d: {  	[tilespmem:s22], [sflag:$0x5] =	stream.indirect.gather [hbm4b:s30+s26], $0x80, s29, s26, $0x2000b8;
	[tilespmem:$0x8100] =	vst v63  }
0x3e: {  	_ =	swait.ge [sflag:s8], $0x4000  }
0x3f: {  	s31 =	sadd.s32 $0x1, s17;
	[sflag:s8] =	ssyncset.done $0x0  }
0x40: {  	s23 =	sadd.s32 s4, s11;
	s11 =	smov.u32 s17;
	[sflag:s8] =	ssyncadd.s32 $0xFFFFC000  }
0x41: {  	p3 =	seq.s32 s31, $0xA;
	s17 =	smov.u32 s31;
	_ =	strace $0x90000069  }
0x42: {  	s17 =	simm.s32 @p3 $0x0;
	s31 =	sld [smem:$0x7FD]  }
0x43: {  	p6 =	sne.s32 s12, $0x1;
	p0 =	sne.s32 s21, $0xA;
	p3 =	sne.s32 s11, s17  }
0x44: {  	p5 =	por !p6, !p3;
	p6 =	seq.s32 s21, $0x1;
	s21 =	simm.s32 $0x1  }
0x45: {  	s21 =	simm.s32 @!p0 $0x0;
	p0 =	seq.s32 s31, $0x1  }
.Ltmp0:
0x46: {  	s30 =	sld [smem:$0x7FC];
	(pc) =	sbr.rel @p0 .LBB2_2-.Ltmp0, $4  }
0x47: {  	_ = 	snop  }
0x48: {  	p4 =	seq.s32 s12, $0xA  }
0x49: {  	p1 =	por p2, p2;
	p2 =	por p4, p4;
	p4 =	seq.s32 s30, $0x1  }
0x4a: {  	p6 =	por p6, p4  }
0x4b: {  	_ =	strace @p6 $0x8000006A;
	s23 =	sshll.u32 @p6 s23, $0xB  }
0x4c: {  	s18 =	rddreg [dreg:$0x5];
	s23 =	sand.u32 @p6 $0x1FFFF800, s23  }
0x4d: {  	s20 =	sadd.s32 @p6 $0x3, s20;
	s18 =	sadd.s32 @p6 s18, s23;
	s23 =	simm.s32 @p6 $0x0  }
0x4e: {  	[hbm4b:s18+s23] =	stream.linear.scatter @p6 [tilespmem:s22], [sflag:s20], $0x4000, $0x200038;
	[tilespmem:$0x8100] =	vst v63  }
0x4f: {  	p0 =	por !p5, !p5;
	_ =	strace @p6 $0x9000006A  }
0x50: {  	s15 =	sadd.s32 @!p1 $0x3, s15;
	s17 =	sadd.s32 @p0 s4, s17;
	_ =	strace @!p1 $0x8000006B  }
0x51: {  	s14 =	sand.u32 @p0 $0x1, s14;
	s17 =	sshll.u32 @p0 s17, $0x4;
	_ =	swait.ge @!p1 [sflag:s15], $0x4000  }
0x52: {  	s18 =	simm.s32 $0x1;
	s20 =	sshll.u32 @p0 s14, $0x7;
	[sflag:s15] =	ssyncset.done @!p1 $0x0  }
0x53: {  	s14 =	sadd.s32 @p0 $0x1, s14;
	s18 =	simm.s32 @!p6 $0x0;
	[sflag:s15] =	ssyncadd.s32 @!p1 $0xFFFFC000  }
0x54: {  	s19 =	sadd.s32 s18, s19;
	s15 =	sand.u32 @p0 $0x1FFFFFF0, s17;
	_ =	strace @!p1 $0x9000006B  }
0x55: {  	s17 =	simm.s32 @p0 $0x0;
	s15 =	sadd.s32 @p0 s3, s15;
	_ =	strace @p0 $0x80000067  }
0x56: {  	[tilespmem:s20], [sflag:s14] =	stream.linear.gather @p0 [hbm4b:s15+s17], $0x80, $0x200038;
	[tilespmem:$0x8100] =	vst v63  }
0x57: {  	s25 =	sand.u32 $0x1, s19;
	_ =	strace @p0 $0x90000067  }
0x58: {  	s14 =	sadd.s32 $0x1, s25;
	_ =	strace $0x80000068  }
0x59: {  	_ =	swait.ge [sflag:s14], $0x80  }
0x5a: {  	[sflag:s14] =	ssyncset.done $0x0  }
0x5b: {  	[sflag:s14] =	ssyncadd.s32 $0xFFFFFF80  }
0x5c: {  	s26 =	sadd.s32 s18, s16;
	_ =	strace $0x90000068  }
0x5d: {  	s14 =	sand.u32 $0x1, s26;
	_ =	strace $0x80000069  }
0x5e: {  	s30 =	sshll.u32 s19, $0x7;
	s31 =	sshll.u32 s14, $0xE;
	s28 =	rddreg [dreg:$0x4]  }
0x5f: {  	s17 =	sand.u32 $0x80, s30;
	s18 =	sor.u32 $0x100, s31;
	s29 =	rddreg [dreg:$0x3]  }
0x60: {  	[tilespmem:s18], [sflag:$0x5] =	stream.indirect.gather [hbm4b:s29+s28], $0x80, s17, s28, $0x2000b8;
	[tilespmem:$0x8100] =	vst v63  }
0x61: {  	_ =	swait.ge [sflag:s8], $0x4000  }
0x62: {  	[sflag:s8] =	ssyncset.done $0x0  }
0x63: {  	p5 =	por p3, p3;
	p6 =	seq.s32 s12, $0x1;
	[sflag:s8] =	ssyncadd.s32 $0xFFFFC000  }
0x64: {  	s11 =	sadd.s32 s4, s11;
	p0 =	por p6, p5;
	_ =	strace $0x90000069  }
0x65: {  	s11 =	sshll.u32 @p0 s11, $0xB;
	_ =	strace @p0 $0x8000006A  }
0x66: {  	s13 =	sadd.s32 s21, s13;
	s11 =	sand.u32 @p0 $0x1FFFF800, s11;
	s12 =	rddreg [dreg:$0x5]  }
0x67: {  	s14 =	sadd.s32 @p0 $0x3, s14;
	s11 =	sadd.s32 @p0 s12, s11;
	s12 =	simm.s32 @p0 $0x0  }
0x68: {  	[hbm4b:s11+s12] =	stream.linear.scatter @p0 [tilespmem:s18], [sflag:s14], $0x4000, $0x200038;
	[tilespmem:$0x8100] =	vst v63  }
0x69: {  	p1 =	por p2, p2;
	s11 =	sand.u32 @!p2 $0x1, s13;
	_ =	strace @p0 $0x9000006A  }
0x6a: {  	s11 =	sadd.s32 @!p1 $0x3, s11;
	_ =	strace @!p1 $0x8000006B  }
0x6b: {  	_ =	swait.ge @!p1 [sflag:s11], $0x4000  }
0x6c: {  	[sflag:s11] =	ssyncset.done @!p1 $0x0  }
0x6d: {  	s10 =	sadd.s32 $0x1, s10;
	[sflag:s11] =	ssyncadd.s32 @!p1 $0xFFFFC000  }
0x6e: {  	p0 =	sne.s32 s10, s6;
	_ =	strace @!p1 $0x9000006B  }
.Ltmp1:
0x6f: {  	_ =	strace $0x8000006C;
	(pc) =	sbr.rel @p0 .LBB2_1-.Ltmp1, $4  }
0x70: {  	_ =	swait.ge [sflag:s9], $0x4000  }
0x71: {  	[sflag:s9] =	ssyncset.done $0x0  }
0x72: {  	[sflag:s9] =	ssyncadd.s32 $0xFFFFC000  }
0x73: {  	_ =	strace $0x9000006C  }
0x74: {  	_ =	sfence.sel $0x180000  }
0x75: {  	[bflag:$0x0] =	sbarrier.arrive $0xFFFF  }
0x76: {  	p0 =	sne.s32 s1, $0x0;
	_ =	strace $0x90000065  }
0x77: {  	s0 =	sadd.s32 @!p0 $0x100000, s0;
	[bflag:$0x2] =	sbarrier.arrive $0xFFFF  }
0x78: {  	[sflag:s0] =	ssyncadd.tile.s32 @!p0 $0x1;
	_ =	shalt  }
.Lfunc_end2:
_tile_overlayer_lowered:
.L_overlay_start_2:
0x79: {  	(tag) =	ssettag $0x2  }
0x7a: {  	s0 =	rddreg [dreg:$0x0];
	s2 =	stileid.u32  }
0x7b: {  	s1 =	rddreg [dreg:$0x1];
	p0 =	sne.s32 s2, $0x0  }
0x7c: {  	s3 =	rddreg [dreg:$0x2];
	[bflag:$0x3] =	sbarrier.arrive $0xFFFF;
	s2 =	simm.s32 @!p0 $0x1C01  }
0x7d: {  	[timem:s3], [sflag:s2] =	dma.local @!p0 [hbm:s0], s1  }
0x7e: {  	s0 =	simm.s32 @!p0 $0x1  }
0x7f: {  	_ =	swait.ge @!p0 [sflag:s0], s1  }
0x80: {  	s1 =	ssub.s32 @!p0 $0x0, s1;
	[sflag:s0] =	ssyncset.done @!p0 $0x0  }
0x81: {  	[sflag:s0] =	ssyncadd.s32 @!p0 s1  }
0x82: {  	[bflag:$0x3] =	sbarrier.arrive $0xFFFF  }
0x83: {  	_ =	shalt  }

</sc_bundles>
